<compile_context>
chip_gen: v7x
topology: tpu7x:2x2x1
jax: 0.10.2.dev20260603
libtpu: 0.0.44.dev20260713+nightly
codegen_flags: <defaults>
</compile_context>

<pallas_src>
import functools

import jax
import jax.numpy as jnp
from jax import lax
from jax.experimental import pallas as pl
from jax.experimental.pallas import tpu as pltpu
from jax.experimental.pallas import tpu_sc as plsc

_f32 = jnp.float32
_i32 = jnp.int32

NC = 2
NS = 16
NW = NC * NS

N = 10000
E = 320000
D = 128
G = 600

NPAD = 10240
GPAD = 1024
CHUNK = 80
NCHUNKS_E = E // NW // CHUNK
NCHUNKS_N = N // CHUNK
NBUF = 5
STRIPE = NPAD // NS
GSTRIPE = GPAD // NS


def _sc_mesh():
    return plsc.VectorSubcoreMesh(
        core_axis_name="c", subcore_axis_name="s",
        num_cores=NC, num_subcores=NS)


def _make_deg_kernel():
    @functools.partial(
        pl.kernel,
        out_type=jax.ShapeDtypeStruct((NC, NS, STRIPE), _f32),
        mesh=_sc_mesh(),
        scratch_types=[
            pltpu.VMEM((NCHUNKS_E, CHUNK), _i32),
            pltpu.VMEM((CHUNK,), _f32),
            pltpu.VMEM_SHARED((NPAD,), _f32),
            pltpu.SemaphoreType.DMA,
            pltpu.SemaphoreType.DMA,
        ],
        compiler_params=pltpu.CompilerParams(use_tc_tiling_on_sc=False),
    )
    def deg_kernel(ei4_hbm, ones_hbm, zeros_hbm, out_hbm,
                   dst_all, ones_v, acc_sh, isem, ssem):
        c = lax.axis_index("c")
        s = lax.axis_index("s")
        wid = s * NC + c
        pltpu.async_copy(ei4_hbm.at[1, wid], dst_all, isem)
        pltpu.async_copy(ones_hbm, ones_v, isem)
        pltpu.async_copy(zeros_hbm, acc_sh.at[pl.ds(s * STRIPE, STRIPE)], isem)
        pltpu.make_async_copy(ei4_hbm.at[0, 0], dst_all, isem).wait()
        pltpu.make_async_copy(ones_hbm, ones_v, isem).wait()
        pltpu.make_async_copy(
            zeros_hbm, acc_sh.at[pl.ds(s * STRIPE, STRIPE)], isem).wait()
        plsc.subcore_barrier()

        def fire(i, _):
            pltpu.async_copy(ones_v, acc_sh.at[dst_all.at[i]], ssem, add=True)
            return 0
        lax.fori_loop(0, NCHUNKS_E, fire, 0)

        def drain(i, _):
            pltpu.make_async_copy(ones_hbm, ones_v, ssem).wait()
            return 0
        lax.fori_loop(0, NCHUNKS_E, drain, 0)
        plsc.subcore_barrier()
        pltpu.sync_copy(acc_sh.at[pl.ds(s * STRIPE, STRIPE)], out_hbm.at[c, s])

    return deg_kernel


def _make_edge_kernel(k, chunk):
    nchunks = E // NW // chunk
    ngroups = nchunks // NBUF

    @functools.partial(
        pl.kernel,
        out_type=jax.ShapeDtypeStruct((NC, NS, STRIPE, k), _f32),
        mesh=_sc_mesh(),
        scratch_types=(
            [pltpu.VMEM((nchunks, chunk), _i32),
             pltpu.VMEM((nchunks, chunk), _i32),
             pltpu.VMEM((NBUF, chunk, k), _f32),
             pltpu.VMEM_SHARED((NPAD, k), _f32),
             pltpu.SemaphoreType.DMA,
             pltpu.SemaphoreType.DMA]
            + [pltpu.SemaphoreType.DMA] * NBUF
            + [pltpu.SemaphoreType.DMA] * NBUF
        ),
        compiler_params=pltpu.CompilerParams(use_tc_tiling_on_sc=False),
    )
    def edge_kernel(table_hbm, ei4_hbm, zeros_hbm, out_hbm,
                    src_all, dst_all, rings, acc_sh, isem, zsem, *sems):
        gsems = sems[:NBUF]
        ssems = sems[NBUF:]
        c = lax.axis_index("c")
        s = lax.axis_index("s")
        wid = s * NC + c
        pltpu.async_copy(ei4_hbm.at[0, wid], src_all, isem)
        pltpu.async_copy(ei4_hbm.at[1, wid], dst_all, isem)
        pltpu.async_copy(zeros_hbm, acc_sh.at[pl.ds(s * STRIPE, STRIPE)], zsem)
        pltpu.make_async_copy(ei4_hbm.at[0, 0], src_all, isem).wait()
        pltpu.make_async_copy(ei4_hbm.at[0, 0], dst_all, isem).wait()

        def gather(i, b, sem):
            pltpu.async_copy(table_hbm.at[src_all.at[i]], rings.at[b], sem)

        def wait_rowchunk(sem, b):
            pltpu.make_async_copy(
                table_hbm.at[pl.ds(0, chunk)], rings.at[b], sem).wait()

        for b in range(NBUF):
            gather(b, b, gsems[b])
        pltpu.make_async_copy(
            zeros_hbm, acc_sh.at[pl.ds(s * STRIPE, STRIPE)], zsem).wait()
        plsc.subcore_barrier()

        def group(g, _):
            ibase = g * NBUF
            for b in range(NBUF):
                wait_rowchunk(gsems[b], b)
                pltpu.async_copy(
                    rings.at[b], acc_sh.at[dst_all.at[ibase + b]],
                    ssems[b], add=True)
            for b in range(NBUF):
                def refill(b=b, g=g):
                    wait_rowchunk(ssems[b], b)
                    gather((g + 1) * NBUF + b, b, gsems[b])
                pl.when(g + 1 < ngroups)(refill)
            return 0
        lax.fori_loop(0, ngroups, group, 0)
        for b in range(NBUF):
            wait_rowchunk(ssems[b], b)
        plsc.subcore_barrier()
        pltpu.sync_copy(acc_sh.at[pl.ds(s * STRIPE, STRIPE)], out_hbm.at[c, s])

    return edge_kernel


def _make_pool_kernel(k):
    maxc = (NCHUNKS_N + NW - 1) // NW

    @functools.partial(
        pl.kernel,
        out_type=(jax.ShapeDtypeStruct((NC, NS, GSTRIPE, k), _f32),
                  jax.ShapeDtypeStruct((NC, NS, GSTRIPE), _f32)),
        mesh=_sc_mesh(),
        scratch_types=[
            pltpu.VMEM((maxc, CHUNK), _i32),
            pltpu.VMEM((CHUNK,), _f32),
            pltpu.VMEM((maxc, CHUNK, k), _f32),
            pltpu.VMEM_SHARED((GPAD, k), _f32),
            pltpu.VMEM_SHARED((GPAD,), _f32),
            pltpu.SemaphoreType.DMA,
            pltpu.SemaphoreType.DMA,
        ],
        compiler_params=pltpu.CompilerParams(use_tc_tiling_on_sc=False),
    )
    def pool_kernel(h_hbm, batch3_hbm, ones_hbm, zeros_hbm,
                    sums_hbm, cnts_hbm,
                    idx_all, ones_v, rings, sums_sh, cnts_sh, isem, ssem):
        c = lax.axis_index("c")
        s = lax.axis_index("s")
        wid = s * NC + c
        my_chunks = (NCHUNKS_N - wid + NW - 1) // NW
        pltpu.async_copy(ones_hbm, ones_v, isem)
        pltpu.async_copy(
            zeros_hbm, sums_sh.at[pl.ds(s * GSTRIPE, GSTRIPE)], isem)
        pltpu.async_copy(
            zeros_hbm.at[0], cnts_sh.at[pl.ds(s * GSTRIPE, GSTRIPE)], isem)
        for b in range(maxc):
            def stage(b=b):
                pltpu.async_copy(batch3_hbm.at[wid + b * NW], idx_all.at[b],
                                 isem)
                pltpu.async_copy(
                    h_hbm.at[pl.ds((wid + b * NW) * CHUNK, CHUNK)],
                    rings.at[b], isem)
            pl.when(b < my_chunks)(stage)
        pltpu.make_async_copy(ones_hbm, ones_v, isem).wait()
        pltpu.make_async_copy(
            zeros_hbm, sums_sh.at[pl.ds(s * GSTRIPE, GSTRIPE)], isem).wait()
        pltpu.make_async_copy(
            zeros_hbm.at[0], cnts_sh.at[pl.ds(s * GSTRIPE, GSTRIPE)],
            isem).wait()
        for b in range(maxc):
            def wstage(b=b):
                pltpu.make_async_copy(batch3_hbm.at[0], idx_all.at[b],
                                      isem).wait()
                pltpu.make_async_copy(h_hbm.at[pl.ds(0, CHUNK)], rings.at[b],
                                      isem).wait()
            pl.when(b < my_chunks)(wstage)
        plsc.subcore_barrier()
        for b in range(maxc):
            def scatter(b=b):
                pltpu.async_copy(rings.at[b], sums_sh.at[idx_all.at[b]],
                                 ssem, add=True)
                pltpu.async_copy(ones_v, cnts_sh.at[idx_all.at[b]],
                                 ssem, add=True)
            pl.when(b < my_chunks)(scatter)
        for b in range(maxc):
            def wscatter(b=b):
                pltpu.make_async_copy(h_hbm.at[pl.ds(0, CHUNK)], rings.at[b],
                                      ssem).wait()
                pltpu.make_async_copy(ones_hbm, ones_v, ssem).wait()
            pl.when(b < my_chunks)(wscatter)
        plsc.subcore_barrier()
        pltpu.sync_copy(sums_sh.at[pl.ds(s * GSTRIPE, GSTRIPE)],
                        sums_hbm.at[c, s])
        pltpu.sync_copy(cnts_sh.at[pl.ds(s * GSTRIPE, GSTRIPE)],
                        cnts_hbm.at[c, s])

    return pool_kernel


_TCB = 2000


def _tc_first(deg_cols, x, w1):
    d = x.shape[1]
    k = w1.shape[1]

    def body(deg_ref, x_ref, w_ref, dinv_ref, hw_ref):
        deg = deg_ref[:, 0:1] + deg_ref[:, 1:2] + 1.0
        dinv = lax.rsqrt(deg)
        hw = jnp.dot(x_ref[...], w_ref[...], preferred_element_type=_f32)
        dinv_ref[...] = dinv
        hw_ref[...] = hw * dinv

    return pl.pallas_call(
        body,
        grid=(N // _TCB,),
        in_specs=[
            pl.BlockSpec((_TCB, NC), lambda i: (i, 0)),
            pl.BlockSpec((_TCB, d), lambda i: (i, 0)),
            pl.BlockSpec((d, k), lambda i: (0, 0)),
        ],
        out_specs=[
            pl.BlockSpec((_TCB, 1), lambda i: (i, 0)),
            pl.BlockSpec((_TCB, k), lambda i: (i, 0)),
        ],
        out_shape=[
            jax.ShapeDtypeStruct((N, 1), _f32),
            jax.ShapeDtypeStruct((N, k), _f32),
        ],
    )(deg_cols, x, w1)


def _tc_u2(acc, hwp, dinv, b):
    k = hwp.shape[1]

    def body(acc_ref, hwp_ref, dinv_ref, b_ref, out_ref):
        t = acc_ref[0] + acc_ref[1] + hwp_ref[...]
        h = jnp.maximum(t * dinv_ref[...] + b_ref[...], 0.0)
        out_ref[...] = h * dinv_ref[...]

    return pl.pallas_call(
        body,
        grid=(N // _TCB,),
        in_specs=[
            pl.BlockSpec((NC, _TCB, k), lambda i: (0, i, 0)),
            pl.BlockSpec((_TCB, k), lambda i: (i, 0)),
            pl.BlockSpec((_TCB, 1), lambda i: (i, 0)),
            pl.BlockSpec((1, k), lambda i: (0, 0)),
        ],
        out_specs=pl.BlockSpec((_TCB, k), lambda i: (i, 0)),
        out_shape=jax.ShapeDtypeStruct((N, k), _f32),
    )(acc, hwp, dinv, b)


def _tc_l3table(accu, u2, dinv, b, w2, w3):
    k = u2.shape[1]
    k2 = w2.shape[1]

    def body(acc_ref, u2_ref, dinv_ref, b_ref, w2_ref, w3_ref, out_ref):
        t = acc_ref[0] + acc_ref[1] + u2_ref[...]
        tw = jnp.dot(t, w2_ref[...], preferred_element_type=_f32)
        h2 = jnp.maximum(tw * dinv_ref[...] + b_ref[...], 0.0)
        out_ref[...] = (
            jnp.dot(h2, w3_ref[...], preferred_element_type=_f32)
            * dinv_ref[...])

    return pl.pallas_call(
        body,
        grid=(N // _TCB,),
        in_specs=[
            pl.BlockSpec((NC, _TCB, k), lambda i: (0, i, 0)),
            pl.BlockSpec((_TCB, k), lambda i: (i, 0)),
            pl.BlockSpec((_TCB, 1), lambda i: (i, 0)),
            pl.BlockSpec((1, k2), lambda i: (0, 0)),
            pl.BlockSpec((k, k2), lambda i: (0, 0)),
            pl.BlockSpec((k2, k), lambda i: (0, 0)),
        ],
        out_specs=pl.BlockSpec((_TCB, k), lambda i: (i, 0)),
        out_shape=jax.ShapeDtypeStruct((N, k), _f32),
    )(accu, u2, dinv, b, w2, w3)


def _tc_last_h(acc, hwp, dinv, b):
    k = hwp.shape[1]

    def body(acc_ref, hwp_ref, dinv_ref, b_ref, out_ref):
        t = acc_ref[0] + acc_ref[1] + hwp_ref[...]
        out_ref[...] = jnp.maximum(t * dinv_ref[...] + b_ref[...], 0.0)

    return pl.pallas_call(
        body,
        grid=(N // _TCB,),
        in_specs=[
            pl.BlockSpec((NC, _TCB, k), lambda i: (0, i, 0)),
            pl.BlockSpec((_TCB, k), lambda i: (i, 0)),
            pl.BlockSpec((_TCB, 1), lambda i: (i, 0)),
            pl.BlockSpec((1, k), lambda i: (0, 0)),
        ],
        out_specs=pl.BlockSpec((_TCB, k), lambda i: (i, 0)),
        out_shape=jax.ShapeDtypeStruct((N, k), _f32),
    )(acc, hwp, dinv, b)


def _tc_head(sums, cnts_cols, lin_w, lin_b):
    k = sums.shape[2]
    ncls = lin_w.shape[1]

    def body(s_ref, c_ref, w_ref, b_ref, out_ref):
        cnt = c_ref[:, 0:1] + c_ref[:, 1:2]
        pooled = (s_ref[0] + s_ref[1]) / jnp.maximum(cnt, 1.0)
        out_ref[...] = (
            jnp.dot(pooled, w_ref[...], preferred_element_type=_f32)
            + b_ref[...])

    return pl.pallas_call(
        body,
        grid=(1,),
        in_specs=[
            pl.BlockSpec((NC, G, k), lambda i: (0, 0, 0)),
            pl.BlockSpec((G, NC), lambda i: (0, 0)),
            pl.BlockSpec((k, ncls), lambda i: (0, 0)),
            pl.BlockSpec((1, ncls), lambda i: (0, 0)),
        ],
        out_specs=pl.BlockSpec((G, ncls), lambda i: (0, 0)),
        out_shape=jax.ShapeDtypeStruct((G, ncls), _f32),
    )(sums, cnts_cols, lin_w, lin_b)


_deg_kernel = _make_deg_kernel()
_edge64 = _make_edge_kernel(64, 80)
_pool64 = _make_pool_kernel(64)


def kernel(x, edge_index, batch, W1, b1, W2, b2, W3, b3, lin_W, lin_b):
    ei4 = edge_index.reshape(2, NW, NCHUNKS_E, CHUNK)
    batch3 = batch.reshape(NCHUNKS_N, CHUNK)

    ones80 = jnp.ones((CHUNK,), _f32)
    zeros1d = jnp.zeros((STRIPE,), _f32)
    zeros64 = jnp.zeros((STRIPE, 64), _f32)
    zeros_g = jnp.zeros((GSTRIPE, 64), _f32)

    deg_p = _deg_kernel(ei4, ones80, zeros1d)
    deg_cols = deg_p.reshape(NC, NPAD).T
    dinv, hw1p = _tc_first(deg_cols, x, W1)

    acc1 = _edge64(hw1p, ei4, zeros64).reshape(NC, NPAD, 64)
    u2 = _tc_u2(acc1, hw1p, dinv, b1.reshape(1, -1))

    accu2 = _edge64(u2, ei4, zeros64).reshape(NC, NPAD, 64)
    hw3p = _tc_l3table(accu2, u2, dinv, b2.reshape(1, -1), W2, W3)

    acc3 = _edge64(hw3p, ei4, zeros64).reshape(NC, NPAD, 64)
    h3 = _tc_last_h(acc3, hw3p, dinv, b3.reshape(1, -1))

    sums, cnts = _pool64(h3, batch3, ones80, zeros_g)
    out = _tc_head(sums.reshape(NC, GPAD, 64),
                   cnts.reshape(NC, GPAD).T,
                   lin_W, lin_b.reshape(1, -1))
    return out

# --- scband reference (transcript-rebuilt; emitter-appended) ---
"""Pipeline reference for scband-enzyme-gcn-42245298324038 (READ-ONLY COPY).

The authoritative reference and input builder live on the scoring server;
editing this copy changes nothing except your own understanding.
"""

import jax, jax.numpy as jnp
import numpy as np

N = 10000
E = 320000
D = 128
G = 600
NUM_CLASSES = 6


def setup_inputs(seed: int = 0):
    key = jax.random.key(seed)
    ks = jax.random.split(key, 12)
    x = jax.random.normal(ks[0], (N, D), dtype=jnp.float32)
    edge_index = jax.random.randint(ks[1], (2, E), 0, N, dtype=jnp.int32)
    batch = jnp.sort(jax.random.randint(ks[2], (N,), 0, G, dtype=jnp.int32))
    W1 = jax.random.normal(ks[3], (D, 64), dtype=jnp.float32) * 0.05
    b1 = jnp.zeros((64,), dtype=jnp.float32)
    W2 = jax.random.normal(ks[4], (64, 128), dtype=jnp.float32) * 0.05
    b2 = jnp.zeros((128,), dtype=jnp.float32)
    W3 = jax.random.normal(ks[5], (128, 64), dtype=jnp.float32) * 0.05
    b3 = jnp.zeros((64,), dtype=jnp.float32)
    lin_W = jax.random.normal(ks[6], (64, NUM_CLASSES), dtype=jnp.float32) * 0.05
    lin_b = jnp.zeros((NUM_CLASSES,), dtype=jnp.float32)
    return {"x": x, "edge_index": edge_index, "batch": batch,
            "W1": W1, "b1": b1, "W2": W2, "b2": b2, "W3": W3, "b3": b3,
            "lin_W": lin_W, "lin_b": lin_b}


def reference(x, edge_index, batch, W1, b1, W2, b2, W3, b3, lin_W, lin_b):
    Nn = x.shape[0]
    # add self-loops (PyG GCNConv default add_self_loops=True, normalize=True)
    loop = jnp.arange(Nn, dtype=edge_index.dtype)
    src = jnp.concatenate([edge_index[0], loop])
    dst = jnp.concatenate([edge_index[1], loop])

    def gcn_conv(h, W, b):
        hw = h @ W
        deg = jax.ops.segment_sum(jnp.ones(src.shape[0], dtype=hw.dtype), dst, num_segments=Nn)
        dinv = jnp.where(deg > 0, jax.lax.rsqrt(jnp.maximum(deg, 1e-12)), 0.0)
        norm = dinv[src] * dinv[dst]
        out = jax.ops.segment_sum(hw[src] * norm[:, None], dst, num_segments=Nn)
        return out + b

    h = jax.nn.relu(gcn_conv(x, W1, b1))
    h = jax.nn.relu(gcn_conv(h, W2, b2))
    h = jax.nn.relu(gcn_conv(h, W3, b3))
    # global_mean_pool over batch ids
    counts = jax.ops.segment_sum(jnp.ones(Nn, dtype=h.dtype), batch, num_segments=G)
    sums = jax.ops.segment_sum(h, batch, num_segments=G)
    pooled = sums / jnp.clip(counts, 1.0)[:, None]
    return pooled @ lin_W + lin_b

if __name__ == "__main__":
    import jax
    _d = setup_inputs()
    print(jax.jit(kernel)(*tuple(_d.values())))

</pallas_src>

<mosaic_0001>
#map = affine_map<(d0, d1) -> (0, 0)>
#map1 = affine_map<(d0, d1) -> (0, 0, 0, 0)>
module attributes {stable_mosaic.version = 14 : i64} {
  func.func @edge_kernel(%arg0: i32, %arg1: i32, %arg2: memref<10000x64xf32, #tpu.memory_space<hbm>>, %arg3: memref<2x32x125x80xi32, #tpu.memory_space<hbm>>, %arg4: memref<640x64xf32, #tpu.memory_space<hbm>>, %arg5: memref<2x16x640x64xf32, #tpu.memory_space<hbm>>, %arg6: memref<125x80xi32, #tpu.memory_space<vmem>>, %arg7: memref<125x80xi32, #tpu.memory_space<vmem>>, %arg8: memref<5x80x64xf32, #tpu.memory_space<vmem>>, %arg9: memref<10240x64xf32, #tpu.memory_space<vmem_shared>>, %arg10: memref<!tpu.dma_semaphore, #tpu.memory_space<semaphore_mem>>, %arg11: memref<!tpu.dma_semaphore, #tpu.memory_space<semaphore_mem>>, %arg12: memref<!tpu.dma_semaphore, #tpu.memory_space<semaphore_mem>>, %arg13: memref<!tpu.dma_semaphore, #tpu.memory_space<semaphore_mem>>, %arg14: memref<!tpu.dma_semaphore, #tpu.memory_space<semaphore_mem>>, %arg15: memref<!tpu.dma_semaphore, #tpu.memory_space<semaphore_mem>>, %arg16: memref<!tpu.dma_semaphore, #tpu.memory_space<semaphore_mem>>, %arg17: memref<!tpu.dma_semaphore, #tpu.memory_space<semaphore_mem>>, %arg18: memref<!tpu.dma_semaphore, #tpu.memory_space<semaphore_mem>>, %arg19: memref<!tpu.dma_semaphore, #tpu.memory_space<semaphore_mem>>, %arg20: memref<!tpu.dma_semaphore, #tpu.memory_space<semaphore_mem>>, %arg21: memref<!tpu.dma_semaphore, #tpu.memory_space<semaphore_mem>>) attributes {dimension_semantics = [#tpu.dimension_semantics<core_parallel>, #tpu.dimension_semantics<subcore_parallel>], iteration_bounds = array<i64: 2, 16>, scalar_prefetch = 0 : i64, scratch_operands = 16 : i64, tpu.core_type = #tpu.core_type<sc_vector_subcore>, window_params = [{transform_indices = #map}, {transform_indices = #map1}, {transform_indices = #map}, {transform_indices = #map1}]} {
    %mul3A = arith.constant 2 : i32
    %mul3A_0 = arith.muli %arg1, %mul3A : i32
    %add3A = arith.addi %mul3A_0, %arg0 : i32
    %dma_start3A = arith.constant 0 : i32
    %dma_start3A_1 = arith.constant 0 : i32
    %dma_start3A_2 = arith.constant 0 : i32
    %dma_start3A_3 = tpu.memref_slice %arg3[%dma_start3A, %add3A, %dma_start3A_1, %dma_start3A_2] : memref<2x32x125x80xi32, #tpu.memory_space<hbm>> -> memref<1x1x125x80xi32, #tpu.memory_space<hbm>>
    %dma_start3A_4 = tpu.memref_squeeze %dma_start3A_3 : memref<1x1x125x80xi32, #tpu.memory_space<hbm>> -> memref<125x80xi32, #tpu.memory_space<hbm>>
    %dma_start3A_5 = arith.constant 0 : i32
    %dma_start3A_6 = arith.constant 0 : i32
    %dma_start3A_7 = tpu.memref_slice %arg3[%dma_start3A, %add3A, %dma_start3A_5, %dma_start3A_6] : memref<2x32x125x80xi32, #tpu.memory_space<hbm>> -> memref<1x1x125x80xi32, #tpu.memory_space<hbm>>
    %dma_start3A_8 = tpu.memref_squeeze %dma_start3A_7 : memref<1x1x125x80xi32, #tpu.memory_space<hbm>> -> memref<125x80xi32, #tpu.memory_space<hbm>>
    tpu.enqueue_dma source(%dma_start3A_8 : memref<125x80xi32, #tpu.memory_space<hbm>>) target(%arg6 : memref<125x80xi32, #tpu.memory_space<vmem>>) target_semaphore(%arg10 : memref<!tpu.dma_semaphore, #tpu.memory_space<semaphore_mem>>)
    %dma_start3A_9 = arith.constant 1 : i32
    %dma_start3A_10 = arith.constant 0 : i32
    %dma_start3A_11 = arith.constant 0 : i32
    %dma_start3A_12 = tpu.memref_slice %arg3[%dma_start3A_9, %add3A, %dma_start3A_10, %dma_start3A_11] : memref<2x32x125x80xi32, #tpu.memory_space<hbm>> -> memref<1x1x125x80xi32, #tpu.memory_space<hbm>>
    %dma_start3A_13 = tpu.memref_squeeze %dma_start3A_12 : memref<1x1x125x80xi32, #tpu.memory_space<hbm>> -> memref<125x80xi32, #tpu.memory_space<hbm>>
    %dma_start3A_14 = arith.constant 0 : i32
    %dma_start3A_15 = arith.constant 0 : i32
    %dma_start3A_16 = tpu.memref_slice %arg3[%dma_start3A_9, %add3A, %dma_start3A_14, %dma_start3A_15] : memref<2x32x125x80xi32, #tpu.memory_space<hbm>> -> memref<1x1x125x80xi32, #tpu.memory_space<hbm>>
    %dma_start3A_17 = tpu.memref_squeeze %dma_start3A_16 : memref<1x1x125x80xi32, #tpu.memory_space<hbm>> -> memref<125x80xi32, #tpu.memory_space<hbm>>
    tpu.enqueue_dma source(%dma_start3A_17 : memref<125x80xi32, #tpu.memory_space<hbm>>) target(%arg7 : memref<125x80xi32, #tpu.memory_space<vmem>>) target_semaphore(%arg10 : memref<!tpu.dma_semaphore, #tpu.memory_space<semaphore_mem>>)
    %mul3A_18 = arith.constant 640 : i32
    %mul3A_19 = arith.muli %arg1, %mul3A_18 : i32
    %dma_start3A_20 = arith.constant 0 : i32
    %dma_start3A_21 = tpu.memref_slice %arg9[%mul3A_19, %dma_start3A_20] : memref<10240x64xf32, #tpu.memory_space<vmem_shared>> -> memref<640x64xf32, #tpu.memory_space<vmem_shared>>
    tpu.enqueue_dma source(%arg4 : memref<640x64xf32, #tpu.memory_space<hbm>>) target(%dma_start3A_21 : memref<640x64xf32, #tpu.memory_space<vmem_shared>>) target_semaphore(%arg11 : memref<!tpu.dma_semaphore, #tpu.memory_space<semaphore_mem>>)
    %dma_wait3A = arith.constant 0 : i32
    %dma_wait3A_22 = arith.constant 0 : i32
    %dma_wait3A_23 = arith.constant 0 : i32
    %dma_wait3A_24 = arith.constant 0 : i32
    %dma_wait3A_25 = tpu.memref_slice %arg3[%dma_wait3A, %dma_wait3A_22, %dma_wait3A_23, %dma_wait3A_24] : memref<2x32x125x80xi32, #tpu.memory_space<hbm>> -> memref<1x1x125x80xi32, #tpu.memory_space<hbm>>
    %dma_wait3A_26 = tpu.memref_squeeze %dma_wait3A_25 : memref<1x1x125x80xi32, #tpu.memory_space<hbm>> -> memref<125x80xi32, #tpu.memory_space<hbm>>
    %dma_wait3A_27 = arith.constant 0 : i32
    %dma_wait3A_28 = arith.constant 0 : i32
    %dma_wait3A_29 = tpu.memref_slice %arg3[%dma_wait3A, %dma_wait3A_22, %dma_wait3A_27, %dma_wait3A_28] : memref<2x32x125x80xi32, #tpu.memory_space<hbm>> -> memref<1x1x125x80xi32, #tpu.memory_space<hbm>>
    %dma_wait3A_30 = tpu.memref_squeeze %dma_wait3A_29 : memref<1x1x125x80xi32, #tpu.memory_space<hbm>> -> memref<125x80xi32, #tpu.memory_space<hbm>>
    tpu.wait_dma2 semaphore(%arg10 : memref<!tpu.dma_semaphore, #tpu.memory_space<semaphore_mem>>) src(%dma_wait3A_30 : memref<125x80xi32, #tpu.memory_space<hbm>>) dst(%arg6 : memref<125x80xi32, #tpu.memory_space<vmem>>)
    %dma_wait3A_31 = arith.constant 0 : i32
    %dma_wait3A_32 = arith.constant 0 : i32
    %dma_wait3A_33 = arith.constant 0 : i32
    %dma_wait3A_34 = arith.constant 0 : i32
    %dma_wait3A_35 = tpu.memref_slice %arg3[%dma_wait3A_31, %dma_wait3A_32, %dma_wait3A_33, %dma_wait3A_34] : memref<2x32x125x80xi32, #tpu.memory_space<hbm>> -> memref<1x1x125x80xi32, #tpu.memory_space<hbm>>
    %dma_wait3A_36 = tpu.memref_squeeze %dma_wait3A_35 : memref<1x1x125x80xi32, #tpu.memory_space<hbm>> -> memref<125x80xi32, #tpu.memory_space<hbm>>
    %dma_wait3A_37 = arith.constant 0 : i32
    %dma_wait3A_38 = arith.constant 0 : i32
    %dma_wait3A_39 = tpu.memref_slice %arg3[%dma_wait3A_31, %dma_wait3A_32, %dma_wait3A_37, %dma_wait3A_38] : memref<2x32x125x80xi32, #tpu.memory_space<hbm>> -> memref<1x1x125x80xi32, #tpu.memory_space<hbm>>
    %dma_wait3A_40 = tpu.memref_squeeze %dma_wait3A_39 : memref<1x1x125x80xi32, #tpu.memory_space<hbm>> -> memref<125x80xi32, #tpu.memory_space<hbm>>
    tpu.wait_dma2 semaphore(%arg10 : memref<!tpu.dma_semaphore, #tpu.memory_space<semaphore_mem>>) src(%dma_wait3A_40 : memref<125x80xi32, #tpu.memory_space<hbm>>) dst(%arg7 : memref<125x80xi32, #tpu.memory_space<vmem>>)
    %dma_start3A_41 = arith.constant 0 : i32
    %dma_start3A_42 = arith.constant 0 : i32
    %dma_start3A_43 = arith.constant 0 : i32
    %dma_start3A_44 = arith.constant 0 : i32
    %dma_start3A_45 = tpu.memref_slice %arg8[%dma_start3A_42, %dma_start3A_43, %dma_start3A_44] : memref<5x80x64xf32, #tpu.memory_space<vmem>> -> memref<1x80x64xf32, #tpu.memory_space<vmem>>
    %dma_start3A_46 = tpu.memref_squeeze %dma_start3A_45 : memref<1x80x64xf32, #tpu.memory_space<vmem>> -> memref<80x64xf32, #tpu.memory_space<vmem>>
    %dma_start3A_47 = arith.constant 0 : i32
    %dma_start3A_48 = tpu.memref_slice %arg6[%dma_start3A_41, %dma_start3A_47] : memref<125x80xi32, #tpu.memory_space<vmem>> -> memref<1x80xi32, #tpu.memory_space<vmem>>
    %dma_start3A_49 = tpu.memref_squeeze %dma_start3A_48 : memref<1x80xi32, #tpu.memory_space<vmem>> -> memref<80xi32, #tpu.memory_space<vmem>>
    %dma_start3A_50 = arith.constant 0 : i32
    %dma_start3A_51 = arith.constant 0 : i32
    %dma_start3A_52 = tpu.memref_slice %arg2[%dma_start3A_50, %dma_start3A_51] : memref<10000x64xf32, #tpu.memory_space<hbm>> -> memref<10000x64xf32, #tpu.memory_space<hbm>>
    tpu.enqueue_indirect_dma source(%dma_start3A_52 : memref<10000x64xf32, #tpu.memory_space<hbm>>) target(%dma_start3A_46 : memref<80x64xf32, #tpu.memory_space<vmem>>) offsets(%dma_start3A_49 : memref<80xi32, #tpu.memory_space<vmem>>) semaphore(%arg12 : memref<!tpu.dma_semaphore, #tpu.memory_space<semaphore_mem>>)
    %dma_start3A_53 = arith.constant 1 : i32
    %dma_start3A_54 = arith.constant 1 : i32
    %dma_start3A_55 = arith.constant 0 : i32
    %dma_start3A_56 = arith.constant 0 : i32
    %dma_start3A_57 = tpu.memref_slice %arg8[%dma_start3A_54, %dma_start3A_55, %dma_start3A_56] : memref<5x80x64xf32, #tpu.memory_space<vmem>> -> memref<1x80x64xf32, #tpu.memory_space<vmem>>
    %dma_start3A_58 = tpu.memref_squeeze %dma_start3A_57 : memref<1x80x64xf32, #tpu.memory_space<vmem>> -> memref<80x64xf32, #tpu.memory_space<vmem>>
    %dma_start3A_59 = arith.constant 0 : i32
    %dma_start3A_60 = tpu.memref_slice %arg6[%dma_start3A_53, %dma_start3A_59] : memref<125x80xi32, #tpu.memory_space<vmem>> -> memref<1x80xi32, #tpu.memory_space<vmem>>
    %dma_start3A_61 = tpu.memref_squeeze %dma_start3A_60 : memref<1x80xi32, #tpu.memory_space<vmem>> -> memref<80xi32, #tpu.memory_space<vmem>>
    %dma_start3A_62 = arith.constant 0 : i32
    %dma_start3A_63 = arith.constant 0 : i32
    %dma_start3A_64 = tpu.memref_slice %arg2[%dma_start3A_62, %dma_start3A_63] : memref<10000x64xf32, #tpu.memory_space<hbm>> -> memref<10000x64xf32, #tpu.memory_space<hbm>>
    tpu.enqueue_indirect_dma source(%dma_start3A_64 : memref<10000x64xf32, #tpu.memory_space<hbm>>) target(%dma_start3A_58 : memref<80x64xf32, #tpu.memory_space<vmem>>) offsets(%dma_start3A_61 : memref<80xi32, #tpu.memory_space<vmem>>) semaphore(%arg13 : memref<!tpu.dma_semaphore, #tpu.memory_space<semaphore_mem>>)
    %dma_start3A_65 = arith.constant 2 : i32
    %dma_start3A_66 = arith.constant 2 : i32
    %dma_start3A_67 = arith.constant 0 : i32
    %dma_start3A_68 = arith.constant 0 : i32
    %dma_start3A_69 = tpu.memref_slice %arg8[%dma_start3A_66, %dma_start3A_67, %dma_start3A_68] : memref<5x80x64xf32, #tpu.memory_space<vmem>> -> memref<1x80x64xf32, #tpu.memory_space<vmem>>
    %dma_start3A_70 = tpu.memref_squeeze %dma_start3A_69 : memref<1x80x64xf32, #tpu.memory_space<vmem>> -> memref<80x64xf32, #tpu.memory_space<vmem>>
    %dma_start3A_71 = arith.constant 0 : i32
    %dma_start3A_72 = tpu.memref_slice %arg6[%dma_start3A_65, %dma_start3A_71] : memref<125x80xi32, #tpu.memory_space<vmem>> -> memref<1x80xi32, #tpu.memory_space<vmem>>
    %dma_start3A_73 = tpu.memref_squeeze %dma_start3A_72 : memref<1x80xi32, #tpu.memory_space<vmem>> -> memref<80xi32, #tpu.memory_space<vmem>>
    %dma_start3A_74 = arith.constant 0 : i32
    %dma_start3A_75 = arith.constant 0 : i32
    %dma_start3A_76 = tpu.memref_slice %arg2[%dma_start3A_74, %dma_start3A_75] : memref<10000x64xf32, #tpu.memory_space<hbm>> -> memref<10000x64xf32, #tpu.memory_space<hbm>>
    tpu.enqueue_indirect_dma source(%dma_start3A_76 : memref<10000x64xf32, #tpu.memory_space<hbm>>) target(%dma_start3A_70 : memref<80x64xf32, #tpu.memory_space<vmem>>) offsets(%dma_start3A_73 : memref<80xi32, #tpu.memory_space<vmem>>) semaphore(%arg14 : memref<!tpu.dma_semaphore, #tpu.memory_space<semaphore_mem>>)
    %dma_start3A_77 = arith.constant 3 : i32
    %dma_start3A_78 = arith.constant 3 : i32
    %dma_start3A_79 = arith.constant 0 : i32
    %dma_start3A_80 = arith.constant 0 : i32
    %dma_start3A_81 = tpu.memref_slice %arg8[%dma_start3A_78, %dma_start3A_79, %dma_start3A_80] : memref<5x80x64xf32, #tpu.memory_space<vmem>> -> memref<1x80x64xf32, #tpu.memory_space<vmem>>
    %dma_start3A_82 = tpu.memref_squeeze %dma_start3A_81 : memref<1x80x64xf32, #tpu.memory_space<vmem>> -> memref<80x64xf32, #tpu.memory_space<vmem>>
    %dma_start3A_83 = arith.constant 0 : i32
    %dma_start3A_84 = tpu.memref_slice %arg6[%dma_start3A_77, %dma_start3A_83] : memref<125x80xi32, #tpu.memory_space<vmem>> -> memref<1x80xi32, #tpu.memory_space<vmem>>
    %dma_start3A_85 = tpu.memref_squeeze %dma_start3A_84 : memref<1x80xi32, #tpu.memory_space<vmem>> -> memref<80xi32, #tpu.memory_space<vmem>>
    %dma_start3A_86 = arith.constant 0 : i32
    %dma_start3A_87 = arith.constant 0 : i32
    %dma_start3A_88 = tpu.memref_slice %arg2[%dma_start3A_86, %dma_start3A_87] : memref<10000x64xf32, #tpu.memory_space<hbm>> -> memref<10000x64xf32, #tpu.memory_space<hbm>>
    tpu.enqueue_indirect_dma source(%dma_start3A_88 : memref<10000x64xf32, #tpu.memory_space<hbm>>) target(%dma_start3A_82 : memref<80x64xf32, #tpu.memory_space<vmem>>) offsets(%dma_start3A_85 : memref<80xi32, #tpu.memory_space<vmem>>) semaphore(%arg15 : memref<!tpu.dma_semaphore, #tpu.memory_space<semaphore_mem>>)
    %dma_start3A_89 = arith.constant 4 : i32
    %dma_start3A_90 = arith.constant 4 : i32
    %dma_start3A_91 = arith.constant 0 : i32
    %dma_start3A_92 = arith.constant 0 : i32
    %dma_start3A_93 = tpu.memref_slice %arg8[%dma_start3A_90, %dma_start3A_91, %dma_start3A_92] : memref<5x80x64xf32, #tpu.memory_space<vmem>> -> memref<1x80x64xf32, #tpu.memory_space<vmem>>
    %dma_start3A_94 = tpu.memref_squeeze %dma_start3A_93 : memref<1x80x64xf32, #tpu.memory_space<vmem>> -> memref<80x64xf32, #tpu.memory_space<vmem>>
    %dma_start3A_95 = arith.constant 0 : i32
    %dma_start3A_96 = tpu.memref_slice %arg6[%dma_start3A_89, %dma_start3A_95] : memref<125x80xi32, #tpu.memory_space<vmem>> -> memref<1x80xi32, #tpu.memory_space<vmem>>
    %dma_start3A_97 = tpu.memref_squeeze %dma_start3A_96 : memref<1x80xi32, #tpu.memory_space<vmem>> -> memref<80xi32, #tpu.memory_space<vmem>>
    %dma_start3A_98 = arith.constant 0 : i32
    %dma_start3A_99 = arith.constant 0 : i32
    %dma_start3A_100 = tpu.memref_slice %arg2[%dma_start3A_98, %dma_start3A_99] : memref<10000x64xf32, #tpu.memory_space<hbm>> -> memref<10000x64xf32, #tpu.memory_space<hbm>>
    tpu.enqueue_indirect_dma source(%dma_start3A_100 : memref<10000x64xf32, #tpu.memory_space<hbm>>) target(%dma_start3A_94 : memref<80x64xf32, #tpu.memory_space<vmem>>) offsets(%dma_start3A_97 : memref<80xi32, #tpu.memory_space<vmem>>) semaphore(%arg16 : memref<!tpu.dma_semaphore, #tpu.memory_space<semaphore_mem>>)
    %mul3A_101 = arith.constant 640 : i32
    %mul3A_102 = arith.muli %arg1, %mul3A_101 : i32
    %dma_wait3A_103 = arith.constant 0 : i32
    %dma_wait3A_104 = tpu.memref_slice %arg9[%mul3A_102, %dma_wait3A_103] : memref<10240x64xf32, #tpu.memory_space<vmem_shared>> -> memref<640x64xf32, #tpu.memory_space<vmem_shared>>
    tpu.wait_dma2 semaphore(%arg11 : memref<!tpu.dma_semaphore, #tpu.memory_space<semaphore_mem>>) src(%arg4 : memref<640x64xf32, #tpu.memory_space<hbm>>) dst(%dma_wait3A_104 : memref<640x64xf32, #tpu.memory_space<vmem_shared>>)
    %barrier3A = arith.constant 0 : index
    tpu.barrier barrier_id(%barrier3A)
    %scan3A = arith.constant 0 : i32
    %scan3A_105 = arith.constant 0 : i32
    %scan3A_106 = arith.constant 25 : i32
    %scan3A_107 = arith.addi %scan3A_105, %scan3A_106 : i32
    %scan3A_108 = arith.constant 1 : i32
    %scan3A_109 = scf.for %scan3A_189 = %scan3A_105 to %scan3A_107 step %scan3A_108 iter_args(%scan3A_190 = %scan3A) -> (i32)  : i32 {
      %mul3A_191 = arith.constant 5 : i32
      %mul3A_192 = arith.muli %scan3A_189, %mul3A_191 : i32
      %dma_wait3A_193 = arith.constant 0 : i32
      %dma_wait3A_194 = arith.constant 0 : i32
      %dma_wait3A_195 = arith.constant 0 : i32
      %dma_wait3A_196 = tpu.memref_slice %arg8[%dma_wait3A_193, %dma_wait3A_194, %dma_wait3A_195] : memref<5x80x64xf32, #tpu.memory_space<vmem>> -> memref<1x80x64xf32, #tpu.memory_space<vmem>>
      %dma_wait3A_197 = tpu.memref_squeeze %dma_wait3A_196 : memref<1x80x64xf32, #tpu.memory_space<vmem>> -> memref<80x64xf32, #tpu.memory_space<vmem>>
      %dma_wait3A_198 = arith.constant 0 : i32
      %dma_wait3A_199 = arith.constant 0 : i32
      %dma_wait3A_200 = tpu.memref_slice %arg2[%dma_wait3A_198, %dma_wait3A_199] : memref<10000x64xf32, #tpu.memory_space<hbm>> -> memref<80x64xf32, #tpu.memory_space<hbm>>
      %dma_wait3A_201 = arith.constant 0 : i32
      %dma_wait3A_202 = arith.constant 0 : i32
      %dma_wait3A_203 = tpu.memref_slice %arg8[%dma_wait3A_193, %dma_wait3A_201, %dma_wait3A_202] : memref<5x80x64xf32, #tpu.memory_space<vmem>> -> memref<1x80x64xf32, #tpu.memory_space<vmem>>
      %dma_wait3A_204 = tpu.memref_squeeze %dma_wait3A_203 : memref<1x80x64xf32, #tpu.memory_space<vmem>> -> memref<80x64xf32, #tpu.memory_space<vmem>>
      %dma_wait3A_205 = arith.constant 0 : i32
      %dma_wait3A_206 = arith.constant 0 : i32
      %dma_wait3A_207 = tpu.memref_slice %arg2[%dma_wait3A_205, %dma_wait3A_206] : memref<10000x64xf32, #tpu.memory_space<hbm>> -> memref<80x64xf32, #tpu.memory_space<hbm>>
      tpu.wait_dma2 semaphore(%arg12 : memref<!tpu.dma_semaphore, #tpu.memory_space<semaphore_mem>>) src(%dma_wait3A_207 : memref<80x64xf32, #tpu.memory_space<hbm>>) dst(%dma_wait3A_204 : memref<80x64xf32, #tpu.memory_space<vmem>>)
      %add3A_208 = arith.constant 0 : i32
      %add3A_209 = arith.addi %mul3A_192, %add3A_208 : i32
      %dma_start3A_210 = arith.constant 0 : i32
      %dma_start3A_211 = arith.constant 0 : i32
      %dma_start3A_212 = arith.constant 0 : i32
      %dma_start3A_213 = tpu.memref_slice %arg8[%dma_start3A_210, %dma_start3A_211, %dma_start3A_212] : memref<5x80x64xf32, #tpu.memory_space<vmem>> -> memref<1x80x64xf32, #tpu.memory_space<vmem>>
      %dma_start3A_214 = tpu.memref_squeeze %dma_start3A_213 : memref<1x80x64xf32, #tpu.memory_space<vmem>> -> memref<80x64xf32, #tpu.memory_space<vmem>>
      %dma_start3A_215 = arith.constant 0 : i32
      %dma_start3A_216 = tpu.memref_slice %arg7[%add3A_209, %dma_start3A_215] : memref<125x80xi32, #tpu.memory_space<vmem>> -> memref<1x80xi32, #tpu.memory_space<vmem>>
      %dma_start3A_217 = tpu.memref_squeeze %dma_start3A_216 : memref<1x80xi32, #tpu.memory_space<vmem>> -> memref<80xi32, #tpu.memory_space<vmem>>
      %dma_start3A_218 = arith.constant 0 : i32
      %dma_start3A_219 = arith.constant 0 : i32
      %dma_start3A_220 = tpu.memref_slice %arg9[%dma_start3A_218, %dma_start3A_219] : memref<10240x64xf32, #tpu.memory_space<vmem_shared>> -> memref<10240x64xf32, #tpu.memory_space<vmem_shared>>
      tpu.enqueue_indirect_dma source(%dma_start3A_214 : memref<80x64xf32, #tpu.memory_space<vmem>>) target(%dma_start3A_220 : memref<10240x64xf32, #tpu.memory_space<vmem_shared>>) offsets(%dma_start3A_217 : memref<80xi32, #tpu.memory_space<vmem>>) semaphore(%arg17 : memref<!tpu.dma_semaphore, #tpu.memory_space<semaphore_mem>>) {add = true}
      %dma_wait3A_221 = arith.constant 1 : i32
      %dma_wait3A_222 = arith.constant 0 : i32
      %dma_wait3A_223 = arith.constant 0 : i32
      %dma_wait3A_224 = tpu.memref_slice %arg8[%dma_wait3A_221, %dma_wait3A_222, %dma_wait3A_223] : memref<5x80x64xf32, #tpu.memory_space<vmem>> -> memref<1x80x64xf32, #tpu.memory_space<vmem>>
      %dma_wait3A_225 = tpu.memref_squeeze %dma_wait3A_224 : memref<1x80x64xf32, #tpu.memory_space<vmem>> -> memref<80x64xf32, #tpu.memory_space<vmem>>
      %dma_wait3A_226 = arith.constant 0 : i32
      %dma_wait3A_227 = arith.constant 0 : i32
      %dma_wait3A_228 = tpu.memref_slice %arg2[%dma_wait3A_226, %dma_wait3A_227] : memref<10000x64xf32, #tpu.memory_space<hbm>> -> memref<80x64xf32, #tpu.memory_space<hbm>>
      %dma_wait3A_229 = arith.constant 0 : i32
      %dma_wait3A_230 = arith.constant 0 : i32
      %dma_wait3A_231 = tpu.memref_slice %arg8[%dma_wait3A_221, %dma_wait3A_229, %dma_wait3A_230] : memref<5x80x64xf32, #tpu.memory_space<vmem>> -> memref<1x80x64xf32, #tpu.memory_space<vmem>>
      %dma_wait3A_232 = tpu.memref_squeeze %dma_wait3A_231 : memref<1x80x64xf32, #tpu.memory_space<vmem>> -> memref<80x64xf32, #tpu.memory_space<vmem>>
      %dma_wait3A_233 = arith.constant 0 : i32
      %dma_wait3A_234 = arith.constant 0 : i32
      %dma_wait3A_235 = tpu.memref_slice %arg2[%dma_wait3A_233, %dma_wait3A_234] : memref<10000x64xf32, #tpu.memory_space<hbm>> -> memref<80x64xf32, #tpu.memory_space<hbm>>
      tpu.wait_dma2 semaphore(%arg13 : memref<!tpu.dma_semaphore, #tpu.memory_space<semaphore_mem>>) src(%dma_wait3A_235 : memref<80x64xf32, #tpu.memory_space<hbm>>) dst(%dma_wait3A_232 : memref<80x64xf32, #tpu.memory_space<vmem>>)
      %add3A_236 = arith.constant 1 : i32
      %add3A_237 = arith.addi %mul3A_192, %add3A_236 : i32
      %dma_start3A_238 = arith.constant 1 : i32
      %dma_start3A_239 = arith.constant 0 : i32
      %dma_start3A_240 = arith.constant 0 : i32
      %dma_start3A_241 = tpu.memref_slice %arg8[%dma_start3A_238, %dma_start3A_239, %dma_start3A_240] : memref<5x80x64xf32, #tpu.memory_space<vmem>> -> memref<1x80x64xf32, #tpu.memory_space<vmem>>
      %dma_start3A_242 = tpu.memref_squeeze %dma_start3A_241 : memref<1x80x64xf32, #tpu.memory_space<vmem>> -> memref<80x64xf32, #tpu.memory_space<vmem>>
      %dma_start3A_243 = arith.constant 0 : i32
      %dma_start3A_244 = tpu.memref_slice %arg7[%add3A_237, %dma_start3A_243] : memref<125x80xi32, #tpu.memory_space<vmem>> -> memref<1x80xi32, #tpu.memory_space<vmem>>
      %dma_start3A_245 = tpu.memref_squeeze %dma_start3A_244 : memref<1x80xi32, #tpu.memory_space<vmem>> -> memref<80xi32, #tpu.memory_space<vmem>>
      %dma_start3A_246 = arith.constant 0 : i32
      %dma_start3A_247 = arith.constant 0 : i32
      %dma_start3A_248 = tpu.memref_slice %arg9[%dma_start3A_246, %dma_start3A_247] : memref<10240x64xf32, #tpu.memory_space<vmem_shared>> -> memref<10240x64xf32, #tpu.memory_space<vmem_shared>>
      tpu.enqueue_indirect_dma source(%dma_start3A_242 : memref<80x64xf32, #tpu.memory_space<vmem>>) target(%dma_start3A_248 : memref<10240x64xf32, #tpu.memory_space<vmem_shared>>) offsets(%dma_start3A_245 : memref<80xi32, #tpu.memory_space<vmem>>) semaphore(%arg18 : memref<!tpu.dma_semaphore, #tpu.memory_space<semaphore_mem>>) {add = true}
      %dma_wait3A_249 = arith.constant 2 : i32
      %dma_wait3A_250 = arith.constant 0 : i32
      %dma_wait3A_251 = arith.constant 0 : i32
      %dma_wait3A_252 = tpu.memref_slice %arg8[%dma_wait3A_249, %dma_wait3A_250, %dma_wait3A_251] : memref<5x80x64xf32, #tpu.memory_space<vmem>> -> memref<1x80x64xf32, #tpu.memory_space<vmem>>
      %dma_wait3A_253 = tpu.memref_squeeze %dma_wait3A_252 : memref<1x80x64xf32, #tpu.memory_space<vmem>> -> memref<80x64xf32, #tpu.memory_space<vmem>>
      %dma_wait3A_254 = arith.constant 0 : i32
      %dma_wait3A_255 = arith.constant 0 : i32
      %dma_wait3A_256 = tpu.memref_slice %arg2[%dma_wait3A_254, %dma_wait3A_255] : memref<10000x64xf32, #tpu.memory_space<hbm>> -> memref<80x64xf32, #tpu.memory_space<hbm>>
      %dma_wait3A_257 = arith.constant 0 : i32
      %dma_wait3A_258 = arith.constant 0 : i32
      %dma_wait3A_259 = tpu.memref_slice %arg8[%dma_wait3A_249, %dma_wait3A_257, %dma_wait3A_258] : memref<5x80x64xf32, #tpu.memory_space<vmem>> -> memref<1x80x64xf32, #tpu.memory_space<vmem>>
      %dma_wait3A_260 = tpu.memref_squeeze %dma_wait3A_259 : memref<1x80x64xf32, #tpu.memory_space<vmem>> -> memref<80x64xf32, #tpu.memory_space<vmem>>
      %dma_wait3A_261 = arith.constant 0 : i32
      %dma_wait3A_262 = arith.constant 0 : i32
      %dma_wait3A_263 = tpu.memref_slice %arg2[%dma_wait3A_261, %dma_wait3A_262] : memref<10000x64xf32, #tpu.memory_space<hbm>> -> memref<80x64xf32, #tpu.memory_space<hbm>>
      tpu.wait_dma2 semaphore(%arg14 : memref<!tpu.dma_semaphore, #tpu.memory_space<semaphore_mem>>) src(%dma_wait3A_263 : memref<80x64xf32, #tpu.memory_space<hbm>>) dst(%dma_wait3A_260 : memref<80x64xf32, #tpu.memory_space<vmem>>)
      %add3A_264 = arith.constant 2 : i32
      %add3A_265 = arith.addi %mul3A_192, %add3A_264 : i32
      %dma_start3A_266 = arith.constant 2 : i32
      %dma_start3A_267 = arith.constant 0 : i32
      %dma_start3A_268 = arith.constant 0 : i32
      %dma_start3A_269 = tpu.memref_slice %arg8[%dma_start3A_266, %dma_start3A_267, %dma_start3A_268] : memref<5x80x64xf32, #tpu.memory_space<vmem>> -> memref<1x80x64xf32, #tpu.memory_space<vmem>>
      %dma_start3A_270 = tpu.memref_squeeze %dma_start3A_269 : memref<1x80x64xf32, #tpu.memory_space<vmem>> -> memref<80x64xf32, #tpu.memory_space<vmem>>
      %dma_start3A_271 = arith.constant 0 : i32
      %dma_start3A_272 = tpu.memref_slice %arg7[%add3A_265, %dma_start3A_271] : memref<125x80xi32, #tpu.memory_space<vmem>> -> memref<1x80xi32, #tpu.memory_space<vmem>>
      %dma_start3A_273 = tpu.memref_squeeze %dma_start3A_272 : memref<1x80xi32, #tpu.memory_space<vmem>> -> memref<80xi32, #tpu.memory_space<vmem>>
      %dma_start3A_274 = arith.constant 0 : i32
      %dma_start3A_275 = arith.constant 0 : i32
      %dma_start3A_276 = tpu.memref_slice %arg9[%dma_start3A_274, %dma_start3A_275] : memref<10240x64xf32, #tpu.memory_space<vmem_shared>> -> memref<10240x64xf32, #tpu.memory_space<vmem_shared>>
      tpu.enqueue_indirect_dma source(%dma_start3A_270 : memref<80x64xf32, #tpu.memory_space<vmem>>) target(%dma_start3A_276 : memref<10240x64xf32, #tpu.memory_space<vmem_shared>>) offsets(%dma_start3A_273 : memref<80xi32, #tpu.memory_space<vmem>>) semaphore(%arg19 : memref<!tpu.dma_semaphore, #tpu.memory_space<semaphore_mem>>) {add = true}
      %dma_wait3A_277 = arith.constant 3 : i32
      %dma_wait3A_278 = arith.constant 0 : i32
      %dma_wait3A_279 = arith.constant 0 : i32
      %dma_wait3A_280 = tpu.memref_slice %arg8[%dma_wait3A_277, %dma_wait3A_278, %dma_wait3A_279] : memref<5x80x64xf32, #tpu.memory_space<vmem>> -> memref<1x80x64xf32, #tpu.memory_space<vmem>>
      %dma_wait3A_281 = tpu.memref_squeeze %dma_wait3A_280 : memref<1x80x64xf32, #tpu.memory_space<vmem>> -> memref<80x64xf32, #tpu.memory_space<vmem>>
      %dma_wait3A_282 = arith.constant 0 : i32
      %dma_wait3A_283 = arith.constant 0 : i32
      %dma_wait3A_284 = tpu.memref_slice %arg2[%dma_wait3A_282, %dma_wait3A_283] : memref<10000x64xf32, #tpu.memory_space<hbm>> -> memref<80x64xf32, #tpu.memory_space<hbm>>
      %dma_wait3A_285 = arith.constant 0 : i32
      %dma_wait3A_286 = arith.constant 0 : i32
      %dma_wait3A_287 = tpu.memref_slice %arg8[%dma_wait3A_277, %dma_wait3A_285, %dma_wait3A_286] : memref<5x80x64xf32, #tpu.memory_space<vmem>> -> memref<1x80x64xf32, #tpu.memory_space<vmem>>
      %dma_wait3A_288 = tpu.memref_squeeze %dma_wait3A_287 : memref<1x80x64xf32, #tpu.memory_space<vmem>> -> memref<80x64xf32, #tpu.memory_space<vmem>>
      %dma_wait3A_289 = arith.constant 0 : i32
      %dma_wait3A_290 = arith.constant 0 : i32
      %dma_wait3A_291 = tpu.memref_slice %arg2[%dma_wait3A_289, %dma_wait3A_290] : memref<10000x64xf32, #tpu.memory_space<hbm>> -> memref<80x64xf32, #tpu.memory_space<hbm>>
      tpu.wait_dma2 semaphore(%arg15 : memref<!tpu.dma_semaphore, #tpu.memory_space<semaphore_mem>>) src(%dma_wait3A_291 : memref<80x64xf32, #tpu.memory_space<hbm>>) dst(%dma_wait3A_288 : memref<80x64xf32, #tpu.memory_space<vmem>>)
      %add3A_292 = arith.constant 3 : i32
      %add3A_293 = arith.addi %mul3A_192, %add3A_292 : i32
      %dma_start3A_294 = arith.constant 3 : i32
      %dma_start3A_295 = arith.constant 0 : i32
      %dma_start3A_296 = arith.constant 0 : i32
      %dma_start3A_297 = tpu.memref_slice %arg8[%dma_start3A_294, %dma_start3A_295, %dma_start3A_296] : memref<5x80x64xf32, #tpu.memory_space<vmem>> -> memref<1x80x64xf32, #tpu.memory_space<vmem>>
      %dma_start3A_298 = tpu.memref_squeeze %dma_start3A_297 : memref<1x80x64xf32, #tpu.memory_space<vmem>> -> memref<80x64xf32, #tpu.memory_space<vmem>>
      %dma_start3A_299 = arith.constant 0 : i32
      %dma_start3A_300 = tpu.memref_slice %arg7[%add3A_293, %dma_start3A_299] : memref<125x80xi32, #tpu.memory_space<vmem>> -> memref<1x80xi32, #tpu.memory_space<vmem>>
      %dma_start3A_301 = tpu.memref_squeeze %dma_start3A_300 : memref<1x80xi32, #tpu.memory_space<vmem>> -> memref<80xi32, #tpu.memory_space<vmem>>
      %dma_start3A_302 = arith.constant 0 : i32
      %dma_start3A_303 = arith.constant 0 : i32
      %dma_start3A_304 = tpu.memref_slice %arg9[%dma_start3A_302, %dma_start3A_303] : memref<10240x64xf32, #tpu.memory_space<vmem_shared>> -> memref<10240x64xf32, #tpu.memory_space<vmem_shared>>
      tpu.enqueue_indirect_dma source(%dma_start3A_298 : memref<80x64xf32, #tpu.memory_space<vmem>>) target(%dma_start3A_304 : memref<10240x64xf32, #tpu.memory_space<vmem_shared>>) offsets(%dma_start3A_301 : memref<80xi32, #tpu.memory_space<vmem>>) semaphore(%arg20 : memref<!tpu.dma_semaphore, #tpu.memory_space<semaphore_mem>>) {add = true}
      %dma_wait3A_305 = arith.constant 4 : i32
      %dma_wait3A_306 = arith.constant 0 : i32
      %dma_wait3A_307 = arith.constant 0 : i32
      %dma_wait3A_308 = tpu.memref_slice %arg8[%dma_wait3A_305, %dma_wait3A_306, %dma_wait3A_307] : memref<5x80x64xf32, #tpu.memory_space<vmem>> -> memref<1x80x64xf32, #tpu.memory_space<vmem>>
      %dma_wait3A_309 = tpu.memref_squeeze %dma_wait3A_308 : memref<1x80x64xf32, #tpu.memory_space<vmem>> -> memref<80x64xf32, #tpu.memory_space<vmem>>
      %dma_wait3A_310 = arith.constant 0 : i32
      %dma_wait3A_311 = arith.constant 0 : i32
      %dma_wait3A_312 = tpu.memref_slice %arg2[%dma_wait3A_310, %dma_wait3A_311] : memref<10000x64xf32, #tpu.memory_space<hbm>> -> memref<80x64xf32, #tpu.memory_space<hbm>>
      %dma_wait3A_313 = arith.constant 0 : i32
      %dma_wait3A_314 = arith.constant 0 : i32
      %dma_wait3A_315 = tpu.memref_slice %arg8[%dma_wait3A_305, %dma_wait3A_313, %dma_wait3A_314] : memref<5x80x64xf32, #tpu.memory_space<vmem>> -> memref<1x80x64xf32, #tpu.memory_space<vmem>>
      %dma_wait3A_316 = tpu.memref_squeeze %dma_wait3A_315 : memref<1x80x64xf32, #tpu.memory_space<vmem>> -> memref<80x64xf32, #tpu.memory_space<vmem>>
      %dma_wait3A_317 = arith.constant 0 : i32
      %dma_wait3A_318 = arith.constant 0 : i32
      %dma_wait3A_319 = tpu.memref_slice %arg2[%dma_wait3A_317, %dma_wait3A_318] : memref<10000x64xf32, #tpu.memory_space<hbm>> -> memref<80x64xf32, #tpu.memory_space<hbm>>
      tpu.wait_dma2 semaphore(%arg16 : memref<!tpu.dma_semaphore, #tpu.memory_space<semaphore_mem>>) src(%dma_wait3A_319 : memref<80x64xf32, #tpu.memory_space<hbm>>) dst(%dma_wait3A_316 : memref<80x64xf32, #tpu.memory_space<vmem>>)
      %add3A_320 = arith.constant 4 : i32
      %add3A_321 = arith.addi %mul3A_192, %add3A_320 : i32
      %dma_start3A_322 = arith.constant 4 : i32
      %dma_start3A_323 = arith.constant 0 : i32
      %dma_start3A_324 = arith.constant 0 : i32
      %dma_start3A_325 = tpu.memref_slice %arg8[%dma_start3A_322, %dma_start3A_323, %dma_start3A_324] : memref<5x80x64xf32, #tpu.memory_space<vmem>> -> memref<1x80x64xf32, #tpu.memory_space<vmem>>
      %dma_start3A_326 = tpu.memref_squeeze %dma_start3A_325 : memref<1x80x64xf32, #tpu.memory_space<vmem>> -> memref<80x64xf32, #tpu.memory_space<vmem>>
      %dma_start3A_327 = arith.constant 0 : i32
      %dma_start3A_328 = tpu.memref_slice %arg7[%add3A_321, %dma_start3A_327] : memref<125x80xi32, #tpu.memory_space<vmem>> -> memref<1x80xi32, #tpu.memory_space<vmem>>
      %dma_start3A_329 = tpu.memref_squeeze %dma_start3A_328 : memref<1x80xi32, #tpu.memory_space<vmem>> -> memref<80xi32, #tpu.memory_space<vmem>>
      %dma_start3A_330 = arith.constant 0 : i32
      %dma_start3A_331 = arith.constant 0 : i32
      %dma_start3A_332 = tpu.memref_slice %arg9[%dma_start3A_330, %dma_start3A_331] : memref<10240x64xf32, #tpu.memory_space<vmem_shared>> -> memref<10240x64xf32, #tpu.memory_space<vmem_shared>>
      tpu.enqueue_indirect_dma source(%dma_start3A_326 : memref<80x64xf32, #tpu.memory_space<vmem>>) target(%dma_start3A_332 : memref<10240x64xf32, #tpu.memory_space<vmem_shared>>) offsets(%dma_start3A_329 : memref<80xi32, #tpu.memory_space<vmem>>) semaphore(%arg21 : memref<!tpu.dma_semaphore, #tpu.memory_space<semaphore_mem>>) {add = true}
      %add3A_333 = arith.constant 1 : i32
      %add3A_334 = arith.addi %scan3A_189, %add3A_333 : i32
      %lt3A = arith.constant 25 : i32
      %lt3A_335 = arith.cmpi slt, %add3A_334, %lt3A : i32
      %convert_element_type3A = arith.extui %lt3A_335 : i1 to i32
      %cond3A = arith.constant 0 : i32
      %cond3A_336 = arith.cmpi ne, %convert_element_type3A, %cond3A : i32
      scf.if %cond3A_336 {
        %dma_wait3A_366 = arith.constant 0 : i32
        %dma_wait3A_367 = arith.constant 0 : i32
        %dma_wait3A_368 = arith.constant 0 : i32
        %dma_wait3A_369 = tpu.memref_slice %arg8[%dma_wait3A_366, %dma_wait3A_367, %dma_wait3A_368] : memref<5x80x64xf32, #tpu.memory_space<vmem>> -> memref<1x80x64xf32, #tpu.memory_space<vmem>>
        %dma_wait3A_370 = tpu.memref_squeeze %dma_wait3A_369 : memref<1x80x64xf32, #tpu.memory_space<vmem>> -> memref<80x64xf32, #tpu.memory_space<vmem>>
        %dma_wait3A_371 = arith.constant 0 : i32
        %dma_wait3A_372 = arith.constant 0 : i32
        %dma_wait3A_373 = tpu.memref_slice %arg2[%dma_wait3A_371, %dma_wait3A_372] : memref<10000x64xf32, #tpu.memory_space<hbm>> -> memref<80x64xf32, #tpu.memory_space<hbm>>
        %dma_wait3A_374 = arith.constant 0 : i32
        %dma_wait3A_375 = arith.constant 0 : i32
        %dma_wait3A_376 = tpu.memref_slice %arg8[%dma_wait3A_366, %dma_wait3A_374, %dma_wait3A_375] : memref<5x80x64xf32, #tpu.memory_space<vmem>> -> memref<1x80x64xf32, #tpu.memory_space<vmem>>
        %dma_wait3A_377 = tpu.memref_squeeze %dma_wait3A_376 : memref<1x80x64xf32, #tpu.memory_space<vmem>> -> memref<80x64xf32, #tpu.memory_space<vmem>>
        %dma_wait3A_378 = arith.constant 0 : i32
        %dma_wait3A_379 = arith.constant 0 : i32
        %dma_wait3A_380 = tpu.memref_slice %arg2[%dma_wait3A_378, %dma_wait3A_379] : memref<10000x64xf32, #tpu.memory_space<hbm>> -> memref<80x64xf32, #tpu.memory_space<hbm>>
        tpu.wait_dma2 semaphore(%arg17 : memref<!tpu.dma_semaphore, #tpu.memory_space<semaphore_mem>>) src(%dma_wait3A_380 : memref<80x64xf32, #tpu.memory_space<hbm>>) dst(%dma_wait3A_377 : memref<80x64xf32, #tpu.memory_space<vmem>>)
        %add3A_381 = arith.constant 1 : i32
        %add3A_382 = arith.addi %scan3A_189, %add3A_381 : i32
        %mul3A_383 = arith.constant 5 : i32
        %mul3A_384 = arith.muli %add3A_382, %mul3A_383 : i32
        %add3A_385 = arith.constant 0 : i32
        %add3A_386 = arith.addi %mul3A_384, %add3A_385 : i32
        %dma_start3A_387 = arith.constant 0 : i32
        %dma_start3A_388 = arith.constant 0 : i32
        %dma_start3A_389 = arith.constant 0 : i32
        %dma_start3A_390 = tpu.memref_slice %arg8[%dma_start3A_387, %dma_start3A_388, %dma_start3A_389] : memref<5x80x64xf32, #tpu.memory_space<vmem>> -> memref<1x80x64xf32, #tpu.memory_space<vmem>>
        %dma_start3A_391 = tpu.memref_squeeze %dma_start3A_390 : memref<1x80x64xf32, #tpu.memory_space<vmem>> -> memref<80x64xf32, #tpu.memory_space<vmem>>
        %dma_start3A_392 = arith.constant 0 : i32
        %dma_start3A_393 = tpu.memref_slice %arg6[%add3A_386, %dma_start3A_392] : memref<125x80xi32, #tpu.memory_space<vmem>> -> memref<1x80xi32, #tpu.memory_space<vmem>>
        %dma_start3A_394 = tpu.memref_squeeze %dma_start3A_393 : memref<1x80xi32, #tpu.memory_space<vmem>> -> memref<80xi32, #tpu.memory_space<vmem>>
        %dma_start3A_395 = arith.constant 0 : i32
        %dma_start3A_396 = arith.constant 0 : i32
        %dma_start3A_397 = tpu.memref_slice %arg2[%dma_start3A_395, %dma_start3A_396] : memref<10000x64xf32, #tpu.memory_space<hbm>> -> memref<10000x64xf32, #tpu.memory_space<hbm>>
        tpu.enqueue_indirect_dma source(%dma_start3A_397 : memref<10000x64xf32, #tpu.memory_space<hbm>>) target(%dma_start3A_391 : memref<80x64xf32, #tpu.memory_space<vmem>>) offsets(%dma_start3A_394 : memref<80xi32, #tpu.memory_space<vmem>>) semaphore(%arg12 : memref<!tpu.dma_semaphore, #tpu.memory_space<semaphore_mem>>)
      } else {
      }
      %add3A_337 = arith.constant 1 : i32
      %add3A_338 = arith.addi %scan3A_189, %add3A_337 : i32
      %lt3A_339 = arith.constant 25 : i32
      %lt3A_340 = arith.cmpi slt, %add3A_338, %lt3A_339 : i32
      %convert_element_type3A_341 = arith.extui %lt3A_340 : i1 to i32
      %cond3A_342 = arith.constant 0 : i32
      %cond3A_343 = arith.cmpi ne, %convert_element_type3A_341, %cond3A_342 : i32
      scf.if %cond3A_343 {
        %dma_wait3A_366 = arith.constant 1 : i32
        %dma_wait3A_367 = arith.constant 0 : i32
        %dma_wait3A_368 = arith.constant 0 : i32
        %dma_wait3A_369 = tpu.memref_slice %arg8[%dma_wait3A_366, %dma_wait3A_367, %dma_wait3A_368] : memref<5x80x64xf32, #tpu.memory_space<vmem>> -> memref<1x80x64xf32, #tpu.memory_space<vmem>>
        %dma_wait3A_370 = tpu.memref_squeeze %dma_wait3A_369 : memref<1x80x64xf32, #tpu.memory_space<vmem>> -> memref<80x64xf32, #tpu.memory_space<vmem>>
        %dma_wait3A_371 = arith.constant 0 : i32
        %dma_wait3A_372 = arith.constant 0 : i32
        %dma_wait3A_373 = tpu.memref_slice %arg2[%dma_wait3A_371, %dma_wait3A_372] : memref<10000x64xf32, #tpu.memory_space<hbm>> -> memref<80x64xf32, #tpu.memory_space<hbm>>
        %dma_wait3A_374 = arith.constant 0 : i32
        %dma_wait3A_375 = arith.constant 0 : i32
        %dma_wait3A_376 = tpu.memref_slice %arg8[%dma_wait3A_366, %dma_wait3A_374, %dma_wait3A_375] : memref<5x80x64xf32, #tpu.memory_space<vmem>> -> memref<1x80x64xf32, #tpu.memory_space<vmem>>
        %dma_wait3A_377 = tpu.memref_squeeze %dma_wait3A_376 : memref<1x80x64xf32, #tpu.memory_space<vmem>> -> memref<80x64xf32, #tpu.memory_space<vmem>>
        %dma_wait3A_378 = arith.constant 0 : i32
        %dma_wait3A_379 = arith.constant 0 : i32
        %dma_wait3A_380 = tpu.memref_slice %arg2[%dma_wait3A_378, %dma_wait3A_379] : memref<10000x64xf32, #tpu.memory_space<hbm>> -> memref<80x64xf32, #tpu.memory_space<hbm>>
        tpu.wait_dma2 semaphore(%arg18 : memref<!tpu.dma_semaphore, #tpu.memory_space<semaphore_mem>>) src(%dma_wait3A_380 : memref<80x64xf32, #tpu.memory_space<hbm>>) dst(%dma_wait3A_377 : memref<80x64xf32, #tpu.memory_space<vmem>>)
        %add3A_381 = arith.constant 1 : i32
        %add3A_382 = arith.addi %scan3A_189, %add3A_381 : i32
        %mul3A_383 = arith.constant 5 : i32
        %mul3A_384 = arith.muli %add3A_382, %mul3A_383 : i32
        %add3A_385 = arith.constant 1 : i32
        %add3A_386 = arith.addi %mul3A_384, %add3A_385 : i32
        %dma_start3A_387 = arith.constant 1 : i32
        %dma_start3A_388 = arith.constant 0 : i32
        %dma_start3A_389 = arith.constant 0 : i32
        %dma_start3A_390 = tpu.memref_slice %arg8[%dma_start3A_387, %dma_start3A_388, %dma_start3A_389] : memref<5x80x64xf32, #tpu.memory_space<vmem>> -> memref<1x80x64xf32, #tpu.memory_space<vmem>>
        %dma_start3A_391 = tpu.memref_squeeze %dma_start3A_390 : memref<1x80x64xf32, #tpu.memory_space<vmem>> -> memref<80x64xf32, #tpu.memory_space<vmem>>
        %dma_start3A_392 = arith.constant 0 : i32
        %dma_start3A_393 = tpu.memref_slice %arg6[%add3A_386, %dma_start3A_392] : memref<125x80xi32, #tpu.memory_space<vmem>> -> memref<1x80xi32, #tpu.memory_space<vmem>>
        %dma_start3A_394 = tpu.memref_squeeze %dma_start3A_393 : memref<1x80xi32, #tpu.memory_space<vmem>> -> memref<80xi32, #tpu.memory_space<vmem>>
        %dma_start3A_395 = arith.constant 0 : i32
        %dma_start3A_396 = arith.constant 0 : i32
        %dma_start3A_397 = tpu.memref_slice %arg2[%dma_start3A_395, %dma_start3A_396] : memref<10000x64xf32, #tpu.memory_space<hbm>> -> memref<10000x64xf32, #tpu.memory_space<hbm>>
        tpu.enqueue_indirect_dma source(%dma_start3A_397 : memref<10000x64xf32, #tpu.memory_space<hbm>>) target(%dma_start3A_391 : memref<80x64xf32, #tpu.memory_space<vmem>>) offsets(%dma_start3A_394 : memref<80xi32, #tpu.memory_space<vmem>>) semaphore(%arg13 : memref<!tpu.dma_semaphore, #tpu.memory_space<semaphore_mem>>)
      } else {
      }
      %add3A_344 = arith.constant 1 : i32
      %add3A_345 = arith.addi %scan3A_189, %add3A_344 : i32
      %lt3A_346 = arith.constant 25 : i32
      %lt3A_347 = arith.cmpi slt, %add3A_345, %lt3A_346 : i32
      %convert_element_type3A_348 = arith.extui %lt3A_347 : i1 to i32
      %cond3A_349 = arith.constant 0 : i32
      %cond3A_350 = arith.cmpi ne, %convert_element_type3A_348, %cond3A_349 : i32
      scf.if %cond3A_350 {
        %dma_wait3A_366 = arith.constant 2 : i32
        %dma_wait3A_367 = arith.constant 0 : i32
        %dma_wait3A_368 = arith.constant 0 : i32
        %dma_wait3A_369 = tpu.memref_slice %arg8[%dma_wait3A_366, %dma_wait3A_367, %dma_wait3A_368] : memref<5x80x64xf32, #tpu.memory_space<vmem>> -> memref<1x80x64xf32, #tpu.memory_space<vmem>>
        %dma_wait3A_370 = tpu.memref_squeeze %dma_wait3A_369 : memref<1x80x64xf32, #tpu.memory_space<vmem>> -> memref<80x64xf32, #tpu.memory_space<vmem>>
        %dma_wait3A_371 = arith.constant 0 : i32
        %dma_wait3A_372 = arith.constant 0 : i32
        %dma_wait3A_373 = tpu.memref_slice %arg2[%dma_wait3A_371, %dma_wait3A_372] : memref<10000x64xf32, #tpu.memory_space<hbm>> -> memref<80x64xf32, #tpu.memory_space<hbm>>
        %dma_wait3A_374 = arith.constant 0 : i32
        %dma_wait3A_375 = arith.constant 0 : i32
        %dma_wait3A_376 = tpu.memref_slice %arg8[%dma_wait3A_366, %dma_wait3A_374, %dma_wait3A_375] : memref<5x80x64xf32, #tpu.memory_space<vmem>> -> memref<1x80x64xf32, #tpu.memory_space<vmem>>
        %dma_wait3A_377 = tpu.memref_squeeze %dma_wait3A_376 : memref<1x80x64xf32, #tpu.memory_space<vmem>> -> memref<80x64xf32, #tpu.memory_space<vmem>>
        %dma_wait3A_378 = arith.constant 0 : i32
        %dma_wait3A_379 = arith.constant 0 : i32
        %dma_wait3A_380 = tpu.memref_slice %arg2[%dma_wait3A_378, %dma_wait3A_379] : memref<10000x64xf32, #tpu.memory_space<hbm>> -> memref<80x64xf32, #tpu.memory_space<hbm>>
        tpu.wait_dma2 semaphore(%arg19 : memref<!tpu.dma_semaphore, #tpu.memory_space<semaphore_mem>>) src(%dma_wait3A_380 : memref<80x64xf32, #tpu.memory_space<hbm>>) dst(%dma_wait3A_377 : memref<80x64xf32, #tpu.memory_space<vmem>>)
        %add3A_381 = arith.constant 1 : i32
        %add3A_382 = arith.addi %scan3A_189, %add3A_381 : i32
        %mul3A_383 = arith.constant 5 : i32
        %mul3A_384 = arith.muli %add3A_382, %mul3A_383 : i32
        %add3A_385 = arith.constant 2 : i32
        %add3A_386 = arith.addi %mul3A_384, %add3A_385 : i32
        %dma_start3A_387 = arith.constant 2 : i32
        %dma_start3A_388 = arith.constant 0 : i32
        %dma_start3A_389 = arith.constant 0 : i32
        %dma_start3A_390 = tpu.memref_slice %arg8[%dma_start3A_387, %dma_start3A_388, %dma_start3A_389] : memref<5x80x64xf32, #tpu.memory_space<vmem>> -> memref<1x80x64xf32, #tpu.memory_space<vmem>>
        %dma_start3A_391 = tpu.memref_squeeze %dma_start3A_390 : memref<1x80x64xf32, #tpu.memory_space<vmem>> -> memref<80x64xf32, #tpu.memory_space<vmem>>
        %dma_start3A_392 = arith.constant 0 : i32
        %dma_start3A_393 = tpu.memref_slice %arg6[%add3A_386, %dma_start3A_392] : memref<125x80xi32, #tpu.memory_space<vmem>> -> memref<1x80xi32, #tpu.memory_space<vmem>>
        %dma_start3A_394 = tpu.memref_squeeze %dma_start3A_393 : memref<1x80xi32, #tpu.memory_space<vmem>> -> memref<80xi32, #tpu.memory_space<vmem>>
        %dma_start3A_395 = arith.constant 0 : i32
        %dma_start3A_396 = arith.constant 0 : i32
        %dma_start3A_397 = tpu.memref_slice %arg2[%dma_start3A_395, %dma_start3A_396] : memref<10000x64xf32, #tpu.memory_space<hbm>> -> memref<10000x64xf32, #tpu.memory_space<hbm>>
        tpu.enqueue_indirect_dma source(%dma_start3A_397 : memref<10000x64xf32, #tpu.memory_space<hbm>>) target(%dma_start3A_391 : memref<80x64xf32, #tpu.memory_space<vmem>>) offsets(%dma_start3A_394 : memref<80xi32, #tpu.memory_space<vmem>>) semaphore(%arg14 : memref<!tpu.dma_semaphore, #tpu.memory_space<semaphore_mem>>)
      } else {
      }
      %add3A_351 = arith.constant 1 : i32
      %add3A_352 = arith.addi %scan3A_189, %add3A_351 : i32
      %lt3A_353 = arith.constant 25 : i32
      %lt3A_354 = arith.cmpi slt, %add3A_352, %lt3A_353 : i32
      %convert_element_type3A_355 = arith.extui %lt3A_354 : i1 to i32
      %cond3A_356 = arith.constant 0 : i32
      %cond3A_357 = arith.cmpi ne, %convert_element_type3A_355, %cond3A_356 : i32
      scf.if %cond3A_357 {
        %dma_wait3A_366 = arith.constant 3 : i32
        %dma_wait3A_367 = arith.constant 0 : i32
        %dma_wait3A_368 = arith.constant 0 : i32
        %dma_wait3A_369 = tpu.memref_slice %arg8[%dma_wait3A_366, %dma_wait3A_367, %dma_wait3A_368] : memref<5x80x64xf32, #tpu.memory_space<vmem>> -> memref<1x80x64xf32, #tpu.memory_space<vmem>>
        %dma_wait3A_370 = tpu.memref_squeeze %dma_wait3A_369 : memref<1x80x64xf32, #tpu.memory_space<vmem>> -> memref<80x64xf32, #tpu.memory_space<vmem>>
        %dma_wait3A_371 = arith.constant 0 : i32
        %dma_wait3A_372 = arith.constant 0 : i32
        %dma_wait3A_373 = tpu.memref_slice %arg2[%dma_wait3A_371, %dma_wait3A_372] : memref<10000x64xf32, #tpu.memory_space<hbm>> -> memref<80x64xf32, #tpu.memory_space<hbm>>
        %dma_wait3A_374 = arith.constant 0 : i32
        %dma_wait3A_375 = arith.constant 0 : i32
        %dma_wait3A_376 = tpu.memref_slice %arg8[%dma_wait3A_366, %dma_wait3A_374, %dma_wait3A_375] : memref<5x80x64xf32, #tpu.memory_space<vmem>> -> memref<1x80x64xf32, #tpu.memory_space<vmem>>
        %dma_wait3A_377 = tpu.memref_squeeze %dma_wait3A_376 : memref<1x80x64xf32, #tpu.memory_space<vmem>> -> memref<80x64xf32, #tpu.memory_space<vmem>>
        %dma_wait3A_378 = arith.constant 0 : i32
        %dma_wait3A_379 = arith.constant 0 : i32
        %dma_wait3A_380 = tpu.memref_slice %arg2[%dma_wait3A_378, %dma_wait3A_379] : memref<10000x64xf32, #tpu.memory_space<hbm>> -> memref<80x64xf32, #tpu.memory_space<hbm>>
        tpu.wait_dma2 semaphore(%arg20 : memref<!tpu.dma_semaphore, #tpu.memory_space<semaphore_mem>>) src(%dma_wait3A_380 : memref<80x64xf32, #tpu.memory_space<hbm>>) dst(%dma_wait3A_377 : memref<80x64xf32, #tpu.memory_space<vmem>>)
        %add3A_381 = arith.constant 1 : i32
        %add3A_382 = arith.addi %scan3A_189, %add3A_381 : i32
        %mul3A_383 = arith.constant 5 : i32
        %mul3A_384 = arith.muli %add3A_382, %mul3A_383 : i32
        %add3A_385 = arith.constant 3 : i32
        %add3A_386 = arith.addi %mul3A_384, %add3A_385 : i32
        %dma_start3A_387 = arith.constant 3 : i32
        %dma_start3A_388 = arith.constant 0 : i32
        %dma_start3A_389 = arith.constant 0 : i32
        %dma_start3A_390 = tpu.memref_slice %arg8[%dma_start3A_387, %dma_start3A_388, %dma_start3A_389] : memref<5x80x64xf32, #tpu.memory_space<vmem>> -> memref<1x80x64xf32, #tpu.memory_space<vmem>>
        %dma_start3A_391 = tpu.memref_squeeze %dma_start3A_390 : memref<1x80x64xf32, #tpu.memory_space<vmem>> -> memref<80x64xf32, #tpu.memory_space<vmem>>
        %dma_start3A_392 = arith.constant 0 : i32
        %dma_start3A_393 = tpu.memref_slice %arg6[%add3A_386, %dma_start3A_392] : memref<125x80xi32, #tpu.memory_space<vmem>> -> memref<1x80xi32, #tpu.memory_space<vmem>>
        %dma_start3A_394 = tpu.memref_squeeze %dma_start3A_393 : memref<1x80xi32, #tpu.memory_space<vmem>> -> memref<80xi32, #tpu.memory_space<vmem>>
        %dma_start3A_395 = arith.constant 0 : i32
        %dma_start3A_396 = arith.constant 0 : i32
        %dma_start3A_397 = tpu.memref_slice %arg2[%dma_start3A_395, %dma_start3A_396] : memref<10000x64xf32, #tpu.memory_space<hbm>> -> memref<10000x64xf32, #tpu.memory_space<hbm>>
        tpu.enqueue_indirect_dma source(%dma_start3A_397 : memref<10000x64xf32, #tpu.memory_space<hbm>>) target(%dma_start3A_391 : memref<80x64xf32, #tpu.memory_space<vmem>>) offsets(%dma_start3A_394 : memref<80xi32, #tpu.memory_space<vmem>>) semaphore(%arg15 : memref<!tpu.dma_semaphore, #tpu.memory_space<semaphore_mem>>)
      } else {
      }
      %add3A_358 = arith.constant 1 : i32
      %add3A_359 = arith.addi %scan3A_189, %add3A_358 : i32
      %lt3A_360 = arith.constant 25 : i32
      %lt3A_361 = arith.cmpi slt, %add3A_359, %lt3A_360 : i32
      %convert_element_type3A_362 = arith.extui %lt3A_361 : i1 to i32
      %cond3A_363 = arith.constant 0 : i32
      %cond3A_364 = arith.cmpi ne, %convert_element_type3A_362, %cond3A_363 : i32
      scf.if %cond3A_364 {
        %dma_wait3A_366 = arith.constant 4 : i32
        %dma_wait3A_367 = arith.constant 0 : i32
        %dma_wait3A_368 = arith.constant 0 : i32
        %dma_wait3A_369 = tpu.memref_slice %arg8[%dma_wait3A_366, %dma_wait3A_367, %dma_wait3A_368] : memref<5x80x64xf32, #tpu.memory_space<vmem>> -> memref<1x80x64xf32, #tpu.memory_space<vmem>>
        %dma_wait3A_370 = tpu.memref_squeeze %dma_wait3A_369 : memref<1x80x64xf32, #tpu.memory_space<vmem>> -> memref<80x64xf32, #tpu.memory_space<vmem>>
        %dma_wait3A_371 = arith.constant 0 : i32
        %dma_wait3A_372 = arith.constant 0 : i32
        %dma_wait3A_373 = tpu.memref_slice %arg2[%dma_wait3A_371, %dma_wait3A_372] : memref<10000x64xf32, #tpu.memory_space<hbm>> -> memref<80x64xf32, #tpu.memory_space<hbm>>
        %dma_wait3A_374 = arith.constant 0 : i32
        %dma_wait3A_375 = arith.constant 0 : i32
        %dma_wait3A_376 = tpu.memref_slice %arg8[%dma_wait3A_366, %dma_wait3A_374, %dma_wait3A_375] : memref<5x80x64xf32, #tpu.memory_space<vmem>> -> memref<1x80x64xf32, #tpu.memory_space<vmem>>
        %dma_wait3A_377 = tpu.memref_squeeze %dma_wait3A_376 : memref<1x80x64xf32, #tpu.memory_space<vmem>> -> memref<80x64xf32, #tpu.memory_space<vmem>>
        %dma_wait3A_378 = arith.constant 0 : i32
        %dma_wait3A_379 = arith.constant 0 : i32
        %dma_wait3A_380 = tpu.memref_slice %arg2[%dma_wait3A_378, %dma_wait3A_379] : memref<10000x64xf32, #tpu.memory_space<hbm>> -> memref<80x64xf32, #tpu.memory_space<hbm>>
        tpu.wait_dma2 semaphore(%arg21 : memref<!tpu.dma_semaphore, #tpu.memory_space<semaphore_mem>>) src(%dma_wait3A_380 : memref<80x64xf32, #tpu.memory_space<hbm>>) dst(%dma_wait3A_377 : memref<80x64xf32, #tpu.memory_space<vmem>>)
        %add3A_381 = arith.constant 1 : i32
        %add3A_382 = arith.addi %scan3A_189, %add3A_381 : i32
        %mul3A_383 = arith.constant 5 : i32
        %mul3A_384 = arith.muli %add3A_382, %mul3A_383 : i32
        %add3A_385 = arith.constant 4 : i32
        %add3A_386 = arith.addi %mul3A_384, %add3A_385 : i32
        %dma_start3A_387 = arith.constant 4 : i32
        %dma_start3A_388 = arith.constant 0 : i32
        %dma_start3A_389 = arith.constant 0 : i32
        %dma_start3A_390 = tpu.memref_slice %arg8[%dma_start3A_387, %dma_start3A_388, %dma_start3A_389] : memref<5x80x64xf32, #tpu.memory_space<vmem>> -> memref<1x80x64xf32, #tpu.memory_space<vmem>>
        %dma_start3A_391 = tpu.memref_squeeze %dma_start3A_390 : memref<1x80x64xf32, #tpu.memory_space<vmem>> -> memref<80x64xf32, #tpu.memory_space<vmem>>
        %dma_start3A_392 = arith.constant 0 : i32
        %dma_start3A_393 = tpu.memref_slice %arg6[%add3A_386, %dma_start3A_392] : memref<125x80xi32, #tpu.memory_space<vmem>> -> memref<1x80xi32, #tpu.memory_space<vmem>>
        %dma_start3A_394 = tpu.memref_squeeze %dma_start3A_393 : memref<1x80xi32, #tpu.memory_space<vmem>> -> memref<80xi32, #tpu.memory_space<vmem>>
        %dma_start3A_395 = arith.constant 0 : i32
        %dma_start3A_396 = arith.constant 0 : i32
        %dma_start3A_397 = tpu.memref_slice %arg2[%dma_start3A_395, %dma_start3A_396] : memref<10000x64xf32, #tpu.memory_space<hbm>> -> memref<10000x64xf32, #tpu.memory_space<hbm>>
        tpu.enqueue_indirect_dma source(%dma_start3A_397 : memref<10000x64xf32, #tpu.memory_space<hbm>>) target(%dma_start3A_391 : memref<80x64xf32, #tpu.memory_space<vmem>>) offsets(%dma_start3A_394 : memref<80xi32, #tpu.memory_space<vmem>>) semaphore(%arg16 : memref<!tpu.dma_semaphore, #tpu.memory_space<semaphore_mem>>)
      } else {
      }
      %scan3A_365 = arith.constant 0 : i32
      scf.yield %scan3A_365 : i32
    }
    %scan3A_110 = arith.constant 25 : i32
    %dma_wait3A_111 = arith.constant 0 : i32
    %dma_wait3A_112 = arith.constant 0 : i32
    %dma_wait3A_113 = arith.constant 0 : i32
    %dma_wait3A_114 = tpu.memref_slice %arg8[%dma_wait3A_111, %dma_wait3A_112, %dma_wait3A_113] : memref<5x80x64xf32, #tpu.memory_space<vmem>> -> memref<1x80x64xf32, #tpu.memory_space<vmem>>
    %dma_wait3A_115 = tpu.memref_squeeze %dma_wait3A_114 : memref<1x80x64xf32, #tpu.memory_space<vmem>> -> memref<80x64xf32, #tpu.memory_space<vmem>>
    %dma_wait3A_116 = arith.constant 0 : i32
    %dma_wait3A_117 = arith.constant 0 : i32
    %dma_wait3A_118 = tpu.memref_slice %arg2[%dma_wait3A_116, %dma_wait3A_117] : memref<10000x64xf32, #tpu.memory_space<hbm>> -> memref<80x64xf32, #tpu.memory_space<hbm>>
    %dma_wait3A_119 = arith.constant 0 : i32
    %dma_wait3A_120 = arith.constant 0 : i32
    %dma_wait3A_121 = tpu.memref_slice %arg8[%dma_wait3A_111, %dma_wait3A_119, %dma_wait3A_120] : memref<5x80x64xf32, #tpu.memory_space<vmem>> -> memref<1x80x64xf32, #tpu.memory_space<vmem>>
    %dma_wait3A_122 = tpu.memref_squeeze %dma_wait3A_121 : memref<1x80x64xf32, #tpu.memory_space<vmem>> -> memref<80x64xf32, #tpu.memory_space<vmem>>
    %dma_wait3A_123 = arith.constant 0 : i32
    %dma_wait3A_124 = arith.constant 0 : i32
    %dma_wait3A_125 = tpu.memref_slice %arg2[%dma_wait3A_123, %dma_wait3A_124] : memref<10000x64xf32, #tpu.memory_space<hbm>> -> memref<80x64xf32, #tpu.memory_space<hbm>>
    tpu.wait_dma2 semaphore(%arg17 : memref<!tpu.dma_semaphore, #tpu.memory_space<semaphore_mem>>) src(%dma_wait3A_125 : memref<80x64xf32, #tpu.memory_space<hbm>>) dst(%dma_wait3A_122 : memref<80x64xf32, #tpu.memory_space<vmem>>)
    %dma_wait3A_126 = arith.constant 1 : i32
    %dma_wait3A_127 = arith.constant 0 : i32
    %dma_wait3A_128 = arith.constant 0 : i32
    %dma_wait3A_129 = tpu.memref_slice %arg8[%dma_wait3A_126, %dma_wait3A_127, %dma_wait3A_128] : memref<5x80x64xf32, #tpu.memory_space<vmem>> -> memref<1x80x64xf32, #tpu.memory_space<vmem>>
    %dma_wait3A_130 = tpu.memref_squeeze %dma_wait3A_129 : memref<1x80x64xf32, #tpu.memory_space<vmem>> -> memref<80x64xf32, #tpu.memory_space<vmem>>
    %dma_wait3A_131 = arith.constant 0 : i32
    %dma_wait3A_132 = arith.constant 0 : i32
    %dma_wait3A_133 = tpu.memref_slice %arg2[%dma_wait3A_131, %dma_wait3A_132] : memref<10000x64xf32, #tpu.memory_space<hbm>> -> memref<80x64xf32, #tpu.memory_space<hbm>>
    %dma_wait3A_134 = arith.constant 0 : i32
    %dma_wait3A_135 = arith.constant 0 : i32
    %dma_wait3A_136 = tpu.memref_slice %arg8[%dma_wait3A_126, %dma_wait3A_134, %dma_wait3A_135] : memref<5x80x64xf32, #tpu.memory_space<vmem>> -> memref<1x80x64xf32, #tpu.memory_space<vmem>>
    %dma_wait3A_137 = tpu.memref_squeeze %dma_wait3A_136 : memref<1x80x64xf32, #tpu.memory_space<vmem>> -> memref<80x64xf32, #tpu.memory_space<vmem>>
    %dma_wait3A_138 = arith.constant 0 : i32
    %dma_wait3A_139 = arith.constant 0 : i32
    %dma_wait3A_140 = tpu.memref_slice %arg2[%dma_wait3A_138, %dma_wait3A_139] : memref<10000x64xf32, #tpu.memory_space<hbm>> -> memref<80x64xf32, #tpu.memory_space<hbm>>
    tpu.wait_dma2 semaphore(%arg18 : memref<!tpu.dma_semaphore, #tpu.memory_space<semaphore_mem>>) src(%dma_wait3A_140 : memref<80x64xf32, #tpu.memory_space<hbm>>) dst(%dma_wait3A_137 : memref<80x64xf32, #tpu.memory_space<vmem>>)
    %dma_wait3A_141 = arith.constant 2 : i32
    %dma_wait3A_142 = arith.constant 0 : i32
    %dma_wait3A_143 = arith.constant 0 : i32
    %dma_wait3A_144 = tpu.memref_slice %arg8[%dma_wait3A_141, %dma_wait3A_142, %dma_wait3A_143] : memref<5x80x64xf32, #tpu.memory_space<vmem>> -> memref<1x80x64xf32, #tpu.memory_space<vmem>>
    %dma_wait3A_145 = tpu.memref_squeeze %dma_wait3A_144 : memref<1x80x64xf32, #tpu.memory_space<vmem>> -> memref<80x64xf32, #tpu.memory_space<vmem>>
    %dma_wait3A_146 = arith.constant 0 : i32
    %dma_wait3A_147 = arith.constant 0 : i32
    %dma_wait3A_148 = tpu.memref_slice %arg2[%dma_wait3A_146, %dma_wait3A_147] : memref<10000x64xf32, #tpu.memory_space<hbm>> -> memref<80x64xf32, #tpu.memory_space<hbm>>
    %dma_wait3A_149 = arith.constant 0 : i32
    %dma_wait3A_150 = arith.constant 0 : i32
    %dma_wait3A_151 = tpu.memref_slice %arg8[%dma_wait3A_141, %dma_wait3A_149, %dma_wait3A_150] : memref<5x80x64xf32, #tpu.memory_space<vmem>> -> memref<1x80x64xf32, #tpu.memory_space<vmem>>
    %dma_wait3A_152 = tpu.memref_squeeze %dma_wait3A_151 : memref<1x80x64xf32, #tpu.memory_space<vmem>> -> memref<80x64xf32, #tpu.memory_space<vmem>>
    %dma_wait3A_153 = arith.constant 0 : i32
    %dma_wait3A_154 = arith.constant 0 : i32
    %dma_wait3A_155 = tpu.memref_slice %arg2[%dma_wait3A_153, %dma_wait3A_154] : memref<10000x64xf32, #tpu.memory_space<hbm>> -> memref<80x64xf32, #tpu.memory_space<hbm>>
    tpu.wait_dma2 semaphore(%arg19 : memref<!tpu.dma_semaphore, #tpu.memory_space<semaphore_mem>>) src(%dma_wait3A_155 : memref<80x64xf32, #tpu.memory_space<hbm>>) dst(%dma_wait3A_152 : memref<80x64xf32, #tpu.memory_space<vmem>>)
    %dma_wait3A_156 = arith.constant 3 : i32
    %dma_wait3A_157 = arith.constant 0 : i32
    %dma_wait3A_158 = arith.constant 0 : i32
    %dma_wait3A_159 = tpu.memref_slice %arg8[%dma_wait3A_156, %dma_wait3A_157, %dma_wait3A_158] : memref<5x80x64xf32, #tpu.memory_space<vmem>> -> memref<1x80x64xf32, #tpu.memory_space<vmem>>
    %dma_wait3A_160 = tpu.memref_squeeze %dma_wait3A_159 : memref<1x80x64xf32, #tpu.memory_space<vmem>> -> memref<80x64xf32, #tpu.memory_space<vmem>>
    %dma_wait3A_161 = arith.constant 0 : i32
    %dma_wait3A_162 = arith.constant 0 : i32
    %dma_wait3A_163 = tpu.memref_slice %arg2[%dma_wait3A_161, %dma_wait3A_162] : memref<10000x64xf32, #tpu.memory_space<hbm>> -> memref<80x64xf32, #tpu.memory_space<hbm>>
    %dma_wait3A_164 = arith.constant 0 : i32
    %dma_wait3A_165 = arith.constant 0 : i32
    %dma_wait3A_166 = tpu.memref_slice %arg8[%dma_wait3A_156, %dma_wait3A_164, %dma_wait3A_165] : memref<5x80x64xf32, #tpu.memory_space<vmem>> -> memref<1x80x64xf32, #tpu.memory_space<vmem>>
    %dma_wait3A_167 = tpu.memref_squeeze %dma_wait3A_166 : memref<1x80x64xf32, #tpu.memory_space<vmem>> -> memref<80x64xf32, #tpu.memory_space<vmem>>
    %dma_wait3A_168 = arith.constant 0 : i32
    %dma_wait3A_169 = arith.constant 0 : i32
    %dma_wait3A_170 = tpu.memref_slice %arg2[%dma_wait3A_168, %dma_wait3A_169] : memref<10000x64xf32, #tpu.memory_space<hbm>> -> memref<80x64xf32, #tpu.memory_space<hbm>>
    tpu.wait_dma2 semaphore(%arg20 : memref<!tpu.dma_semaphore, #tpu.memory_space<semaphore_mem>>) src(%dma_wait3A_170 : memref<80x64xf32, #tpu.memory_space<hbm>>) dst(%dma_wait3A_167 : memref<80x64xf32, #tpu.memory_space<vmem>>)
    %dma_wait3A_171 = arith.constant 4 : i32
    %dma_wait3A_172 = arith.constant 0 : i32
    %dma_wait3A_173 = arith.constant 0 : i32
    %dma_wait3A_174 = tpu.memref_slice %arg8[%dma_wait3A_171, %dma_wait3A_172, %dma_wait3A_173] : memref<5x80x64xf32, #tpu.memory_space<vmem>> -> memref<1x80x64xf32, #tpu.memory_space<vmem>>
    %dma_wait3A_175 = tpu.memref_squeeze %dma_wait3A_174 : memref<1x80x64xf32, #tpu.memory_space<vmem>> -> memref<80x64xf32, #tpu.memory_space<vmem>>
    %dma_wait3A_176 = arith.constant 0 : i32
    %dma_wait3A_177 = arith.constant 0 : i32
    %dma_wait3A_178 = tpu.memref_slice %arg2[%dma_wait3A_176, %dma_wait3A_177] : memref<10000x64xf32, #tpu.memory_space<hbm>> -> memref<80x64xf32, #tpu.memory_space<hbm>>
    %dma_wait3A_179 = arith.constant 0 : i32
    %dma_wait3A_180 = arith.constant 0 : i32
    %dma_wait3A_181 = tpu.memref_slice %arg8[%dma_wait3A_171, %dma_wait3A_179, %dma_wait3A_180] : memref<5x80x64xf32, #tpu.memory_space<vmem>> -> memref<1x80x64xf32, #tpu.memory_space<vmem>>
    %dma_wait3A_182 = tpu.memref_squeeze %dma_wait3A_181 : memref<1x80x64xf32, #tpu.memory_space<vmem>> -> memref<80x64xf32, #tpu.memory_space<vmem>>
    %dma_wait3A_183 = arith.constant 0 : i32
    %dma_wait3A_184 = arith.constant 0 : i32
    %dma_wait3A_185 = tpu.memref_slice %arg2[%dma_wait3A_183, %dma_wait3A_184] : memref<10000x64xf32, #tpu.memory_space<hbm>> -> memref<80x64xf32, #tpu.memory_space<hbm>>
    tpu.wait_dma2 semaphore(%arg21 : memref<!tpu.dma_semaphore, #tpu.memory_space<semaphore_mem>>) src(%dma_wait3A_185 : memref<80x64xf32, #tpu.memory_space<hbm>>) dst(%dma_wait3A_182 : memref<80x64xf32, #tpu.memory_space<vmem>>)
    %barrier3A_186 = arith.constant 0 : index
    tpu.barrier barrier_id(%barrier3A_186)
    %mul3A_187 = arith.constant 640 : i32
    %mul3A_188 = arith.muli %arg1, %mul3A_187 : i32
    "tpu.region"() ({
      %run_scoped3A = tpu.sem_alloc : memref<!tpu.dma_semaphore, #tpu.memory_space<semaphore_mem>>
      %dma_start3A_189 = arith.constant 0 : i32
      %dma_start3A_190 = arith.constant 0 : i32
      %dma_start3A_191 = tpu.memref_slice %arg5[%arg0, %arg1, %dma_start3A_189, %dma_start3A_190] : memref<2x16x640x64xf32, #tpu.memory_space<hbm>> -> memref<1x1x640x64xf32, #tpu.memory_space<hbm>>
      %dma_start3A_192 = tpu.memref_squeeze %dma_start3A_191 : memref<1x1x640x64xf32, #tpu.memory_space<hbm>> -> memref<640x64xf32, #tpu.memory_space<hbm>>
      %dma_start3A_193 = arith.constant 0 : i32
      %dma_start3A_194 = tpu.memref_slice %arg9[%mul3A_188, %dma_start3A_193] : memref<10240x64xf32, #tpu.memory_space<vmem_shared>> -> memref<640x64xf32, #tpu.memory_space<vmem_shared>>
      tpu.enqueue_dma source(%dma_start3A_194 : memref<640x64xf32, #tpu.memory_space<vmem_shared>>) target(%dma_start3A_192 : memref<640x64xf32, #tpu.memory_space<hbm>>) target_semaphore(%run_scoped3A : memref<!tpu.dma_semaphore, #tpu.memory_space<semaphore_mem>>)
      %dma_wait3A_195 = arith.constant 0 : i32
      %dma_wait3A_196 = arith.constant 0 : i32
      %dma_wait3A_197 = tpu.memref_slice %arg5[%arg0, %arg1, %dma_wait3A_195, %dma_wait3A_196] : memref<2x16x640x64xf32, #tpu.memory_space<hbm>> -> memref<1x1x640x64xf32, #tpu.memory_space<hbm>>
      %dma_wait3A_198 = tpu.memref_squeeze %dma_wait3A_197 : memref<1x1x640x64xf32, #tpu.memory_space<hbm>> -> memref<640x64xf32, #tpu.memory_space<hbm>>
      %dma_wait3A_199 = arith.constant 0 : i32
      %dma_wait3A_200 = tpu.memref_slice %arg9[%mul3A_188, %dma_wait3A_199] : memref<10240x64xf32, #tpu.memory_space<vmem_shared>> -> memref<640x64xf32, #tpu.memory_space<vmem_shared>>
      tpu.wait_dma2 semaphore(%run_scoped3A : memref<!tpu.dma_semaphore, #tpu.memory_space<semaphore_mem>>) src(%dma_wait3A_200 : memref<640x64xf32, #tpu.memory_space<vmem_shared>>) dst(%dma_wait3A_198 : memref<640x64xf32, #tpu.memory_space<hbm>>)
      tpu.yield
    }) : () -> ()
    return
  }
}

#map = affine_map<(d0, d1) -> (0, 0, 0, 0)>
#map1 = affine_map<(d0, d1) -> (0)>
#map2 = affine_map<(d0, d1) -> (0, 0, 0)>
module attributes {stable_mosaic.version = 14 : i64} {
  func.func @deg_kernel(%arg0: i32, %arg1: i32, %arg2: memref<2x32x125x80xi32, #tpu.memory_space<hbm>>, %arg3: memref<80xf32, #tpu.memory_space<hbm>>, %arg4: memref<640xf32, #tpu.memory_space<hbm>>, %arg5: memref<2x16x640xf32, #tpu.memory_space<hbm>>, %arg6: memref<125x80xi32, #tpu.memory_space<vmem>>, %arg7: memref<80xf32, #tpu.memory_space<vmem>>, %arg8: memref<10240xf32, #tpu.memory_space<vmem_shared>>, %arg9: memref<!tpu.dma_semaphore, #tpu.memory_space<semaphore_mem>>, %arg10: memref<!tpu.dma_semaphore, #tpu.memory_space<semaphore_mem>>) attributes {dimension_semantics = [#tpu.dimension_semantics<core_parallel>, #tpu.dimension_semantics<subcore_parallel>], iteration_bounds = array<i64: 2, 16>, scalar_prefetch = 0 : i64, scratch_operands = 5 : i64, tpu.core_type = #tpu.core_type<sc_vector_subcore>, window_params = [{transform_indices = #map}, {transform_indices = #map1}, {transform_indices = #map1}, {transform_indices = #map2}]} {
    %mul3A = arith.constant 2 : i32
    %mul3A_0 = arith.muli %arg1, %mul3A : i32
    %add3A = arith.addi %mul3A_0, %arg0 : i32
    %dma_start3A = arith.constant 1 : i32
    %dma_start3A_1 = arith.constant 0 : i32
    %dma_start3A_2 = arith.constant 0 : i32
    %dma_start3A_3 = tpu.memref_slice %arg2[%dma_start3A, %add3A, %dma_start3A_1, %dma_start3A_2] : memref<2x32x125x80xi32, #tpu.memory_space<hbm>> -> memref<1x1x125x80xi32, #tpu.memory_space<hbm>>
    %dma_start3A_4 = tpu.memref_squeeze %dma_start3A_3 : memref<1x1x125x80xi32, #tpu.memory_space<hbm>> -> memref<125x80xi32, #tpu.memory_space<hbm>>
    %dma_start3A_5 = arith.constant 0 : i32
    %dma_start3A_6 = arith.constant 0 : i32
    %dma_start3A_7 = tpu.memref_slice %arg2[%dma_start3A, %add3A, %dma_start3A_5, %dma_start3A_6] : memref<2x32x125x80xi32, #tpu.memory_space<hbm>> -> memref<1x1x125x80xi32, #tpu.memory_space<hbm>>
    %dma_start3A_8 = tpu.memref_squeeze %dma_start3A_7 : memref<1x1x125x80xi32, #tpu.memory_space<hbm>> -> memref<125x80xi32, #tpu.memory_space<hbm>>
    tpu.enqueue_dma source(%dma_start3A_8 : memref<125x80xi32, #tpu.memory_space<hbm>>) target(%arg6 : memref<125x80xi32, #tpu.memory_space<vmem>>) target_semaphore(%arg9 : memref<!tpu.dma_semaphore, #tpu.memory_space<semaphore_mem>>)
    tpu.enqueue_dma source(%arg3 : memref<80xf32, #tpu.memory_space<hbm>>) target(%arg7 : memref<80xf32, #tpu.memory_space<vmem>>) target_semaphore(%arg9 : memref<!tpu.dma_semaphore, #tpu.memory_space<semaphore_mem>>)
    %mul3A_9 = arith.constant 640 : i32
    %mul3A_10 = arith.muli %arg1, %mul3A_9 : i32
    %dma_start3A_11 = tpu.memref_slice %arg8[%mul3A_10] : memref<10240xf32, #tpu.memory_space<vmem_shared>> -> memref<640xf32, #tpu.memory_space<vmem_shared>>
    tpu.enqueue_dma source(%arg4 : memref<640xf32, #tpu.memory_space<hbm>>) target(%dma_start3A_11 : memref<640xf32, #tpu.memory_space<vmem_shared>>) target_semaphore(%arg9 : memref<!tpu.dma_semaphore, #tpu.memory_space<semaphore_mem>>)
    %dma_wait3A = arith.constant 0 : i32
    %dma_wait3A_12 = arith.constant 0 : i32
    %dma_wait3A_13 = arith.constant 0 : i32
    %dma_wait3A_14 = arith.constant 0 : i32
    %dma_wait3A_15 = tpu.memref_slice %arg2[%dma_wait3A, %dma_wait3A_12, %dma_wait3A_13, %dma_wait3A_14] : memref<2x32x125x80xi32, #tpu.memory_space<hbm>> -> memref<1x1x125x80xi32, #tpu.memory_space<hbm>>
    %dma_wait3A_16 = tpu.memref_squeeze %dma_wait3A_15 : memref<1x1x125x80xi32, #tpu.memory_space<hbm>> -> memref<125x80xi32, #tpu.memory_space<hbm>>
    %dma_wait3A_17 = arith.constant 0 : i32
    %dma_wait3A_18 = arith.constant 0 : i32
    %dma_wait3A_19 = tpu.memref_slice %arg2[%dma_wait3A, %dma_wait3A_12, %dma_wait3A_17, %dma_wait3A_18] : memref<2x32x125x80xi32, #tpu.memory_space<hbm>> -> memref<1x1x125x80xi32, #tpu.memory_space<hbm>>
    %dma_wait3A_20 = tpu.memref_squeeze %dma_wait3A_19 : memref<1x1x125x80xi32, #tpu.memory_space<hbm>> -> memref<125x80xi32, #tpu.memory_space<hbm>>
    tpu.wait_dma2 semaphore(%arg9 : memref<!tpu.dma_semaphore, #tpu.memory_space<semaphore_mem>>) src(%dma_wait3A_20 : memref<125x80xi32, #tpu.memory_space<hbm>>) dst(%arg6 : memref<125x80xi32, #tpu.memory_space<vmem>>)
    tpu.wait_dma2 semaphore(%arg9 : memref<!tpu.dma_semaphore, #tpu.memory_space<semaphore_mem>>) src(%arg3 : memref<80xf32, #tpu.memory_space<hbm>>) dst(%arg7 : memref<80xf32, #tpu.memory_space<vmem>>)
    %mul3A_21 = arith.constant 640 : i32
    %mul3A_22 = arith.muli %arg1, %mul3A_21 : i32
    %dma_wait3A_23 = tpu.memref_slice %arg8[%mul3A_22] : memref<10240xf32, #tpu.memory_space<vmem_shared>> -> memref<640xf32, #tpu.memory_space<vmem_shared>>
    tpu.wait_dma2 semaphore(%arg9 : memref<!tpu.dma_semaphore, #tpu.memory_space<semaphore_mem>>) src(%arg4 : memref<640xf32, #tpu.memory_space<hbm>>) dst(%dma_wait3A_23 : memref<640xf32, #tpu.memory_space<vmem_shared>>)
    %barrier3A = arith.constant 0 : index
    tpu.barrier barrier_id(%barrier3A)
    %scan3A = arith.constant 0 : i32
    %scan3A_24 = arith.constant 0 : i32
    %scan3A_25 = arith.constant 125 : i32
    %scan3A_26 = arith.addi %scan3A_24, %scan3A_25 : i32
    %scan3A_27 = arith.constant 1 : i32
    %scan3A_28 = scf.for %scan3A_40 = %scan3A_24 to %scan3A_26 step %scan3A_27 iter_args(%scan3A_41 = %scan3A) -> (i32)  : i32 {
      %dma_start3A_42 = arith.constant 0 : i32
      %dma_start3A_43 = tpu.memref_slice %arg6[%scan3A_40, %dma_start3A_42] : memref<125x80xi32, #tpu.memory_space<vmem>> -> memref<1x80xi32, #tpu.memory_space<vmem>>
      %dma_start3A_44 = tpu.memref_squeeze %dma_start3A_43 : memref<1x80xi32, #tpu.memory_space<vmem>> -> memref<80xi32, #tpu.memory_space<vmem>>
      %dma_start3A_45 = arith.constant 0 : i32
      %dma_start3A_46 = tpu.memref_slice %arg8[%dma_start3A_45] : memref<10240xf32, #tpu.memory_space<vmem_shared>> -> memref<10240xf32, #tpu.memory_space<vmem_shared>>
      tpu.enqueue_indirect_dma source(%arg7 : memref<80xf32, #tpu.memory_space<vmem>>) target(%dma_start3A_46 : memref<10240xf32, #tpu.memory_space<vmem_shared>>) offsets(%dma_start3A_44 : memref<80xi32, #tpu.memory_space<vmem>>) semaphore(%arg10 : memref<!tpu.dma_semaphore, #tpu.memory_space<semaphore_mem>>) {add = true}
      %scan3A_47 = arith.constant 0 : i32
      scf.yield %scan3A_47 : i32
    }
    %scan3A_29 = arith.constant 125 : i32
    %scan3A_30 = arith.constant 0 : i32
    %scan3A_31 = arith.constant 0 : i32
    %scan3A_32 = arith.constant 125 : i32
    %scan3A_33 = arith.addi %scan3A_31, %scan3A_32 : i32
    %scan3A_34 = arith.constant 1 : i32
    %scan3A_35 = scf.for %scan3A_40 = %scan3A_31 to %scan3A_33 step %scan3A_34 iter_args(%scan3A_41 = %scan3A_30) -> (i32)  : i32 {
      tpu.wait_dma2 semaphore(%arg10 : memref<!tpu.dma_semaphore, #tpu.memory_space<semaphore_mem>>) src(%arg3 : memref<80xf32, #tpu.memory_space<hbm>>) dst(%arg7 : memref<80xf32, #tpu.memory_space<vmem>>)
      %scan3A_42 = arith.constant 0 : i32
      scf.yield %scan3A_42 : i32
    }
    %scan3A_36 = arith.constant 125 : i32
    %barrier3A_37 = arith.constant 0 : index
    tpu.barrier barrier_id(%barrier3A_37)
    %mul3A_38 = arith.constant 640 : i32
    %mul3A_39 = arith.muli %arg1, %mul3A_38 : i32
    "tpu.region"() ({
      %run_scoped3A = tpu.sem_alloc : memref<!tpu.dma_semaphore, #tpu.memory_space<semaphore_mem>>
      %dma_start3A_40 = arith.constant 0 : i32
      %dma_start3A_41 = tpu.memref_slice %arg5[%arg0, %arg1, %dma_start3A_40] : memref<2x16x640xf32, #tpu.memory_space<hbm>> -> memref<1x1x640xf32, #tpu.memory_space<hbm>>
      %dma_start3A_42 = tpu.memref_squeeze %dma_start3A_41 : memref<1x1x640xf32, #tpu.memory_space<hbm>> -> memref<640xf32, #tpu.memory_space<hbm>>
      %dma_start3A_43 = tpu.memref_slice %arg8[%mul3A_39] : memref<10240xf32, #tpu.memory_space<vmem_shared>> -> memref<640xf32, #tpu.memory_space<vmem_shared>>
      tpu.enqueue_dma source(%dma_start3A_43 : memref<640xf32, #tpu.memory_space<vmem_shared>>) target(%dma_start3A_42 : memref<640xf32, #tpu.memory_space<hbm>>) target_semaphore(%run_scoped3A : memref<!tpu.dma_semaphore, #tpu.memory_space<semaphore_mem>>)
      %dma_wait3A_44 = arith.constant 0 : i32
      %dma_wait3A_45 = tpu.memref_slice %arg5[%arg0, %arg1, %dma_wait3A_44] : memref<2x16x640xf32, #tpu.memory_space<hbm>> -> memref<1x1x640xf32, #tpu.memory_space<hbm>>
      %dma_wait3A_46 = tpu.memref_squeeze %dma_wait3A_45 : memref<1x1x640xf32, #tpu.memory_space<hbm>> -> memref<640xf32, #tpu.memory_space<hbm>>
      %dma_wait3A_47 = tpu.memref_slice %arg8[%mul3A_39] : memref<10240xf32, #tpu.memory_space<vmem_shared>> -> memref<640xf32, #tpu.memory_space<vmem_shared>>
      tpu.wait_dma2 semaphore(%run_scoped3A : memref<!tpu.dma_semaphore, #tpu.memory_space<semaphore_mem>>) src(%dma_wait3A_47 : memref<640xf32, #tpu.memory_space<vmem_shared>>) dst(%dma_wait3A_46 : memref<640xf32, #tpu.memory_space<hbm>>)
      tpu.yield
    }) : () -> ()
    return
  }
}

#map = affine_map<(d0, d1) -> (0, 0)>
#map1 = affine_map<(d0, d1) -> (0, 0, 0, 0)>
module attributes {stable_mosaic.version = 14 : i64} {
  func.func @edge_kernel(%arg0: i32, %arg1: i32, %arg2: memref<10000x64xf32, #tpu.memory_space<hbm>>, %arg3: memref<2x32x125x80xi32, #tpu.memory_space<hbm>>, %arg4: memref<640x64xf32, #tpu.memory_space<hbm>>, %arg5: memref<2x16x640x64xf32, #tpu.memory_space<hbm>>, %arg6: memref<125x80xi32, #tpu.memory_space<vmem>>, %arg7: memref<125x80xi32, #tpu.memory_space<vmem>>, %arg8: memref<5x80x64xf32, #tpu.memory_space<vmem>>, %arg9: memref<10240x64xf32, #tpu.memory_space<vmem_shared>>, %arg10: memref<!tpu.dma_semaphore, #tpu.memory_space<semaphore_mem>>, %arg11: memref<!tpu.dma_semaphore, #tpu.memory_space<semaphore_mem>>, %arg12: memref<!tpu.dma_semaphore, #tpu.memory_space<semaphore_mem>>, %arg13: memref<!tpu.dma_semaphore, #tpu.memory_space<semaphore_mem>>, %arg14: memref<!tpu.dma_semaphore, #tpu.memory_space<semaphore_mem>>, %arg15: memref<!tpu.dma_semaphore, #tpu.memory_space<semaphore_mem>>, %arg16: memref<!tpu.dma_semaphore, #tpu.memory_space<semaphore_mem>>, %arg17: memref<!tpu.dma_semaphore, #tpu.memory_space<semaphore_mem>>, %arg18: memref<!tpu.dma_semaphore, #tpu.memory_space<semaphore_mem>>, %arg19: memref<!tpu.dma_semaphore, #tpu.memory_space<semaphore_mem>>, %arg20: memref<!tpu.dma_semaphore, #tpu.memory_space<semaphore_mem>>, %arg21: memref<!tpu.dma_semaphore, #tpu.memory_space<semaphore_mem>>) attributes {dimension_semantics = [#tpu.dimension_semantics<core_parallel>, #tpu.dimension_semantics<subcore_parallel>], iteration_bounds = array<i64: 2, 16>, scalar_prefetch = 0 : i64, scratch_operands = 16 : i64, tpu.core_type = #tpu.core_type<sc_vector_subcore>, window_params = [{transform_indices = #map}, {transform_indices = #map1}, {transform_indices = #map}, {transform_indices = #map1}]} {
    %mul3A = arith.constant 2 : i32
    %mul3A_0 = arith.muli %arg1, %mul3A : i32
    %add3A = arith.addi %mul3A_0, %arg0 : i32
    %dma_start3A = arith.constant 0 : i32
    %dma_start3A_1 = arith.constant 0 : i32
    %dma_start3A_2 = arith.constant 0 : i32
    %dma_start3A_3 = tpu.memref_slice %arg3[%dma_start3A, %add3A, %dma_start3A_1, %dma_start3A_2] : memref<2x32x125x80xi32, #tpu.memory_space<hbm>> -> memref<1x1x125x80xi32, #tpu.memory_space<hbm>>
    %dma_start3A_4 = tpu.memref_squeeze %dma_start3A_3 : memref<1x1x125x80xi32, #tpu.memory_space<hbm>> -> memref<125x80xi32, #tpu.memory_space<hbm>>
    %dma_start3A_5 = arith.constant 0 : i32
    %dma_start3A_6 = arith.constant 0 : i32
    %dma_start3A_7 = tpu.memref_slice %arg3[%dma_start3A, %add3A, %dma_start3A_5, %dma_start3A_6] : memref<2x32x125x80xi32, #tpu.memory_space<hbm>> -> memref<1x1x125x80xi32, #tpu.memory_space<hbm>>
    %dma_start3A_8 = tpu.memref_squeeze %dma_start3A_7 : memref<1x1x125x80xi32, #tpu.memory_space<hbm>> -> memref<125x80xi32, #tpu.memory_space<hbm>>
    tpu.enqueue_dma source(%dma_start3A_8 : memref<125x80xi32, #tpu.memory_space<hbm>>) target(%arg6 : memref<125x80xi32, #tpu.memory_space<vmem>>) target_semaphore(%arg10 : memref<!tpu.dma_semaphore, #tpu.memory_space<semaphore_mem>>)
    %dma_start3A_9 = arith.constant 1 : i32
    %dma_start3A_10 = arith.constant 0 : i32
    %dma_start3A_11 = arith.constant 0 : i32
    %dma_start3A_12 = tpu.memref_slice %arg3[%dma_start3A_9, %add3A, %dma_start3A_10, %dma_start3A_11] : memref<2x32x125x80xi32, #tpu.memory_space<hbm>> -> memref<1x1x125x80xi32, #tpu.memory_space<hbm>>
    %dma_start3A_13 = tpu.memref_squeeze %dma_start3A_12 : memref<1x1x125x80xi32, #tpu.memory_space<hbm>> -> memref<125x80xi32, #tpu.memory_space<hbm>>
    %dma_start3A_14 = arith.constant 0 : i32
    %dma_start3A_15 = arith.constant 0 : i32
    %dma_start3A_16 = tpu.memref_slice %arg3[%dma_start3A_9, %add3A, %dma_start3A_14, %dma_start3A_15] : memref<2x32x125x80xi32, #tpu.memory_space<hbm>> -> memref<1x1x125x80xi32, #tpu.memory_space<hbm>>
    %dma_start3A_17 = tpu.memref_squeeze %dma_start3A_16 : memref<1x1x125x80xi32, #tpu.memory_space<hbm>> -> memref<125x80xi32, #tpu.memory_space<hbm>>
    tpu.enqueue_dma source(%dma_start3A_17 : memref<125x80xi32, #tpu.memory_space<hbm>>) target(%arg7 : memref<125x80xi32, #tpu.memory_space<vmem>>) target_semaphore(%arg10 : memref<!tpu.dma_semaphore, #tpu.memory_space<semaphore_mem>>)
    %mul3A_18 = arith.constant 640 : i32
    %mul3A_19 = arith.muli %arg1, %mul3A_18 : i32
    %dma_start3A_20 = arith.constant 0 : i32
    %dma_start3A_21 = tpu.memref_slice %arg9[%mul3A_19, %dma_start3A_20] : memref<10240x64xf32, #tpu.memory_space<vmem_shared>> -> memref<640x64xf32, #tpu.memory_space<vmem_shared>>
    tpu.enqueue_dma source(%arg4 : memref<640x64xf32, #tpu.memory_space<hbm>>) target(%dma_start3A_21 : memref<640x64xf32, #tpu.memory_space<vmem_shared>>) target_semaphore(%arg11 : memref<!tpu.dma_semaphore, #tpu.memory_space<semaphore_mem>>)
    %dma_wait3A = arith.constant 0 : i32
    %dma_wait3A_22 = arith.constant 0 : i32
    %dma_wait3A_23 = arith.constant 0 : i32
    %dma_wait3A_24 = arith.constant 0 : i32
    %dma_wait3A_25 = tpu.memref_slice %arg3[%dma_wait3A, %dma_wait3A_22, %dma_wait3A_23, %dma_wait3A_24] : memref<2x32x125x80xi32, #tpu.memory_space<hbm>> -> memref<1x1x125x80xi32, #tpu.memory_space<hbm>>
    %dma_wait3A_26 = tpu.memref_squeeze %dma_wait3A_25 : memref<1x1x125x80xi32, #tpu.memory_space<hbm>> -> memref<125x80xi32, #tpu.memory_space<hbm>>
    %dma_wait3A_27 = arith.constant 0 : i32
    %dma_wait3A_28 = arith.constant 0 : i32
    %dma_wait3A_29 = tpu.memref_slice %arg3[%dma_wait3A, %dma_wait3A_22, %dma_wait3A_27, %dma_wait3A_28] : memref<2x32x125x80xi32, #tpu.memory_space<hbm>> -> memref<1x1x125x80xi32, #tpu.memory_space<hbm>>
    %dma_wait3A_30 = tpu.memref_squeeze %dma_wait3A_29 : memref<1x1x125x80xi32, #tpu.memory_space<hbm>> -> memref<125x80xi32, #tpu.memory_space<hbm>>
    tpu.wait_dma2 semaphore(%arg10 : memref<!tpu.dma_semaphore, #tpu.memory_space<semaphore_mem>>) src(%dma_wait3A_30 : memref<125x80xi32, #tpu.memory_space<hbm>>) dst(%arg6 : memref<125x80xi32, #tpu.memory_space<vmem>>)
    %dma_wait3A_31 = arith.constant 0 : i32
    %dma_wait3A_32 = arith.constant 0 : i32
    %dma_wait3A_33 = arith.constant 0 : i32
    %dma_wait3A_34 = arith.constant 0 : i32
    %dma_wait3A_35 = tpu.memref_slice %arg3[%dma_wait3A_31, %dma_wait3A_32, %dma_wait3A_33, %dma_wait3A_34] : memref<2x32x125x80xi32, #tpu.memory_space<hbm>> -> memref<1x1x125x80xi32, #tpu.memory_space<hbm>>
    %dma_wait3A_36 = tpu.memref_squeeze %dma_wait3A_35 : memref<1x1x125x80xi32, #tpu.memory_space<hbm>> -> memref<125x80xi32, #tpu.memory_space<hbm>>
    %dma_wait3A_37 = arith.constant 0 : i32
    %dma_wait3A_38 = arith.constant 0 : i32
    %dma_wait3A_39 = tpu.memref_slice %arg3[%dma_wait3A_31, %dma_wait3A_32, %dma_wait3A_37, %dma_wait3A_38] : memref<2x32x125x80xi32, #tpu.memory_space<hbm>> -> memref<1x1x125x80xi32, #tpu.memory_space<hbm>>
    %dma_wait3A_40 = tpu.memref_squeeze %dma_wait3A_39 : memref<1x1x125x80xi32, #tpu.memory_space<hbm>> -> memref<125x80xi32, #tpu.memory_space<hbm>>
    tpu.wait_dma2 semaphore(%arg10 : memref<!tpu.dma_semaphore, #tpu.memory_space<semaphore_mem>>) src(%dma_wait3A_40 : memref<125x80xi32, #tpu.memory_space<hbm>>) dst(%arg7 : memref<125x80xi32, #tpu.memory_space<vmem>>)
    %dma_start3A_41 = arith.constant 0 : i32
    %dma_start3A_42 = arith.constant 0 : i32
    %dma_start3A_43 = arith.constant 0 : i32
    %dma_start3A_44 = arith.constant 0 : i32
    %dma_start3A_45 = tpu.memref_slice %arg8[%dma_start3A_42, %dma_start3A_43, %dma_start3A_44] : memref<5x80x64xf32, #tpu.memory_space<vmem>> -> memref<1x80x64xf32, #tpu.memory_space<vmem>>
    %dma_start3A_46 = tpu.memref_squeeze %dma_start3A_45 : memref<1x80x64xf32, #tpu.memory_space<vmem>> -> memref<80x64xf32, #tpu.memory_space<vmem>>
    %dma_start3A_47 = arith.constant 0 : i32
    %dma_start3A_48 = tpu.memref_slice %arg6[%dma_start3A_41, %dma_start3A_47] : memref<125x80xi32, #tpu.memory_space<vmem>> -> memref<1x80xi32, #tpu.memory_space<vmem>>
    %dma_start3A_49 = tpu.memref_squeeze %dma_start3A_48 : memref<1x80xi32, #tpu.memory_space<vmem>> -> memref<80xi32, #tpu.memory_space<vmem>>
    %dma_start3A_50 = arith.constant 0 : i32
    %dma_start3A_51 = arith.constant 0 : i32
    %dma_start3A_52 = tpu.memref_slice %arg2[%dma_start3A_50, %dma_start3A_51] : memref<10000x64xf32, #tpu.memory_space<hbm>> -> memref<10000x64xf32, #tpu.memory_space<hbm>>
    tpu.enqueue_indirect_dma source(%dma_start3A_52 : memref<10000x64xf32, #tpu.memory_space<hbm>>) target(%dma_start3A_46 : memref<80x64xf32, #tpu.memory_space<vmem>>) offsets(%dma_start3A_49 : memref<80xi32, #tpu.memory_space<vmem>>) semaphore(%arg12 : memref<!tpu.dma_semaphore, #tpu.memory_space<semaphore_mem>>)
    %dma_start3A_53 = arith.constant 1 : i32
    %dma_start3A_54 = arith.constant 1 : i32
    %dma_start3A_55 = arith.constant 0 : i32
    %dma_start3A_56 = arith.constant 0 : i32
    %dma_start3A_57 = tpu.memref_slice %arg8[%dma_start3A_54, %dma_start3A_55, %dma_start3A_56] : memref<5x80x64xf32, #tpu.memory_space<vmem>> -> memref<1x80x64xf32, #tpu.memory_space<vmem>>
    %dma_start3A_58 = tpu.memref_squeeze %dma_start3A_57 : memref<1x80x64xf32, #tpu.memory_space<vmem>> -> memref<80x64xf32, #tpu.memory_space<vmem>>
    %dma_start3A_59 = arith.constant 0 : i32
    %dma_start3A_60 = tpu.memref_slice %arg6[%dma_start3A_53, %dma_start3A_59] : memref<125x80xi32, #tpu.memory_space<vmem>> -> memref<1x80xi32, #tpu.memory_space<vmem>>
    %dma_start3A_61 = tpu.memref_squeeze %dma_start3A_60 : memref<1x80xi32, #tpu.memory_space<vmem>> -> memref<80xi32, #tpu.memory_space<vmem>>
    %dma_start3A_62 = arith.constant 0 : i32
    %dma_start3A_63 = arith.constant 0 : i32
    %dma_start3A_64 = tpu.memref_slice %arg2[%dma_start3A_62, %dma_start3A_63] : memref<10000x64xf32, #tpu.memory_space<hbm>> -> memref<10000x64xf32, #tpu.memory_space<hbm>>
    tpu.enqueue_indirect_dma source(%dma_start3A_64 : memref<10000x64xf32, #tpu.memory_space<hbm>>) target(%dma_start3A_58 : memref<80x64xf32, #tpu.memory_space<vmem>>) offsets(%dma_start3A_61 : memref<80xi32, #tpu.memory_space<vmem>>) semaphore(%arg13 : memref<!tpu.dma_semaphore, #tpu.memory_space<semaphore_mem>>)
    %dma_start3A_65 = arith.constant 2 : i32
    %dma_start3A_66 = arith.constant 2 : i32
    %dma_start3A_67 = arith.constant 0 : i32
    %dma_start3A_68 = arith.constant 0 : i32
    %dma_start3A_69 = tpu.memref_slice %arg8[%dma_start3A_66, %dma_start3A_67, %dma_start3A_68] : memref<5x80x64xf32, #tpu.memory_space<vmem>> -> memref<1x80x64xf32, #tpu.memory_space<vmem>>
    %dma_start3A_70 = tpu.memref_squeeze %dma_start3A_69 : memref<1x80x64xf32, #tpu.memory_space<vmem>> -> memref<80x64xf32, #tpu.memory_space<vmem>>
    %dma_start3A_71 = arith.constant 0 : i32
    %dma_start3A_72 = tpu.memref_slice %arg6[%dma_start3A_65, %dma_start3A_71] : memref<125x80xi32, #tpu.memory_space<vmem>> -> memref<1x80xi32, #tpu.memory_space<vmem>>
    %dma_start3A_73 = tpu.memref_squeeze %dma_start3A_72 : memref<1x80xi32, #tpu.memory_space<vmem>> -> memref<80xi32, #tpu.memory_space<vmem>>
    %dma_start3A_74 = arith.constant 0 : i32
    %dma_start3A_75 = arith.constant 0 : i32
    %dma_start3A_76 = tpu.memref_slice %arg2[%dma_start3A_74, %dma_start3A_75] : memref<10000x64xf32, #tpu.memory_space<hbm>> -> memref<10000x64xf32, #tpu.memory_space<hbm>>
    tpu.enqueue_indirect_dma source(%dma_start3A_76 : memref<10000x64xf32, #tpu.memory_space<hbm>>) target(%dma_start3A_70 : memref<80x64xf32, #tpu.memory_space<vmem>>) offsets(%dma_start3A_73 : memref<80xi32, #tpu.memory_space<vmem>>) semaphore(%arg14 : memref<!tpu.dma_semaphore, #tpu.memory_space<semaphore_mem>>)
    %dma_start3A_77 = arith.constant 3 : i32
    %dma_start3A_78 = arith.constant 3 : i32
    %dma_start3A_79 = arith.constant 0 : i32
    %dma_start3A_80 = arith.constant 0 : i32
    %dma_start3A_81 = tpu.memref_slice %arg8[%dma_start3A_78, %dma_start3A_79, %dma_start3A_80] : memref<5x80x64xf32, #tpu.memory_space<vmem>> -> memref<1x80x64xf32, #tpu.memory_space<vmem>>
    %dma_start3A_82 = tpu.memref_squeeze %dma_start3A_81 : memref<1x80x64xf32, #tpu.memory_space<vmem>> -> memref<80x64xf32, #tpu.memory_space<vmem>>
    %dma_start3A_83 = arith.constant 0 : i32
    %dma_start3A_84 = tpu.memref_slice %arg6[%dma_start3A_77, %dma_start3A_83] : memref<125x80xi32, #tpu.memory_space<vmem>> -> memref<1x80xi32, #tpu.memory_space<vmem>>
    %dma_start3A_85 = tpu.memref_squeeze %dma_start3A_84 : memref<1x80xi32, #tpu.memory_space<vmem>> -> memref<80xi32, #tpu.memory_space<vmem>>
    %dma_start3A_86 = arith.constant 0 : i32
    %dma_start3A_87 = arith.constant 0 : i32
    %dma_start3A_88 = tpu.memref_slice %arg2[%dma_start3A_86, %dma_start3A_87] : memref<10000x64xf32, #tpu.memory_space<hbm>> -> memref<10000x64xf32, #tpu.memory_space<hbm>>
    tpu.enqueue_indirect_dma source(%dma_start3A_88 : memref<10000x64xf32, #tpu.memory_space<hbm>>) target(%dma_start3A_82 : memref<80x64xf32, #tpu.memory_space<vmem>>) offsets(%dma_start3A_85 : memref<80xi32, #tpu.memory_space<vmem>>) semaphore(%arg15 : memref<!tpu.dma_semaphore, #tpu.memory_space<semaphore_mem>>)
    %dma_start3A_89 = arith.constant 4 : i32
    %dma_start3A_90 = arith.constant 4 : i32
    %dma_start3A_91 = arith.constant 0 : i32
    %dma_start3A_92 = arith.constant 0 : i32
    %dma_start3A_93 = tpu.memref_slice %arg8[%dma_start3A_90, %dma_start3A_91, %dma_start3A_92] : memref<5x80x64xf32, #tpu.memory_space<vmem>> -> memref<1x80x64xf32, #tpu.memory_space<vmem>>
    %dma_start3A_94 = tpu.memref_squeeze %dma_start3A_93 : memref<1x80x64xf32, #tpu.memory_space<vmem>> -> memref<80x64xf32, #tpu.memory_space<vmem>>
    %dma_start3A_95 = arith.constant 0 : i32
    %dma_start3A_96 = tpu.memref_slice %arg6[%dma_start3A_89, %dma_start3A_95] : memref<125x80xi32, #tpu.memory_space<vmem>> -> memref<1x80xi32, #tpu.memory_space<vmem>>
    %dma_start3A_97 = tpu.memref_squeeze %dma_start3A_96 : memref<1x80xi32, #tpu.memory_space<vmem>> -> memref<80xi32, #tpu.memory_space<vmem>>
    %dma_start3A_98 = arith.constant 0 : i32
    %dma_start3A_99 = arith.constant 0 : i32
    %dma_start3A_100 = tpu.memref_slice %arg2[%dma_start3A_98, %dma_start3A_99] : memref<10000x64xf32, #tpu.memory_space<hbm>> -> memref<10000x64xf32, #tpu.memory_space<hbm>>
    tpu.enqueue_indirect_dma source(%dma_start3A_100 : memref<10000x64xf32, #tpu.memory_space<hbm>>) target(%dma_start3A_94 : memref<80x64xf32, #tpu.memory_space<vmem>>) offsets(%dma_start3A_97 : memref<80xi32, #tpu.memory_space<vmem>>) semaphore(%arg16 : memref<!tpu.dma_semaphore, #tpu.memory_space<semaphore_mem>>)
    %mul3A_101 = arith.constant 640 : i32
    %mul3A_102 = arith.muli %arg1, %mul3A_101 : i32
    %dma_wait3A_103 = arith.constant 0 : i32
    %dma_wait3A_104 = tpu.memref_slice %arg9[%mul3A_102, %dma_wait3A_103] : memref<10240x64xf32, #tpu.memory_space<vmem_shared>> -> memref<640x64xf32, #tpu.memory_space<vmem_shared>>
    tpu.wait_dma2 semaphore(%arg11 : memref<!tpu.dma_semaphore, #tpu.memory_space<semaphore_mem>>) src(%arg4 : memref<640x64xf32, #tpu.memory_space<hbm>>) dst(%dma_wait3A_104 : memref<640x64xf32, #tpu.memory_space<vmem_shared>>)
    %barrier3A = arith.constant 0 : index
    tpu.barrier barrier_id(%barrier3A)
    %scan3A = arith.constant 0 : i32
    %scan3A_105 = arith.constant 0 : i32
    %scan3A_106 = arith.constant 25 : i32
    %scan3A_107 = arith.addi %scan3A_105, %scan3A_106 : i32
    %scan3A_108 = arith.constant 1 : i32
    %scan3A_109 = scf.for %scan3A_189 = %scan3A_105 to %scan3A_107 step %scan3A_108 iter_args(%scan3A_190 = %scan3A) -> (i32)  : i32 {
      %mul3A_191 = arith.constant 5 : i32
      %mul3A_192 = arith.muli %scan3A_189, %mul3A_191 : i32
      %dma_wait3A_193 = arith.constant 0 : i32
      %dma_wait3A_194 = arith.constant 0 : i32
      %dma_wait3A_195 = arith.constant 0 : i32
      %dma_wait3A_196 = tpu.memref_slice %arg8[%dma_wait3A_193, %dma_wait3A_194, %dma_wait3A_195] : memref<5x80x64xf32, #tpu.memory_space<vmem>> -> memref<1x80x64xf32, #tpu.memory_space<vmem>>
      %dma_wait3A_197 = tpu.memref_squeeze %dma_wait3A_196 : memref<1x80x64xf32, #tpu.memory_space<vmem>> -> memref<80x64xf32, #tpu.memory_space<vmem>>
      %dma_wait3A_198 = arith.constant 0 : i32
      %dma_wait3A_199 = arith.constant 0 : i32
      %dma_wait3A_200 = tpu.memref_slice %arg2[%dma_wait3A_198, %dma_wait3A_199] : memref<10000x64xf32, #tpu.memory_space<hbm>> -> memref<80x64xf32, #tpu.memory_space<hbm>>
      %dma_wait3A_201 = arith.constant 0 : i32
      %dma_wait3A_202 = arith.constant 0 : i32
      %dma_wait3A_203 = tpu.memref_slice %arg8[%dma_wait3A_193, %dma_wait3A_201, %dma_wait3A_202] : memref<5x80x64xf32, #tpu.memory_space<vmem>> -> memref<1x80x64xf32, #tpu.memory_space<vmem>>
      %dma_wait3A_204 = tpu.memref_squeeze %dma_wait3A_203 : memref<1x80x64xf32, #tpu.memory_space<vmem>> -> memref<80x64xf32, #tpu.memory_space<vmem>>
      %dma_wait3A_205 = arith.constant 0 : i32
      %dma_wait3A_206 = arith.constant 0 : i32
      %dma_wait3A_207 = tpu.memref_slice %arg2[%dma_wait3A_205, %dma_wait3A_206] : memref<10000x64xf32, #tpu.memory_space<hbm>> -> memref<80x64xf32, #tpu.memory_space<hbm>>
      tpu.wait_dma2 semaphore(%arg12 : memref<!tpu.dma_semaphore, #tpu.memory_space<semaphore_mem>>) src(%dma_wait3A_207 : memref<80x64xf32, #tpu.memory_space<hbm>>) dst(%dma_wait3A_204 : memref<80x64xf32, #tpu.memory_space<vmem>>)
      %add3A_208 = arith.constant 0 : i32
      %add3A_209 = arith.addi %mul3A_192, %add3A_208 : i32
      %dma_start3A_210 = arith.constant 0 : i32
      %dma_start3A_211 = arith.constant 0 : i32
      %dma_start3A_212 = arith.constant 0 : i32
      %dma_start3A_213 = tpu.memref_slice %arg8[%dma_start3A_210, %dma_start3A_211, %dma_start3A_212] : memref<5x80x64xf32, #tpu.memory_space<vmem>> -> memref<1x80x64xf32, #tpu.memory_space<vmem>>
      %dma_start3A_214 = tpu.memref_squeeze %dma_start3A_213 : memref<1x80x64xf32, #tpu.memory_space<vmem>> -> memref<80x64xf32, #tpu.memory_space<vmem>>
      %dma_start3A_215 = arith.constant 0 : i32
      %dma_start3A_216 = tpu.memref_slice %arg7[%add3A_209, %dma_start3A_215] : memref<125x80xi32, #tpu.memory_space<vmem>> -> memref<1x80xi32, #tpu.memory_space<vmem>>
      %dma_start3A_217 = tpu.memref_squeeze %dma_start3A_216 : memref<1x80xi32, #tpu.memory_space<vmem>> -> memref<80xi32, #tpu.memory_space<vmem>>
      %dma_start3A_218 = arith.constant 0 : i32
      %dma_start3A_219 = arith.constant 0 : i32
      %dma_start3A_220 = tpu.memref_slice %arg9[%dma_start3A_218, %dma_start3A_219] : memref<10240x64xf32, #tpu.memory_space<vmem_shared>> -> memref<10240x64xf32, #tpu.memory_space<vmem_shared>>
      tpu.enqueue_indirect_dma source(%dma_start3A_214 : memref<80x64xf32, #tpu.memory_space<vmem>>) target(%dma_start3A_220 : memref<10240x64xf32, #tpu.memory_space<vmem_shared>>) offsets(%dma_start3A_217 : memref<80xi32, #tpu.memory_space<vmem>>) semaphore(%arg17 : memref<!tpu.dma_semaphore, #tpu.memory_space<semaphore_mem>>) {add = true}
      %dma_wait3A_221 = arith.constant 1 : i32
      %dma_wait3A_222 = arith.constant 0 : i32
      %dma_wait3A_223 = arith.constant 0 : i32
      %dma_wait3A_224 = tpu.memref_slice %arg8[%dma_wait3A_221, %dma_wait3A_222, %dma_wait3A_223] : memref<5x80x64xf32, #tpu.memory_space<vmem>> -> memref<1x80x64xf32, #tpu.memory_space<vmem>>
      %dma_wait3A_225 = tpu.memref_squeeze %dma_wait3A_224 : memref<1x80x64xf32, #tpu.memory_space<vmem>> -> memref<80x64xf32, #tpu.memory_space<vmem>>
      %dma_wait3A_226 = arith.constant 0 : i32
      %dma_wait3A_227 = arith.constant 0 : i32
      %dma_wait3A_228 = tpu.memref_slice %arg2[%dma_wait3A_226, %dma_wait3A_227] : memref<10000x64xf32, #tpu.memory_space<hbm>> -> memref<80x64xf32, #tpu.memory_space<hbm>>
      %dma_wait3A_229 = arith.constant 0 : i32
      %dma_wait3A_230 = arith.constant 0 : i32
      %dma_wait3A_231 = tpu.memref_slice %arg8[%dma_wait3A_221, %dma_wait3A_229, %dma_wait3A_230] : memref<5x80x64xf32, #tpu.memory_space<vmem>> -> memref<1x80x64xf32, #tpu.memory_space<vmem>>
      %dma_wait3A_232 = tpu.memref_squeeze %dma_wait3A_231 : memref<1x80x64xf32, #tpu.memory_space<vmem>> -> memref<80x64xf32, #tpu.memory_space<vmem>>
      %dma_wait3A_233 = arith.constant 0 : i32
      %dma_wait3A_234 = arith.constant 0 : i32
      %dma_wait3A_235 = tpu.memref_slice %arg2[%dma_wait3A_233, %dma_wait3A_234] : memref<10000x64xf32, #tpu.memory_space<hbm>> -> memref<80x64xf32, #tpu.memory_space<hbm>>
      tpu.wait_dma2 semaphore(%arg13 : memref<!tpu.dma_semaphore, #tpu.memory_space<semaphore_mem>>) src(%dma_wait3A_235 : memref<80x64xf32, #tpu.memory_space<hbm>>) dst(%dma_wait3A_232 : memref<80x64xf32, #tpu.memory_space<vmem>>)
      %add3A_236 = arith.constant 1 : i32
      %add3A_237 = arith.addi %mul3A_192, %add3A_236 : i32
      %dma_start3A_238 = arith.constant 1 : i32
      %dma_start3A_239 = arith.constant 0 : i32
      %dma_start3A_240 = arith.constant 0 : i32
      %dma_start3A_241 = tpu.memref_slice %arg8[%dma_start3A_238, %dma_start3A_239, %dma_start3A_240] : memref<5x80x64xf32, #tpu.memory_space<vmem>> -> memref<1x80x64xf32, #tpu.memory_space<vmem>>
      %dma_start3A_242 = tpu.memref_squeeze %dma_start3A_241 : memref<1x80x64xf32, #tpu.memory_space<vmem>> -> memref<80x64xf32, #tpu.memory_space<vmem>>
      %dma_start3A_243 = arith.constant 0 : i32
      %dma_start3A_244 = tpu.memref_slice %arg7[%add3A_237, %dma_start3A_243] : memref<125x80xi32, #tpu.memory_space<vmem>> -> memref<1x80xi32, #tpu.memory_space<vmem>>
      %dma_start3A_245 = tpu.memref_squeeze %dma_start3A_244 : memref<1x80xi32, #tpu.memory_space<vmem>> -> memref<80xi32, #tpu.memory_space<vmem>>
      %dma_start3A_246 = arith.constant 0 : i32
      %dma_start3A_247 = arith.constant 0 : i32
      %dma_start3A_248 = tpu.memref_slice %arg9[%dma_start3A_246, %dma_start3A_247] : memref<10240x64xf32, #tpu.memory_space<vmem_shared>> -> memref<10240x64xf32, #tpu.memory_space<vmem_shared>>
      tpu.enqueue_indirect_dma source(%dma_start3A_242 : memref<80x64xf32, #tpu.memory_space<vmem>>) target(%dma_start3A_248 : memref<10240x64xf32, #tpu.memory_space<vmem_shared>>) offsets(%dma_start3A_245 : memref<80xi32, #tpu.memory_space<vmem>>) semaphore(%arg18 : memref<!tpu.dma_semaphore, #tpu.memory_space<semaphore_mem>>) {add = true}
      %dma_wait3A_249 = arith.constant 2 : i32
      %dma_wait3A_250 = arith.constant 0 : i32
      %dma_wait3A_251 = arith.constant 0 : i32
      %dma_wait3A_252 = tpu.memref_slice %arg8[%dma_wait3A_249, %dma_wait3A_250, %dma_wait3A_251] : memref<5x80x64xf32, #tpu.memory_space<vmem>> -> memref<1x80x64xf32, #tpu.memory_space<vmem>>
      %dma_wait3A_253 = tpu.memref_squeeze %dma_wait3A_252 : memref<1x80x64xf32, #tpu.memory_space<vmem>> -> memref<80x64xf32, #tpu.memory_space<vmem>>
      %dma_wait3A_254 = arith.constant 0 : i32
      %dma_wait3A_255 = arith.constant 0 : i32
      %dma_wait3A_256 = tpu.memref_slice %arg2[%dma_wait3A_254, %dma_wait3A_255] : memref<10000x64xf32, #tpu.memory_space<hbm>> -> memref<80x64xf32, #tpu.memory_space<hbm>>
      %dma_wait3A_257 = arith.constant 0 : i32
      %dma_wait3A_258 = arith.constant 0 : i32
      %dma_wait3A_259 = tpu.memref_slice %arg8[%dma_wait3A_249, %dma_wait3A_257, %dma_wait3A_258] : memref<5x80x64xf32, #tpu.memory_space<vmem>> -> memref<1x80x64xf32, #tpu.memory_space<vmem>>
      %dma_wait3A_260 = tpu.memref_squeeze %dma_wait3A_259 : memref<1x80x64xf32, #tpu.memory_space<vmem>> -> memref<80x64xf32, #tpu.memory_space<vmem>>
      %dma_wait3A_261 = arith.constant 0 : i32
      %dma_wait3A_262 = arith.constant 0 : i32
      %dma_wait3A_263 = tpu.memref_slice %arg2[%dma_wait3A_261, %dma_wait3A_262] : memref<10000x64xf32, #tpu.memory_space<hbm>> -> memref<80x64xf32, #tpu.memory_space<hbm>>
      tpu.wait_dma2 semaphore(%arg14 : memref<!tpu.dma_semaphore, #tpu.memory_space<semaphore_mem>>) src(%dma_wait3A_263 : memref<80x64xf32, #tpu.memory_space<hbm>>) dst(%dma_wait3A_260 : memref<80x64xf32, #tpu.memory_space<vmem>>)
      %add3A_264 = arith.constant 2 : i32
      %add3A_265 = arith.addi %mul3A_192, %add3A_264 : i32
      %dma_start3A_266 = arith.constant 2 : i32
      %dma_start3A_267 = arith.constant 0 : i32
      %dma_start3A_268 = arith.constant 0 : i32
      %dma_start3A_269 = tpu.memref_slice %arg8[%dma_start3A_266, %dma_start3A_267, %dma_start3A_268] : memref<5x80x64xf32, #tpu.memory_space<vmem>> -> memref<1x80x64xf32, #tpu.memory_space<vmem>>
      %dma_start3A_270 = tpu.memref_squeeze %dma_start3A_269 : memref<1x80x64xf32, #tpu.memory_space<vmem>> -> memref<80x64xf32, #tpu.memory_space<vmem>>
      %dma_start3A_271 = arith.constant 0 : i32
      %dma_start3A_272 = tpu.memref_slice %arg7[%add3A_265, %dma_start3A_271] : memref<125x80xi32, #tpu.memory_space<vmem>> -> memref<1x80xi32, #tpu.memory_space<vmem>>
      %dma_start3A_273 = tpu.memref_squeeze %dma_start3A_272 : memref<1x80xi32, #tpu.memory_space<vmem>> -> memref<80xi32, #tpu.memory_space<vmem>>
      %dma_start3A_274 = arith.constant 0 : i32
      %dma_start3A_275 = arith.constant 0 : i32
      %dma_start3A_276 = tpu.memref_slice %arg9[%dma_start3A_274, %dma_start3A_275] : memref<10240x64xf32, #tpu.memory_space<vmem_shared>> -> memref<10240x64xf32, #tpu.memory_space<vmem_shared>>
      tpu.enqueue_indirect_dma source(%dma_start3A_270 : memref<80x64xf32, #tpu.memory_space<vmem>>) target(%dma_start3A_276 : memref<10240x64xf32, #tpu.memory_space<vmem_shared>>) offsets(%dma_start3A_273 : memref<80xi32, #tpu.memory_space<vmem>>) semaphore(%arg19 : memref<!tpu.dma_semaphore, #tpu.memory_space<semaphore_mem>>) {add = true}
      %dma_wait3A_277 = arith.constant 3 : i32
      %dma_wait3A_278 = arith.constant 0 : i32
      %dma_wait3A_279 = arith.constant 0 : i32
      %dma_wait3A_280 = tpu.memref_slice %arg8[%dma_wait3A_277, %dma_wait3A_278, %dma_wait3A_279] : memref<5x80x64xf32, #tpu.memory_space<vmem>> -> memref<1x80x64xf32, #tpu.memory_space<vmem>>
      %dma_wait3A_281 = tpu.memref_squeeze %dma_wait3A_280 : memref<1x80x64xf32, #tpu.memory_space<vmem>> -> memref<80x64xf32, #tpu.memory_space<vmem>>
      %dma_wait3A_282 = arith.constant 0 : i32
      %dma_wait3A_283 = arith.constant 0 : i32
      %dma_wait3A_284 = tpu.memref_slice %arg2[%dma_wait3A_282, %dma_wait3A_283] : memref<10000x64xf32, #tpu.memory_space<hbm>> -> memref<80x64xf32, #tpu.memory_space<hbm>>
      %dma_wait3A_285 = arith.constant 0 : i32
      %dma_wait3A_286 = arith.constant 0 : i32
      %dma_wait3A_287 = tpu.memref_slice %arg8[%dma_wait3A_277, %dma_wait3A_285, %dma_wait3A_286] : memref<5x80x64xf32, #tpu.memory_space<vmem>> -> memref<1x80x64xf32, #tpu.memory_space<vmem>>
      %dma_wait3A_288 = tpu.memref_squeeze %dma_wait3A_287 : memref<1x80x64xf32, #tpu.memory_space<vmem>> -> memref<80x64xf32, #tpu.memory_space<vmem>>
      %dma_wait3A_289 = arith.constant 0 : i32
      %dma_wait3A_290 = arith.constant 0 : i32
      %dma_wait3A_291 = tpu.memref_slice %arg2[%dma_wait3A_289, %dma_wait3A_290] : memref<10000x64xf32, #tpu.memory_space<hbm>> -> memref<80x64xf32, #tpu.memory_space<hbm>>
      tpu.wait_dma2 semaphore(%arg15 : memref<!tpu.dma_semaphore, #tpu.memory_space<semaphore_mem>>) src(%dma_wait3A_291 : memref<80x64xf32, #tpu.memory_space<hbm>>) dst(%dma_wait3A_288 : memref<80x64xf32, #tpu.memory_space<vmem>>)
      %add3A_292 = arith.constant 3 : i32
      %add3A_293 = arith.addi %mul3A_192, %add3A_292 : i32
      %dma_start3A_294 = arith.constant 3 : i32
      %dma_start3A_295 = arith.constant 0 : i32
      %dma_start3A_296 = arith.constant 0 : i32
      %dma_start3A_297 = tpu.memref_slice %arg8[%dma_start3A_294, %dma_start3A_295, %dma_start3A_296] : memref<5x80x64xf32, #tpu.memory_space<vmem>> -> memref<1x80x64xf32, #tpu.memory_space<vmem>>
      %dma_start3A_298 = tpu.memref_squeeze %dma_start3A_297 : memref<1x80x64xf32, #tpu.memory_space<vmem>> -> memref<80x64xf32, #tpu.memory_space<vmem>>
      %dma_start3A_299 = arith.constant 0 : i32
      %dma_start3A_300 = tpu.memref_slice %arg7[%add3A_293, %dma_start3A_299] : memref<125x80xi32, #tpu.memory_space<vmem>> -> memref<1x80xi32, #tpu.memory_space<vmem>>
      %dma_start3A_301 = tpu.memref_squeeze %dma_start3A_300 : memref<1x80xi32, #tpu.memory_space<vmem>> -> memref<80xi32, #tpu.memory_space<vmem>>
      %dma_start3A_302 = arith.constant 0 : i32
      %dma_start3A_303 = arith.constant 0 : i32
      %dma_start3A_304 = tpu.memref_slice %arg9[%dma_start3A_302, %dma_start3A_303] : memref<10240x64xf32, #tpu.memory_space<vmem_shared>> -> memref<10240x64xf32, #tpu.memory_space<vmem_shared>>
      tpu.enqueue_indirect_dma source(%dma_start3A_298 : memref<80x64xf32, #tpu.memory_space<vmem>>) target(%dma_start3A_304 : memref<10240x64xf32, #tpu.memory_space<vmem_shared>>) offsets(%dma_start3A_301 : memref<80xi32, #tpu.memory_space<vmem>>) semaphore(%arg20 : memref<!tpu.dma_semaphore, #tpu.memory_space<semaphore_mem>>) {add = true}
      %dma_wait3A_305 = arith.constant 4 : i32
      %dma_wait3A_306 = arith.constant 0 : i32
      %dma_wait3A_307 = arith.constant 0 : i32
      %dma_wait3A_308 = tpu.memref_slice %arg8[%dma_wait3A_305, %dma_wait3A_306, %dma_wait3A_307] : memref<5x80x64xf32, #tpu.memory_space<vmem>> -> memref<1x80x64xf32, #tpu.memory_space<vmem>>
      %dma_wait3A_309 = tpu.memref_squeeze %dma_wait3A_308 : memref<1x80x64xf32, #tpu.memory_space<vmem>> -> memref<80x64xf32, #tpu.memory_space<vmem>>
      %dma_wait3A_310 = arith.constant 0 : i32
      %dma_wait3A_311 = arith.constant 0 : i32
      %dma_wait3A_312 = tpu.memref_slice %arg2[%dma_wait3A_310, %dma_wait3A_311] : memref<10000x64xf32, #tpu.memory_space<hbm>> -> memref<80x64xf32, #tpu.memory_space<hbm>>
      %dma_wait3A_313 = arith.constant 0 : i32
      %dma_wait3A_314 = arith.constant 0 : i32
      %dma_wait3A_315 = tpu.memref_slice %arg8[%dma_wait3A_305, %dma_wait3A_313, %dma_wait3A_314] : memref<5x80x64xf32, #tpu.memory_space<vmem>> -> memref<1x80x64xf32, #tpu.memory_space<vmem>>
      %dma_wait3A_316 = tpu.memref_squeeze %dma_wait3A_315 : memref<1x80x64xf32, #tpu.memory_space<vmem>> -> memref<80x64xf32, #tpu.memory_space<vmem>>
      %dma_wait3A_317 = arith.constant 0 : i32
      %dma_wait3A_318 = arith.constant 0 : i32
      %dma_wait3A_319 = tpu.memref_slice %arg2[%dma_wait3A_317, %dma_wait3A_318] : memref<10000x64xf32, #tpu.memory_space<hbm>> -> memref<80x64xf32, #tpu.memory_space<hbm>>
      tpu.wait_dma2 semaphore(%arg16 : memref<!tpu.dma_semaphore, #tpu.memory_space<semaphore_mem>>) src(%dma_wait3A_319 : memref<80x64xf32, #tpu.memory_space<hbm>>) dst(%dma_wait3A_316 : memref<80x64xf32, #tpu.memory_space<vmem>>)
      %add3A_320 = arith.constant 4 : i32
      %add3A_321 = arith.addi %mul3A_192, %add3A_320 : i32
      %dma_start3A_322 = arith.constant 4 : i32
      %dma_start3A_323 = arith.constant 0 : i32
      %dma_start3A_324 = arith.constant 0 : i32
      %dma_start3A_325 = tpu.memref_slice %arg8[%dma_start3A_322, %dma_start3A_323, %dma_start3A_324] : memref<5x80x64xf32, #tpu.memory_space<vmem>> -> memref<1x80x64xf32, #tpu.memory_space<vmem>>
      %dma_start3A_326 = tpu.memref_squeeze %dma_start3A_325 : memref<1x80x64xf32, #tpu.memory_space<vmem>> -> memref<80x64xf32, #tpu.memory_space<vmem>>
      %dma_start3A_327 = arith.constant 0 : i32
      %dma_start3A_328 = tpu.memref_slice %arg7[%add3A_321, %dma_start3A_327] : memref<125x80xi32, #tpu.memory_space<vmem>> -> memref<1x80xi32, #tpu.memory_space<vmem>>
      %dma_start3A_329 = tpu.memref_squeeze %dma_start3A_328 : memref<1x80xi32, #tpu.memory_space<vmem>> -> memref<80xi32, #tpu.memory_space<vmem>>
      %dma_start3A_330 = arith.constant 0 : i32
      %dma_start3A_331 = arith.constant 0 : i32
      %dma_start3A_332 = tpu.memref_slice %arg9[%dma_start3A_330, %dma_start3A_331] : memref<10240x64xf32, #tpu.memory_space<vmem_shared>> -> memref<10240x64xf32, #tpu.memory_space<vmem_shared>>
      tpu.enqueue_indirect_dma source(%dma_start3A_326 : memref<80x64xf32, #tpu.memory_space<vmem>>) target(%dma_start3A_332 : memref<10240x64xf32, #tpu.memory_space<vmem_shared>>) offsets(%dma_start3A_329 : memref<80xi32, #tpu.memory_space<vmem>>) semaphore(%arg21 : memref<!tpu.dma_semaphore, #tpu.memory_space<semaphore_mem>>) {add = true}
      %add3A_333 = arith.constant 1 : i32
      %add3A_334 = arith.addi %scan3A_189, %add3A_333 : i32
      %lt3A = arith.constant 25 : i32
      %lt3A_335 = arith.cmpi slt, %add3A_334, %lt3A : i32
      %convert_element_type3A = arith.extui %lt3A_335 : i1 to i32
      %cond3A = arith.constant 0 : i32
      %cond3A_336 = arith.cmpi ne, %convert_element_type3A, %cond3A : i32
      scf.if %cond3A_336 {
        %dma_wait3A_366 = arith.constant 0 : i32
        %dma_wait3A_367 = arith.constant 0 : i32
        %dma_wait3A_368 = arith.constant 0 : i32
        %dma_wait3A_369 = tpu.memref_slice %arg8[%dma_wait3A_366, %dma_wait3A_367, %dma_wait3A_368] : memref<5x80x64xf32, #tpu.memory_space<vmem>> -> memref<1x80x64xf32, #tpu.memory_space<vmem>>
        %dma_wait3A_370 = tpu.memref_squeeze %dma_wait3A_369 : memref<1x80x64xf32, #tpu.memory_space<vmem>> -> memref<80x64xf32, #tpu.memory_space<vmem>>
        %dma_wait3A_371 = arith.constant 0 : i32
        %dma_wait3A_372 = arith.constant 0 : i32
        %dma_wait3A_373 = tpu.memref_slice %arg2[%dma_wait3A_371, %dma_wait3A_372] : memref<10000x64xf32, #tpu.memory_space<hbm>> -> memref<80x64xf32, #tpu.memory_space<hbm>>
        %dma_wait3A_374 = arith.constant 0 : i32
        %dma_wait3A_375 = arith.constant 0 : i32
        %dma_wait3A_376 = tpu.memref_slice %arg8[%dma_wait3A_366, %dma_wait3A_374, %dma_wait3A_375] : memref<5x80x64xf32, #tpu.memory_space<vmem>> -> memref<1x80x64xf32, #tpu.memory_space<vmem>>
        %dma_wait3A_377 = tpu.memref_squeeze %dma_wait3A_376 : memref<1x80x64xf32, #tpu.memory_space<vmem>> -> memref<80x64xf32, #tpu.memory_space<vmem>>
        %dma_wait3A_378 = arith.constant 0 : i32
        %dma_wait3A_379 = arith.constant 0 : i32
        %dma_wait3A_380 = tpu.memref_slice %arg2[%dma_wait3A_378, %dma_wait3A_379] : memref<10000x64xf32, #tpu.memory_space<hbm>> -> memref<80x64xf32, #tpu.memory_space<hbm>>
        tpu.wait_dma2 semaphore(%arg17 : memref<!tpu.dma_semaphore, #tpu.memory_space<semaphore_mem>>) src(%dma_wait3A_380 : memref<80x64xf32, #tpu.memory_space<hbm>>) dst(%dma_wait3A_377 : memref<80x64xf32, #tpu.memory_space<vmem>>)
        %add3A_381 = arith.constant 1 : i32
        %add3A_382 = arith.addi %scan3A_189, %add3A_381 : i32
        %mul3A_383 = arith.constant 5 : i32
        %mul3A_384 = arith.muli %add3A_382, %mul3A_383 : i32
        %add3A_385 = arith.constant 0 : i32
        %add3A_386 = arith.addi %mul3A_384, %add3A_385 : i32
        %dma_start3A_387 = arith.constant 0 : i32
        %dma_start3A_388 = arith.constant 0 : i32
        %dma_start3A_389 = arith.constant 0 : i32
        %dma_start3A_390 = tpu.memref_slice %arg8[%dma_start3A_387, %dma_start3A_388, %dma_start3A_389] : memref<5x80x64xf32, #tpu.memory_space<vmem>> -> memref<1x80x64xf32, #tpu.memory_space<vmem>>
        %dma_start3A_391 = tpu.memref_squeeze %dma_start3A_390 : memref<1x80x64xf32, #tpu.memory_space<vmem>> -> memref<80x64xf32, #tpu.memory_space<vmem>>
        %dma_start3A_392 = arith.constant 0 : i32
        %dma_start3A_393 = tpu.memref_slice %arg6[%add3A_386, %dma_start3A_392] : memref<125x80xi32, #tpu.memory_space<vmem>> -> memref<1x80xi32, #tpu.memory_space<vmem>>
        %dma_start3A_394 = tpu.memref_squeeze %dma_start3A_393 : memref<1x80xi32, #tpu.memory_space<vmem>> -> memref<80xi32, #tpu.memory_space<vmem>>
        %dma_start3A_395 = arith.constant 0 : i32
        %dma_start3A_396 = arith.constant 0 : i32
        %dma_start3A_397 = tpu.memref_slice %arg2[%dma_start3A_395, %dma_start3A_396] : memref<10000x64xf32, #tpu.memory_space<hbm>> -> memref<10000x64xf32, #tpu.memory_space<hbm>>
        tpu.enqueue_indirect_dma source(%dma_start3A_397 : memref<10000x64xf32, #tpu.memory_space<hbm>>) target(%dma_start3A_391 : memref<80x64xf32, #tpu.memory_space<vmem>>) offsets(%dma_start3A_394 : memref<80xi32, #tpu.memory_space<vmem>>) semaphore(%arg12 : memref<!tpu.dma_semaphore, #tpu.memory_space<semaphore_mem>>)
      } else {
      }
      %add3A_337 = arith.constant 1 : i32
      %add3A_338 = arith.addi %scan3A_189, %add3A_337 : i32
      %lt3A_339 = arith.constant 25 : i32
      %lt3A_340 = arith.cmpi slt, %add3A_338, %lt3A_339 : i32
      %convert_element_type3A_341 = arith.extui %lt3A_340 : i1 to i32
      %cond3A_342 = arith.constant 0 : i32
      %cond3A_343 = arith.cmpi ne, %convert_element_type3A_341, %cond3A_342 : i32
      scf.if %cond3A_343 {
        %dma_wait3A_366 = arith.constant 1 : i32
        %dma_wait3A_367 = arith.constant 0 : i32
        %dma_wait3A_368 = arith.constant 0 : i32
        %dma_wait3A_369 = tpu.memref_slice %arg8[%dma_wait3A_366, %dma_wait3A_367, %dma_wait3A_368] : memref<5x80x64xf32, #tpu.memory_space<vmem>> -> memref<1x80x64xf32, #tpu.memory_space<vmem>>
        %dma_wait3A_370 = tpu.memref_squeeze %dma_wait3A_369 : memref<1x80x64xf32, #tpu.memory_space<vmem>> -> memref<80x64xf32, #tpu.memory_space<vmem>>
        %dma_wait3A_371 = arith.constant 0 : i32
        %dma_wait3A_372 = arith.constant 0 : i32
        %dma_wait3A_373 = tpu.memref_slice %arg2[%dma_wait3A_371, %dma_wait3A_372] : memref<10000x64xf32, #tpu.memory_space<hbm>> -> memref<80x64xf32, #tpu.memory_space<hbm>>
        %dma_wait3A_374 = arith.constant 0 : i32
        %dma_wait3A_375 = arith.constant 0 : i32
        %dma_wait3A_376 = tpu.memref_slice %arg8[%dma_wait3A_366, %dma_wait3A_374, %dma_wait3A_375] : memref<5x80x64xf32, #tpu.memory_space<vmem>> -> memref<1x80x64xf32, #tpu.memory_space<vmem>>
        %dma_wait3A_377 = tpu.memref_squeeze %dma_wait3A_376 : memref<1x80x64xf32, #tpu.memory_space<vmem>> -> memref<80x64xf32, #tpu.memory_space<vmem>>
        %dma_wait3A_378 = arith.constant 0 : i32
        %dma_wait3A_379 = arith.constant 0 : i32
        %dma_wait3A_380 = tpu.memref_slice %arg2[%dma_wait3A_378, %dma_wait3A_379] : memref<10000x64xf32, #tpu.memory_space<hbm>> -> memref<80x64xf32, #tpu.memory_space<hbm>>
        tpu.wait_dma2 semaphore(%arg18 : memref<!tpu.dma_semaphore, #tpu.memory_space<semaphore_mem>>) src(%dma_wait3A_380 : memref<80x64xf32, #tpu.memory_space<hbm>>) dst(%dma_wait3A_377 : memref<80x64xf32, #tpu.memory_space<vmem>>)
        %add3A_381 = arith.constant 1 : i32
        %add3A_382 = arith.addi %scan3A_189, %add3A_381 : i32
        %mul3A_383 = arith.constant 5 : i32
        %mul3A_384 = arith.muli %add3A_382, %mul3A_383 : i32
        %add3A_385 = arith.constant 1 : i32
        %add3A_386 = arith.addi %mul3A_384, %add3A_385 : i32
        %dma_start3A_387 = arith.constant 1 : i32
        %dma_start3A_388 = arith.constant 0 : i32
        %dma_start3A_389 = arith.constant 0 : i32
        %dma_start3A_390 = tpu.memref_slice %arg8[%dma_start3A_387, %dma_start3A_388, %dma_start3A_389] : memref<5x80x64xf32, #tpu.memory_space<vmem>> -> memref<1x80x64xf32, #tpu.memory_space<vmem>>
        %dma_start3A_391 = tpu.memref_squeeze %dma_start3A_390 : memref<1x80x64xf32, #tpu.memory_space<vmem>> -> memref<80x64xf32, #tpu.memory_space<vmem>>
        %dma_start3A_392 = arith.constant 0 : i32
        %dma_start3A_393 = tpu.memref_slice %arg6[%add3A_386, %dma_start3A_392] : memref<125x80xi32, #tpu.memory_space<vmem>> -> memref<1x80xi32, #tpu.memory_space<vmem>>
        %dma_start3A_394 = tpu.memref_squeeze %dma_start3A_393 : memref<1x80xi32, #tpu.memory_space<vmem>> -> memref<80xi32, #tpu.memory_space<vmem>>
        %dma_start3A_395 = arith.constant 0 : i32
        %dma_start3A_396 = arith.constant 0 : i32
        %dma_start3A_397 = tpu.memref_slice %arg2[%dma_start3A_395, %dma_start3A_396] : memref<10000x64xf32, #tpu.memory_space<hbm>> -> memref<10000x64xf32, #tpu.memory_space<hbm>>
        tpu.enqueue_indirect_dma source(%dma_start3A_397 : memref<10000x64xf32, #tpu.memory_space<hbm>>) target(%dma_start3A_391 : memref<80x64xf32, #tpu.memory_space<vmem>>) offsets(%dma_start3A_394 : memref<80xi32, #tpu.memory_space<vmem>>) semaphore(%arg13 : memref<!tpu.dma_semaphore, #tpu.memory_space<semaphore_mem>>)
      } else {
      }
      %add3A_344 = arith.constant 1 : i32
      %add3A_345 = arith.addi %scan3A_189, %add3A_344 : i32
      %lt3A_346 = arith.constant 25 : i32
      %lt3A_347 = arith.cmpi slt, %add3A_345, %lt3A_346 : i32
      %convert_element_type3A_348 = arith.extui %lt3A_347 : i1 to i32
      %cond3A_349 = arith.constant 0 : i32
      %cond3A_350 = arith.cmpi ne, %convert_element_type3A_348, %cond3A_349 : i32
      scf.if %cond3A_350 {
        %dma_wait3A_366 = arith.constant 2 : i32
        %dma_wait3A_367 = arith.constant 0 : i32
        %dma_wait3A_368 = arith.constant 0 : i32
        %dma_wait3A_369 = tpu.memref_slice %arg8[%dma_wait3A_366, %dma_wait3A_367, %dma_wait3A_368] : memref<5x80x64xf32, #tpu.memory_space<vmem>> -> memref<1x80x64xf32, #tpu.memory_space<vmem>>
        %dma_wait3A_370 = tpu.memref_squeeze %dma_wait3A_369 : memref<1x80x64xf32, #tpu.memory_space<vmem>> -> memref<80x64xf32, #tpu.memory_space<vmem>>
        %dma_wait3A_371 = arith.constant 0 : i32
        %dma_wait3A_372 = arith.constant 0 : i32
        %dma_wait3A_373 = tpu.memref_slice %arg2[%dma_wait3A_371, %dma_wait3A_372] : memref<10000x64xf32, #tpu.memory_space<hbm>> -> memref<80x64xf32, #tpu.memory_space<hbm>>
        %dma_wait3A_374 = arith.constant 0 : i32
        %dma_wait3A_375 = arith.constant 0 : i32
        %dma_wait3A_376 = tpu.memref_slice %arg8[%dma_wait3A_366, %dma_wait3A_374, %dma_wait3A_375] : memref<5x80x64xf32, #tpu.memory_space<vmem>> -> memref<1x80x64xf32, #tpu.memory_space<vmem>>
        %dma_wait3A_377 = tpu.memref_squeeze %dma_wait3A_376 : memref<1x80x64xf32, #tpu.memory_space<vmem>> -> memref<80x64xf32, #tpu.memory_space<vmem>>
        %dma_wait3A_378 = arith.constant 0 : i32
        %dma_wait3A_379 = arith.constant 0 : i32
        %dma_wait3A_380 = tpu.memref_slice %arg2[%dma_wait3A_378, %dma_wait3A_379] : memref<10000x64xf32, #tpu.memory_space<hbm>> -> memref<80x64xf32, #tpu.memory_space<hbm>>
        tpu.wait_dma2 semaphore(%arg19 : memref<!tpu.dma_semaphore, #tpu.memory_space<semaphore_mem>>) src(%dma_wait3A_380 : memref<80x64xf32, #tpu.memory_space<hbm>>) dst(%dma_wait3A_377 : memref<80x64xf32, #tpu.memory_space<vmem>>)
        %add3A_381 = arith.constant 1 : i32
        %add3A_382 = arith.addi %scan3A_189, %add3A_381 : i32
        %mul3A_383 = arith.constant 5 : i32
        %mul3A_384 = arith.muli %add3A_382, %mul3A_383 : i32
        %add3A_385 = arith.constant 2 : i32
        %add3A_386 = arith.addi %mul3A_384, %add3A_385 : i32
        %dma_start3A_387 = arith.constant 2 : i32
        %dma_start3A_388 = arith.constant 0 : i32
        %dma_start3A_389 = arith.constant 0 : i32
        %dma_start3A_390 = tpu.memref_slice %arg8[%dma_start3A_387, %dma_start3A_388, %dma_start3A_389] : memref<5x80x64xf32, #tpu.memory_space<vmem>> -> memref<1x80x64xf32, #tpu.memory_space<vmem>>
        %dma_start3A_391 = tpu.memref_squeeze %dma_start3A_390 : memref<1x80x64xf32, #tpu.memory_space<vmem>> -> memref<80x64xf32, #tpu.memory_space<vmem>>
        %dma_start3A_392 = arith.constant 0 : i32
        %dma_start3A_393 = tpu.memref_slice %arg6[%add3A_386, %dma_start3A_392] : memref<125x80xi32, #tpu.memory_space<vmem>> -> memref<1x80xi32, #tpu.memory_space<vmem>>
        %dma_start3A_394 = tpu.memref_squeeze %dma_start3A_393 : memref<1x80xi32, #tpu.memory_space<vmem>> -> memref<80xi32, #tpu.memory_space<vmem>>
        %dma_start3A_395 = arith.constant 0 : i32
        %dma_start3A_396 = arith.constant 0 : i32
        %dma_start3A_397 = tpu.memref_slice %arg2[%dma_start3A_395, %dma_start3A_396] : memref<10000x64xf32, #tpu.memory_space<hbm>> -> memref<10000x64xf32, #tpu.memory_space<hbm>>
        tpu.enqueue_indirect_dma source(%dma_start3A_397 : memref<10000x64xf32, #tpu.memory_space<hbm>>) target(%dma_start3A_391 : memref<80x64xf32, #tpu.memory_space<vmem>>) offsets(%dma_start3A_394 : memref<80xi32, #tpu.memory_space<vmem>>) semaphore(%arg14 : memref<!tpu.dma_semaphore, #tpu.memory_space<semaphore_mem>>)
      } else {
      }
      %add3A_351 = arith.constant 1 : i32
      %add3A_352 = arith.addi %scan3A_189, %add3A_351 : i32
      %lt3A_353 = arith.constant 25 : i32
      %lt3A_354 = arith.cmpi slt, %add3A_352, %lt3A_353 : i32
      %convert_element_type3A_355 = arith.extui %lt3A_354 : i1 to i32
      %cond3A_356 = arith.constant 0 : i32
      %cond3A_357 = arith.cmpi ne, %convert_element_type3A_355, %cond3A_356 : i32
      scf.if %cond3A_357 {
        %dma_wait3A_366 = arith.constant 3 : i32
        %dma_wait3A_367 = arith.constant 0 : i32
        %dma_wait3A_368 = arith.constant 0 : i32
        %dma_wait3A_369 = tpu.memref_slice %arg8[%dma_wait3A_366, %dma_wait3A_367, %dma_wait3A_368] : memref<5x80x64xf32, #tpu.memory_space<vmem>> -> memref<1x80x64xf32, #tpu.memory_space<vmem>>
        %dma_wait3A_370 = tpu.memref_squeeze %dma_wait3A_369 : memref<1x80x64xf32, #tpu.memory_space<vmem>> -> memref<80x64xf32, #tpu.memory_space<vmem>>
        %dma_wait3A_371 = arith.constant 0 : i32
        %dma_wait3A_372 = arith.constant 0 : i32
        %dma_wait3A_373 = tpu.memref_slice %arg2[%dma_wait3A_371, %dma_wait3A_372] : memref<10000x64xf32, #tpu.memory_space<hbm>> -> memref<80x64xf32, #tpu.memory_space<hbm>>
        %dma_wait3A_374 = arith.constant 0 : i32
        %dma_wait3A_375 = arith.constant 0 : i32
        %dma_wait3A_376 = tpu.memref_slice %arg8[%dma_wait3A_366, %dma_wait3A_374, %dma_wait3A_375] : memref<5x80x64xf32, #tpu.memory_space<vmem>> -> memref<1x80x64xf32, #tpu.memory_space<vmem>>
        %dma_wait3A_377 = tpu.memref_squeeze %dma_wait3A_376 : memref<1x80x64xf32, #tpu.memory_space<vmem>> -> memref<80x64xf32, #tpu.memory_space<vmem>>
        %dma_wait3A_378 = arith.constant 0 : i32
        %dma_wait3A_379 = arith.constant 0 : i32
        %dma_wait3A_380 = tpu.memref_slice %arg2[%dma_wait3A_378, %dma_wait3A_379] : memref<10000x64xf32, #tpu.memory_space<hbm>> -> memref<80x64xf32, #tpu.memory_space<hbm>>
        tpu.wait_dma2 semaphore(%arg20 : memref<!tpu.dma_semaphore, #tpu.memory_space<semaphore_mem>>) src(%dma_wait3A_380 : memref<80x64xf32, #tpu.memory_space<hbm>>) dst(%dma_wait3A_377 : memref<80x64xf32, #tpu.memory_space<vmem>>)
        %add3A_381 = arith.constant 1 : i32
        %add3A_382 = arith.addi %scan3A_189, %add3A_381 : i32
        %mul3A_383 = arith.constant 5 : i32
        %mul3A_384 = arith.muli %add3A_382, %mul3A_383 : i32
        %add3A_385 = arith.constant 3 : i32
        %add3A_386 = arith.addi %mul3A_384, %add3A_385 : i32
        %dma_start3A_387 = arith.constant 3 : i32
        %dma_start3A_388 = arith.constant 0 : i32
        %dma_start3A_389 = arith.constant 0 : i32
        %dma_start3A_390 = tpu.memref_slice %arg8[%dma_start3A_387, %dma_start3A_388, %dma_start3A_389] : memref<5x80x64xf32, #tpu.memory_space<vmem>> -> memref<1x80x64xf32, #tpu.memory_space<vmem>>
        %dma_start3A_391 = tpu.memref_squeeze %dma_start3A_390 : memref<1x80x64xf32, #tpu.memory_space<vmem>> -> memref<80x64xf32, #tpu.memory_space<vmem>>
        %dma_start3A_392 = arith.constant 0 : i32
        %dma_start3A_393 = tpu.memref_slice %arg6[%add3A_386, %dma_start3A_392] : memref<125x80xi32, #tpu.memory_space<vmem>> -> memref<1x80xi32, #tpu.memory_space<vmem>>
        %dma_start3A_394 = tpu.memref_squeeze %dma_start3A_393 : memref<1x80xi32, #tpu.memory_space<vmem>> -> memref<80xi32, #tpu.memory_space<vmem>>
        %dma_start3A_395 = arith.constant 0 : i32
        %dma_start3A_396 = arith.constant 0 : i32
        %dma_start3A_397 = tpu.memref_slice %arg2[%dma_start3A_395, %dma_start3A_396] : memref<10000x64xf32, #tpu.memory_space<hbm>> -> memref<10000x64xf32, #tpu.memory_space<hbm>>
        tpu.enqueue_indirect_dma source(%dma_start3A_397 : memref<10000x64xf32, #tpu.memory_space<hbm>>) target(%dma_start3A_391 : memref<80x64xf32, #tpu.memory_space<vmem>>) offsets(%dma_start3A_394 : memref<80xi32, #tpu.memory_space<vmem>>) semaphore(%arg15 : memref<!tpu.dma_semaphore, #tpu.memory_space<semaphore_mem>>)
      } else {
      }
      %add3A_358 = arith.constant 1 : i32
      %add3A_359 = arith.addi %scan3A_189, %add3A_358 : i32
      %lt3A_360 = arith.constant 25 : i32
      %lt3A_361 = arith.cmpi slt, %add3A_359, %lt3A_360 : i32
      %convert_element_type3A_362 = arith.extui %lt3A_361 : i1 to i32
      %cond3A_363 = arith.constant 0 : i32
      %cond3A_364 = arith.cmpi ne, %convert_element_type3A_362, %cond3A_363 : i32
      scf.if %cond3A_364 {
        %dma_wait3A_366 = arith.constant 4 : i32
        %dma_wait3A_367 = arith.constant 0 : i32
        %dma_wait3A_368 = arith.constant 0 : i32
        %dma_wait3A_369 = tpu.memref_slice %arg8[%dma_wait3A_366, %dma_wait3A_367, %dma_wait3A_368] : memref<5x80x64xf32, #tpu.memory_space<vmem>> -> memref<1x80x64xf32, #tpu.memory_space<vmem>>
        %dma_wait3A_370 = tpu.memref_squeeze %dma_wait3A_369 : memref<1x80x64xf32, #tpu.memory_space<vmem>> -> memref<80x64xf32, #tpu.memory_space<vmem>>
        %dma_wait3A_371 = arith.constant 0 : i32
        %dma_wait3A_372 = arith.constant 0 : i32
        %dma_wait3A_373 = tpu.memref_slice %arg2[%dma_wait3A_371, %dma_wait3A_372] : memref<10000x64xf32, #tpu.memory_space<hbm>> -> memref<80x64xf32, #tpu.memory_space<hbm>>
        %dma_wait3A_374 = arith.constant 0 : i32
        %dma_wait3A_375 = arith.constant 0 : i32
        %dma_wait3A_376 = tpu.memref_slice %arg8[%dma_wait3A_366, %dma_wait3A_374, %dma_wait3A_375] : memref<5x80x64xf32, #tpu.memory_space<vmem>> -> memref<1x80x64xf32, #tpu.memory_space<vmem>>
        %dma_wait3A_377 = tpu.memref_squeeze %dma_wait3A_376 : memref<1x80x64xf32, #tpu.memory_space<vmem>> -> memref<80x64xf32, #tpu.memory_space<vmem>>
        %dma_wait3A_378 = arith.constant 0 : i32
        %dma_wait3A_379 = arith.constant 0 : i32
        %dma_wait3A_380 = tpu.memref_slice %arg2[%dma_wait3A_378, %dma_wait3A_379] : memref<10000x64xf32, #tpu.memory_space<hbm>> -> memref<80x64xf32, #tpu.memory_space<hbm>>
        tpu.wait_dma2 semaphore(%arg21 : memref<!tpu.dma_semaphore, #tpu.memory_space<semaphore_mem>>) src(%dma_wait3A_380 : memref<80x64xf32, #tpu.memory_space<hbm>>) dst(%dma_wait3A_377 : memref<80x64xf32, #tpu.memory_space<vmem>>)
        %add3A_381 = arith.constant 1 : i32
        %add3A_382 = arith.addi %scan3A_189, %add3A_381 : i32
        %mul3A_383 = arith.constant 5 : i32
        %mul3A_384 = arith.muli %add3A_382, %mul3A_383 : i32
        %add3A_385 = arith.constant 4 : i32
        %add3A_386 = arith.addi %mul3A_384, %add3A_385 : i32
        %dma_start3A_387 = arith.constant 4 : i32
        %dma_start3A_388 = arith.constant 0 : i32
        %dma_start3A_389 = arith.constant 0 : i32
        %dma_start3A_390 = tpu.memref_slice %arg8[%dma_start3A_387, %dma_start3A_388, %dma_start3A_389] : memref<5x80x64xf32, #tpu.memory_space<vmem>> -> memref<1x80x64xf32, #tpu.memory_space<vmem>>
        %dma_start3A_391 = tpu.memref_squeeze %dma_start3A_390 : memref<1x80x64xf32, #tpu.memory_space<vmem>> -> memref<80x64xf32, #tpu.memory_space<vmem>>
        %dma_start3A_392 = arith.constant 0 : i32
        %dma_start3A_393 = tpu.memref_slice %arg6[%add3A_386, %dma_start3A_392] : memref<125x80xi32, #tpu.memory_space<vmem>> -> memref<1x80xi32, #tpu.memory_space<vmem>>
        %dma_start3A_394 = tpu.memref_squeeze %dma_start3A_393 : memref<1x80xi32, #tpu.memory_space<vmem>> -> memref<80xi32, #tpu.memory_space<vmem>>
        %dma_start3A_395 = arith.constant 0 : i32
        %dma_start3A_396 = arith.constant 0 : i32
        %dma_start3A_397 = tpu.memref_slice %arg2[%dma_start3A_395, %dma_start3A_396] : memref<10000x64xf32, #tpu.memory_space<hbm>> -> memref<10000x64xf32, #tpu.memory_space<hbm>>
        tpu.enqueue_indirect_dma source(%dma_start3A_397 : memref<10000x64xf32, #tpu.memory_space<hbm>>) target(%dma_start3A_391 : memref<80x64xf32, #tpu.memory_space<vmem>>) offsets(%dma_start3A_394 : memref<80xi32, #tpu.memory_space<vmem>>) semaphore(%arg16 : memref<!tpu.dma_semaphore, #tpu.memory_space<semaphore_mem>>)
      } else {
      }
      %scan3A_365 = arith.constant 0 : i32
      scf.yield %scan3A_365 : i32
    }
    %scan3A_110 = arith.constant 25 : i32
    %dma_wait3A_111 = arith.constant 0 : i32
    %dma_wait3A_112 = arith.constant 0 : i32
    %dma_wait3A_113 = arith.constant 0 : i32
    %dma_wait3A_114 = tpu.memref_slice %arg8[%dma_wait3A_111, %dma_wait3A_112, %dma_wait3A_113] : memref<5x80x64xf32, #tpu.memory_space<vmem>> -> memref<1x80x64xf32, #tpu.memory_space<vmem>>
    %dma_wait3A_115 = tpu.memref_squeeze %dma_wait3A_114 : memref<1x80x64xf32, #tpu.memory_space<vmem>> -> memref<80x64xf32, #tpu.memory_space<vmem>>
    %dma_wait3A_116 = arith.constant 0 : i32
    %dma_wait3A_117 = arith.constant 0 : i32
    %dma_wait3A_118 = tpu.memref_slice %arg2[%dma_wait3A_116, %dma_wait3A_117] : memref<10000x64xf32, #tpu.memory_space<hbm>> -> memref<80x64xf32, #tpu.memory_space<hbm>>
    %dma_wait3A_119 = arith.constant 0 : i32
    %dma_wait3A_120 = arith.constant 0 : i32
    %dma_wait3A_121 = tpu.memref_slice %arg8[%dma_wait3A_111, %dma_wait3A_119, %dma_wait3A_120] : memref<5x80x64xf32, #tpu.memory_space<vmem>> -> memref<1x80x64xf32, #tpu.memory_space<vmem>>
    %dma_wait3A_122 = tpu.memref_squeeze %dma_wait3A_121 : memref<1x80x64xf32, #tpu.memory_space<vmem>> -> memref<80x64xf32, #tpu.memory_space<vmem>>
    %dma_wait3A_123 = arith.constant 0 : i32
    %dma_wait3A_124 = arith.constant 0 : i32
    %dma_wait3A_125 = tpu.memref_slice %arg2[%dma_wait3A_123, %dma_wait3A_124] : memref<10000x64xf32, #tpu.memory_space<hbm>> -> memref<80x64xf32, #tpu.memory_space<hbm>>
    tpu.wait_dma2 semaphore(%arg17 : memref<!tpu.dma_semaphore, #tpu.memory_space<semaphore_mem>>) src(%dma_wait3A_125 : memref<80x64xf32, #tpu.memory_space<hbm>>) dst(%dma_wait3A_122 : memref<80x64xf32, #tpu.memory_space<vmem>>)
    %dma_wait3A_126 = arith.constant 1 : i32
    %dma_wait3A_127 = arith.constant 0 : i32
    %dma_wait3A_128 = arith.constant 0 : i32
    %dma_wait3A_129 = tpu.memref_slice %arg8[%dma_wait3A_126, %dma_wait3A_127, %dma_wait3A_128] : memref<5x80x64xf32, #tpu.memory_space<vmem>> -> memref<1x80x64xf32, #tpu.memory_space<vmem>>
    %dma_wait3A_130 = tpu.memref_squeeze %dma_wait3A_129 : memref<1x80x64xf32, #tpu.memory_space<vmem>> -> memref<80x64xf32, #tpu.memory_space<vmem>>
    %dma_wait3A_131 = arith.constant 0 : i32
    %dma_wait3A_132 = arith.constant 0 : i32
    %dma_wait3A_133 = tpu.memref_slice %arg2[%dma_wait3A_131, %dma_wait3A_132] : memref<10000x64xf32, #tpu.memory_space<hbm>> -> memref<80x64xf32, #tpu.memory_space<hbm>>
    %dma_wait3A_134 = arith.constant 0 : i32
    %dma_wait3A_135 = arith.constant 0 : i32
    %dma_wait3A_136 = tpu.memref_slice %arg8[%dma_wait3A_126, %dma_wait3A_134, %dma_wait3A_135] : memref<5x80x64xf32, #tpu.memory_space<vmem>> -> memref<1x80x64xf32, #tpu.memory_space<vmem>>
    %dma_wait3A_137 = tpu.memref_squeeze %dma_wait3A_136 : memref<1x80x64xf32, #tpu.memory_space<vmem>> -> memref<80x64xf32, #tpu.memory_space<vmem>>
    %dma_wait3A_138 = arith.constant 0 : i32
    %dma_wait3A_139 = arith.constant 0 : i32
    %dma_wait3A_140 = tpu.memref_slice %arg2[%dma_wait3A_138, %dma_wait3A_139] : memref<10000x64xf32, #tpu.memory_space<hbm>> -> memref<80x64xf32, #tpu.memory_space<hbm>>
    tpu.wait_dma2 semaphore(%arg18 : memref<!tpu.dma_semaphore, #tpu.memory_space<semaphore_mem>>) src(%dma_wait3A_140 : memref<80x64xf32, #tpu.memory_space<hbm>>) dst(%dma_wait3A_137 : memref<80x64xf32, #tpu.memory_space<vmem>>)
    %dma_wait3A_141 = arith.constant 2 : i32
    %dma_wait3A_142 = arith.constant 0 : i32
    %dma_wait3A_143 = arith.constant 0 : i32
    %dma_wait3A_144 = tpu.memref_slice %arg8[%dma_wait3A_141, %dma_wait3A_142, %dma_wait3A_143] : memref<5x80x64xf32, #tpu.memory_space<vmem>> -> memref<1x80x64xf32, #tpu.memory_space<vmem>>
    %dma_wait3A_145 = tpu.memref_squeeze %dma_wait3A_144 : memref<1x80x64xf32, #tpu.memory_space<vmem>> -> memref<80x64xf32, #tpu.memory_space<vmem>>
    %dma_wait3A_146 = arith.constant 0 : i32
    %dma_wait3A_147 = arith.constant 0 : i32
    %dma_wait3A_148 = tpu.memref_slice %arg2[%dma_wait3A_146, %dma_wait3A_147] : memref<10000x64xf32, #tpu.memory_space<hbm>> -> memref<80x64xf32, #tpu.memory_space<hbm>>
    %dma_wait3A_149 = arith.constant 0 : i32
    %dma_wait3A_150 = arith.constant 0 : i32
    %dma_wait3A_151 = tpu.memref_slice %arg8[%dma_wait3A_141, %dma_wait3A_149, %dma_wait3A_150] : memref<5x80x64xf32, #tpu.memory_space<vmem>> -> memref<1x80x64xf32, #tpu.memory_space<vmem>>
    %dma_wait3A_152 = tpu.memref_squeeze %dma_wait3A_151 : memref<1x80x64xf32, #tpu.memory_space<vmem>> -> memref<80x64xf32, #tpu.memory_space<vmem>>
    %dma_wait3A_153 = arith.constant 0 : i32
    %dma_wait3A_154 = arith.constant 0 : i32
    %dma_wait3A_155 = tpu.memref_slice %arg2[%dma_wait3A_153, %dma_wait3A_154] : memref<10000x64xf32, #tpu.memory_space<hbm>> -> memref<80x64xf32, #tpu.memory_space<hbm>>
    tpu.wait_dma2 semaphore(%arg19 : memref<!tpu.dma_semaphore, #tpu.memory_space<semaphore_mem>>) src(%dma_wait3A_155 : memref<80x64xf32, #tpu.memory_space<hbm>>) dst(%dma_wait3A_152 : memref<80x64xf32, #tpu.memory_space<vmem>>)
    %dma_wait3A_156 = arith.constant 3 : i32
    %dma_wait3A_157 = arith.constant 0 : i32
    %dma_wait3A_158 = arith.constant 0 : i32
    %dma_wait3A_159 = tpu.memref_slice %arg8[%dma_wait3A_156, %dma_wait3A_157, %dma_wait3A_158] : memref<5x80x64xf32, #tpu.memory_space<vmem>> -> memref<1x80x64xf32, #tpu.memory_space<vmem>>
    %dma_wait3A_160 = tpu.memref_squeeze %dma_wait3A_159 : memref<1x80x64xf32, #tpu.memory_space<vmem>> -> memref<80x64xf32, #tpu.memory_space<vmem>>
    %dma_wait3A_161 = arith.constant 0 : i32
    %dma_wait3A_162 = arith.constant 0 : i32
    %dma_wait3A_163 = tpu.memref_slice %arg2[%dma_wait3A_161, %dma_wait3A_162] : memref<10000x64xf32, #tpu.memory_space<hbm>> -> memref<80x64xf32, #tpu.memory_space<hbm>>
    %dma_wait3A_164 = arith.constant 0 : i32
    %dma_wait3A_165 = arith.constant 0 : i32
    %dma_wait3A_166 = tpu.memref_slice %arg8[%dma_wait3A_156, %dma_wait3A_164, %dma_wait3A_165] : memref<5x80x64xf32, #tpu.memory_space<vmem>> -> memref<1x80x64xf32, #tpu.memory_space<vmem>>
    %dma_wait3A_167 = tpu.memref_squeeze %dma_wait3A_166 : memref<1x80x64xf32, #tpu.memory_space<vmem>> -> memref<80x64xf32, #tpu.memory_space<vmem>>
    %dma_wait3A_168 = arith.constant 0 : i32
    %dma_wait3A_169 = arith.constant 0 : i32
    %dma_wait3A_170 = tpu.memref_slice %arg2[%dma_wait3A_168, %dma_wait3A_169] : memref<10000x64xf32, #tpu.memory_space<hbm>> -> memref<80x64xf32, #tpu.memory_space<hbm>>
    tpu.wait_dma2 semaphore(%arg20 : memref<!tpu.dma_semaphore, #tpu.memory_space<semaphore_mem>>) src(%dma_wait3A_170 : memref<80x64xf32, #tpu.memory_space<hbm>>) dst(%dma_wait3A_167 : memref<80x64xf32, #tpu.memory_space<vmem>>)
    %dma_wait3A_171 = arith.constant 4 : i32
    %dma_wait3A_172 = arith.constant 0 : i32
    %dma_wait3A_173 = arith.constant 0 : i32
    %dma_wait3A_174 = tpu.memref_slice %arg8[%dma_wait3A_171, %dma_wait3A_172, %dma_wait3A_173] : memref<5x80x64xf32, #tpu.memory_space<vmem>> -> memref<1x80x64xf32, #tpu.memory_space<vmem>>
    %dma_wait3A_175 = tpu.memref_squeeze %dma_wait3A_174 : memref<1x80x64xf32, #tpu.memory_space<vmem>> -> memref<80x64xf32, #tpu.memory_space<vmem>>
    %dma_wait3A_176 = arith.constant 0 : i32
    %dma_wait3A_177 = arith.constant 0 : i32
    %dma_wait3A_178 = tpu.memref_slice %arg2[%dma_wait3A_176, %dma_wait3A_177] : memref<10000x64xf32, #tpu.memory_space<hbm>> -> memref<80x64xf32, #tpu.memory_space<hbm>>
    %dma_wait3A_179 = arith.constant 0 : i32
    %dma_wait3A_180 = arith.constant 0 : i32
    %dma_wait3A_181 = tpu.memref_slice %arg8[%dma_wait3A_171, %dma_wait3A_179, %dma_wait3A_180] : memref<5x80x64xf32, #tpu.memory_space<vmem>> -> memref<1x80x64xf32, #tpu.memory_space<vmem>>
    %dma_wait3A_182 = tpu.memref_squeeze %dma_wait3A_181 : memref<1x80x64xf32, #tpu.memory_space<vmem>> -> memref<80x64xf32, #tpu.memory_space<vmem>>
    %dma_wait3A_183 = arith.constant 0 : i32
    %dma_wait3A_184 = arith.constant 0 : i32
    %dma_wait3A_185 = tpu.memref_slice %arg2[%dma_wait3A_183, %dma_wait3A_184] : memref<10000x64xf32, #tpu.memory_space<hbm>> -> memref<80x64xf32, #tpu.memory_space<hbm>>
    tpu.wait_dma2 semaphore(%arg21 : memref<!tpu.dma_semaphore, #tpu.memory_space<semaphore_mem>>) src(%dma_wait3A_185 : memref<80x64xf32, #tpu.memory_space<hbm>>) dst(%dma_wait3A_182 : memref<80x64xf32, #tpu.memory_space<vmem>>)
    %barrier3A_186 = arith.constant 0 : index
    tpu.barrier barrier_id(%barrier3A_186)
    %mul3A_187 = arith.constant 640 : i32
    %mul3A_188 = arith.muli %arg1, %mul3A_187 : i32
    "tpu.region"() ({
      %run_scoped3A = tpu.sem_alloc : memref<!tpu.dma_semaphore, #tpu.memory_space<semaphore_mem>>
      %dma_start3A_189 = arith.constant 0 : i32
      %dma_start3A_190 = arith.constant 0 : i32
      %dma_start3A_191 = tpu.memref_slice %arg5[%arg0, %arg1, %dma_start3A_189, %dma_start3A_190] : memref<2x16x640x64xf32, #tpu.memory_space<hbm>> -> memref<1x1x640x64xf32, #tpu.memory_space<hbm>>
      %dma_start3A_192 = tpu.memref_squeeze %dma_start3A_191 : memref<1x1x640x64xf32, #tpu.memory_space<hbm>> -> memref<640x64xf32, #tpu.memory_space<hbm>>
      %dma_start3A_193 = arith.constant 0 : i32
      %dma_start3A_194 = tpu.memref_slice %arg9[%mul3A_188, %dma_start3A_193] : memref<10240x64xf32, #tpu.memory_space<vmem_shared>> -> memref<640x64xf32, #tpu.memory_space<vmem_shared>>
      tpu.enqueue_dma source(%dma_start3A_194 : memref<640x64xf32, #tpu.memory_space<vmem_shared>>) target(%dma_start3A_192 : memref<640x64xf32, #tpu.memory_space<hbm>>) target_semaphore(%run_scoped3A : memref<!tpu.dma_semaphore, #tpu.memory_space<semaphore_mem>>)
      %dma_wait3A_195 = arith.constant 0 : i32
      %dma_wait3A_196 = arith.constant 0 : i32
      %dma_wait3A_197 = tpu.memref_slice %arg5[%arg0, %arg1, %dma_wait3A_195, %dma_wait3A_196] : memref<2x16x640x64xf32, #tpu.memory_space<hbm>> -> memref<1x1x640x64xf32, #tpu.memory_space<hbm>>
      %dma_wait3A_198 = tpu.memref_squeeze %dma_wait3A_197 : memref<1x1x640x64xf32, #tpu.memory_space<hbm>> -> memref<640x64xf32, #tpu.memory_space<hbm>>
      %dma_wait3A_199 = arith.constant 0 : i32
      %dma_wait3A_200 = tpu.memref_slice %arg9[%mul3A_188, %dma_wait3A_199] : memref<10240x64xf32, #tpu.memory_space<vmem_shared>> -> memref<640x64xf32, #tpu.memory_space<vmem_shared>>
      tpu.wait_dma2 semaphore(%run_scoped3A : memref<!tpu.dma_semaphore, #tpu.memory_space<semaphore_mem>>) src(%dma_wait3A_200 : memref<640x64xf32, #tpu.memory_space<vmem_shared>>) dst(%dma_wait3A_198 : memref<640x64xf32, #tpu.memory_space<hbm>>)
      tpu.yield
    }) : () -> ()
    return
  }
}

#map = affine_map<(d0, d1) -> (0, 0)>
#map1 = affine_map<(d0, d1) -> (0, 0, 0, 0)>
module attributes {stable_mosaic.version = 14 : i64} {
  func.func @edge_kernel(%arg0: i32, %arg1: i32, %arg2: memref<10000x64xf32, #tpu.memory_space<hbm>>, %arg3: memref<2x32x125x80xi32, #tpu.memory_space<hbm>>, %arg4: memref<640x64xf32, #tpu.memory_space<hbm>>, %arg5: memref<2x16x640x64xf32, #tpu.memory_space<hbm>>, %arg6: memref<125x80xi32, #tpu.memory_space<vmem>>, %arg7: memref<125x80xi32, #tpu.memory_space<vmem>>, %arg8: memref<5x80x64xf32, #tpu.memory_space<vmem>>, %arg9: memref<10240x64xf32, #tpu.memory_space<vmem_shared>>, %arg10: memref<!tpu.dma_semaphore, #tpu.memory_space<semaphore_mem>>, %arg11: memref<!tpu.dma_semaphore, #tpu.memory_space<semaphore_mem>>, %arg12: memref<!tpu.dma_semaphore, #tpu.memory_space<semaphore_mem>>, %arg13: memref<!tpu.dma_semaphore, #tpu.memory_space<semaphore_mem>>, %arg14: memref<!tpu.dma_semaphore, #tpu.memory_space<semaphore_mem>>, %arg15: memref<!tpu.dma_semaphore, #tpu.memory_space<semaphore_mem>>, %arg16: memref<!tpu.dma_semaphore, #tpu.memory_space<semaphore_mem>>, %arg17: memref<!tpu.dma_semaphore, #tpu.memory_space<semaphore_mem>>, %arg18: memref<!tpu.dma_semaphore, #tpu.memory_space<semaphore_mem>>, %arg19: memref<!tpu.dma_semaphore, #tpu.memory_space<semaphore_mem>>, %arg20: memref<!tpu.dma_semaphore, #tpu.memory_space<semaphore_mem>>, %arg21: memref<!tpu.dma_semaphore, #tpu.memory_space<semaphore_mem>>) attributes {dimension_semantics = [#tpu.dimension_semantics<core_parallel>, #tpu.dimension_semantics<subcore_parallel>], iteration_bounds = array<i64: 2, 16>, scalar_prefetch = 0 : i64, scratch_operands = 16 : i64, tpu.core_type = #tpu.core_type<sc_vector_subcore>, window_params = [{transform_indices = #map}, {transform_indices = #map1}, {transform_indices = #map}, {transform_indices = #map1}]} {
    %mul3A = arith.constant 2 : i32
    %mul3A_0 = arith.muli %arg1, %mul3A : i32
    %add3A = arith.addi %mul3A_0, %arg0 : i32
    %dma_start3A = arith.constant 0 : i32
    %dma_start3A_1 = arith.constant 0 : i32
    %dma_start3A_2 = arith.constant 0 : i32
    %dma_start3A_3 = tpu.memref_slice %arg3[%dma_start3A, %add3A, %dma_start3A_1, %dma_start3A_2] : memref<2x32x125x80xi32, #tpu.memory_space<hbm>> -> memref<1x1x125x80xi32, #tpu.memory_space<hbm>>
    %dma_start3A_4 = tpu.memref_squeeze %dma_start3A_3 : memref<1x1x125x80xi32, #tpu.memory_space<hbm>> -> memref<125x80xi32, #tpu.memory_space<hbm>>
    %dma_start3A_5 = arith.constant 0 : i32
    %dma_start3A_6 = arith.constant 0 : i32
    %dma_start3A_7 = tpu.memref_slice %arg3[%dma_start3A, %add3A, %dma_start3A_5, %dma_start3A_6] : memref<2x32x125x80xi32, #tpu.memory_space<hbm>> -> memref<1x1x125x80xi32, #tpu.memory_space<hbm>>
    %dma_start3A_8 = tpu.memref_squeeze %dma_start3A_7 : memref<1x1x125x80xi32, #tpu.memory_space<hbm>> -> memref<125x80xi32, #tpu.memory_space<hbm>>
    tpu.enqueue_dma source(%dma_start3A_8 : memref<125x80xi32, #tpu.memory_space<hbm>>) target(%arg6 : memref<125x80xi32, #tpu.memory_space<vmem>>) target_semaphore(%arg10 : memref<!tpu.dma_semaphore, #tpu.memory_space<semaphore_mem>>)
    %dma_start3A_9 = arith.constant 1 : i32
    %dma_start3A_10 = arith.constant 0 : i32
    %dma_start3A_11 = arith.constant 0 : i32
    %dma_start3A_12 = tpu.memref_slice %arg3[%dma_start3A_9, %add3A, %dma_start3A_10, %dma_start3A_11] : memref<2x32x125x80xi32, #tpu.memory_space<hbm>> -> memref<1x1x125x80xi32, #tpu.memory_space<hbm>>
    %dma_start3A_13 = tpu.memref_squeeze %dma_start3A_12 : memref<1x1x125x80xi32, #tpu.memory_space<hbm>> -> memref<125x80xi32, #tpu.memory_space<hbm>>
    %dma_start3A_14 = arith.constant 0 : i32
    %dma_start3A_15 = arith.constant 0 : i32
    %dma_start3A_16 = tpu.memref_slice %arg3[%dma_start3A_9, %add3A, %dma_start3A_14, %dma_start3A_15] : memref<2x32x125x80xi32, #tpu.memory_space<hbm>> -> memref<1x1x125x80xi32, #tpu.memory_space<hbm>>
    %dma_start3A_17 = tpu.memref_squeeze %dma_start3A_16 : memref<1x1x125x80xi32, #tpu.memory_space<hbm>> -> memref<125x80xi32, #tpu.memory_space<hbm>>
    tpu.enqueue_dma source(%dma_start3A_17 : memref<125x80xi32, #tpu.memory_space<hbm>>) target(%arg7 : memref<125x80xi32, #tpu.memory_space<vmem>>) target_semaphore(%arg10 : memref<!tpu.dma_semaphore, #tpu.memory_space<semaphore_mem>>)
    %mul3A_18 = arith.constant 640 : i32
    %mul3A_19 = arith.muli %arg1, %mul3A_18 : i32
    %dma_start3A_20 = arith.constant 0 : i32
    %dma_start3A_21 = tpu.memref_slice %arg9[%mul3A_19, %dma_start3A_20] : memref<10240x64xf32, #tpu.memory_space<vmem_shared>> -> memref<640x64xf32, #tpu.memory_space<vmem_shared>>
    tpu.enqueue_dma source(%arg4 : memref<640x64xf32, #tpu.memory_space<hbm>>) target(%dma_start3A_21 : memref<640x64xf32, #tpu.memory_space<vmem_shared>>) target_semaphore(%arg11 : memref<!tpu.dma_semaphore, #tpu.memory_space<semaphore_mem>>)
    %dma_wait3A = arith.constant 0 : i32
    %dma_wait3A_22 = arith.constant 0 : i32
    %dma_wait3A_23 = arith.constant 0 : i32
    %dma_wait3A_24 = arith.constant 0 : i32
    %dma_wait3A_25 = tpu.memref_slice %arg3[%dma_wait3A, %dma_wait3A_22, %dma_wait3A_23, %dma_wait3A_24] : memref<2x32x125x80xi32, #tpu.memory_space<hbm>> -> memref<1x1x125x80xi32, #tpu.memory_space<hbm>>
    %dma_wait3A_26 = tpu.memref_squeeze %dma_wait3A_25 : memref<1x1x125x80xi32, #tpu.memory_space<hbm>> -> memref<125x80xi32, #tpu.memory_space<hbm>>
    %dma_wait3A_27 = arith.constant 0 : i32
    %dma_wait3A_28 = arith.constant 0 : i32
    %dma_wait3A_29 = tpu.memref_slice %arg3[%dma_wait3A, %dma_wait3A_22, %dma_wait3A_27, %dma_wait3A_28] : memref<2x32x125x80xi32, #tpu.memory_space<hbm>> -> memref<1x1x125x80xi32, #tpu.memory_space<hbm>>
    %dma_wait3A_30 = tpu.memref_squeeze %dma_wait3A_29 : memref<1x1x125x80xi32, #tpu.memory_space<hbm>> -> memref<125x80xi32, #tpu.memory_space<hbm>>
    tpu.wait_dma2 semaphore(%arg10 : memref<!tpu.dma_semaphore, #tpu.memory_space<semaphore_mem>>) src(%dma_wait3A_30 : memref<125x80xi32, #tpu.memory_space<hbm>>) dst(%arg6 : memref<125x80xi32, #tpu.memory_space<vmem>>)
    %dma_wait3A_31 = arith.constant 0 : i32
    %dma_wait3A_32 = arith.constant 0 : i32
    %dma_wait3A_33 = arith.constant 0 : i32
    %dma_wait3A_34 = arith.constant 0 : i32
    %dma_wait3A_35 = tpu.memref_slice %arg3[%dma_wait3A_31, %dma_wait3A_32, %dma_wait3A_33, %dma_wait3A_34] : memref<2x32x125x80xi32, #tpu.memory_space<hbm>> -> memref<1x1x125x80xi32, #tpu.memory_space<hbm>>
    %dma_wait3A_36 = tpu.memref_squeeze %dma_wait3A_35 : memref<1x1x125x80xi32, #tpu.memory_space<hbm>> -> memref<125x80xi32, #tpu.memory_space<hbm>>
    %dma_wait3A_37 = arith.constant 0 : i32
    %dma_wait3A_38 = arith.constant 0 : i32
    %dma_wait3A_39 = tpu.memref_slice %arg3[%dma_wait3A_31, %dma_wait3A_32, %dma_wait3A_37, %dma_wait3A_38] : memref<2x32x125x80xi32, #tpu.memory_space<hbm>> -> memref<1x1x125x80xi32, #tpu.memory_space<hbm>>
    %dma_wait3A_40 = tpu.memref_squeeze %dma_wait3A_39 : memref<1x1x125x80xi32, #tpu.memory_space<hbm>> -> memref<125x80xi32, #tpu.memory_space<hbm>>
    tpu.wait_dma2 semaphore(%arg10 : memref<!tpu.dma_semaphore, #tpu.memory_space<semaphore_mem>>) src(%dma_wait3A_40 : memref<125x80xi32, #tpu.memory_space<hbm>>) dst(%arg7 : memref<125x80xi32, #tpu.memory_space<vmem>>)
    %dma_start3A_41 = arith.constant 0 : i32
    %dma_start3A_42 = arith.constant 0 : i32
    %dma_start3A_43 = arith.constant 0 : i32
    %dma_start3A_44 = arith.constant 0 : i32
    %dma_start3A_45 = tpu.memref_slice %arg8[%dma_start3A_42, %dma_start3A_43, %dma_start3A_44] : memref<5x80x64xf32, #tpu.memory_space<vmem>> -> memref<1x80x64xf32, #tpu.memory_space<vmem>>
    %dma_start3A_46 = tpu.memref_squeeze %dma_start3A_45 : memref<1x80x64xf32, #tpu.memory_space<vmem>> -> memref<80x64xf32, #tpu.memory_space<vmem>>
    %dma_start3A_47 = arith.constant 0 : i32
    %dma_start3A_48 = tpu.memref_slice %arg6[%dma_start3A_41, %dma_start3A_47] : memref<125x80xi32, #tpu.memory_space<vmem>> -> memref<1x80xi32, #tpu.memory_space<vmem>>
    %dma_start3A_49 = tpu.memref_squeeze %dma_start3A_48 : memref<1x80xi32, #tpu.memory_space<vmem>> -> memref<80xi32, #tpu.memory_space<vmem>>
    %dma_start3A_50 = arith.constant 0 : i32
    %dma_start3A_51 = arith.constant 0 : i32
    %dma_start3A_52 = tpu.memref_slice %arg2[%dma_start3A_50, %dma_start3A_51] : memref<10000x64xf32, #tpu.memory_space<hbm>> -> memref<10000x64xf32, #tpu.memory_space<hbm>>
    tpu.enqueue_indirect_dma source(%dma_start3A_52 : memref<10000x64xf32, #tpu.memory_space<hbm>>) target(%dma_start3A_46 : memref<80x64xf32, #tpu.memory_space<vmem>>) offsets(%dma_start3A_49 : memref<80xi32, #tpu.memory_space<vmem>>) semaphore(%arg12 : memref<!tpu.dma_semaphore, #tpu.memory_space<semaphore_mem>>)
    %dma_start3A_53 = arith.constant 1 : i32
    %dma_start3A_54 = arith.constant 1 : i32
    %dma_start3A_55 = arith.constant 0 : i32
    %dma_start3A_56 = arith.constant 0 : i32
    %dma_start3A_57 = tpu.memref_slice %arg8[%dma_start3A_54, %dma_start3A_55, %dma_start3A_56] : memref<5x80x64xf32, #tpu.memory_space<vmem>> -> memref<1x80x64xf32, #tpu.memory_space<vmem>>
    %dma_start3A_58 = tpu.memref_squeeze %dma_start3A_57 : memref<1x80x64xf32, #tpu.memory_space<vmem>> -> memref<80x64xf32, #tpu.memory_space<vmem>>
    %dma_start3A_59 = arith.constant 0 : i32
    %dma_start3A_60 = tpu.memref_slice %arg6[%dma_start3A_53, %dma_start3A_59] : memref<125x80xi32, #tpu.memory_space<vmem>> -> memref<1x80xi32, #tpu.memory_space<vmem>>
    %dma_start3A_61 = tpu.memref_squeeze %dma_start3A_60 : memref<1x80xi32, #tpu.memory_space<vmem>> -> memref<80xi32, #tpu.memory_space<vmem>>
    %dma_start3A_62 = arith.constant 0 : i32
    %dma_start3A_63 = arith.constant 0 : i32
    %dma_start3A_64 = tpu.memref_slice %arg2[%dma_start3A_62, %dma_start3A_63] : memref<10000x64xf32, #tpu.memory_space<hbm>> -> memref<10000x64xf32, #tpu.memory_space<hbm>>
    tpu.enqueue_indirect_dma source(%dma_start3A_64 : memref<10000x64xf32, #tpu.memory_space<hbm>>) target(%dma_start3A_58 : memref<80x64xf32, #tpu.memory_space<vmem>>) offsets(%dma_start3A_61 : memref<80xi32, #tpu.memory_space<vmem>>) semaphore(%arg13 : memref<!tpu.dma_semaphore, #tpu.memory_space<semaphore_mem>>)
    %dma_start3A_65 = arith.constant 2 : i32
    %dma_start3A_66 = arith.constant 2 : i32
    %dma_start3A_67 = arith.constant 0 : i32
    %dma_start3A_68 = arith.constant 0 : i32
    %dma_start3A_69 = tpu.memref_slice %arg8[%dma_start3A_66, %dma_start3A_67, %dma_start3A_68] : memref<5x80x64xf32, #tpu.memory_space<vmem>> -> memref<1x80x64xf32, #tpu.memory_space<vmem>>
    %dma_start3A_70 = tpu.memref_squeeze %dma_start3A_69 : memref<1x80x64xf32, #tpu.memory_space<vmem>> -> memref<80x64xf32, #tpu.memory_space<vmem>>
    %dma_start3A_71 = arith.constant 0 : i32
    %dma_start3A_72 = tpu.memref_slice %arg6[%dma_start3A_65, %dma_start3A_71] : memref<125x80xi32, #tpu.memory_space<vmem>> -> memref<1x80xi32, #tpu.memory_space<vmem>>
    %dma_start3A_73 = tpu.memref_squeeze %dma_start3A_72 : memref<1x80xi32, #tpu.memory_space<vmem>> -> memref<80xi32, #tpu.memory_space<vmem>>
    %dma_start3A_74 = arith.constant 0 : i32
    %dma_start3A_75 = arith.constant 0 : i32
    %dma_start3A_76 = tpu.memref_slice %arg2[%dma_start3A_74, %dma_start3A_75] : memref<10000x64xf32, #tpu.memory_space<hbm>> -> memref<10000x64xf32, #tpu.memory_space<hbm>>
    tpu.enqueue_indirect_dma source(%dma_start3A_76 : memref<10000x64xf32, #tpu.memory_space<hbm>>) target(%dma_start3A_70 : memref<80x64xf32, #tpu.memory_space<vmem>>) offsets(%dma_start3A_73 : memref<80xi32, #tpu.memory_space<vmem>>) semaphore(%arg14 : memref<!tpu.dma_semaphore, #tpu.memory_space<semaphore_mem>>)
    %dma_start3A_77 = arith.constant 3 : i32
    %dma_start3A_78 = arith.constant 3 : i32
    %dma_start3A_79 = arith.constant 0 : i32
    %dma_start3A_80 = arith.constant 0 : i32
    %dma_start3A_81 = tpu.memref_slice %arg8[%dma_start3A_78, %dma_start3A_79, %dma_start3A_80] : memref<5x80x64xf32, #tpu.memory_space<vmem>> -> memref<1x80x64xf32, #tpu.memory_space<vmem>>
    %dma_start3A_82 = tpu.memref_squeeze %dma_start3A_81 : memref<1x80x64xf32, #tpu.memory_space<vmem>> -> memref<80x64xf32, #tpu.memory_space<vmem>>
    %dma_start3A_83 = arith.constant 0 : i32
    %dma_start3A_84 = tpu.memref_slice %arg6[%dma_start3A_77, %dma_start3A_83] : memref<125x80xi32, #tpu.memory_space<vmem>> -> memref<1x80xi32, #tpu.memory_space<vmem>>
    %dma_start3A_85 = tpu.memref_squeeze %dma_start3A_84 : memref<1x80xi32, #tpu.memory_space<vmem>> -> memref<80xi32, #tpu.memory_space<vmem>>
    %dma_start3A_86 = arith.constant 0 : i32
    %dma_start3A_87 = arith.constant 0 : i32
    %dma_start3A_88 = tpu.memref_slice %arg2[%dma_start3A_86, %dma_start3A_87] : memref<10000x64xf32, #tpu.memory_space<hbm>> -> memref<10000x64xf32, #tpu.memory_space<hbm>>
    tpu.enqueue_indirect_dma source(%dma_start3A_88 : memref<10000x64xf32, #tpu.memory_space<hbm>>) target(%dma_start3A_82 : memref<80x64xf32, #tpu.memory_space<vmem>>) offsets(%dma_start3A_85 : memref<80xi32, #tpu.memory_space<vmem>>) semaphore(%arg15 : memref<!tpu.dma_semaphore, #tpu.memory_space<semaphore_mem>>)
    %dma_start3A_89 = arith.constant 4 : i32
    %dma_start3A_90 = arith.constant 4 : i32
    %dma_start3A_91 = arith.constant 0 : i32
    %dma_start3A_92 = arith.constant 0 : i32
    %dma_start3A_93 = tpu.memref_slice %arg8[%dma_start3A_90, %dma_start3A_91, %dma_start3A_92] : memref<5x80x64xf32, #tpu.memory_space<vmem>> -> memref<1x80x64xf32, #tpu.memory_space<vmem>>
    %dma_start3A_94 = tpu.memref_squeeze %dma_start3A_93 : memref<1x80x64xf32, #tpu.memory_space<vmem>> -> memref<80x64xf32, #tpu.memory_space<vmem>>
    %dma_start3A_95 = arith.constant 0 : i32
    %dma_start3A_96 = tpu.memref_slice %arg6[%dma_start3A_89, %dma_start3A_95] : memref<125x80xi32, #tpu.memory_space<vmem>> -> memref<1x80xi32, #tpu.memory_space<vmem>>
    %dma_start3A_97 = tpu.memref_squeeze %dma_start3A_96 : memref<1x80xi32, #tpu.memory_space<vmem>> -> memref<80xi32, #tpu.memory_space<vmem>>
    %dma_start3A_98 = arith.constant 0 : i32
    %dma_start3A_99 = arith.constant 0 : i32
    %dma_start3A_100 = tpu.memref_slice %arg2[%dma_start3A_98, %dma_start3A_99] : memref<10000x64xf32, #tpu.memory_space<hbm>> -> memref<10000x64xf32, #tpu.memory_space<hbm>>
    tpu.enqueue_indirect_dma source(%dma_start3A_100 : memref<10000x64xf32, #tpu.memory_space<hbm>>) target(%dma_start3A_94 : memref<80x64xf32, #tpu.memory_space<vmem>>) offsets(%dma_start3A_97 : memref<80xi32, #tpu.memory_space<vmem>>) semaphore(%arg16 : memref<!tpu.dma_semaphore, #tpu.memory_space<semaphore_mem>>)
    %mul3A_101 = arith.constant 640 : i32
    %mul3A_102 = arith.muli %arg1, %mul3A_101 : i32
    %dma_wait3A_103 = arith.constant 0 : i32
    %dma_wait3A_104 = tpu.memref_slice %arg9[%mul3A_102, %dma_wait3A_103] : memref<10240x64xf32, #tpu.memory_space<vmem_shared>> -> memref<640x64xf32, #tpu.memory_space<vmem_shared>>
    tpu.wait_dma2 semaphore(%arg11 : memref<!tpu.dma_semaphore, #tpu.memory_space<semaphore_mem>>) src(%arg4 : memref<640x64xf32, #tpu.memory_space<hbm>>) dst(%dma_wait3A_104 : memref<640x64xf32, #tpu.memory_space<vmem_shared>>)
    %barrier3A = arith.constant 0 : index
    tpu.barrier barrier_id(%barrier3A)
    %scan3A = arith.constant 0 : i32
    %scan3A_105 = arith.constant 0 : i32
    %scan3A_106 = arith.constant 25 : i32
    %scan3A_107 = arith.addi %scan3A_105, %scan3A_106 : i32
    %scan3A_108 = arith.constant 1 : i32
    %scan3A_109 = scf.for %scan3A_189 = %scan3A_105 to %scan3A_107 step %scan3A_108 iter_args(%scan3A_190 = %scan3A) -> (i32)  : i32 {
      %mul3A_191 = arith.constant 5 : i32
      %mul3A_192 = arith.muli %scan3A_189, %mul3A_191 : i32
      %dma_wait3A_193 = arith.constant 0 : i32
      %dma_wait3A_194 = arith.constant 0 : i32
      %dma_wait3A_195 = arith.constant 0 : i32
      %dma_wait3A_196 = tpu.memref_slice %arg8[%dma_wait3A_193, %dma_wait3A_194, %dma_wait3A_195] : memref<5x80x64xf32, #tpu.memory_space<vmem>> -> memref<1x80x64xf32, #tpu.memory_space<vmem>>
      %dma_wait3A_197 = tpu.memref_squeeze %dma_wait3A_196 : memref<1x80x64xf32, #tpu.memory_space<vmem>> -> memref<80x64xf32, #tpu.memory_space<vmem>>
      %dma_wait3A_198 = arith.constant 0 : i32
      %dma_wait3A_199 = arith.constant 0 : i32
      %dma_wait3A_200 = tpu.memref_slice %arg2[%dma_wait3A_198, %dma_wait3A_199] : memref<10000x64xf32, #tpu.memory_space<hbm>> -> memref<80x64xf32, #tpu.memory_space<hbm>>
      %dma_wait3A_201 = arith.constant 0 : i32
      %dma_wait3A_202 = arith.constant 0 : i32
      %dma_wait3A_203 = tpu.memref_slice %arg8[%dma_wait3A_193, %dma_wait3A_201, %dma_wait3A_202] : memref<5x80x64xf32, #tpu.memory_space<vmem>> -> memref<1x80x64xf32, #tpu.memory_space<vmem>>
      %dma_wait3A_204 = tpu.memref_squeeze %dma_wait3A_203 : memref<1x80x64xf32, #tpu.memory_space<vmem>> -> memref<80x64xf32, #tpu.memory_space<vmem>>
      %dma_wait3A_205 = arith.constant 0 : i32
      %dma_wait3A_206 = arith.constant 0 : i32
      %dma_wait3A_207 = tpu.memref_slice %arg2[%dma_wait3A_205, %dma_wait3A_206] : memref<10000x64xf32, #tpu.memory_space<hbm>> -> memref<80x64xf32, #tpu.memory_space<hbm>>
      tpu.wait_dma2 semaphore(%arg12 : memref<!tpu.dma_semaphore, #tpu.memory_space<semaphore_mem>>) src(%dma_wait3A_207 : memref<80x64xf32, #tpu.memory_space<hbm>>) dst(%dma_wait3A_204 : memref<80x64xf32, #tpu.memory_space<vmem>>)
      %add3A_208 = arith.constant 0 : i32
      %add3A_209 = arith.addi %mul3A_192, %add3A_208 : i32
      %dma_start3A_210 = arith.constant 0 : i32
      %dma_start3A_211 = arith.constant 0 : i32
      %dma_start3A_212 = arith.constant 0 : i32
      %dma_start3A_213 = tpu.memref_slice %arg8[%dma_start3A_210, %dma_start3A_211, %dma_start3A_212] : memref<5x80x64xf32, #tpu.memory_space<vmem>> -> memref<1x80x64xf32, #tpu.memory_space<vmem>>
      %dma_start3A_214 = tpu.memref_squeeze %dma_start3A_213 : memref<1x80x64xf32, #tpu.memory_space<vmem>> -> memref<80x64xf32, #tpu.memory_space<vmem>>
      %dma_start3A_215 = arith.constant 0 : i32
      %dma_start3A_216 = tpu.memref_slice %arg7[%add3A_209, %dma_start3A_215] : memref<125x80xi32, #tpu.memory_space<vmem>> -> memref<1x80xi32, #tpu.memory_space<vmem>>
      %dma_start3A_217 = tpu.memref_squeeze %dma_start3A_216 : memref<1x80xi32, #tpu.memory_space<vmem>> -> memref<80xi32, #tpu.memory_space<vmem>>
      %dma_start3A_218 = arith.constant 0 : i32
      %dma_start3A_219 = arith.constant 0 : i32
      %dma_start3A_220 = tpu.memref_slice %arg9[%dma_start3A_218, %dma_start3A_219] : memref<10240x64xf32, #tpu.memory_space<vmem_shared>> -> memref<10240x64xf32, #tpu.memory_space<vmem_shared>>
      tpu.enqueue_indirect_dma source(%dma_start3A_214 : memref<80x64xf32, #tpu.memory_space<vmem>>) target(%dma_start3A_220 : memref<10240x64xf32, #tpu.memory_space<vmem_shared>>) offsets(%dma_start3A_217 : memref<80xi32, #tpu.memory_space<vmem>>) semaphore(%arg17 : memref<!tpu.dma_semaphore, #tpu.memory_space<semaphore_mem>>) {add = true}
      %dma_wait3A_221 = arith.constant 1 : i32
      %dma_wait3A_222 = arith.constant 0 : i32
      %dma_wait3A_223 = arith.constant 0 : i32
      %dma_wait3A_224 = tpu.memref_slice %arg8[%dma_wait3A_221, %dma_wait3A_222, %dma_wait3A_223] : memref<5x80x64xf32, #tpu.memory_space<vmem>> -> memref<1x80x64xf32, #tpu.memory_space<vmem>>
      %dma_wait3A_225 = tpu.memref_squeeze %dma_wait3A_224 : memref<1x80x64xf32, #tpu.memory_space<vmem>> -> memref<80x64xf32, #tpu.memory_space<vmem>>
      %dma_wait3A_226 = arith.constant 0 : i32
      %dma_wait3A_227 = arith.constant 0 : i32
      %dma_wait3A_228 = tpu.memref_slice %arg2[%dma_wait3A_226, %dma_wait3A_227] : memref<10000x64xf32, #tpu.memory_space<hbm>> -> memref<80x64xf32, #tpu.memory_space<hbm>>
      %dma_wait3A_229 = arith.constant 0 : i32
      %dma_wait3A_230 = arith.constant 0 : i32
      %dma_wait3A_231 = tpu.memref_slice %arg8[%dma_wait3A_221, %dma_wait3A_229, %dma_wait3A_230] : memref<5x80x64xf32, #tpu.memory_space<vmem>> -> memref<1x80x64xf32, #tpu.memory_space<vmem>>
      %dma_wait3A_232 = tpu.memref_squeeze %dma_wait3A_231 : memref<1x80x64xf32, #tpu.memory_space<vmem>> -> memref<80x64xf32, #tpu.memory_space<vmem>>
      %dma_wait3A_233 = arith.constant 0 : i32
      %dma_wait3A_234 = arith.constant 0 : i32
      %dma_wait3A_235 = tpu.memref_slice %arg2[%dma_wait3A_233, %dma_wait3A_234] : memref<10000x64xf32, #tpu.memory_space<hbm>> -> memref<80x64xf32, #tpu.memory_space<hbm>>
      tpu.wait_dma2 semaphore(%arg13 : memref<!tpu.dma_semaphore, #tpu.memory_space<semaphore_mem>>) src(%dma_wait3A_235 : memref<80x64xf32, #tpu.memory_space<hbm>>) dst(%dma_wait3A_232 : memref<80x64xf32, #tpu.memory_space<vmem>>)
      %add3A_236 = arith.constant 1 : i32
      %add3A_237 = arith.addi %mul3A_192, %add3A_236 : i32
      %dma_start3A_238 = arith.constant 1 : i32
      %dma_start3A_239 = arith.constant 0 : i32
      %dma_start3A_240 = arith.constant 0 : i32
      %dma_start3A_241 = tpu.memref_slice %arg8[%dma_start3A_238, %dma_start3A_239, %dma_start3A_240] : memref<5x80x64xf32, #tpu.memory_space<vmem>> -> memref<1x80x64xf32, #tpu.memory_space<vmem>>
      %dma_start3A_242 = tpu.memref_squeeze %dma_start3A_241 : memref<1x80x64xf32, #tpu.memory_space<vmem>> -> memref<80x64xf32, #tpu.memory_space<vmem>>
      %dma_start3A_243 = arith.constant 0 : i32
      %dma_start3A_244 = tpu.memref_slice %arg7[%add3A_237, %dma_start3A_243] : memref<125x80xi32, #tpu.memory_space<vmem>> -> memref<1x80xi32, #tpu.memory_space<vmem>>
      %dma_start3A_245 = tpu.memref_squeeze %dma_start3A_244 : memref<1x80xi32, #tpu.memory_space<vmem>> -> memref<80xi32, #tpu.memory_space<vmem>>
      %dma_start3A_246 = arith.constant 0 : i32
      %dma_start3A_247 = arith.constant 0 : i32
      %dma_start3A_248 = tpu.memref_slice %arg9[%dma_start3A_246, %dma_start3A_247] : memref<10240x64xf32, #tpu.memory_space<vmem_shared>> -> memref<10240x64xf32, #tpu.memory_space<vmem_shared>>
      tpu.enqueue_indirect_dma source(%dma_start3A_242 : memref<80x64xf32, #tpu.memory_space<vmem>>) target(%dma_start3A_248 : memref<10240x64xf32, #tpu.memory_space<vmem_shared>>) offsets(%dma_start3A_245 : memref<80xi32, #tpu.memory_space<vmem>>) semaphore(%arg18 : memref<!tpu.dma_semaphore, #tpu.memory_space<semaphore_mem>>) {add = true}
      %dma_wait3A_249 = arith.constant 2 : i32
      %dma_wait3A_250 = arith.constant 0 : i32
      %dma_wait3A_251 = arith.constant 0 : i32
      %dma_wait3A_252 = tpu.memref_slice %arg8[%dma_wait3A_249, %dma_wait3A_250, %dma_wait3A_251] : memref<5x80x64xf32, #tpu.memory_space<vmem>> -> memref<1x80x64xf32, #tpu.memory_space<vmem>>
      %dma_wait3A_253 = tpu.memref_squeeze %dma_wait3A_252 : memref<1x80x64xf32, #tpu.memory_space<vmem>> -> memref<80x64xf32, #tpu.memory_space<vmem>>
      %dma_wait3A_254 = arith.constant 0 : i32
      %dma_wait3A_255 = arith.constant 0 : i32
      %dma_wait3A_256 = tpu.memref_slice %arg2[%dma_wait3A_254, %dma_wait3A_255] : memref<10000x64xf32, #tpu.memory_space<hbm>> -> memref<80x64xf32, #tpu.memory_space<hbm>>
      %dma_wait3A_257 = arith.constant 0 : i32
      %dma_wait3A_258 = arith.constant 0 : i32
      %dma_wait3A_259 = tpu.memref_slice %arg8[%dma_wait3A_249, %dma_wait3A_257, %dma_wait3A_258] : memref<5x80x64xf32, #tpu.memory_space<vmem>> -> memref<1x80x64xf32, #tpu.memory_space<vmem>>
      %dma_wait3A_260 = tpu.memref_squeeze %dma_wait3A_259 : memref<1x80x64xf32, #tpu.memory_space<vmem>> -> memref<80x64xf32, #tpu.memory_space<vmem>>
      %dma_wait3A_261 = arith.constant 0 : i32
      %dma_wait3A_262 = arith.constant 0 : i32
      %dma_wait3A_263 = tpu.memref_slice %arg2[%dma_wait3A_261, %dma_wait3A_262] : memref<10000x64xf32, #tpu.memory_space<hbm>> -> memref<80x64xf32, #tpu.memory_space<hbm>>
      tpu.wait_dma2 semaphore(%arg14 : memref<!tpu.dma_semaphore, #tpu.memory_space<semaphore_mem>>) src(%dma_wait3A_263 : memref<80x64xf32, #tpu.memory_space<hbm>>) dst(%dma_wait3A_260 : memref<80x64xf32, #tpu.memory_space<vmem>>)
      %add3A_264 = arith.constant 2 : i32
      %add3A_265 = arith.addi %mul3A_192, %add3A_264 : i32
      %dma_start3A_266 = arith.constant 2 : i32
      %dma_start3A_267 = arith.constant 0 : i32
      %dma_start3A_268 = arith.constant 0 : i32
      %dma_start3A_269 = tpu.memref_slice %arg8[%dma_start3A_266, %dma_start3A_267, %dma_start3A_268] : memref<5x80x64xf32, #tpu.memory_space<vmem>> -> memref<1x80x64xf32, #tpu.memory_space<vmem>>
      %dma_start3A_270 = tpu.memref_squeeze %dma_start3A_269 : memref<1x80x64xf32, #tpu.memory_space<vmem>> -> memref<80x64xf32, #tpu.memory_space<vmem>>
      %dma_start3A_271 = arith.constant 0 : i32
      %dma_start3A_272 = tpu.memref_slice %arg7[%add3A_265, %dma_start3A_271] : memref<125x80xi32, #tpu.memory_space<vmem>> -> memref<1x80xi32, #tpu.memory_space<vmem>>
      %dma_start3A_273 = tpu.memref_squeeze %dma_start3A_272 : memref<1x80xi32, #tpu.memory_space<vmem>> -> memref<80xi32, #tpu.memory_space<vmem>>
      %dma_start3A_274 = arith.constant 0 : i32
      %dma_start3A_275 = arith.constant 0 : i32
      %dma_start3A_276 = tpu.memref_slice %arg9[%dma_start3A_274, %dma_start3A_275] : memref<10240x64xf32, #tpu.memory_space<vmem_shared>> -> memref<10240x64xf32, #tpu.memory_space<vmem_shared>>
      tpu.enqueue_indirect_dma source(%dma_start3A_270 : memref<80x64xf32, #tpu.memory_space<vmem>>) target(%dma_start3A_276 : memref<10240x64xf32, #tpu.memory_space<vmem_shared>>) offsets(%dma_start3A_273 : memref<80xi32, #tpu.memory_space<vmem>>) semaphore(%arg19 : memref<!tpu.dma_semaphore, #tpu.memory_space<semaphore_mem>>) {add = true}
      %dma_wait3A_277 = arith.constant 3 : i32
      %dma_wait3A_278 = arith.constant 0 : i32
      %dma_wait3A_279 = arith.constant 0 : i32
      %dma_wait3A_280 = tpu.memref_slice %arg8[%dma_wait3A_277, %dma_wait3A_278, %dma_wait3A_279] : memref<5x80x64xf32, #tpu.memory_space<vmem>> -> memref<1x80x64xf32, #tpu.memory_space<vmem>>
      %dma_wait3A_281 = tpu.memref_squeeze %dma_wait3A_280 : memref<1x80x64xf32, #tpu.memory_space<vmem>> -> memref<80x64xf32, #tpu.memory_space<vmem>>
      %dma_wait3A_282 = arith.constant 0 : i32
      %dma_wait3A_283 = arith.constant 0 : i32
      %dma_wait3A_284 = tpu.memref_slice %arg2[%dma_wait3A_282, %dma_wait3A_283] : memref<10000x64xf32, #tpu.memory_space<hbm>> -> memref<80x64xf32, #tpu.memory_space<hbm>>
      %dma_wait3A_285 = arith.constant 0 : i32
      %dma_wait3A_286 = arith.constant 0 : i32
      %dma_wait3A_287 = tpu.memref_slice %arg8[%dma_wait3A_277, %dma_wait3A_285, %dma_wait3A_286] : memref<5x80x64xf32, #tpu.memory_space<vmem>> -> memref<1x80x64xf32, #tpu.memory_space<vmem>>
      %dma_wait3A_288 = tpu.memref_squeeze %dma_wait3A_287 : memref<1x80x64xf32, #tpu.memory_space<vmem>> -> memref<80x64xf32, #tpu.memory_space<vmem>>
      %dma_wait3A_289 = arith.constant 0 : i32
      %dma_wait3A_290 = arith.constant 0 : i32
      %dma_wait3A_291 = tpu.memref_slice %arg2[%dma_wait3A_289, %dma_wait3A_290] : memref<10000x64xf32, #tpu.memory_space<hbm>> -> memref<80x64xf32, #tpu.memory_space<hbm>>
      tpu.wait_dma2 semaphore(%arg15 : memref<!tpu.dma_semaphore, #tpu.memory_space<semaphore_mem>>) src(%dma_wait3A_291 : memref<80x64xf32, #tpu.memory_space<hbm>>) dst(%dma_wait3A_288 : memref<80x64xf32, #tpu.memory_space<vmem>>)
      %add3A_292 = arith.constant 3 : i32
      %add3A_293 = arith.addi %mul3A_192, %add3A_292 : i32
      %dma_start3A_294 = arith.constant 3 : i32
      %dma_start3A_295 = arith.constant 0 : i32
      %dma_start3A_296 = arith.constant 0 : i32
      %dma_start3A_297 = tpu.memref_slice %arg8[%dma_start3A_294, %dma_start3A_295, %dma_start3A_296] : memref<5x80x64xf32, #tpu.memory_space<vmem>> -> memref<1x80x64xf32, #tpu.memory_space<vmem>>
      %dma_start3A_298 = tpu.memref_squeeze %dma_start3A_297 : memref<1x80x64xf32, #tpu.memory_space<vmem>> -> memref<80x64xf32, #tpu.memory_space<vmem>>
      %dma_start3A_299 = arith.constant 0 : i32
      %dma_start3A_300 = tpu.memref_slice %arg7[%add3A_293, %dma_start3A_299] : memref<125x80xi32, #tpu.memory_space<vmem>> -> memref<1x80xi32, #tpu.memory_space<vmem>>
      %dma_start3A_301 = tpu.memref_squeeze %dma_start3A_300 : memref<1x80xi32, #tpu.memory_space<vmem>> -> memref<80xi32, #tpu.memory_space<vmem>>
      %dma_start3A_302 = arith.constant 0 : i32
      %dma_start3A_303 = arith.constant 0 : i32
      %dma_start3A_304 = tpu.memref_slice %arg9[%dma_start3A_302, %dma_start3A_303] : memref<10240x64xf32, #tpu.memory_space<vmem_shared>> -> memref<10240x64xf32, #tpu.memory_space<vmem_shared>>
      tpu.enqueue_indirect_dma source(%dma_start3A_298 : memref<80x64xf32, #tpu.memory_space<vmem>>) target(%dma_start3A_304 : memref<10240x64xf32, #tpu.memory_space<vmem_shared>>) offsets(%dma_start3A_301 : memref<80xi32, #tpu.memory_space<vmem>>) semaphore(%arg20 : memref<!tpu.dma_semaphore, #tpu.memory_space<semaphore_mem>>) {add = true}
      %dma_wait3A_305 = arith.constant 4 : i32
      %dma_wait3A_306 = arith.constant 0 : i32
      %dma_wait3A_307 = arith.constant 0 : i32
      %dma_wait3A_308 = tpu.memref_slice %arg8[%dma_wait3A_305, %dma_wait3A_306, %dma_wait3A_307] : memref<5x80x64xf32, #tpu.memory_space<vmem>> -> memref<1x80x64xf32, #tpu.memory_space<vmem>>
      %dma_wait3A_309 = tpu.memref_squeeze %dma_wait3A_308 : memref<1x80x64xf32, #tpu.memory_space<vmem>> -> memref<80x64xf32, #tpu.memory_space<vmem>>
      %dma_wait3A_310 = arith.constant 0 : i32
      %dma_wait3A_311 = arith.constant 0 : i32
      %dma_wait3A_312 = tpu.memref_slice %arg2[%dma_wait3A_310, %dma_wait3A_311] : memref<10000x64xf32, #tpu.memory_space<hbm>> -> memref<80x64xf32, #tpu.memory_space<hbm>>
      %dma_wait3A_313 = arith.constant 0 : i32
      %dma_wait3A_314 = arith.constant 0 : i32
      %dma_wait3A_315 = tpu.memref_slice %arg8[%dma_wait3A_305, %dma_wait3A_313, %dma_wait3A_314] : memref<5x80x64xf32, #tpu.memory_space<vmem>> -> memref<1x80x64xf32, #tpu.memory_space<vmem>>
      %dma_wait3A_316 = tpu.memref_squeeze %dma_wait3A_315 : memref<1x80x64xf32, #tpu.memory_space<vmem>> -> memref<80x64xf32, #tpu.memory_space<vmem>>
      %dma_wait3A_317 = arith.constant 0 : i32
      %dma_wait3A_318 = arith.constant 0 : i32
      %dma_wait3A_319 = tpu.memref_slice %arg2[%dma_wait3A_317, %dma_wait3A_318] : memref<10000x64xf32, #tpu.memory_space<hbm>> -> memref<80x64xf32, #tpu.memory_space<hbm>>
      tpu.wait_dma2 semaphore(%arg16 : memref<!tpu.dma_semaphore, #tpu.memory_space<semaphore_mem>>) src(%dma_wait3A_319 : memref<80x64xf32, #tpu.memory_space<hbm>>) dst(%dma_wait3A_316 : memref<80x64xf32, #tpu.memory_space<vmem>>)
      %add3A_320 = arith.constant 4 : i32
      %add3A_321 = arith.addi %mul3A_192, %add3A_320 : i32
      %dma_start3A_322 = arith.constant 4 : i32
      %dma_start3A_323 = arith.constant 0 : i32
      %dma_start3A_324 = arith.constant 0 : i32
      %dma_start3A_325 = tpu.memref_slice %arg8[%dma_start3A_322, %dma_start3A_323, %dma_start3A_324] : memref<5x80x64xf32, #tpu.memory_space<vmem>> -> memref<1x80x64xf32, #tpu.memory_space<vmem>>
      %dma_start3A_326 = tpu.memref_squeeze %dma_start3A_325 : memref<1x80x64xf32, #tpu.memory_space<vmem>> -> memref<80x64xf32, #tpu.memory_space<vmem>>
      %dma_start3A_327 = arith.constant 0 : i32
      %dma_start3A_328 = tpu.memref_slice %arg7[%add3A_321, %dma_start3A_327] : memref<125x80xi32, #tpu.memory_space<vmem>> -> memref<1x80xi32, #tpu.memory_space<vmem>>
      %dma_start3A_329 = tpu.memref_squeeze %dma_start3A_328 : memref<1x80xi32, #tpu.memory_space<vmem>> -> memref<80xi32, #tpu.memory_space<vmem>>
      %dma_start3A_330 = arith.constant 0 : i32
      %dma_start3A_331 = arith.constant 0 : i32
      %dma_start3A_332 = tpu.memref_slice %arg9[%dma_start3A_330, %dma_start3A_331] : memref<10240x64xf32, #tpu.memory_space<vmem_shared>> -> memref<10240x64xf32, #tpu.memory_space<vmem_shared>>
      tpu.enqueue_indirect_dma source(%dma_start3A_326 : memref<80x64xf32, #tpu.memory_space<vmem>>) target(%dma_start3A_332 : memref<10240x64xf32, #tpu.memory_space<vmem_shared>>) offsets(%dma_start3A_329 : memref<80xi32, #tpu.memory_space<vmem>>) semaphore(%arg21 : memref<!tpu.dma_semaphore, #tpu.memory_space<semaphore_mem>>) {add = true}
      %add3A_333 = arith.constant 1 : i32
      %add3A_334 = arith.addi %scan3A_189, %add3A_333 : i32
      %lt3A = arith.constant 25 : i32
      %lt3A_335 = arith.cmpi slt, %add3A_334, %lt3A : i32
      %convert_element_type3A = arith.extui %lt3A_335 : i1 to i32
      %cond3A = arith.constant 0 : i32
      %cond3A_336 = arith.cmpi ne, %convert_element_type3A, %cond3A : i32
      scf.if %cond3A_336 {
        %dma_wait3A_366 = arith.constant 0 : i32
        %dma_wait3A_367 = arith.constant 0 : i32
        %dma_wait3A_368 = arith.constant 0 : i32
        %dma_wait3A_369 = tpu.memref_slice %arg8[%dma_wait3A_366, %dma_wait3A_367, %dma_wait3A_368] : memref<5x80x64xf32, #tpu.memory_space<vmem>> -> memref<1x80x64xf32, #tpu.memory_space<vmem>>
        %dma_wait3A_370 = tpu.memref_squeeze %dma_wait3A_369 : memref<1x80x64xf32, #tpu.memory_space<vmem>> -> memref<80x64xf32, #tpu.memory_space<vmem>>
        %dma_wait3A_371 = arith.constant 0 : i32
        %dma_wait3A_372 = arith.constant 0 : i32
        %dma_wait3A_373 = tpu.memref_slice %arg2[%dma_wait3A_371, %dma_wait3A_372] : memref<10000x64xf32, #tpu.memory_space<hbm>> -> memref<80x64xf32, #tpu.memory_space<hbm>>
        %dma_wait3A_374 = arith.constant 0 : i32
        %dma_wait3A_375 = arith.constant 0 : i32
        %dma_wait3A_376 = tpu.memref_slice %arg8[%dma_wait3A_366, %dma_wait3A_374, %dma_wait3A_375] : memref<5x80x64xf32, #tpu.memory_space<vmem>> -> memref<1x80x64xf32, #tpu.memory_space<vmem>>
        %dma_wait3A_377 = tpu.memref_squeeze %dma_wait3A_376 : memref<1x80x64xf32, #tpu.memory_space<vmem>> -> memref<80x64xf32, #tpu.memory_space<vmem>>
        %dma_wait3A_378 = arith.constant 0 : i32
        %dma_wait3A_379 = arith.constant 0 : i32
        %dma_wait3A_380 = tpu.memref_slice %arg2[%dma_wait3A_378, %dma_wait3A_379] : memref<10000x64xf32, #tpu.memory_space<hbm>> -> memref<80x64xf32, #tpu.memory_space<hbm>>
        tpu.wait_dma2 semaphore(%arg17 : memref<!tpu.dma_semaphore, #tpu.memory_space<semaphore_mem>>) src(%dma_wait3A_380 : memref<80x64xf32, #tpu.memory_space<hbm>>) dst(%dma_wait3A_377 : memref<80x64xf32, #tpu.memory_space<vmem>>)
        %add3A_381 = arith.constant 1 : i32
        %add3A_382 = arith.addi %scan3A_189, %add3A_381 : i32
        %mul3A_383 = arith.constant 5 : i32
        %mul3A_384 = arith.muli %add3A_382, %mul3A_383 : i32
        %add3A_385 = arith.constant 0 : i32
        %add3A_386 = arith.addi %mul3A_384, %add3A_385 : i32
        %dma_start3A_387 = arith.constant 0 : i32
        %dma_start3A_388 = arith.constant 0 : i32
        %dma_start3A_389 = arith.constant 0 : i32
        %dma_start3A_390 = tpu.memref_slice %arg8[%dma_start3A_387, %dma_start3A_388, %dma_start3A_389] : memref<5x80x64xf32, #tpu.memory_space<vmem>> -> memref<1x80x64xf32, #tpu.memory_space<vmem>>
        %dma_start3A_391 = tpu.memref_squeeze %dma_start3A_390 : memref<1x80x64xf32, #tpu.memory_space<vmem>> -> memref<80x64xf32, #tpu.memory_space<vmem>>
        %dma_start3A_392 = arith.constant 0 : i32
        %dma_start3A_393 = tpu.memref_slice %arg6[%add3A_386, %dma_start3A_392] : memref<125x80xi32, #tpu.memory_space<vmem>> -> memref<1x80xi32, #tpu.memory_space<vmem>>
        %dma_start3A_394 = tpu.memref_squeeze %dma_start3A_393 : memref<1x80xi32, #tpu.memory_space<vmem>> -> memref<80xi32, #tpu.memory_space<vmem>>
        %dma_start3A_395 = arith.constant 0 : i32
        %dma_start3A_396 = arith.constant 0 : i32
        %dma_start3A_397 = tpu.memref_slice %arg2[%dma_start3A_395, %dma_start3A_396] : memref<10000x64xf32, #tpu.memory_space<hbm>> -> memref<10000x64xf32, #tpu.memory_space<hbm>>
        tpu.enqueue_indirect_dma source(%dma_start3A_397 : memref<10000x64xf32, #tpu.memory_space<hbm>>) target(%dma_start3A_391 : memref<80x64xf32, #tpu.memory_space<vmem>>) offsets(%dma_start3A_394 : memref<80xi32, #tpu.memory_space<vmem>>) semaphore(%arg12 : memref<!tpu.dma_semaphore, #tpu.memory_space<semaphore_mem>>)
      } else {
      }
      %add3A_337 = arith.constant 1 : i32
      %add3A_338 = arith.addi %scan3A_189, %add3A_337 : i32
      %lt3A_339 = arith.constant 25 : i32
      %lt3A_340 = arith.cmpi slt, %add3A_338, %lt3A_339 : i32
      %convert_element_type3A_341 = arith.extui %lt3A_340 : i1 to i32
      %cond3A_342 = arith.constant 0 : i32
      %cond3A_343 = arith.cmpi ne, %convert_element_type3A_341, %cond3A_342 : i32
      scf.if %cond3A_343 {
        %dma_wait3A_366 = arith.constant 1 : i32
        %dma_wait3A_367 = arith.constant 0 : i32
        %dma_wait3A_368 = arith.constant 0 : i32
        %dma_wait3A_369 = tpu.memref_slice %arg8[%dma_wait3A_366, %dma_wait3A_367, %dma_wait3A_368] : memref<5x80x64xf32, #tpu.memory_space<vmem>> -> memref<1x80x64xf32, #tpu.memory_space<vmem>>
        %dma_wait3A_370 = tpu.memref_squeeze %dma_wait3A_369 : memref<1x80x64xf32, #tpu.memory_space<vmem>> -> memref<80x64xf32, #tpu.memory_space<vmem>>
        %dma_wait3A_371 = arith.constant 0 : i32
        %dma_wait3A_372 = arith.constant 0 : i32
        %dma_wait3A_373 = tpu.memref_slice %arg2[%dma_wait3A_371, %dma_wait3A_372] : memref<10000x64xf32, #tpu.memory_space<hbm>> -> memref<80x64xf32, #tpu.memory_space<hbm>>
        %dma_wait3A_374 = arith.constant 0 : i32
        %dma_wait3A_375 = arith.constant 0 : i32
        %dma_wait3A_376 = tpu.memref_slice %arg8[%dma_wait3A_366, %dma_wait3A_374, %dma_wait3A_375] : memref<5x80x64xf32, #tpu.memory_space<vmem>> -> memref<1x80x64xf32, #tpu.memory_space<vmem>>
        %dma_wait3A_377 = tpu.memref_squeeze %dma_wait3A_376 : memref<1x80x64xf32, #tpu.memory_space<vmem>> -> memref<80x64xf32, #tpu.memory_space<vmem>>
        %dma_wait3A_378 = arith.constant 0 : i32
        %dma_wait3A_379 = arith.constant 0 : i32
        %dma_wait3A_380 = tpu.memref_slice %arg2[%dma_wait3A_378, %dma_wait3A_379] : memref<10000x64xf32, #tpu.memory_space<hbm>> -> memref<80x64xf32, #tpu.memory_space<hbm>>
        tpu.wait_dma2 semaphore(%arg18 : memref<!tpu.dma_semaphore, #tpu.memory_space<semaphore_mem>>) src(%dma_wait3A_380 : memref<80x64xf32, #tpu.memory_space<hbm>>) dst(%dma_wait3A_377 : memref<80x64xf32, #tpu.memory_space<vmem>>)
        %add3A_381 = arith.constant 1 : i32
        %add3A_382 = arith.addi %scan3A_189, %add3A_381 : i32
        %mul3A_383 = arith.constant 5 : i32
        %mul3A_384 = arith.muli %add3A_382, %mul3A_383 : i32
        %add3A_385 = arith.constant 1 : i32
        %add3A_386 = arith.addi %mul3A_384, %add3A_385 : i32
        %dma_start3A_387 = arith.constant 1 : i32
        %dma_start3A_388 = arith.constant 0 : i32
        %dma_start3A_389 = arith.constant 0 : i32
        %dma_start3A_390 = tpu.memref_slice %arg8[%dma_start3A_387, %dma_start3A_388, %dma_start3A_389] : memref<5x80x64xf32, #tpu.memory_space<vmem>> -> memref<1x80x64xf32, #tpu.memory_space<vmem>>
        %dma_start3A_391 = tpu.memref_squeeze %dma_start3A_390 : memref<1x80x64xf32, #tpu.memory_space<vmem>> -> memref<80x64xf32, #tpu.memory_space<vmem>>
        %dma_start3A_392 = arith.constant 0 : i32
        %dma_start3A_393 = tpu.memref_slice %arg6[%add3A_386, %dma_start3A_392] : memref<125x80xi32, #tpu.memory_space<vmem>> -> memref<1x80xi32, #tpu.memory_space<vmem>>
        %dma_start3A_394 = tpu.memref_squeeze %dma_start3A_393 : memref<1x80xi32, #tpu.memory_space<vmem>> -> memref<80xi32, #tpu.memory_space<vmem>>
        %dma_start3A_395 = arith.constant 0 : i32
        %dma_start3A_396 = arith.constant 0 : i32
        %dma_start3A_397 = tpu.memref_slice %arg2[%dma_start3A_395, %dma_start3A_396] : memref<10000x64xf32, #tpu.memory_space<hbm>> -> memref<10000x64xf32, #tpu.memory_space<hbm>>
        tpu.enqueue_indirect_dma source(%dma_start3A_397 : memref<10000x64xf32, #tpu.memory_space<hbm>>) target(%dma_start3A_391 : memref<80x64xf32, #tpu.memory_space<vmem>>) offsets(%dma_start3A_394 : memref<80xi32, #tpu.memory_space<vmem>>) semaphore(%arg13 : memref<!tpu.dma_semaphore, #tpu.memory_space<semaphore_mem>>)
      } else {
      }
      %add3A_344 = arith.constant 1 : i32
      %add3A_345 = arith.addi %scan3A_189, %add3A_344 : i32
      %lt3A_346 = arith.constant 25 : i32
      %lt3A_347 = arith.cmpi slt, %add3A_345, %lt3A_346 : i32
      %convert_element_type3A_348 = arith.extui %lt3A_347 : i1 to i32
      %cond3A_349 = arith.constant 0 : i32
      %cond3A_350 = arith.cmpi ne, %convert_element_type3A_348, %cond3A_349 : i32
      scf.if %cond3A_350 {
        %dma_wait3A_366 = arith.constant 2 : i32
        %dma_wait3A_367 = arith.constant 0 : i32
        %dma_wait3A_368 = arith.constant 0 : i32
        %dma_wait3A_369 = tpu.memref_slice %arg8[%dma_wait3A_366, %dma_wait3A_367, %dma_wait3A_368] : memref<5x80x64xf32, #tpu.memory_space<vmem>> -> memref<1x80x64xf32, #tpu.memory_space<vmem>>
        %dma_wait3A_370 = tpu.memref_squeeze %dma_wait3A_369 : memref<1x80x64xf32, #tpu.memory_space<vmem>> -> memref<80x64xf32, #tpu.memory_space<vmem>>
        %dma_wait3A_371 = arith.constant 0 : i32
        %dma_wait3A_372 = arith.constant 0 : i32
        %dma_wait3A_373 = tpu.memref_slice %arg2[%dma_wait3A_371, %dma_wait3A_372] : memref<10000x64xf32, #tpu.memory_space<hbm>> -> memref<80x64xf32, #tpu.memory_space<hbm>>
        %dma_wait3A_374 = arith.constant 0 : i32
        %dma_wait3A_375 = arith.constant 0 : i32
        %dma_wait3A_376 = tpu.memref_slice %arg8[%dma_wait3A_366, %dma_wait3A_374, %dma_wait3A_375] : memref<5x80x64xf32, #tpu.memory_space<vmem>> -> memref<1x80x64xf32, #tpu.memory_space<vmem>>
        %dma_wait3A_377 = tpu.memref_squeeze %dma_wait3A_376 : memref<1x80x64xf32, #tpu.memory_space<vmem>> -> memref<80x64xf32, #tpu.memory_space<vmem>>
        %dma_wait3A_378 = arith.constant 0 : i32
        %dma_wait3A_379 = arith.constant 0 : i32
        %dma_wait3A_380 = tpu.memref_slice %arg2[%dma_wait3A_378, %dma_wait3A_379] : memref<10000x64xf32, #tpu.memory_space<hbm>> -> memref<80x64xf32, #tpu.memory_space<hbm>>
        tpu.wait_dma2 semaphore(%arg19 : memref<!tpu.dma_semaphore, #tpu.memory_space<semaphore_mem>>) src(%dma_wait3A_380 : memref<80x64xf32, #tpu.memory_space<hbm>>) dst(%dma_wait3A_377 : memref<80x64xf32, #tpu.memory_space<vmem>>)
        %add3A_381 = arith.constant 1 : i32
        %add3A_382 = arith.addi %scan3A_189, %add3A_381 : i32
        %mul3A_383 = arith.constant 5 : i32
        %mul3A_384 = arith.muli %add3A_382, %mul3A_383 : i32
        %add3A_385 = arith.constant 2 : i32
        %add3A_386 = arith.addi %mul3A_384, %add3A_385 : i32
        %dma_start3A_387 = arith.constant 2 : i32
        %dma_start3A_388 = arith.constant 0 : i32
        %dma_start3A_389 = arith.constant 0 : i32
        %dma_start3A_390 = tpu.memref_slice %arg8[%dma_start3A_387, %dma_start3A_388, %dma_start3A_389] : memref<5x80x64xf32, #tpu.memory_space<vmem>> -> memref<1x80x64xf32, #tpu.memory_space<vmem>>
        %dma_start3A_391 = tpu.memref_squeeze %dma_start3A_390 : memref<1x80x64xf32, #tpu.memory_space<vmem>> -> memref<80x64xf32, #tpu.memory_space<vmem>>
        %dma_start3A_392 = arith.constant 0 : i32
        %dma_start3A_393 = tpu.memref_slice %arg6[%add3A_386, %dma_start3A_392] : memref<125x80xi32, #tpu.memory_space<vmem>> -> memref<1x80xi32, #tpu.memory_space<vmem>>
        %dma_start3A_394 = tpu.memref_squeeze %dma_start3A_393 : memref<1x80xi32, #tpu.memory_space<vmem>> -> memref<80xi32, #tpu.memory_space<vmem>>
        %dma_start3A_395 = arith.constant 0 : i32
        %dma_start3A_396 = arith.constant 0 : i32
        %dma_start3A_397 = tpu.memref_slice %arg2[%dma_start3A_395, %dma_start3A_396] : memref<10000x64xf32, #tpu.memory_space<hbm>> -> memref<10000x64xf32, #tpu.memory_space<hbm>>
        tpu.enqueue_indirect_dma source(%dma_start3A_397 : memref<10000x64xf32, #tpu.memory_space<hbm>>) target(%dma_start3A_391 : memref<80x64xf32, #tpu.memory_space<vmem>>) offsets(%dma_start3A_394 : memref<80xi32, #tpu.memory_space<vmem>>) semaphore(%arg14 : memref<!tpu.dma_semaphore, #tpu.memory_space<semaphore_mem>>)
      } else {
      }
      %add3A_351 = arith.constant 1 : i32
      %add3A_352 = arith.addi %scan3A_189, %add3A_351 : i32
      %lt3A_353 = arith.constant 25 : i32
      %lt3A_354 = arith.cmpi slt, %add3A_352, %lt3A_353 : i32
      %convert_element_type3A_355 = arith.extui %lt3A_354 : i1 to i32
      %cond3A_356 = arith.constant 0 : i32
      %cond3A_357 = arith.cmpi ne, %convert_element_type3A_355, %cond3A_356 : i32
      scf.if %cond3A_357 {
        %dma_wait3A_366 = arith.constant 3 : i32
        %dma_wait3A_367 = arith.constant 0 : i32
        %dma_wait3A_368 = arith.constant 0 : i32
        %dma_wait3A_369 = tpu.memref_slice %arg8[%dma_wait3A_366, %dma_wait3A_367, %dma_wait3A_368] : memref<5x80x64xf32, #tpu.memory_space<vmem>> -> memref<1x80x64xf32, #tpu.memory_space<vmem>>
        %dma_wait3A_370 = tpu.memref_squeeze %dma_wait3A_369 : memref<1x80x64xf32, #tpu.memory_space<vmem>> -> memref<80x64xf32, #tpu.memory_space<vmem>>
        %dma_wait3A_371 = arith.constant 0 : i32
        %dma_wait3A_372 = arith.constant 0 : i32
        %dma_wait3A_373 = tpu.memref_slice %arg2[%dma_wait3A_371, %dma_wait3A_372] : memref<10000x64xf32, #tpu.memory_space<hbm>> -> memref<80x64xf32, #tpu.memory_space<hbm>>
        %dma_wait3A_374 = arith.constant 0 : i32
        %dma_wait3A_375 = arith.constant 0 : i32
        %dma_wait3A_376 = tpu.memref_slice %arg8[%dma_wait3A_366, %dma_wait3A_374, %dma_wait3A_375] : memref<5x80x64xf32, #tpu.memory_space<vmem>> -> memref<1x80x64xf32, #tpu.memory_space<vmem>>
        %dma_wait3A_377 = tpu.memref_squeeze %dma_wait3A_376 : memref<1x80x64xf32, #tpu.memory_space<vmem>> -> memref<80x64xf32, #tpu.memory_space<vmem>>
        %dma_wait3A_378 = arith.constant 0 : i32
        %dma_wait3A_379 = arith.constant 0 : i32
        %dma_wait3A_380 = tpu.memref_slice %arg2[%dma_wait3A_378, %dma_wait3A_379] : memref<10000x64xf32, #tpu.memory_space<hbm>> -> memref<80x64xf32, #tpu.memory_space<hbm>>
        tpu.wait_dma2 semaphore(%arg20 : memref<!tpu.dma_semaphore, #tpu.memory_space<semaphore_mem>>) src(%dma_wait3A_380 : memref<80x64xf32, #tpu.memory_space<hbm>>) dst(%dma_wait3A_377 : memref<80x64xf32, #tpu.memory_space<vmem>>)
        %add3A_381 = arith.constant 1 : i32
        %add3A_382 = arith.addi %scan3A_189, %add3A_381 : i32
        %mul3A_383 = arith.constant 5 : i32
        %mul3A_384 = arith.muli %add3A_382, %mul3A_383 : i32
        %add3A_385 = arith.constant 3 : i32
        %add3A_386 = arith.addi %mul3A_384, %add3A_385 : i32
        %dma_start3A_387 = arith.constant 3 : i32
        %dma_start3A_388 = arith.constant 0 : i32
        %dma_start3A_389 = arith.constant 0 : i32
        %dma_start3A_390 = tpu.memref_slice %arg8[%dma_start3A_387, %dma_start3A_388, %dma_start3A_389] : memref<5x80x64xf32, #tpu.memory_space<vmem>> -> memref<1x80x64xf32, #tpu.memory_space<vmem>>
        %dma_start3A_391 = tpu.memref_squeeze %dma_start3A_390 : memref<1x80x64xf32, #tpu.memory_space<vmem>> -> memref<80x64xf32, #tpu.memory_space<vmem>>
        %dma_start3A_392 = arith.constant 0 : i32
        %dma_start3A_393 = tpu.memref_slice %arg6[%add3A_386, %dma_start3A_392] : memref<125x80xi32, #tpu.memory_space<vmem>> -> memref<1x80xi32, #tpu.memory_space<vmem>>
        %dma_start3A_394 = tpu.memref_squeeze %dma_start3A_393 : memref<1x80xi32, #tpu.memory_space<vmem>> -> memref<80xi32, #tpu.memory_space<vmem>>
        %dma_start3A_395 = arith.constant 0 : i32
        %dma_start3A_396 = arith.constant 0 : i32
        %dma_start3A_397 = tpu.memref_slice %arg2[%dma_start3A_395, %dma_start3A_396] : memref<10000x64xf32, #tpu.memory_space<hbm>> -> memref<10000x64xf32, #tpu.memory_space<hbm>>
        tpu.enqueue_indirect_dma source(%dma_start3A_397 : memref<10000x64xf32, #tpu.memory_space<hbm>>) target(%dma_start3A_391 : memref<80x64xf32, #tpu.memory_space<vmem>>) offsets(%dma_start3A_394 : memref<80xi32, #tpu.memory_space<vmem>>) semaphore(%arg15 : memref<!tpu.dma_semaphore, #tpu.memory_space<semaphore_mem>>)
      } else {
      }
      %add3A_358 = arith.constant 1 : i32
      %add3A_359 = arith.addi %scan3A_189, %add3A_358 : i32
      %lt3A_360 = arith.constant 25 : i32
      %lt3A_361 = arith.cmpi slt, %add3A_359, %lt3A_360 : i32
      %convert_element_type3A_362 = arith.extui %lt3A_361 : i1 to i32
      %cond3A_363 = arith.constant 0 : i32
      %cond3A_364 = arith.cmpi ne, %convert_element_type3A_362, %cond3A_363 : i32
      scf.if %cond3A_364 {
        %dma_wait3A_366 = arith.constant 4 : i32
        %dma_wait3A_367 = arith.constant 0 : i32
        %dma_wait3A_368 = arith.constant 0 : i32
        %dma_wait3A_369 = tpu.memref_slice %arg8[%dma_wait3A_366, %dma_wait3A_367, %dma_wait3A_368] : memref<5x80x64xf32, #tpu.memory_space<vmem>> -> memref<1x80x64xf32, #tpu.memory_space<vmem>>
        %dma_wait3A_370 = tpu.memref_squeeze %dma_wait3A_369 : memref<1x80x64xf32, #tpu.memory_space<vmem>> -> memref<80x64xf32, #tpu.memory_space<vmem>>
        %dma_wait3A_371 = arith.constant 0 : i32
        %dma_wait3A_372 = arith.constant 0 : i32
        %dma_wait3A_373 = tpu.memref_slice %arg2[%dma_wait3A_371, %dma_wait3A_372] : memref<10000x64xf32, #tpu.memory_space<hbm>> -> memref<80x64xf32, #tpu.memory_space<hbm>>
        %dma_wait3A_374 = arith.constant 0 : i32
        %dma_wait3A_375 = arith.constant 0 : i32
        %dma_wait3A_376 = tpu.memref_slice %arg8[%dma_wait3A_366, %dma_wait3A_374, %dma_wait3A_375] : memref<5x80x64xf32, #tpu.memory_space<vmem>> -> memref<1x80x64xf32, #tpu.memory_space<vmem>>
        %dma_wait3A_377 = tpu.memref_squeeze %dma_wait3A_376 : memref<1x80x64xf32, #tpu.memory_space<vmem>> -> memref<80x64xf32, #tpu.memory_space<vmem>>
        %dma_wait3A_378 = arith.constant 0 : i32
        %dma_wait3A_379 = arith.constant 0 : i32
        %dma_wait3A_380 = tpu.memref_slice %arg2[%dma_wait3A_378, %dma_wait3A_379] : memref<10000x64xf32, #tpu.memory_space<hbm>> -> memref<80x64xf32, #tpu.memory_space<hbm>>
        tpu.wait_dma2 semaphore(%arg21 : memref<!tpu.dma_semaphore, #tpu.memory_space<semaphore_mem>>) src(%dma_wait3A_380 : memref<80x64xf32, #tpu.memory_space<hbm>>) dst(%dma_wait3A_377 : memref<80x64xf32, #tpu.memory_space<vmem>>)
        %add3A_381 = arith.constant 1 : i32
        %add3A_382 = arith.addi %scan3A_189, %add3A_381 : i32
        %mul3A_383 = arith.constant 5 : i32
        %mul3A_384 = arith.muli %add3A_382, %mul3A_383 : i32
        %add3A_385 = arith.constant 4 : i32
        %add3A_386 = arith.addi %mul3A_384, %add3A_385 : i32
        %dma_start3A_387 = arith.constant 4 : i32
        %dma_start3A_388 = arith.constant 0 : i32
        %dma_start3A_389 = arith.constant 0 : i32
        %dma_start3A_390 = tpu.memref_slice %arg8[%dma_start3A_387, %dma_start3A_388, %dma_start3A_389] : memref<5x80x64xf32, #tpu.memory_space<vmem>> -> memref<1x80x64xf32, #tpu.memory_space<vmem>>
        %dma_start3A_391 = tpu.memref_squeeze %dma_start3A_390 : memref<1x80x64xf32, #tpu.memory_space<vmem>> -> memref<80x64xf32, #tpu.memory_space<vmem>>
        %dma_start3A_392 = arith.constant 0 : i32
        %dma_start3A_393 = tpu.memref_slice %arg6[%add3A_386, %dma_start3A_392] : memref<125x80xi32, #tpu.memory_space<vmem>> -> memref<1x80xi32, #tpu.memory_space<vmem>>
        %dma_start3A_394 = tpu.memref_squeeze %dma_start3A_393 : memref<1x80xi32, #tpu.memory_space<vmem>> -> memref<80xi32, #tpu.memory_space<vmem>>
        %dma_start3A_395 = arith.constant 0 : i32
        %dma_start3A_396 = arith.constant 0 : i32
        %dma_start3A_397 = tpu.memref_slice %arg2[%dma_start3A_395, %dma_start3A_396] : memref<10000x64xf32, #tpu.memory_space<hbm>> -> memref<10000x64xf32, #tpu.memory_space<hbm>>
        tpu.enqueue_indirect_dma source(%dma_start3A_397 : memref<10000x64xf32, #tpu.memory_space<hbm>>) target(%dma_start3A_391 : memref<80x64xf32, #tpu.memory_space<vmem>>) offsets(%dma_start3A_394 : memref<80xi32, #tpu.memory_space<vmem>>) semaphore(%arg16 : memref<!tpu.dma_semaphore, #tpu.memory_space<semaphore_mem>>)
      } else {
      }
      %scan3A_365 = arith.constant 0 : i32
      scf.yield %scan3A_365 : i32
    }
    %scan3A_110 = arith.constant 25 : i32
    %dma_wait3A_111 = arith.constant 0 : i32
    %dma_wait3A_112 = arith.constant 0 : i32
    %dma_wait3A_113 = arith.constant 0 : i32
    %dma_wait3A_114 = tpu.memref_slice %arg8[%dma_wait3A_111, %dma_wait3A_112, %dma_wait3A_113] : memref<5x80x64xf32, #tpu.memory_space<vmem>> -> memref<1x80x64xf32, #tpu.memory_space<vmem>>
    %dma_wait3A_115 = tpu.memref_squeeze %dma_wait3A_114 : memref<1x80x64xf32, #tpu.memory_space<vmem>> -> memref<80x64xf32, #tpu.memory_space<vmem>>
    %dma_wait3A_116 = arith.constant 0 : i32
    %dma_wait3A_117 = arith.constant 0 : i32
    %dma_wait3A_118 = tpu.memref_slice %arg2[%dma_wait3A_116, %dma_wait3A_117] : memref<10000x64xf32, #tpu.memory_space<hbm>> -> memref<80x64xf32, #tpu.memory_space<hbm>>
    %dma_wait3A_119 = arith.constant 0 : i32
    %dma_wait3A_120 = arith.constant 0 : i32
    %dma_wait3A_121 = tpu.memref_slice %arg8[%dma_wait3A_111, %dma_wait3A_119, %dma_wait3A_120] : memref<5x80x64xf32, #tpu.memory_space<vmem>> -> memref<1x80x64xf32, #tpu.memory_space<vmem>>
    %dma_wait3A_122 = tpu.memref_squeeze %dma_wait3A_121 : memref<1x80x64xf32, #tpu.memory_space<vmem>> -> memref<80x64xf32, #tpu.memory_space<vmem>>
    %dma_wait3A_123 = arith.constant 0 : i32
    %dma_wait3A_124 = arith.constant 0 : i32
    %dma_wait3A_125 = tpu.memref_slice %arg2[%dma_wait3A_123, %dma_wait3A_124] : memref<10000x64xf32, #tpu.memory_space<hbm>> -> memref<80x64xf32, #tpu.memory_space<hbm>>
    tpu.wait_dma2 semaphore(%arg17 : memref<!tpu.dma_semaphore, #tpu.memory_space<semaphore_mem>>) src(%dma_wait3A_125 : memref<80x64xf32, #tpu.memory_space<hbm>>) dst(%dma_wait3A_122 : memref<80x64xf32, #tpu.memory_space<vmem>>)
    %dma_wait3A_126 = arith.constant 1 : i32
    %dma_wait3A_127 = arith.constant 0 : i32
    %dma_wait3A_128 = arith.constant 0 : i32
    %dma_wait3A_129 = tpu.memref_slice %arg8[%dma_wait3A_126, %dma_wait3A_127, %dma_wait3A_128] : memref<5x80x64xf32, #tpu.memory_space<vmem>> -> memref<1x80x64xf32, #tpu.memory_space<vmem>>
    %dma_wait3A_130 = tpu.memref_squeeze %dma_wait3A_129 : memref<1x80x64xf32, #tpu.memory_space<vmem>> -> memref<80x64xf32, #tpu.memory_space<vmem>>
    %dma_wait3A_131 = arith.constant 0 : i32
    %dma_wait3A_132 = arith.constant 0 : i32
    %dma_wait3A_133 = tpu.memref_slice %arg2[%dma_wait3A_131, %dma_wait3A_132] : memref<10000x64xf32, #tpu.memory_space<hbm>> -> memref<80x64xf32, #tpu.memory_space<hbm>>
    %dma_wait3A_134 = arith.constant 0 : i32
    %dma_wait3A_135 = arith.constant 0 : i32
    %dma_wait3A_136 = tpu.memref_slice %arg8[%dma_wait3A_126, %dma_wait3A_134, %dma_wait3A_135] : memref<5x80x64xf32, #tpu.memory_space<vmem>> -> memref<1x80x64xf32, #tpu.memory_space<vmem>>
    %dma_wait3A_137 = tpu.memref_squeeze %dma_wait3A_136 : memref<1x80x64xf32, #tpu.memory_space<vmem>> -> memref<80x64xf32, #tpu.memory_space<vmem>>
    %dma_wait3A_138 = arith.constant 0 : i32
    %dma_wait3A_139 = arith.constant 0 : i32
    %dma_wait3A_140 = tpu.memref_slice %arg2[%dma_wait3A_138, %dma_wait3A_139] : memref<10000x64xf32, #tpu.memory_space<hbm>> -> memref<80x64xf32, #tpu.memory_space<hbm>>
    tpu.wait_dma2 semaphore(%arg18 : memref<!tpu.dma_semaphore, #tpu.memory_space<semaphore_mem>>) src(%dma_wait3A_140 : memref<80x64xf32, #tpu.memory_space<hbm>>) dst(%dma_wait3A_137 : memref<80x64xf32, #tpu.memory_space<vmem>>)
    %dma_wait3A_141 = arith.constant 2 : i32
    %dma_wait3A_142 = arith.constant 0 : i32
    %dma_wait3A_143 = arith.constant 0 : i32
    %dma_wait3A_144 = tpu.memref_slice %arg8[%dma_wait3A_141, %dma_wait3A_142, %dma_wait3A_143] : memref<5x80x64xf32, #tpu.memory_space<vmem>> -> memref<1x80x64xf32, #tpu.memory_space<vmem>>
    %dma_wait3A_145 = tpu.memref_squeeze %dma_wait3A_144 : memref<1x80x64xf32, #tpu.memory_space<vmem>> -> memref<80x64xf32, #tpu.memory_space<vmem>>
    %dma_wait3A_146 = arith.constant 0 : i32
    %dma_wait3A_147 = arith.constant 0 : i32
    %dma_wait3A_148 = tpu.memref_slice %arg2[%dma_wait3A_146, %dma_wait3A_147] : memref<10000x64xf32, #tpu.memory_space<hbm>> -> memref<80x64xf32, #tpu.memory_space<hbm>>
    %dma_wait3A_149 = arith.constant 0 : i32
    %dma_wait3A_150 = arith.constant 0 : i32
    %dma_wait3A_151 = tpu.memref_slice %arg8[%dma_wait3A_141, %dma_wait3A_149, %dma_wait3A_150] : memref<5x80x64xf32, #tpu.memory_space<vmem>> -> memref<1x80x64xf32, #tpu.memory_space<vmem>>
    %dma_wait3A_152 = tpu.memref_squeeze %dma_wait3A_151 : memref<1x80x64xf32, #tpu.memory_space<vmem>> -> memref<80x64xf32, #tpu.memory_space<vmem>>
    %dma_wait3A_153 = arith.constant 0 : i32
    %dma_wait3A_154 = arith.constant 0 : i32
    %dma_wait3A_155 = tpu.memref_slice %arg2[%dma_wait3A_153, %dma_wait3A_154] : memref<10000x64xf32, #tpu.memory_space<hbm>> -> memref<80x64xf32, #tpu.memory_space<hbm>>
    tpu.wait_dma2 semaphore(%arg19 : memref<!tpu.dma_semaphore, #tpu.memory_space<semaphore_mem>>) src(%dma_wait3A_155 : memref<80x64xf32, #tpu.memory_space<hbm>>) dst(%dma_wait3A_152 : memref<80x64xf32, #tpu.memory_space<vmem>>)
    %dma_wait3A_156 = arith.constant 3 : i32
    %dma_wait3A_157 = arith.constant 0 : i32
    %dma_wait3A_158 = arith.constant 0 : i32
    %dma_wait3A_159 = tpu.memref_slice %arg8[%dma_wait3A_156, %dma_wait3A_157, %dma_wait3A_158] : memref<5x80x64xf32, #tpu.memory_space<vmem>> -> memref<1x80x64xf32, #tpu.memory_space<vmem>>
    %dma_wait3A_160 = tpu.memref_squeeze %dma_wait3A_159 : memref<1x80x64xf32, #tpu.memory_space<vmem>> -> memref<80x64xf32, #tpu.memory_space<vmem>>
    %dma_wait3A_161 = arith.constant 0 : i32
    %dma_wait3A_162 = arith.constant 0 : i32
    %dma_wait3A_163 = tpu.memref_slice %arg2[%dma_wait3A_161, %dma_wait3A_162] : memref<10000x64xf32, #tpu.memory_space<hbm>> -> memref<80x64xf32, #tpu.memory_space<hbm>>
    %dma_wait3A_164 = arith.constant 0 : i32
    %dma_wait3A_165 = arith.constant 0 : i32
    %dma_wait3A_166 = tpu.memref_slice %arg8[%dma_wait3A_156, %dma_wait3A_164, %dma_wait3A_165] : memref<5x80x64xf32, #tpu.memory_space<vmem>> -> memref<1x80x64xf32, #tpu.memory_space<vmem>>
    %dma_wait3A_167 = tpu.memref_squeeze %dma_wait3A_166 : memref<1x80x64xf32, #tpu.memory_space<vmem>> -> memref<80x64xf32, #tpu.memory_space<vmem>>
    %dma_wait3A_168 = arith.constant 0 : i32
    %dma_wait3A_169 = arith.constant 0 : i32
    %dma_wait3A_170 = tpu.memref_slice %arg2[%dma_wait3A_168, %dma_wait3A_169] : memref<10000x64xf32, #tpu.memory_space<hbm>> -> memref<80x64xf32, #tpu.memory_space<hbm>>
    tpu.wait_dma2 semaphore(%arg20 : memref<!tpu.dma_semaphore, #tpu.memory_space<semaphore_mem>>) src(%dma_wait3A_170 : memref<80x64xf32, #tpu.memory_space<hbm>>) dst(%dma_wait3A_167 : memref<80x64xf32, #tpu.memory_space<vmem>>)
    %dma_wait3A_171 = arith.constant 4 : i32
    %dma_wait3A_172 = arith.constant 0 : i32
    %dma_wait3A_173 = arith.constant 0 : i32
    %dma_wait3A_174 = tpu.memref_slice %arg8[%dma_wait3A_171, %dma_wait3A_172, %dma_wait3A_173] : memref<5x80x64xf32, #tpu.memory_space<vmem>> -> memref<1x80x64xf32, #tpu.memory_space<vmem>>
    %dma_wait3A_175 = tpu.memref_squeeze %dma_wait3A_174 : memref<1x80x64xf32, #tpu.memory_space<vmem>> -> memref<80x64xf32, #tpu.memory_space<vmem>>
    %dma_wait3A_176 = arith.constant 0 : i32
    %dma_wait3A_177 = arith.constant 0 : i32
    %dma_wait3A_178 = tpu.memref_slice %arg2[%dma_wait3A_176, %dma_wait3A_177] : memref<10000x64xf32, #tpu.memory_space<hbm>> -> memref<80x64xf32, #tpu.memory_space<hbm>>
    %dma_wait3A_179 = arith.constant 0 : i32
    %dma_wait3A_180 = arith.constant 0 : i32
    %dma_wait3A_181 = tpu.memref_slice %arg8[%dma_wait3A_171, %dma_wait3A_179, %dma_wait3A_180] : memref<5x80x64xf32, #tpu.memory_space<vmem>> -> memref<1x80x64xf32, #tpu.memory_space<vmem>>
    %dma_wait3A_182 = tpu.memref_squeeze %dma_wait3A_181 : memref<1x80x64xf32, #tpu.memory_space<vmem>> -> memref<80x64xf32, #tpu.memory_space<vmem>>
    %dma_wait3A_183 = arith.constant 0 : i32
    %dma_wait3A_184 = arith.constant 0 : i32
    %dma_wait3A_185 = tpu.memref_slice %arg2[%dma_wait3A_183, %dma_wait3A_184] : memref<10000x64xf32, #tpu.memory_space<hbm>> -> memref<80x64xf32, #tpu.memory_space<hbm>>
    tpu.wait_dma2 semaphore(%arg21 : memref<!tpu.dma_semaphore, #tpu.memory_space<semaphore_mem>>) src(%dma_wait3A_185 : memref<80x64xf32, #tpu.memory_space<hbm>>) dst(%dma_wait3A_182 : memref<80x64xf32, #tpu.memory_space<vmem>>)
    %barrier3A_186 = arith.constant 0 : index
    tpu.barrier barrier_id(%barrier3A_186)
    %mul3A_187 = arith.constant 640 : i32
    %mul3A_188 = arith.muli %arg1, %mul3A_187 : i32
    "tpu.region"() ({
      %run_scoped3A = tpu.sem_alloc : memref<!tpu.dma_semaphore, #tpu.memory_space<semaphore_mem>>
      %dma_start3A_189 = arith.constant 0 : i32
      %dma_start3A_190 = arith.constant 0 : i32
      %dma_start3A_191 = tpu.memref_slice %arg5[%arg0, %arg1, %dma_start3A_189, %dma_start3A_190] : memref<2x16x640x64xf32, #tpu.memory_space<hbm>> -> memref<1x1x640x64xf32, #tpu.memory_space<hbm>>
      %dma_start3A_192 = tpu.memref_squeeze %dma_start3A_191 : memref<1x1x640x64xf32, #tpu.memory_space<hbm>> -> memref<640x64xf32, #tpu.memory_space<hbm>>
      %dma_start3A_193 = arith.constant 0 : i32
      %dma_start3A_194 = tpu.memref_slice %arg9[%mul3A_188, %dma_start3A_193] : memref<10240x64xf32, #tpu.memory_space<vmem_shared>> -> memref<640x64xf32, #tpu.memory_space<vmem_shared>>
      tpu.enqueue_dma source(%dma_start3A_194 : memref<640x64xf32, #tpu.memory_space<vmem_shared>>) target(%dma_start3A_192 : memref<640x64xf32, #tpu.memory_space<hbm>>) target_semaphore(%run_scoped3A : memref<!tpu.dma_semaphore, #tpu.memory_space<semaphore_mem>>)
      %dma_wait3A_195 = arith.constant 0 : i32
      %dma_wait3A_196 = arith.constant 0 : i32
      %dma_wait3A_197 = tpu.memref_slice %arg5[%arg0, %arg1, %dma_wait3A_195, %dma_wait3A_196] : memref<2x16x640x64xf32, #tpu.memory_space<hbm>> -> memref<1x1x640x64xf32, #tpu.memory_space<hbm>>
      %dma_wait3A_198 = tpu.memref_squeeze %dma_wait3A_197 : memref<1x1x640x64xf32, #tpu.memory_space<hbm>> -> memref<640x64xf32, #tpu.memory_space<hbm>>
      %dma_wait3A_199 = arith.constant 0 : i32
      %dma_wait3A_200 = tpu.memref_slice %arg9[%mul3A_188, %dma_wait3A_199] : memref<10240x64xf32, #tpu.memory_space<vmem_shared>> -> memref<640x64xf32, #tpu.memory_space<vmem_shared>>
      tpu.wait_dma2 semaphore(%run_scoped3A : memref<!tpu.dma_semaphore, #tpu.memory_space<semaphore_mem>>) src(%dma_wait3A_200 : memref<640x64xf32, #tpu.memory_space<vmem_shared>>) dst(%dma_wait3A_198 : memref<640x64xf32, #tpu.memory_space<hbm>>)
      tpu.yield
    }) : () -> ()
    return
  }
}

#map = affine_map<(d0, d1) -> (0, 0)>
#map1 = affine_map<(d0, d1) -> (0)>
#map2 = affine_map<(d0, d1) -> (0, 0, 0, 0)>
#map3 = affine_map<(d0, d1) -> (0, 0, 0)>
module attributes {stable_mosaic.version = 14 : i64} {
  func.func @pool_kernel(%arg0: i32, %arg1: i32, %arg2: memref<10000x64xf32, #tpu.memory_space<hbm>>, %arg3: memref<125x80xi32, #tpu.memory_space<hbm>>, %arg4: memref<80xf32, #tpu.memory_space<hbm>>, %arg5: memref<64x64xf32, #tpu.memory_space<hbm>>, %arg6: memref<2x16x64x64xf32, #tpu.memory_space<hbm>>, %arg7: memref<2x16x64xf32, #tpu.memory_space<hbm>>, %arg8: memref<4x80xi32, #tpu.memory_space<vmem>>, %arg9: memref<80xf32, #tpu.memory_space<vmem>>, %arg10: memref<4x80x64xf32, #tpu.memory_space<vmem>>, %arg11: memref<1024x64xf32, #tpu.memory_space<vmem_shared>>, %arg12: memref<1024xf32, #tpu.memory_space<vmem_shared>>, %arg13: memref<!tpu.dma_semaphore, #tpu.memory_space<semaphore_mem>>, %arg14: memref<!tpu.dma_semaphore, #tpu.memory_space<semaphore_mem>>) attributes {dimension_semantics = [#tpu.dimension_semantics<core_parallel>, #tpu.dimension_semantics<subcore_parallel>], iteration_bounds = array<i64: 2, 16>, scalar_prefetch = 0 : i64, scratch_operands = 7 : i64, tpu.core_type = #tpu.core_type<sc_vector_subcore>, window_params = [{transform_indices = #map}, {transform_indices = #map}, {transform_indices = #map1}, {transform_indices = #map}, {transform_indices = #map2}, {transform_indices = #map3}]} {
    %mul3A = arith.constant 2 : i32
    %mul3A_0 = arith.muli %arg1, %mul3A : i32
    %add3A = arith.addi %mul3A_0, %arg0 : i32
    %sub3A = arith.constant 125 : i32
    %sub3A_1 = arith.subi %sub3A, %add3A : i32
    %add3A_2 = arith.constant 32 : i32
    %add3A_3 = arith.addi %sub3A_1, %add3A_2 : i32
    %sub3A_4 = arith.constant 1 : i32
    %sub3A_5 = arith.subi %add3A_3, %sub3A_4 : i32
    %jit3A = arith.constant 32 : i32
    %div3A = arith.divsi %sub3A_5, %jit3A : i32
    %sign3A = arith.constant 0 : i32
    %sign3A_6 = arith.cmpi sgt, %sub3A_5, %sign3A : i32
    %sign3A_7 = arith.extui %sign3A_6 : i1 to i32
    %sign3A_8 = arith.constant 0 : i32
    %sign3A_9 = arith.cmpi slt, %sub3A_5, %sign3A_8 : i32
    %sign3A_10 = arith.extui %sign3A_9 : i1 to i32
    %sign3A_11 = arith.subi %sign3A_7, %sign3A_10 : i32
    %sign3A_12 = arith.constant 0 : i32
    %sign3A_13 = arith.cmpi sgt, %jit3A, %sign3A_12 : i32
    %sign3A_14 = arith.extui %sign3A_13 : i1 to i32
    %sign3A_15 = arith.constant 0 : i32
    %sign3A_16 = arith.cmpi slt, %jit3A, %sign3A_15 : i32
    %sign3A_17 = arith.extui %sign3A_16 : i1 to i32
    %sign3A_18 = arith.subi %sign3A_14, %sign3A_17 : i32
    %ne3A = arith.cmpi ne, %sign3A_11, %sign3A_18 : i32
    %rem3A = arith.remsi %sub3A_5, %jit3A : i32
    %ne3A_19 = arith.constant 0 : i32
    %ne3A_20 = arith.cmpi ne, %rem3A, %ne3A_19 : i32
    %and3A = arith.andi %ne3A, %ne3A_20 : i1
    %sub3A_21 = arith.constant 1 : i32
    %sub3A_22 = arith.subi %div3A, %sub3A_21 : i32
    %select_n3A = arith.select %and3A, %sub3A_22, %div3A : i32
    tpu.enqueue_dma source(%arg4 : memref<80xf32, #tpu.memory_space<hbm>>) target(%arg9 : memref<80xf32, #tpu.memory_space<vmem>>) target_semaphore(%arg13 : memref<!tpu.dma_semaphore, #tpu.memory_space<semaphore_mem>>)
    %mul3A_23 = arith.constant 64 : i32
    %mul3A_24 = arith.muli %arg1, %mul3A_23 : i32
    %dma_start3A = arith.constant 0 : i32
    %dma_start3A_25 = tpu.memref_slice %arg11[%mul3A_24, %dma_start3A] : memref<1024x64xf32, #tpu.memory_space<vmem_shared>> -> memref<64x64xf32, #tpu.memory_space<vmem_shared>>
    tpu.enqueue_dma source(%arg5 : memref<64x64xf32, #tpu.memory_space<hbm>>) target(%dma_start3A_25 : memref<64x64xf32, #tpu.memory_space<vmem_shared>>) target_semaphore(%arg13 : memref<!tpu.dma_semaphore, #tpu.memory_space<semaphore_mem>>)
    %mul3A_26 = arith.constant 64 : i32
    %mul3A_27 = arith.muli %arg1, %mul3A_26 : i32
    %dma_start3A_28 = arith.constant 0 : i32
    %dma_start3A_29 = tpu.memref_slice %arg12[%mul3A_27] : memref<1024xf32, #tpu.memory_space<vmem_shared>> -> memref<64xf32, #tpu.memory_space<vmem_shared>>
    %dma_start3A_30 = arith.constant 0 : i32
    %dma_start3A_31 = tpu.memref_slice %arg5[%dma_start3A_28, %dma_start3A_30] : memref<64x64xf32, #tpu.memory_space<hbm>> -> memref<1x64xf32, #tpu.memory_space<hbm>>
    %dma_start3A_32 = tpu.memref_squeeze %dma_start3A_31 : memref<1x64xf32, #tpu.memory_space<hbm>> -> memref<64xf32, #tpu.memory_space<hbm>>
    tpu.enqueue_dma source(%dma_start3A_32 : memref<64xf32, #tpu.memory_space<hbm>>) target(%dma_start3A_29 : memref<64xf32, #tpu.memory_space<vmem_shared>>) target_semaphore(%arg13 : memref<!tpu.dma_semaphore, #tpu.memory_space<semaphore_mem>>)
    %gt3A = arith.constant 0 : i32
    %gt3A_33 = arith.cmpi sgt, %select_n3A, %gt3A : i32
    %convert_element_type3A = arith.extui %gt3A_33 : i1 to i32
    %cond3A = arith.constant 0 : i32
    %cond3A_34 = arith.cmpi ne, %convert_element_type3A, %cond3A : i32
    scf.if %cond3A_34 {
      %add3A_125 = arith.constant 0 : i32
      %add3A_126 = arith.addi %add3A, %add3A_125 : i32
      %dma_start3A_127 = arith.constant 0 : i32
      %dma_start3A_128 = arith.constant 0 : i32
      %dma_start3A_129 = tpu.memref_slice %arg8[%dma_start3A_127, %dma_start3A_128] : memref<4x80xi32, #tpu.memory_space<vmem>> -> memref<1x80xi32, #tpu.memory_space<vmem>>
      %dma_start3A_130 = tpu.memref_squeeze %dma_start3A_129 : memref<1x80xi32, #tpu.memory_space<vmem>> -> memref<80xi32, #tpu.memory_space<vmem>>
      %dma_start3A_131 = arith.constant 0 : i32
      %dma_start3A_132 = tpu.memref_slice %arg3[%add3A_126, %dma_start3A_131] : memref<125x80xi32, #tpu.memory_space<hbm>> -> memref<1x80xi32, #tpu.memory_space<hbm>>
      %dma_start3A_133 = tpu.memref_squeeze %dma_start3A_132 : memref<1x80xi32, #tpu.memory_space<hbm>> -> memref<80xi32, #tpu.memory_space<hbm>>
      %dma_start3A_134 = arith.constant 0 : i32
      %dma_start3A_135 = tpu.memref_slice %arg8[%dma_start3A_127, %dma_start3A_134] : memref<4x80xi32, #tpu.memory_space<vmem>> -> memref<1x80xi32, #tpu.memory_space<vmem>>
      %dma_start3A_136 = tpu.memref_squeeze %dma_start3A_135 : memref<1x80xi32, #tpu.memory_space<vmem>> -> memref<80xi32, #tpu.memory_space<vmem>>
      %dma_start3A_137 = arith.constant 0 : i32
      %dma_start3A_138 = tpu.memref_slice %arg3[%add3A_126, %dma_start3A_137] : memref<125x80xi32, #tpu.memory_space<hbm>> -> memref<1x80xi32, #tpu.memory_space<hbm>>
      %dma_start3A_139 = tpu.memref_squeeze %dma_start3A_138 : memref<1x80xi32, #tpu.memory_space<hbm>> -> memref<80xi32, #tpu.memory_space<hbm>>
      tpu.enqueue_dma source(%dma_start3A_139 : memref<80xi32, #tpu.memory_space<hbm>>) target(%dma_start3A_136 : memref<80xi32, #tpu.memory_space<vmem>>) target_semaphore(%arg13 : memref<!tpu.dma_semaphore, #tpu.memory_space<semaphore_mem>>)
      %add3A_140 = arith.constant 0 : i32
      %add3A_141 = arith.addi %add3A, %add3A_140 : i32
      %mul3A_142 = arith.constant 80 : i32
      %mul3A_143 = arith.muli %add3A_141, %mul3A_142 : i32
      %dma_start3A_144 = arith.constant 0 : i32
      %dma_start3A_145 = arith.constant 0 : i32
      %dma_start3A_146 = arith.constant 0 : i32
      %dma_start3A_147 = tpu.memref_slice %arg10[%dma_start3A_144, %dma_start3A_145, %dma_start3A_146] : memref<4x80x64xf32, #tpu.memory_space<vmem>> -> memref<1x80x64xf32, #tpu.memory_space<vmem>>
      %dma_start3A_148 = tpu.memref_squeeze %dma_start3A_147 : memref<1x80x64xf32, #tpu.memory_space<vmem>> -> memref<80x64xf32, #tpu.memory_space<vmem>>
      %dma_start3A_149 = arith.constant 0 : i32
      %dma_start3A_150 = tpu.memref_slice %arg2[%mul3A_143, %dma_start3A_149] : memref<10000x64xf32, #tpu.memory_space<hbm>> -> memref<80x64xf32, #tpu.memory_space<hbm>>
      %dma_start3A_151 = arith.constant 0 : i32
      %dma_start3A_152 = arith.constant 0 : i32
      %dma_start3A_153 = tpu.memref_slice %arg10[%dma_start3A_144, %dma_start3A_151, %dma_start3A_152] : memref<4x80x64xf32, #tpu.memory_space<vmem>> -> memref<1x80x64xf32, #tpu.memory_space<vmem>>
      %dma_start3A_154 = tpu.memref_squeeze %dma_start3A_153 : memref<1x80x64xf32, #tpu.memory_space<vmem>> -> memref<80x64xf32, #tpu.memory_space<vmem>>
      %dma_start3A_155 = arith.constant 0 : i32
      %dma_start3A_156 = tpu.memref_slice %arg2[%mul3A_143, %dma_start3A_155] : memref<10000x64xf32, #tpu.memory_space<hbm>> -> memref<80x64xf32, #tpu.memory_space<hbm>>
      tpu.enqueue_dma source(%dma_start3A_156 : memref<80x64xf32, #tpu.memory_space<hbm>>) target(%dma_start3A_154 : memref<80x64xf32, #tpu.memory_space<vmem>>) target_semaphore(%arg13 : memref<!tpu.dma_semaphore, #tpu.memory_space<semaphore_mem>>)
    } else {
    }
    %gt3A_35 = arith.constant 1 : i32
    %gt3A_36 = arith.cmpi sgt, %select_n3A, %gt3A_35 : i32
    %convert_element_type3A_37 = arith.extui %gt3A_36 : i1 to i32
    %cond3A_38 = arith.constant 0 : i32
    %cond3A_39 = arith.cmpi ne, %convert_element_type3A_37, %cond3A_38 : i32
    scf.if %cond3A_39 {
      %add3A_125 = arith.constant 32 : i32
      %add3A_126 = arith.addi %add3A, %add3A_125 : i32
      %dma_start3A_127 = arith.constant 1 : i32
      %dma_start3A_128 = arith.constant 0 : i32
      %dma_start3A_129 = tpu.memref_slice %arg8[%dma_start3A_127, %dma_start3A_128] : memref<4x80xi32, #tpu.memory_space<vmem>> -> memref<1x80xi32, #tpu.memory_space<vmem>>
      %dma_start3A_130 = tpu.memref_squeeze %dma_start3A_129 : memref<1x80xi32, #tpu.memory_space<vmem>> -> memref<80xi32, #tpu.memory_space<vmem>>
      %dma_start3A_131 = arith.constant 0 : i32
      %dma_start3A_132 = tpu.memref_slice %arg3[%add3A_126, %dma_start3A_131] : memref<125x80xi32, #tpu.memory_space<hbm>> -> memref<1x80xi32, #tpu.memory_space<hbm>>
      %dma_start3A_133 = tpu.memref_squeeze %dma_start3A_132 : memref<1x80xi32, #tpu.memory_space<hbm>> -> memref<80xi32, #tpu.memory_space<hbm>>
      %dma_start3A_134 = arith.constant 0 : i32
      %dma_start3A_135 = tpu.memref_slice %arg8[%dma_start3A_127, %dma_start3A_134] : memref<4x80xi32, #tpu.memory_space<vmem>> -> memref<1x80xi32, #tpu.memory_space<vmem>>
      %dma_start3A_136 = tpu.memref_squeeze %dma_start3A_135 : memref<1x80xi32, #tpu.memory_space<vmem>> -> memref<80xi32, #tpu.memory_space<vmem>>
      %dma_start3A_137 = arith.constant 0 : i32
      %dma_start3A_138 = tpu.memref_slice %arg3[%add3A_126, %dma_start3A_137] : memref<125x80xi32, #tpu.memory_space<hbm>> -> memref<1x80xi32, #tpu.memory_space<hbm>>
      %dma_start3A_139 = tpu.memref_squeeze %dma_start3A_138 : memref<1x80xi32, #tpu.memory_space<hbm>> -> memref<80xi32, #tpu.memory_space<hbm>>
      tpu.enqueue_dma source(%dma_start3A_139 : memref<80xi32, #tpu.memory_space<hbm>>) target(%dma_start3A_136 : memref<80xi32, #tpu.memory_space<vmem>>) target_semaphore(%arg13 : memref<!tpu.dma_semaphore, #tpu.memory_space<semaphore_mem>>)
      %add3A_140 = arith.constant 32 : i32
      %add3A_141 = arith.addi %add3A, %add3A_140 : i32
      %mul3A_142 = arith.constant 80 : i32
      %mul3A_143 = arith.muli %add3A_141, %mul3A_142 : i32
      %dma_start3A_144 = arith.constant 1 : i32
      %dma_start3A_145 = arith.constant 0 : i32
      %dma_start3A_146 = arith.constant 0 : i32
      %dma_start3A_147 = tpu.memref_slice %arg10[%dma_start3A_144, %dma_start3A_145, %dma_start3A_146] : memref<4x80x64xf32, #tpu.memory_space<vmem>> -> memref<1x80x64xf32, #tpu.memory_space<vmem>>
      %dma_start3A_148 = tpu.memref_squeeze %dma_start3A_147 : memref<1x80x64xf32, #tpu.memory_space<vmem>> -> memref<80x64xf32, #tpu.memory_space<vmem>>
      %dma_start3A_149 = arith.constant 0 : i32
      %dma_start3A_150 = tpu.memref_slice %arg2[%mul3A_143, %dma_start3A_149] : memref<10000x64xf32, #tpu.memory_space<hbm>> -> memref<80x64xf32, #tpu.memory_space<hbm>>
      %dma_start3A_151 = arith.constant 0 : i32
      %dma_start3A_152 = arith.constant 0 : i32
      %dma_start3A_153 = tpu.memref_slice %arg10[%dma_start3A_144, %dma_start3A_151, %dma_start3A_152] : memref<4x80x64xf32, #tpu.memory_space<vmem>> -> memref<1x80x64xf32, #tpu.memory_space<vmem>>
      %dma_start3A_154 = tpu.memref_squeeze %dma_start3A_153 : memref<1x80x64xf32, #tpu.memory_space<vmem>> -> memref<80x64xf32, #tpu.memory_space<vmem>>
      %dma_start3A_155 = arith.constant 0 : i32
      %dma_start3A_156 = tpu.memref_slice %arg2[%mul3A_143, %dma_start3A_155] : memref<10000x64xf32, #tpu.memory_space<hbm>> -> memref<80x64xf32, #tpu.memory_space<hbm>>
      tpu.enqueue_dma source(%dma_start3A_156 : memref<80x64xf32, #tpu.memory_space<hbm>>) target(%dma_start3A_154 : memref<80x64xf32, #tpu.memory_space<vmem>>) target_semaphore(%arg13 : memref<!tpu.dma_semaphore, #tpu.memory_space<semaphore_mem>>)
    } else {
    }
    %gt3A_40 = arith.constant 2 : i32
    %gt3A_41 = arith.cmpi sgt, %select_n3A, %gt3A_40 : i32
    %convert_element_type3A_42 = arith.extui %gt3A_41 : i1 to i32
    %cond3A_43 = arith.constant 0 : i32
    %cond3A_44 = arith.cmpi ne, %convert_element_type3A_42, %cond3A_43 : i32
    scf.if %cond3A_44 {
      %add3A_125 = arith.constant 64 : i32
      %add3A_126 = arith.addi %add3A, %add3A_125 : i32
      %dma_start3A_127 = arith.constant 2 : i32
      %dma_start3A_128 = arith.constant 0 : i32
      %dma_start3A_129 = tpu.memref_slice %arg8[%dma_start3A_127, %dma_start3A_128] : memref<4x80xi32, #tpu.memory_space<vmem>> -> memref<1x80xi32, #tpu.memory_space<vmem>>
      %dma_start3A_130 = tpu.memref_squeeze %dma_start3A_129 : memref<1x80xi32, #tpu.memory_space<vmem>> -> memref<80xi32, #tpu.memory_space<vmem>>
      %dma_start3A_131 = arith.constant 0 : i32
      %dma_start3A_132 = tpu.memref_slice %arg3[%add3A_126, %dma_start3A_131] : memref<125x80xi32, #tpu.memory_space<hbm>> -> memref<1x80xi32, #tpu.memory_space<hbm>>
      %dma_start3A_133 = tpu.memref_squeeze %dma_start3A_132 : memref<1x80xi32, #tpu.memory_space<hbm>> -> memref<80xi32, #tpu.memory_space<hbm>>
      %dma_start3A_134 = arith.constant 0 : i32
      %dma_start3A_135 = tpu.memref_slice %arg8[%dma_start3A_127, %dma_start3A_134] : memref<4x80xi32, #tpu.memory_space<vmem>> -> memref<1x80xi32, #tpu.memory_space<vmem>>
      %dma_start3A_136 = tpu.memref_squeeze %dma_start3A_135 : memref<1x80xi32, #tpu.memory_space<vmem>> -> memref<80xi32, #tpu.memory_space<vmem>>
      %dma_start3A_137 = arith.constant 0 : i32
      %dma_start3A_138 = tpu.memref_slice %arg3[%add3A_126, %dma_start3A_137] : memref<125x80xi32, #tpu.memory_space<hbm>> -> memref<1x80xi32, #tpu.memory_space<hbm>>
      %dma_start3A_139 = tpu.memref_squeeze %dma_start3A_138 : memref<1x80xi32, #tpu.memory_space<hbm>> -> memref<80xi32, #tpu.memory_space<hbm>>
      tpu.enqueue_dma source(%dma_start3A_139 : memref<80xi32, #tpu.memory_space<hbm>>) target(%dma_start3A_136 : memref<80xi32, #tpu.memory_space<vmem>>) target_semaphore(%arg13 : memref<!tpu.dma_semaphore, #tpu.memory_space<semaphore_mem>>)
      %add3A_140 = arith.constant 64 : i32
      %add3A_141 = arith.addi %add3A, %add3A_140 : i32
      %mul3A_142 = arith.constant 80 : i32
      %mul3A_143 = arith.muli %add3A_141, %mul3A_142 : i32
      %dma_start3A_144 = arith.constant 2 : i32
      %dma_start3A_145 = arith.constant 0 : i32
      %dma_start3A_146 = arith.constant 0 : i32
      %dma_start3A_147 = tpu.memref_slice %arg10[%dma_start3A_144, %dma_start3A_145, %dma_start3A_146] : memref<4x80x64xf32, #tpu.memory_space<vmem>> -> memref<1x80x64xf32, #tpu.memory_space<vmem>>
      %dma_start3A_148 = tpu.memref_squeeze %dma_start3A_147 : memref<1x80x64xf32, #tpu.memory_space<vmem>> -> memref<80x64xf32, #tpu.memory_space<vmem>>
      %dma_start3A_149 = arith.constant 0 : i32
      %dma_start3A_150 = tpu.memref_slice %arg2[%mul3A_143, %dma_start3A_149] : memref<10000x64xf32, #tpu.memory_space<hbm>> -> memref<80x64xf32, #tpu.memory_space<hbm>>
      %dma_start3A_151 = arith.constant 0 : i32
      %dma_start3A_152 = arith.constant 0 : i32
      %dma_start3A_153 = tpu.memref_slice %arg10[%dma_start3A_144, %dma_start3A_151, %dma_start3A_152] : memref<4x80x64xf32, #tpu.memory_space<vmem>> -> memref<1x80x64xf32, #tpu.memory_space<vmem>>
      %dma_start3A_154 = tpu.memref_squeeze %dma_start3A_153 : memref<1x80x64xf32, #tpu.memory_space<vmem>> -> memref<80x64xf32, #tpu.memory_space<vmem>>
      %dma_start3A_155 = arith.constant 0 : i32
      %dma_start3A_156 = tpu.memref_slice %arg2[%mul3A_143, %dma_start3A_155] : memref<10000x64xf32, #tpu.memory_space<hbm>> -> memref<80x64xf32, #tpu.memory_space<hbm>>
      tpu.enqueue_dma source(%dma_start3A_156 : memref<80x64xf32, #tpu.memory_space<hbm>>) target(%dma_start3A_154 : memref<80x64xf32, #tpu.memory_space<vmem>>) target_semaphore(%arg13 : memref<!tpu.dma_semaphore, #tpu.memory_space<semaphore_mem>>)
    } else {
    }
    %gt3A_45 = arith.constant 3 : i32
    %gt3A_46 = arith.cmpi sgt, %select_n3A, %gt3A_45 : i32
    %convert_element_type3A_47 = arith.extui %gt3A_46 : i1 to i32
    %cond3A_48 = arith.constant 0 : i32
    %cond3A_49 = arith.cmpi ne, %convert_element_type3A_47, %cond3A_48 : i32
    scf.if %cond3A_49 {
      %add3A_125 = arith.constant 96 : i32
      %add3A_126 = arith.addi %add3A, %add3A_125 : i32
      %dma_start3A_127 = arith.constant 3 : i32
      %dma_start3A_128 = arith.constant 0 : i32
      %dma_start3A_129 = tpu.memref_slice %arg8[%dma_start3A_127, %dma_start3A_128] : memref<4x80xi32, #tpu.memory_space<vmem>> -> memref<1x80xi32, #tpu.memory_space<vmem>>
      %dma_start3A_130 = tpu.memref_squeeze %dma_start3A_129 : memref<1x80xi32, #tpu.memory_space<vmem>> -> memref<80xi32, #tpu.memory_space<vmem>>
      %dma_start3A_131 = arith.constant 0 : i32
      %dma_start3A_132 = tpu.memref_slice %arg3[%add3A_126, %dma_start3A_131] : memref<125x80xi32, #tpu.memory_space<hbm>> -> memref<1x80xi32, #tpu.memory_space<hbm>>
      %dma_start3A_133 = tpu.memref_squeeze %dma_start3A_132 : memref<1x80xi32, #tpu.memory_space<hbm>> -> memref<80xi32, #tpu.memory_space<hbm>>
      %dma_start3A_134 = arith.constant 0 : i32
      %dma_start3A_135 = tpu.memref_slice %arg8[%dma_start3A_127, %dma_start3A_134] : memref<4x80xi32, #tpu.memory_space<vmem>> -> memref<1x80xi32, #tpu.memory_space<vmem>>
      %dma_start3A_136 = tpu.memref_squeeze %dma_start3A_135 : memref<1x80xi32, #tpu.memory_space<vmem>> -> memref<80xi32, #tpu.memory_space<vmem>>
      %dma_start3A_137 = arith.constant 0 : i32
      %dma_start3A_138 = tpu.memref_slice %arg3[%add3A_126, %dma_start3A_137] : memref<125x80xi32, #tpu.memory_space<hbm>> -> memref<1x80xi32, #tpu.memory_space<hbm>>
      %dma_start3A_139 = tpu.memref_squeeze %dma_start3A_138 : memref<1x80xi32, #tpu.memory_space<hbm>> -> memref<80xi32, #tpu.memory_space<hbm>>
      tpu.enqueue_dma source(%dma_start3A_139 : memref<80xi32, #tpu.memory_space<hbm>>) target(%dma_start3A_136 : memref<80xi32, #tpu.memory_space<vmem>>) target_semaphore(%arg13 : memref<!tpu.dma_semaphore, #tpu.memory_space<semaphore_mem>>)
      %add3A_140 = arith.constant 96 : i32
      %add3A_141 = arith.addi %add3A, %add3A_140 : i32
      %mul3A_142 = arith.constant 80 : i32
      %mul3A_143 = arith.muli %add3A_141, %mul3A_142 : i32
      %dma_start3A_144 = arith.constant 3 : i32
      %dma_start3A_145 = arith.constant 0 : i32
      %dma_start3A_146 = arith.constant 0 : i32
      %dma_start3A_147 = tpu.memref_slice %arg10[%dma_start3A_144, %dma_start3A_145, %dma_start3A_146] : memref<4x80x64xf32, #tpu.memory_space<vmem>> -> memref<1x80x64xf32, #tpu.memory_space<vmem>>
      %dma_start3A_148 = tpu.memref_squeeze %dma_start3A_147 : memref<1x80x64xf32, #tpu.memory_space<vmem>> -> memref<80x64xf32, #tpu.memory_space<vmem>>
      %dma_start3A_149 = arith.constant 0 : i32
      %dma_start3A_150 = tpu.memref_slice %arg2[%mul3A_143, %dma_start3A_149] : memref<10000x64xf32, #tpu.memory_space<hbm>> -> memref<80x64xf32, #tpu.memory_space<hbm>>
      %dma_start3A_151 = arith.constant 0 : i32
      %dma_start3A_152 = arith.constant 0 : i32
      %dma_start3A_153 = tpu.memref_slice %arg10[%dma_start3A_144, %dma_start3A_151, %dma_start3A_152] : memref<4x80x64xf32, #tpu.memory_space<vmem>> -> memref<1x80x64xf32, #tpu.memory_space<vmem>>
      %dma_start3A_154 = tpu.memref_squeeze %dma_start3A_153 : memref<1x80x64xf32, #tpu.memory_space<vmem>> -> memref<80x64xf32, #tpu.memory_space<vmem>>
      %dma_start3A_155 = arith.constant 0 : i32
      %dma_start3A_156 = tpu.memref_slice %arg2[%mul3A_143, %dma_start3A_155] : memref<10000x64xf32, #tpu.memory_space<hbm>> -> memref<80x64xf32, #tpu.memory_space<hbm>>
      tpu.enqueue_dma source(%dma_start3A_156 : memref<80x64xf32, #tpu.memory_space<hbm>>) target(%dma_start3A_154 : memref<80x64xf32, #tpu.memory_space<vmem>>) target_semaphore(%arg13 : memref<!tpu.dma_semaphore, #tpu.memory_space<semaphore_mem>>)
    } else {
    }
    tpu.wait_dma2 semaphore(%arg13 : memref<!tpu.dma_semaphore, #tpu.memory_space<semaphore_mem>>) src(%arg4 : memref<80xf32, #tpu.memory_space<hbm>>) dst(%arg9 : memref<80xf32, #tpu.memory_space<vmem>>)
    %mul3A_50 = arith.constant 64 : i32
    %mul3A_51 = arith.muli %arg1, %mul3A_50 : i32
    %dma_wait3A = arith.constant 0 : i32
    %dma_wait3A_52 = tpu.memref_slice %arg11[%mul3A_51, %dma_wait3A] : memref<1024x64xf32, #tpu.memory_space<vmem_shared>> -> memref<64x64xf32, #tpu.memory_space<vmem_shared>>
    tpu.wait_dma2 semaphore(%arg13 : memref<!tpu.dma_semaphore, #tpu.memory_space<semaphore_mem>>) src(%arg5 : memref<64x64xf32, #tpu.memory_space<hbm>>) dst(%dma_wait3A_52 : memref<64x64xf32, #tpu.memory_space<vmem_shared>>)
    %mul3A_53 = arith.constant 64 : i32
    %mul3A_54 = arith.muli %arg1, %mul3A_53 : i32
    %dma_wait3A_55 = arith.constant 0 : i32
    %dma_wait3A_56 = tpu.memref_slice %arg12[%mul3A_54] : memref<1024xf32, #tpu.memory_space<vmem_shared>> -> memref<64xf32, #tpu.memory_space<vmem_shared>>
    %dma_wait3A_57 = arith.constant 0 : i32
    %dma_wait3A_58 = tpu.memref_slice %arg5[%dma_wait3A_55, %dma_wait3A_57] : memref<64x64xf32, #tpu.memory_space<hbm>> -> memref<1x64xf32, #tpu.memory_space<hbm>>
    %dma_wait3A_59 = tpu.memref_squeeze %dma_wait3A_58 : memref<1x64xf32, #tpu.memory_space<hbm>> -> memref<64xf32, #tpu.memory_space<hbm>>
    tpu.wait_dma2 semaphore(%arg13 : memref<!tpu.dma_semaphore, #tpu.memory_space<semaphore_mem>>) src(%dma_wait3A_59 : memref<64xf32, #tpu.memory_space<hbm>>) dst(%dma_wait3A_56 : memref<64xf32, #tpu.memory_space<vmem_shared>>)
    %gt3A_60 = arith.constant 0 : i32
    %gt3A_61 = arith.cmpi sgt, %select_n3A, %gt3A_60 : i32
    %convert_element_type3A_62 = arith.extui %gt3A_61 : i1 to i32
    %cond3A_63 = arith.constant 0 : i32
    %cond3A_64 = arith.cmpi ne, %convert_element_type3A_62, %cond3A_63 : i32
    scf.if %cond3A_64 {
      %dma_wait3A_125 = arith.constant 0 : i32
      %dma_wait3A_126 = arith.constant 0 : i32
      %dma_wait3A_127 = arith.constant 0 : i32
      %dma_wait3A_128 = tpu.memref_slice %arg8[%dma_wait3A_126, %dma_wait3A_127] : memref<4x80xi32, #tpu.memory_space<vmem>> -> memref<1x80xi32, #tpu.memory_space<vmem>>
      %dma_wait3A_129 = tpu.memref_squeeze %dma_wait3A_128 : memref<1x80xi32, #tpu.memory_space<vmem>> -> memref<80xi32, #tpu.memory_space<vmem>>
      %dma_wait3A_130 = arith.constant 0 : i32
      %dma_wait3A_131 = tpu.memref_slice %arg3[%dma_wait3A_125, %dma_wait3A_130] : memref<125x80xi32, #tpu.memory_space<hbm>> -> memref<1x80xi32, #tpu.memory_space<hbm>>
      %dma_wait3A_132 = tpu.memref_squeeze %dma_wait3A_131 : memref<1x80xi32, #tpu.memory_space<hbm>> -> memref<80xi32, #tpu.memory_space<hbm>>
      %dma_wait3A_133 = arith.constant 0 : i32
      %dma_wait3A_134 = tpu.memref_slice %arg8[%dma_wait3A_126, %dma_wait3A_133] : memref<4x80xi32, #tpu.memory_space<vmem>> -> memref<1x80xi32, #tpu.memory_space<vmem>>
      %dma_wait3A_135 = tpu.memref_squeeze %dma_wait3A_134 : memref<1x80xi32, #tpu.memory_space<vmem>> -> memref<80xi32, #tpu.memory_space<vmem>>
      %dma_wait3A_136 = arith.constant 0 : i32
      %dma_wait3A_137 = tpu.memref_slice %arg3[%dma_wait3A_125, %dma_wait3A_136] : memref<125x80xi32, #tpu.memory_space<hbm>> -> memref<1x80xi32, #tpu.memory_space<hbm>>
      %dma_wait3A_138 = tpu.memref_squeeze %dma_wait3A_137 : memref<1x80xi32, #tpu.memory_space<hbm>> -> memref<80xi32, #tpu.memory_space<hbm>>
      tpu.wait_dma2 semaphore(%arg13 : memref<!tpu.dma_semaphore, #tpu.memory_space<semaphore_mem>>) src(%dma_wait3A_138 : memref<80xi32, #tpu.memory_space<hbm>>) dst(%dma_wait3A_135 : memref<80xi32, #tpu.memory_space<vmem>>)
      %dma_wait3A_139 = arith.constant 0 : i32
      %dma_wait3A_140 = arith.constant 0 : i32
      %dma_wait3A_141 = arith.constant 0 : i32
      %dma_wait3A_142 = tpu.memref_slice %arg10[%dma_wait3A_139, %dma_wait3A_140, %dma_wait3A_141] : memref<4x80x64xf32, #tpu.memory_space<vmem>> -> memref<1x80x64xf32, #tpu.memory_space<vmem>>
      %dma_wait3A_143 = tpu.memref_squeeze %dma_wait3A_142 : memref<1x80x64xf32, #tpu.memory_space<vmem>> -> memref<80x64xf32, #tpu.memory_space<vmem>>
      %dma_wait3A_144 = arith.constant 0 : i32
      %dma_wait3A_145 = arith.constant 0 : i32
      %dma_wait3A_146 = tpu.memref_slice %arg2[%dma_wait3A_144, %dma_wait3A_145] : memref<10000x64xf32, #tpu.memory_space<hbm>> -> memref<80x64xf32, #tpu.memory_space<hbm>>
      %dma_wait3A_147 = arith.constant 0 : i32
      %dma_wait3A_148 = arith.constant 0 : i32
      %dma_wait3A_149 = tpu.memref_slice %arg10[%dma_wait3A_139, %dma_wait3A_147, %dma_wait3A_148] : memref<4x80x64xf32, #tpu.memory_space<vmem>> -> memref<1x80x64xf32, #tpu.memory_space<vmem>>
      %dma_wait3A_150 = tpu.memref_squeeze %dma_wait3A_149 : memref<1x80x64xf32, #tpu.memory_space<vmem>> -> memref<80x64xf32, #tpu.memory_space<vmem>>
      %dma_wait3A_151 = arith.constant 0 : i32
      %dma_wait3A_152 = arith.constant 0 : i32
      %dma_wait3A_153 = tpu.memref_slice %arg2[%dma_wait3A_151, %dma_wait3A_152] : memref<10000x64xf32, #tpu.memory_space<hbm>> -> memref<80x64xf32, #tpu.memory_space<hbm>>
      tpu.wait_dma2 semaphore(%arg13 : memref<!tpu.dma_semaphore, #tpu.memory_space<semaphore_mem>>) src(%dma_wait3A_153 : memref<80x64xf32, #tpu.memory_space<hbm>>) dst(%dma_wait3A_150 : memref<80x64xf32, #tpu.memory_space<vmem>>)
    } else {
    }
    %gt3A_65 = arith.constant 1 : i32
    %gt3A_66 = arith.cmpi sgt, %select_n3A, %gt3A_65 : i32
    %convert_element_type3A_67 = arith.extui %gt3A_66 : i1 to i32
    %cond3A_68 = arith.constant 0 : i32
    %cond3A_69 = arith.cmpi ne, %convert_element_type3A_67, %cond3A_68 : i32
    scf.if %cond3A_69 {
      %dma_wait3A_125 = arith.constant 0 : i32
      %dma_wait3A_126 = arith.constant 1 : i32
      %dma_wait3A_127 = arith.constant 0 : i32
      %dma_wait3A_128 = tpu.memref_slice %arg8[%dma_wait3A_126, %dma_wait3A_127] : memref<4x80xi32, #tpu.memory_space<vmem>> -> memref<1x80xi32, #tpu.memory_space<vmem>>
      %dma_wait3A_129 = tpu.memref_squeeze %dma_wait3A_128 : memref<1x80xi32, #tpu.memory_space<vmem>> -> memref<80xi32, #tpu.memory_space<vmem>>
      %dma_wait3A_130 = arith.constant 0 : i32
      %dma_wait3A_131 = tpu.memref_slice %arg3[%dma_wait3A_125, %dma_wait3A_130] : memref<125x80xi32, #tpu.memory_space<hbm>> -> memref<1x80xi32, #tpu.memory_space<hbm>>
      %dma_wait3A_132 = tpu.memref_squeeze %dma_wait3A_131 : memref<1x80xi32, #tpu.memory_space<hbm>> -> memref<80xi32, #tpu.memory_space<hbm>>
      %dma_wait3A_133 = arith.constant 0 : i32
      %dma_wait3A_134 = tpu.memref_slice %arg8[%dma_wait3A_126, %dma_wait3A_133] : memref<4x80xi32, #tpu.memory_space<vmem>> -> memref<1x80xi32, #tpu.memory_space<vmem>>
      %dma_wait3A_135 = tpu.memref_squeeze %dma_wait3A_134 : memref<1x80xi32, #tpu.memory_space<vmem>> -> memref<80xi32, #tpu.memory_space<vmem>>
      %dma_wait3A_136 = arith.constant 0 : i32
      %dma_wait3A_137 = tpu.memref_slice %arg3[%dma_wait3A_125, %dma_wait3A_136] : memref<125x80xi32, #tpu.memory_space<hbm>> -> memref<1x80xi32, #tpu.memory_space<hbm>>
      %dma_wait3A_138 = tpu.memref_squeeze %dma_wait3A_137 : memref<1x80xi32, #tpu.memory_space<hbm>> -> memref<80xi32, #tpu.memory_space<hbm>>
      tpu.wait_dma2 semaphore(%arg13 : memref<!tpu.dma_semaphore, #tpu.memory_space<semaphore_mem>>) src(%dma_wait3A_138 : memref<80xi32, #tpu.memory_space<hbm>>) dst(%dma_wait3A_135 : memref<80xi32, #tpu.memory_space<vmem>>)
      %dma_wait3A_139 = arith.constant 1 : i32
      %dma_wait3A_140 = arith.constant 0 : i32
      %dma_wait3A_141 = arith.constant 0 : i32
      %dma_wait3A_142 = tpu.memref_slice %arg10[%dma_wait3A_139, %dma_wait3A_140, %dma_wait3A_141] : memref<4x80x64xf32, #tpu.memory_space<vmem>> -> memref<1x80x64xf32, #tpu.memory_space<vmem>>
      %dma_wait3A_143 = tpu.memref_squeeze %dma_wait3A_142 : memref<1x80x64xf32, #tpu.memory_space<vmem>> -> memref<80x64xf32, #tpu.memory_space<vmem>>
      %dma_wait3A_144 = arith.constant 0 : i32
      %dma_wait3A_145 = arith.constant 0 : i32
      %dma_wait3A_146 = tpu.memref_slice %arg2[%dma_wait3A_144, %dma_wait3A_145] : memref<10000x64xf32, #tpu.memory_space<hbm>> -> memref<80x64xf32, #tpu.memory_space<hbm>>
      %dma_wait3A_147 = arith.constant 0 : i32
      %dma_wait3A_148 = arith.constant 0 : i32
      %dma_wait3A_149 = tpu.memref_slice %arg10[%dma_wait3A_139, %dma_wait3A_147, %dma_wait3A_148] : memref<4x80x64xf32, #tpu.memory_space<vmem>> -> memref<1x80x64xf32, #tpu.memory_space<vmem>>
      %dma_wait3A_150 = tpu.memref_squeeze %dma_wait3A_149 : memref<1x80x64xf32, #tpu.memory_space<vmem>> -> memref<80x64xf32, #tpu.memory_space<vmem>>
      %dma_wait3A_151 = arith.constant 0 : i32
      %dma_wait3A_152 = arith.constant 0 : i32
      %dma_wait3A_153 = tpu.memref_slice %arg2[%dma_wait3A_151, %dma_wait3A_152] : memref<10000x64xf32, #tpu.memory_space<hbm>> -> memref<80x64xf32, #tpu.memory_space<hbm>>
      tpu.wait_dma2 semaphore(%arg13 : memref<!tpu.dma_semaphore, #tpu.memory_space<semaphore_mem>>) src(%dma_wait3A_153 : memref<80x64xf32, #tpu.memory_space<hbm>>) dst(%dma_wait3A_150 : memref<80x64xf32, #tpu.memory_space<vmem>>)
    } else {
    }
    %gt3A_70 = arith.constant 2 : i32
    %gt3A_71 = arith.cmpi sgt, %select_n3A, %gt3A_70 : i32
    %convert_element_type3A_72 = arith.extui %gt3A_71 : i1 to i32
    %cond3A_73 = arith.constant 0 : i32
    %cond3A_74 = arith.cmpi ne, %convert_element_type3A_72, %cond3A_73 : i32
    scf.if %cond3A_74 {
      %dma_wait3A_125 = arith.constant 0 : i32
      %dma_wait3A_126 = arith.constant 2 : i32
      %dma_wait3A_127 = arith.constant 0 : i32
      %dma_wait3A_128 = tpu.memref_slice %arg8[%dma_wait3A_126, %dma_wait3A_127] : memref<4x80xi32, #tpu.memory_space<vmem>> -> memref<1x80xi32, #tpu.memory_space<vmem>>
      %dma_wait3A_129 = tpu.memref_squeeze %dma_wait3A_128 : memref<1x80xi32, #tpu.memory_space<vmem>> -> memref<80xi32, #tpu.memory_space<vmem>>
      %dma_wait3A_130 = arith.constant 0 : i32
      %dma_wait3A_131 = tpu.memref_slice %arg3[%dma_wait3A_125, %dma_wait3A_130] : memref<125x80xi32, #tpu.memory_space<hbm>> -> memref<1x80xi32, #tpu.memory_space<hbm>>
      %dma_wait3A_132 = tpu.memref_squeeze %dma_wait3A_131 : memref<1x80xi32, #tpu.memory_space<hbm>> -> memref<80xi32, #tpu.memory_space<hbm>>
      %dma_wait3A_133 = arith.constant 0 : i32
      %dma_wait3A_134 = tpu.memref_slice %arg8[%dma_wait3A_126, %dma_wait3A_133] : memref<4x80xi32, #tpu.memory_space<vmem>> -> memref<1x80xi32, #tpu.memory_space<vmem>>
      %dma_wait3A_135 = tpu.memref_squeeze %dma_wait3A_134 : memref<1x80xi32, #tpu.memory_space<vmem>> -> memref<80xi32, #tpu.memory_space<vmem>>
      %dma_wait3A_136 = arith.constant 0 : i32
      %dma_wait3A_137 = tpu.memref_slice %arg3[%dma_wait3A_125, %dma_wait3A_136] : memref<125x80xi32, #tpu.memory_space<hbm>> -> memref<1x80xi32, #tpu.memory_space<hbm>>
      %dma_wait3A_138 = tpu.memref_squeeze %dma_wait3A_137 : memref<1x80xi32, #tpu.memory_space<hbm>> -> memref<80xi32, #tpu.memory_space<hbm>>
      tpu.wait_dma2 semaphore(%arg13 : memref<!tpu.dma_semaphore, #tpu.memory_space<semaphore_mem>>) src(%dma_wait3A_138 : memref<80xi32, #tpu.memory_space<hbm>>) dst(%dma_wait3A_135 : memref<80xi32, #tpu.memory_space<vmem>>)
      %dma_wait3A_139 = arith.constant 2 : i32
      %dma_wait3A_140 = arith.constant 0 : i32
      %dma_wait3A_141 = arith.constant 0 : i32
      %dma_wait3A_142 = tpu.memref_slice %arg10[%dma_wait3A_139, %dma_wait3A_140, %dma_wait3A_141] : memref<4x80x64xf32, #tpu.memory_space<vmem>> -> memref<1x80x64xf32, #tpu.memory_space<vmem>>
      %dma_wait3A_143 = tpu.memref_squeeze %dma_wait3A_142 : memref<1x80x64xf32, #tpu.memory_space<vmem>> -> memref<80x64xf32, #tpu.memory_space<vmem>>
      %dma_wait3A_144 = arith.constant 0 : i32
      %dma_wait3A_145 = arith.constant 0 : i32
      %dma_wait3A_146 = tpu.memref_slice %arg2[%dma_wait3A_144, %dma_wait3A_145] : memref<10000x64xf32, #tpu.memory_space<hbm>> -> memref<80x64xf32, #tpu.memory_space<hbm>>
      %dma_wait3A_147 = arith.constant 0 : i32
      %dma_wait3A_148 = arith.constant 0 : i32
      %dma_wait3A_149 = tpu.memref_slice %arg10[%dma_wait3A_139, %dma_wait3A_147, %dma_wait3A_148] : memref<4x80x64xf32, #tpu.memory_space<vmem>> -> memref<1x80x64xf32, #tpu.memory_space<vmem>>
      %dma_wait3A_150 = tpu.memref_squeeze %dma_wait3A_149 : memref<1x80x64xf32, #tpu.memory_space<vmem>> -> memref<80x64xf32, #tpu.memory_space<vmem>>
      %dma_wait3A_151 = arith.constant 0 : i32
      %dma_wait3A_152 = arith.constant 0 : i32
      %dma_wait3A_153 = tpu.memref_slice %arg2[%dma_wait3A_151, %dma_wait3A_152] : memref<10000x64xf32, #tpu.memory_space<hbm>> -> memref<80x64xf32, #tpu.memory_space<hbm>>
      tpu.wait_dma2 semaphore(%arg13 : memref<!tpu.dma_semaphore, #tpu.memory_space<semaphore_mem>>) src(%dma_wait3A_153 : memref<80x64xf32, #tpu.memory_space<hbm>>) dst(%dma_wait3A_150 : memref<80x64xf32, #tpu.memory_space<vmem>>)
    } else {
    }
    %gt3A_75 = arith.constant 3 : i32
    %gt3A_76 = arith.cmpi sgt, %select_n3A, %gt3A_75 : i32
    %convert_element_type3A_77 = arith.extui %gt3A_76 : i1 to i32
    %cond3A_78 = arith.constant 0 : i32
    %cond3A_79 = arith.cmpi ne, %convert_element_type3A_77, %cond3A_78 : i32
    scf.if %cond3A_79 {
      %dma_wait3A_125 = arith.constant 0 : i32
      %dma_wait3A_126 = arith.constant 3 : i32
      %dma_wait3A_127 = arith.constant 0 : i32
      %dma_wait3A_128 = tpu.memref_slice %arg8[%dma_wait3A_126, %dma_wait3A_127] : memref<4x80xi32, #tpu.memory_space<vmem>> -> memref<1x80xi32, #tpu.memory_space<vmem>>
      %dma_wait3A_129 = tpu.memref_squeeze %dma_wait3A_128 : memref<1x80xi32, #tpu.memory_space<vmem>> -> memref<80xi32, #tpu.memory_space<vmem>>
      %dma_wait3A_130 = arith.constant 0 : i32
      %dma_wait3A_131 = tpu.memref_slice %arg3[%dma_wait3A_125, %dma_wait3A_130] : memref<125x80xi32, #tpu.memory_space<hbm>> -> memref<1x80xi32, #tpu.memory_space<hbm>>
      %dma_wait3A_132 = tpu.memref_squeeze %dma_wait3A_131 : memref<1x80xi32, #tpu.memory_space<hbm>> -> memref<80xi32, #tpu.memory_space<hbm>>
      %dma_wait3A_133 = arith.constant 0 : i32
      %dma_wait3A_134 = tpu.memref_slice %arg8[%dma_wait3A_126, %dma_wait3A_133] : memref<4x80xi32, #tpu.memory_space<vmem>> -> memref<1x80xi32, #tpu.memory_space<vmem>>
      %dma_wait3A_135 = tpu.memref_squeeze %dma_wait3A_134 : memref<1x80xi32, #tpu.memory_space<vmem>> -> memref<80xi32, #tpu.memory_space<vmem>>
      %dma_wait3A_136 = arith.constant 0 : i32
      %dma_wait3A_137 = tpu.memref_slice %arg3[%dma_wait3A_125, %dma_wait3A_136] : memref<125x80xi32, #tpu.memory_space<hbm>> -> memref<1x80xi32, #tpu.memory_space<hbm>>
      %dma_wait3A_138 = tpu.memref_squeeze %dma_wait3A_137 : memref<1x80xi32, #tpu.memory_space<hbm>> -> memref<80xi32, #tpu.memory_space<hbm>>
      tpu.wait_dma2 semaphore(%arg13 : memref<!tpu.dma_semaphore, #tpu.memory_space<semaphore_mem>>) src(%dma_wait3A_138 : memref<80xi32, #tpu.memory_space<hbm>>) dst(%dma_wait3A_135 : memref<80xi32, #tpu.memory_space<vmem>>)
      %dma_wait3A_139 = arith.constant 3 : i32
      %dma_wait3A_140 = arith.constant 0 : i32
      %dma_wait3A_141 = arith.constant 0 : i32
      %dma_wait3A_142 = tpu.memref_slice %arg10[%dma_wait3A_139, %dma_wait3A_140, %dma_wait3A_141] : memref<4x80x64xf32, #tpu.memory_space<vmem>> -> memref<1x80x64xf32, #tpu.memory_space<vmem>>
      %dma_wait3A_143 = tpu.memref_squeeze %dma_wait3A_142 : memref<1x80x64xf32, #tpu.memory_space<vmem>> -> memref<80x64xf32, #tpu.memory_space<vmem>>
      %dma_wait3A_144 = arith.constant 0 : i32
      %dma_wait3A_145 = arith.constant 0 : i32
      %dma_wait3A_146 = tpu.memref_slice %arg2[%dma_wait3A_144, %dma_wait3A_145] : memref<10000x64xf32, #tpu.memory_space<hbm>> -> memref<80x64xf32, #tpu.memory_space<hbm>>
      %dma_wait3A_147 = arith.constant 0 : i32
      %dma_wait3A_148 = arith.constant 0 : i32
      %dma_wait3A_149 = tpu.memref_slice %arg10[%dma_wait3A_139, %dma_wait3A_147, %dma_wait3A_148] : memref<4x80x64xf32, #tpu.memory_space<vmem>> -> memref<1x80x64xf32, #tpu.memory_space<vmem>>
      %dma_wait3A_150 = tpu.memref_squeeze %dma_wait3A_149 : memref<1x80x64xf32, #tpu.memory_space<vmem>> -> memref<80x64xf32, #tpu.memory_space<vmem>>
      %dma_wait3A_151 = arith.constant 0 : i32
      %dma_wait3A_152 = arith.constant 0 : i32
      %dma_wait3A_153 = tpu.memref_slice %arg2[%dma_wait3A_151, %dma_wait3A_152] : memref<10000x64xf32, #tpu.memory_space<hbm>> -> memref<80x64xf32, #tpu.memory_space<hbm>>
      tpu.wait_dma2 semaphore(%arg13 : memref<!tpu.dma_semaphore, #tpu.memory_space<semaphore_mem>>) src(%dma_wait3A_153 : memref<80x64xf32, #tpu.memory_space<hbm>>) dst(%dma_wait3A_150 : memref<80x64xf32, #tpu.memory_space<vmem>>)
    } else {
    }
    %barrier3A = arith.constant 0 : index
    tpu.barrier barrier_id(%barrier3A)
    %gt3A_80 = arith.constant 0 : i32
    %gt3A_81 = arith.cmpi sgt, %select_n3A, %gt3A_80 : i32
    %convert_element_type3A_82 = arith.extui %gt3A_81 : i1 to i32
    %cond3A_83 = arith.constant 0 : i32
    %cond3A_84 = arith.cmpi ne, %convert_element_type3A_82, %cond3A_83 : i32
    scf.if %cond3A_84 {
      %dma_start3A_125 = arith.constant 0 : i32
      %dma_start3A_126 = arith.constant 0 : i32
      %dma_start3A_127 = arith.constant 0 : i32
      %dma_start3A_128 = arith.constant 0 : i32
      %dma_start3A_129 = tpu.memref_slice %arg10[%dma_start3A_125, %dma_start3A_127, %dma_start3A_128] : memref<4x80x64xf32, #tpu.memory_space<vmem>> -> memref<1x80x64xf32, #tpu.memory_space<vmem>>
      %dma_start3A_130 = tpu.memref_squeeze %dma_start3A_129 : memref<1x80x64xf32, #tpu.memory_space<vmem>> -> memref<80x64xf32, #tpu.memory_space<vmem>>
      %dma_start3A_131 = arith.constant 0 : i32
      %dma_start3A_132 = tpu.memref_slice %arg8[%dma_start3A_126, %dma_start3A_131] : memref<4x80xi32, #tpu.memory_space<vmem>> -> memref<1x80xi32, #tpu.memory_space<vmem>>
      %dma_start3A_133 = tpu.memref_squeeze %dma_start3A_132 : memref<1x80xi32, #tpu.memory_space<vmem>> -> memref<80xi32, #tpu.memory_space<vmem>>
      %dma_start3A_134 = arith.constant 0 : i32
      %dma_start3A_135 = arith.constant 0 : i32
      %dma_start3A_136 = tpu.memref_slice %arg11[%dma_start3A_134, %dma_start3A_135] : memref<1024x64xf32, #tpu.memory_space<vmem_shared>> -> memref<1024x64xf32, #tpu.memory_space<vmem_shared>>
      tpu.enqueue_indirect_dma source(%dma_start3A_130 : memref<80x64xf32, #tpu.memory_space<vmem>>) target(%dma_start3A_136 : memref<1024x64xf32, #tpu.memory_space<vmem_shared>>) offsets(%dma_start3A_133 : memref<80xi32, #tpu.memory_space<vmem>>) semaphore(%arg14 : memref<!tpu.dma_semaphore, #tpu.memory_space<semaphore_mem>>) {add = true}
      %dma_start3A_137 = arith.constant 0 : i32
      %dma_start3A_138 = arith.constant 0 : i32
      %dma_start3A_139 = tpu.memref_slice %arg8[%dma_start3A_137, %dma_start3A_138] : memref<4x80xi32, #tpu.memory_space<vmem>> -> memref<1x80xi32, #tpu.memory_space<vmem>>
      %dma_start3A_140 = tpu.memref_squeeze %dma_start3A_139 : memref<1x80xi32, #tpu.memory_space<vmem>> -> memref<80xi32, #tpu.memory_space<vmem>>
      %dma_start3A_141 = arith.constant 0 : i32
      %dma_start3A_142 = tpu.memref_slice %arg12[%dma_start3A_141] : memref<1024xf32, #tpu.memory_space<vmem_shared>> -> memref<1024xf32, #tpu.memory_space<vmem_shared>>
      tpu.enqueue_indirect_dma source(%arg9 : memref<80xf32, #tpu.memory_space<vmem>>) target(%dma_start3A_142 : memref<1024xf32, #tpu.memory_space<vmem_shared>>) offsets(%dma_start3A_140 : memref<80xi32, #tpu.memory_space<vmem>>) semaphore(%arg14 : memref<!tpu.dma_semaphore, #tpu.memory_space<semaphore_mem>>) {add = true}
    } else {
    }
    %gt3A_85 = arith.constant 1 : i32
    %gt3A_86 = arith.cmpi sgt, %select_n3A, %gt3A_85 : i32
    %convert_element_type3A_87 = arith.extui %gt3A_86 : i1 to i32
    %cond3A_88 = arith.constant 0 : i32
    %cond3A_89 = arith.cmpi ne, %convert_element_type3A_87, %cond3A_88 : i32
    scf.if %cond3A_89 {
      %dma_start3A_125 = arith.constant 1 : i32
      %dma_start3A_126 = arith.constant 1 : i32
      %dma_start3A_127 = arith.constant 0 : i32
      %dma_start3A_128 = arith.constant 0 : i32
      %dma_start3A_129 = tpu.memref_slice %arg10[%dma_start3A_125, %dma_start3A_127, %dma_start3A_128] : memref<4x80x64xf32, #tpu.memory_space<vmem>> -> memref<1x80x64xf32, #tpu.memory_space<vmem>>
      %dma_start3A_130 = tpu.memref_squeeze %dma_start3A_129 : memref<1x80x64xf32, #tpu.memory_space<vmem>> -> memref<80x64xf32, #tpu.memory_space<vmem>>
      %dma_start3A_131 = arith.constant 0 : i32
      %dma_start3A_132 = tpu.memref_slice %arg8[%dma_start3A_126, %dma_start3A_131] : memref<4x80xi32, #tpu.memory_space<vmem>> -> memref<1x80xi32, #tpu.memory_space<vmem>>
      %dma_start3A_133 = tpu.memref_squeeze %dma_start3A_132 : memref<1x80xi32, #tpu.memory_space<vmem>> -> memref<80xi32, #tpu.memory_space<vmem>>
      %dma_start3A_134 = arith.constant 0 : i32
      %dma_start3A_135 = arith.constant 0 : i32
      %dma_start3A_136 = tpu.memref_slice %arg11[%dma_start3A_134, %dma_start3A_135] : memref<1024x64xf32, #tpu.memory_space<vmem_shared>> -> memref<1024x64xf32, #tpu.memory_space<vmem_shared>>
      tpu.enqueue_indirect_dma source(%dma_start3A_130 : memref<80x64xf32, #tpu.memory_space<vmem>>) target(%dma_start3A_136 : memref<1024x64xf32, #tpu.memory_space<vmem_shared>>) offsets(%dma_start3A_133 : memref<80xi32, #tpu.memory_space<vmem>>) semaphore(%arg14 : memref<!tpu.dma_semaphore, #tpu.memory_space<semaphore_mem>>) {add = true}
      %dma_start3A_137 = arith.constant 1 : i32
      %dma_start3A_138 = arith.constant 0 : i32
      %dma_start3A_139 = tpu.memref_slice %arg8[%dma_start3A_137, %dma_start3A_138] : memref<4x80xi32, #tpu.memory_space<vmem>> -> memref<1x80xi32, #tpu.memory_space<vmem>>
      %dma_start3A_140 = tpu.memref_squeeze %dma_start3A_139 : memref<1x80xi32, #tpu.memory_space<vmem>> -> memref<80xi32, #tpu.memory_space<vmem>>
      %dma_start3A_141 = arith.constant 0 : i32
      %dma_start3A_142 = tpu.memref_slice %arg12[%dma_start3A_141] : memref<1024xf32, #tpu.memory_space<vmem_shared>> -> memref<1024xf32, #tpu.memory_space<vmem_shared>>
      tpu.enqueue_indirect_dma source(%arg9 : memref<80xf32, #tpu.memory_space<vmem>>) target(%dma_start3A_142 : memref<1024xf32, #tpu.memory_space<vmem_shared>>) offsets(%dma_start3A_140 : memref<80xi32, #tpu.memory_space<vmem>>) semaphore(%arg14 : memref<!tpu.dma_semaphore, #tpu.memory_space<semaphore_mem>>) {add = true}
    } else {
    }
    %gt3A_90 = arith.constant 2 : i32
    %gt3A_91 = arith.cmpi sgt, %select_n3A, %gt3A_90 : i32
    %convert_element_type3A_92 = arith.extui %gt3A_91 : i1 to i32
    %cond3A_93 = arith.constant 0 : i32
    %cond3A_94 = arith.cmpi ne, %convert_element_type3A_92, %cond3A_93 : i32
    scf.if %cond3A_94 {
      %dma_start3A_125 = arith.constant 2 : i32
      %dma_start3A_126 = arith.constant 2 : i32
      %dma_start3A_127 = arith.constant 0 : i32
      %dma_start3A_128 = arith.constant 0 : i32
      %dma_start3A_129 = tpu.memref_slice %arg10[%dma_start3A_125, %dma_start3A_127, %dma_start3A_128] : memref<4x80x64xf32, #tpu.memory_space<vmem>> -> memref<1x80x64xf32, #tpu.memory_space<vmem>>
      %dma_start3A_130 = tpu.memref_squeeze %dma_start3A_129 : memref<1x80x64xf32, #tpu.memory_space<vmem>> -> memref<80x64xf32, #tpu.memory_space<vmem>>
      %dma_start3A_131 = arith.constant 0 : i32
      %dma_start3A_132 = tpu.memref_slice %arg8[%dma_start3A_126, %dma_start3A_131] : memref<4x80xi32, #tpu.memory_space<vmem>> -> memref<1x80xi32, #tpu.memory_space<vmem>>
      %dma_start3A_133 = tpu.memref_squeeze %dma_start3A_132 : memref<1x80xi32, #tpu.memory_space<vmem>> -> memref<80xi32, #tpu.memory_space<vmem>>
      %dma_start3A_134 = arith.constant 0 : i32
      %dma_start3A_135 = arith.constant 0 : i32
      %dma_start3A_136 = tpu.memref_slice %arg11[%dma_start3A_134, %dma_start3A_135] : memref<1024x64xf32, #tpu.memory_space<vmem_shared>> -> memref<1024x64xf32, #tpu.memory_space<vmem_shared>>
      tpu.enqueue_indirect_dma source(%dma_start3A_130 : memref<80x64xf32, #tpu.memory_space<vmem>>) target(%dma_start3A_136 : memref<1024x64xf32, #tpu.memory_space<vmem_shared>>) offsets(%dma_start3A_133 : memref<80xi32, #tpu.memory_space<vmem>>) semaphore(%arg14 : memref<!tpu.dma_semaphore, #tpu.memory_space<semaphore_mem>>) {add = true}
      %dma_start3A_137 = arith.constant 2 : i32
      %dma_start3A_138 = arith.constant 0 : i32
      %dma_start3A_139 = tpu.memref_slice %arg8[%dma_start3A_137, %dma_start3A_138] : memref<4x80xi32, #tpu.memory_space<vmem>> -> memref<1x80xi32, #tpu.memory_space<vmem>>
      %dma_start3A_140 = tpu.memref_squeeze %dma_start3A_139 : memref<1x80xi32, #tpu.memory_space<vmem>> -> memref<80xi32, #tpu.memory_space<vmem>>
      %dma_start3A_141 = arith.constant 0 : i32
      %dma_start3A_142 = tpu.memref_slice %arg12[%dma_start3A_141] : memref<1024xf32, #tpu.memory_space<vmem_shared>> -> memref<1024xf32, #tpu.memory_space<vmem_shared>>
      tpu.enqueue_indirect_dma source(%arg9 : memref<80xf32, #tpu.memory_space<vmem>>) target(%dma_start3A_142 : memref<1024xf32, #tpu.memory_space<vmem_shared>>) offsets(%dma_start3A_140 : memref<80xi32, #tpu.memory_space<vmem>>) semaphore(%arg14 : memref<!tpu.dma_semaphore, #tpu.memory_space<semaphore_mem>>) {add = true}
    } else {
    }
    %gt3A_95 = arith.constant 3 : i32
    %gt3A_96 = arith.cmpi sgt, %select_n3A, %gt3A_95 : i32
    %convert_element_type3A_97 = arith.extui %gt3A_96 : i1 to i32
    %cond3A_98 = arith.constant 0 : i32
    %cond3A_99 = arith.cmpi ne, %convert_element_type3A_97, %cond3A_98 : i32
    scf.if %cond3A_99 {
      %dma_start3A_125 = arith.constant 3 : i32
      %dma_start3A_126 = arith.constant 3 : i32
      %dma_start3A_127 = arith.constant 0 : i32
      %dma_start3A_128 = arith.constant 0 : i32
      %dma_start3A_129 = tpu.memref_slice %arg10[%dma_start3A_125, %dma_start3A_127, %dma_start3A_128] : memref<4x80x64xf32, #tpu.memory_space<vmem>> -> memref<1x80x64xf32, #tpu.memory_space<vmem>>
      %dma_start3A_130 = tpu.memref_squeeze %dma_start3A_129 : memref<1x80x64xf32, #tpu.memory_space<vmem>> -> memref<80x64xf32, #tpu.memory_space<vmem>>
      %dma_start3A_131 = arith.constant 0 : i32
      %dma_start3A_132 = tpu.memref_slice %arg8[%dma_start3A_126, %dma_start3A_131] : memref<4x80xi32, #tpu.memory_space<vmem>> -> memref<1x80xi32, #tpu.memory_space<vmem>>
      %dma_start3A_133 = tpu.memref_squeeze %dma_start3A_132 : memref<1x80xi32, #tpu.memory_space<vmem>> -> memref<80xi32, #tpu.memory_space<vmem>>
      %dma_start3A_134 = arith.constant 0 : i32
      %dma_start3A_135 = arith.constant 0 : i32
      %dma_start3A_136 = tpu.memref_slice %arg11[%dma_start3A_134, %dma_start3A_135] : memref<1024x64xf32, #tpu.memory_space<vmem_shared>> -> memref<1024x64xf32, #tpu.memory_space<vmem_shared>>
      tpu.enqueue_indirect_dma source(%dma_start3A_130 : memref<80x64xf32, #tpu.memory_space<vmem>>) target(%dma_start3A_136 : memref<1024x64xf32, #tpu.memory_space<vmem_shared>>) offsets(%dma_start3A_133 : memref<80xi32, #tpu.memory_space<vmem>>) semaphore(%arg14 : memref<!tpu.dma_semaphore, #tpu.memory_space<semaphore_mem>>) {add = true}
      %dma_start3A_137 = arith.constant 3 : i32
      %dma_start3A_138 = arith.constant 0 : i32
      %dma_start3A_139 = tpu.memref_slice %arg8[%dma_start3A_137, %dma_start3A_138] : memref<4x80xi32, #tpu.memory_space<vmem>> -> memref<1x80xi32, #tpu.memory_space<vmem>>
      %dma_start3A_140 = tpu.memref_squeeze %dma_start3A_139 : memref<1x80xi32, #tpu.memory_space<vmem>> -> memref<80xi32, #tpu.memory_space<vmem>>
      %dma_start3A_141 = arith.constant 0 : i32
      %dma_start3A_142 = tpu.memref_slice %arg12[%dma_start3A_141] : memref<1024xf32, #tpu.memory_space<vmem_shared>> -> memref<1024xf32, #tpu.memory_space<vmem_shared>>
      tpu.enqueue_indirect_dma source(%arg9 : memref<80xf32, #tpu.memory_space<vmem>>) target(%dma_start3A_142 : memref<1024xf32, #tpu.memory_space<vmem_shared>>) offsets(%dma_start3A_140 : memref<80xi32, #tpu.memory_space<vmem>>) semaphore(%arg14 : memref<!tpu.dma_semaphore, #tpu.memory_space<semaphore_mem>>) {add = true}
    } else {
    }
    %gt3A_100 = arith.constant 0 : i32
    %gt3A_101 = arith.cmpi sgt, %select_n3A, %gt3A_100 : i32
    %convert_element_type3A_102 = arith.extui %gt3A_101 : i1 to i32
    %cond3A_103 = arith.constant 0 : i32
    %cond3A_104 = arith.cmpi ne, %convert_element_type3A_102, %cond3A_103 : i32
    scf.if %cond3A_104 {
      %dma_wait3A_125 = arith.constant 0 : i32
      %dma_wait3A_126 = arith.constant 0 : i32
      %dma_wait3A_127 = arith.constant 0 : i32
      %dma_wait3A_128 = tpu.memref_slice %arg10[%dma_wait3A_125, %dma_wait3A_126, %dma_wait3A_127] : memref<4x80x64xf32, #tpu.memory_space<vmem>> -> memref<1x80x64xf32, #tpu.memory_space<vmem>>
      %dma_wait3A_129 = tpu.memref_squeeze %dma_wait3A_128 : memref<1x80x64xf32, #tpu.memory_space<vmem>> -> memref<80x64xf32, #tpu.memory_space<vmem>>
      %dma_wait3A_130 = arith.constant 0 : i32
      %dma_wait3A_131 = arith.constant 0 : i32
      %dma_wait3A_132 = tpu.memref_slice %arg2[%dma_wait3A_130, %dma_wait3A_131] : memref<10000x64xf32, #tpu.memory_space<hbm>> -> memref<80x64xf32, #tpu.memory_space<hbm>>
      %dma_wait3A_133 = arith.constant 0 : i32
      %dma_wait3A_134 = arith.constant 0 : i32
      %dma_wait3A_135 = tpu.memref_slice %arg10[%dma_wait3A_125, %dma_wait3A_133, %dma_wait3A_134] : memref<4x80x64xf32, #tpu.memory_space<vmem>> -> memref<1x80x64xf32, #tpu.memory_space<vmem>>
      %dma_wait3A_136 = tpu.memref_squeeze %dma_wait3A_135 : memref<1x80x64xf32, #tpu.memory_space<vmem>> -> memref<80x64xf32, #tpu.memory_space<vmem>>
      %dma_wait3A_137 = arith.constant 0 : i32
      %dma_wait3A_138 = arith.constant 0 : i32
      %dma_wait3A_139 = tpu.memref_slice %arg2[%dma_wait3A_137, %dma_wait3A_138] : memref<10000x64xf32, #tpu.memory_space<hbm>> -> memref<80x64xf32, #tpu.memory_space<hbm>>
      tpu.wait_dma2 semaphore(%arg14 : memref<!tpu.dma_semaphore, #tpu.memory_space<semaphore_mem>>) src(%dma_wait3A_139 : memref<80x64xf32, #tpu.memory_space<hbm>>) dst(%dma_wait3A_136 : memref<80x64xf32, #tpu.memory_space<vmem>>)
      tpu.wait_dma2 semaphore(%arg14 : memref<!tpu.dma_semaphore, #tpu.memory_space<semaphore_mem>>) src(%arg4 : memref<80xf32, #tpu.memory_space<hbm>>) dst(%arg9 : memref<80xf32, #tpu.memory_space<vmem>>)
    } else {
    }
    %gt3A_105 = arith.constant 1 : i32
    %gt3A_106 = arith.cmpi sgt, %select_n3A, %gt3A_105 : i32
    %convert_element_type3A_107 = arith.extui %gt3A_106 : i1 to i32
    %cond3A_108 = arith.constant 0 : i32
    %cond3A_109 = arith.cmpi ne, %convert_element_type3A_107, %cond3A_108 : i32
    scf.if %cond3A_109 {
      %dma_wait3A_125 = arith.constant 1 : i32
      %dma_wait3A_126 = arith.constant 0 : i32
      %dma_wait3A_127 = arith.constant 0 : i32
      %dma_wait3A_128 = tpu.memref_slice %arg10[%dma_wait3A_125, %dma_wait3A_126, %dma_wait3A_127] : memref<4x80x64xf32, #tpu.memory_space<vmem>> -> memref<1x80x64xf32, #tpu.memory_space<vmem>>
      %dma_wait3A_129 = tpu.memref_squeeze %dma_wait3A_128 : memref<1x80x64xf32, #tpu.memory_space<vmem>> -> memref<80x64xf32, #tpu.memory_space<vmem>>
      %dma_wait3A_130 = arith.constant 0 : i32
      %dma_wait3A_131 = arith.constant 0 : i32
      %dma_wait3A_132 = tpu.memref_slice %arg2[%dma_wait3A_130, %dma_wait3A_131] : memref<10000x64xf32, #tpu.memory_space<hbm>> -> memref<80x64xf32, #tpu.memory_space<hbm>>
      %dma_wait3A_133 = arith.constant 0 : i32
      %dma_wait3A_134 = arith.constant 0 : i32
      %dma_wait3A_135 = tpu.memref_slice %arg10[%dma_wait3A_125, %dma_wait3A_133, %dma_wait3A_134] : memref<4x80x64xf32, #tpu.memory_space<vmem>> -> memref<1x80x64xf32, #tpu.memory_space<vmem>>
      %dma_wait3A_136 = tpu.memref_squeeze %dma_wait3A_135 : memref<1x80x64xf32, #tpu.memory_space<vmem>> -> memref<80x64xf32, #tpu.memory_space<vmem>>
      %dma_wait3A_137 = arith.constant 0 : i32
      %dma_wait3A_138 = arith.constant 0 : i32
      %dma_wait3A_139 = tpu.memref_slice %arg2[%dma_wait3A_137, %dma_wait3A_138] : memref<10000x64xf32, #tpu.memory_space<hbm>> -> memref<80x64xf32, #tpu.memory_space<hbm>>
      tpu.wait_dma2 semaphore(%arg14 : memref<!tpu.dma_semaphore, #tpu.memory_space<semaphore_mem>>) src(%dma_wait3A_139 : memref<80x64xf32, #tpu.memory_space<hbm>>) dst(%dma_wait3A_136 : memref<80x64xf32, #tpu.memory_space<vmem>>)
      tpu.wait_dma2 semaphore(%arg14 : memref<!tpu.dma_semaphore, #tpu.memory_space<semaphore_mem>>) src(%arg4 : memref<80xf32, #tpu.memory_space<hbm>>) dst(%arg9 : memref<80xf32, #tpu.memory_space<vmem>>)
    } else {
    }
    %gt3A_110 = arith.constant 2 : i32
    %gt3A_111 = arith.cmpi sgt, %select_n3A, %gt3A_110 : i32
    %convert_element_type3A_112 = arith.extui %gt3A_111 : i1 to i32
    %cond3A_113 = arith.constant 0 : i32
    %cond3A_114 = arith.cmpi ne, %convert_element_type3A_112, %cond3A_113 : i32
    scf.if %cond3A_114 {
      %dma_wait3A_125 = arith.constant 2 : i32
      %dma_wait3A_126 = arith.constant 0 : i32
      %dma_wait3A_127 = arith.constant 0 : i32
      %dma_wait3A_128 = tpu.memref_slice %arg10[%dma_wait3A_125, %dma_wait3A_126, %dma_wait3A_127] : memref<4x80x64xf32, #tpu.memory_space<vmem>> -> memref<1x80x64xf32, #tpu.memory_space<vmem>>
      %dma_wait3A_129 = tpu.memref_squeeze %dma_wait3A_128 : memref<1x80x64xf32, #tpu.memory_space<vmem>> -> memref<80x64xf32, #tpu.memory_space<vmem>>
      %dma_wait3A_130 = arith.constant 0 : i32
      %dma_wait3A_131 = arith.constant 0 : i32
      %dma_wait3A_132 = tpu.memref_slice %arg2[%dma_wait3A_130, %dma_wait3A_131] : memref<10000x64xf32, #tpu.memory_space<hbm>> -> memref<80x64xf32, #tpu.memory_space<hbm>>
      %dma_wait3A_133 = arith.constant 0 : i32
      %dma_wait3A_134 = arith.constant 0 : i32
      %dma_wait3A_135 = tpu.memref_slice %arg10[%dma_wait3A_125, %dma_wait3A_133, %dma_wait3A_134] : memref<4x80x64xf32, #tpu.memory_space<vmem>> -> memref<1x80x64xf32, #tpu.memory_space<vmem>>
      %dma_wait3A_136 = tpu.memref_squeeze %dma_wait3A_135 : memref<1x80x64xf32, #tpu.memory_space<vmem>> -> memref<80x64xf32, #tpu.memory_space<vmem>>
      %dma_wait3A_137 = arith.constant 0 : i32
      %dma_wait3A_138 = arith.constant 0 : i32
      %dma_wait3A_139 = tpu.memref_slice %arg2[%dma_wait3A_137, %dma_wait3A_138] : memref<10000x64xf32, #tpu.memory_space<hbm>> -> memref<80x64xf32, #tpu.memory_space<hbm>>
      tpu.wait_dma2 semaphore(%arg14 : memref<!tpu.dma_semaphore, #tpu.memory_space<semaphore_mem>>) src(%dma_wait3A_139 : memref<80x64xf32, #tpu.memory_space<hbm>>) dst(%dma_wait3A_136 : memref<80x64xf32, #tpu.memory_space<vmem>>)
      tpu.wait_dma2 semaphore(%arg14 : memref<!tpu.dma_semaphore, #tpu.memory_space<semaphore_mem>>) src(%arg4 : memref<80xf32, #tpu.memory_space<hbm>>) dst(%arg9 : memref<80xf32, #tpu.memory_space<vmem>>)
    } else {
    }
    %gt3A_115 = arith.constant 3 : i32
    %gt3A_116 = arith.cmpi sgt, %select_n3A, %gt3A_115 : i32
    %convert_element_type3A_117 = arith.extui %gt3A_116 : i1 to i32
    %cond3A_118 = arith.constant 0 : i32
    %cond3A_119 = arith.cmpi ne, %convert_element_type3A_117, %cond3A_118 : i32
    scf.if %cond3A_119 {
      %dma_wait3A_125 = arith.constant 3 : i32
      %dma_wait3A_126 = arith.constant 0 : i32
      %dma_wait3A_127 = arith.constant 0 : i32
      %dma_wait3A_128 = tpu.memref_slice %arg10[%dma_wait3A_125, %dma_wait3A_126, %dma_wait3A_127] : memref<4x80x64xf32, #tpu.memory_space<vmem>> -> memref<1x80x64xf32, #tpu.memory_space<vmem>>
      %dma_wait3A_129 = tpu.memref_squeeze %dma_wait3A_128 : memref<1x80x64xf32, #tpu.memory_space<vmem>> -> memref<80x64xf32, #tpu.memory_space<vmem>>
      %dma_wait3A_130 = arith.constant 0 : i32
      %dma_wait3A_131 = arith.constant 0 : i32
      %dma_wait3A_132 = tpu.memref_slice %arg2[%dma_wait3A_130, %dma_wait3A_131] : memref<10000x64xf32, #tpu.memory_space<hbm>> -> memref<80x64xf32, #tpu.memory_space<hbm>>
      %dma_wait3A_133 = arith.constant 0 : i32
      %dma_wait3A_134 = arith.constant 0 : i32
      %dma_wait3A_135 = tpu.memref_slice %arg10[%dma_wait3A_125, %dma_wait3A_133, %dma_wait3A_134] : memref<4x80x64xf32, #tpu.memory_space<vmem>> -> memref<1x80x64xf32, #tpu.memory_space<vmem>>
      %dma_wait3A_136 = tpu.memref_squeeze %dma_wait3A_135 : memref<1x80x64xf32, #tpu.memory_space<vmem>> -> memref<80x64xf32, #tpu.memory_space<vmem>>
      %dma_wait3A_137 = arith.constant 0 : i32
      %dma_wait3A_138 = arith.constant 0 : i32
      %dma_wait3A_139 = tpu.memref_slice %arg2[%dma_wait3A_137, %dma_wait3A_138] : memref<10000x64xf32, #tpu.memory_space<hbm>> -> memref<80x64xf32, #tpu.memory_space<hbm>>
      tpu.wait_dma2 semaphore(%arg14 : memref<!tpu.dma_semaphore, #tpu.memory_space<semaphore_mem>>) src(%dma_wait3A_139 : memref<80x64xf32, #tpu.memory_space<hbm>>) dst(%dma_wait3A_136 : memref<80x64xf32, #tpu.memory_space<vmem>>)
      tpu.wait_dma2 semaphore(%arg14 : memref<!tpu.dma_semaphore, #tpu.memory_space<semaphore_mem>>) src(%arg4 : memref<80xf32, #tpu.memory_space<hbm>>) dst(%arg9 : memref<80xf32, #tpu.memory_space<vmem>>)
    } else {
    }
    %barrier3A_120 = arith.constant 0 : index
    tpu.barrier barrier_id(%barrier3A_120)
    %mul3A_121 = arith.constant 64 : i32
    %mul3A_122 = arith.muli %arg1, %mul3A_121 : i32
    "tpu.region"() ({
      %run_scoped3A = tpu.sem_alloc : memref<!tpu.dma_semaphore, #tpu.memory_space<semaphore_mem>>
      %dma_start3A_125 = arith.constant 0 : i32
      %dma_start3A_126 = arith.constant 0 : i32
      %dma_start3A_127 = tpu.memref_slice %arg6[%arg0, %arg1, %dma_start3A_125, %dma_start3A_126] : memref<2x16x64x64xf32, #tpu.memory_space<hbm>> -> memref<1x1x64x64xf32, #tpu.memory_space<hbm>>
      %dma_start3A_128 = tpu.memref_squeeze %dma_start3A_127 : memref<1x1x64x64xf32, #tpu.memory_space<hbm>> -> memref<64x64xf32, #tpu.memory_space<hbm>>
      %dma_start3A_129 = arith.constant 0 : i32
      %dma_start3A_130 = tpu.memref_slice %arg11[%mul3A_122, %dma_start3A_129] : memref<1024x64xf32, #tpu.memory_space<vmem_shared>> -> memref<64x64xf32, #tpu.memory_space<vmem_shared>>
      tpu.enqueue_dma source(%dma_start3A_130 : memref<64x64xf32, #tpu.memory_space<vmem_shared>>) target(%dma_start3A_128 : memref<64x64xf32, #tpu.memory_space<hbm>>) target_semaphore(%run_scoped3A : memref<!tpu.dma_semaphore, #tpu.memory_space<semaphore_mem>>)
      %dma_wait3A_131 = arith.constant 0 : i32
      %dma_wait3A_132 = arith.constant 0 : i32
      %dma_wait3A_133 = tpu.memref_slice %arg6[%arg0, %arg1, %dma_wait3A_131, %dma_wait3A_132] : memref<2x16x64x64xf32, #tpu.memory_space<hbm>> -> memref<1x1x64x64xf32, #tpu.memory_space<hbm>>
      %dma_wait3A_134 = tpu.memref_squeeze %dma_wait3A_133 : memref<1x1x64x64xf32, #tpu.memory_space<hbm>> -> memref<64x64xf32, #tpu.memory_space<hbm>>
      %dma_wait3A_135 = arith.constant 0 : i32
      %dma_wait3A_136 = tpu.memref_slice %arg11[%mul3A_122, %dma_wait3A_135] : memref<1024x64xf32, #tpu.memory_space<vmem_shared>> -> memref<64x64xf32, #tpu.memory_space<vmem_shared>>
      tpu.wait_dma2 semaphore(%run_scoped3A : memref<!tpu.dma_semaphore, #tpu.memory_space<semaphore_mem>>) src(%dma_wait3A_136 : memref<64x64xf32, #tpu.memory_space<vmem_shared>>) dst(%dma_wait3A_134 : memref<64x64xf32, #tpu.memory_space<hbm>>)
      tpu.yield
    }) : () -> ()
    %mul3A_123 = arith.constant 64 : i32
    %mul3A_124 = arith.muli %arg1, %mul3A_123 : i32
    "tpu.region"() ({
      %run_scoped3A = tpu.sem_alloc : memref<!tpu.dma_semaphore, #tpu.memory_space<semaphore_mem>>
      %dma_start3A_125 = arith.constant 0 : i32
      %dma_start3A_126 = tpu.memref_slice %arg7[%arg0, %arg1, %dma_start3A_125] : memref<2x16x64xf32, #tpu.memory_space<hbm>> -> memref<1x1x64xf32, #tpu.memory_space<hbm>>
      %dma_start3A_127 = tpu.memref_squeeze %dma_start3A_126 : memref<1x1x64xf32, #tpu.memory_space<hbm>> -> memref<64xf32, #tpu.memory_space<hbm>>
      %dma_start3A_128 = tpu.memref_slice %arg12[%mul3A_124] : memref<1024xf32, #tpu.memory_space<vmem_shared>> -> memref<64xf32, #tpu.memory_space<vmem_shared>>
      tpu.enqueue_dma source(%dma_start3A_128 : memref<64xf32, #tpu.memory_space<vmem_shared>>) target(%dma_start3A_127 : memref<64xf32, #tpu.memory_space<hbm>>) target_semaphore(%run_scoped3A : memref<!tpu.dma_semaphore, #tpu.memory_space<semaphore_mem>>)
      %dma_wait3A_129 = arith.constant 0 : i32
      %dma_wait3A_130 = tpu.memref_slice %arg7[%arg0, %arg1, %dma_wait3A_129] : memref<2x16x64xf32, #tpu.memory_space<hbm>> -> memref<1x1x64xf32, #tpu.memory_space<hbm>>
      %dma_wait3A_131 = tpu.memref_squeeze %dma_wait3A_130 : memref<1x1x64xf32, #tpu.memory_space<hbm>> -> memref<64xf32, #tpu.memory_space<hbm>>
      %dma_wait3A_132 = tpu.memref_slice %arg12[%mul3A_124] : memref<1024xf32, #tpu.memory_space<vmem_shared>> -> memref<64xf32, #tpu.memory_space<vmem_shared>>
      tpu.wait_dma2 semaphore(%run_scoped3A : memref<!tpu.dma_semaphore, #tpu.memory_space<semaphore_mem>>) src(%dma_wait3A_132 : memref<64xf32, #tpu.memory_space<vmem_shared>>) dst(%dma_wait3A_131 : memref<64xf32, #tpu.memory_space<hbm>>)
      tpu.yield
    }) : () -> ()
    return
  }
}

module attributes {stable_mosaic.version = 14 : i64} {
  func.func @body(%arg0: i32, %arg1: memref<2000x2xf32, #tpu.memory_space<vmem>>, %arg2: memref<2000x128xf32, #tpu.memory_space<vmem>>, %arg3: memref<128x64xf32, #tpu.memory_space<vmem>>, %arg4: memref<2000x1xf32, #tpu.memory_space<vmem>>, %arg5: memref<2000x64xf32, #tpu.memory_space<vmem>>) attributes {dimension_semantics = [#tpu.dimension_semantics<arbitrary>], iteration_bounds = array<i64: 5>, scalar_prefetch = 0 : i64, scratch_operands = 0 : i64, tpu.core_type = #tpu.core_type<tc>, window_params = [{transform_indices = @transform_0, window_bounds = array<i64: 2000, 2>}, {transform_indices = @transform_1, window_bounds = array<i64: 2000, 128>}, {pipeline_mode = #tpu.pipeline_mode<synchronous>, transform_indices = @transform_2, window_bounds = array<i64: 128, 64>}, {transform_indices = @transform_3, window_bounds = array<i64: 2000, 1>}, {transform_indices = @transform_4, window_bounds = array<i64: 2000, 64>}]} {
    %get3A = arith.constant 0 : index
    %get3A_0 = arith.constant 0 : index
    %get3A_1 = vector.load %arg1[%get3A, %get3A_0] : memref<2000x2xf32, #tpu.memory_space<vmem>>, vector<2000x1xf32>
    %get3A_2 = arith.constant 0 : index
    %get3A_3 = arith.constant 1 : index
    %get3A_4 = vector.load %arg1[%get3A_2, %get3A_3] : memref<2000x2xf32, #tpu.memory_space<vmem>>, vector<2000x1xf32>
    %add3A = arith.addf %get3A_1, %get3A_4 : vector<2000x1xf32>
    %add3A_5 = arith.constant 1.000000e+00 : f32
    %add3A_6 = vector.broadcast %add3A_5 : f32 to vector<2000x1xf32>
    %add3A_7 = arith.addf %add3A, %add3A_6 : vector<2000x1xf32>
    %rsqrt3A = math.rsqrt %add3A_7 : vector<2000x1xf32>
    %get3A_8 = arith.constant 0 : index
    %get3A_9 = arith.constant 0 : index
    %get3A_10 = vector.load %arg2[%get3A_8, %get3A_9] : memref<2000x128xf32, #tpu.memory_space<vmem>>, vector<2000x128xf32>
    %get3A_11 = arith.constant 0 : index
    %get3A_12 = arith.constant 0 : index
    %get3A_13 = vector.load %arg3[%get3A_11, %get3A_12] : memref<128x64xf32, #tpu.memory_space<vmem>>, vector<128x64xf32>
    %dot_general3A = arith.constant dense<0.000000e+00> : vector<2000x64xf32>
    %dot_general3A_14 = tpu.matmul %get3A_10, %get3A_13, %dot_general3A {dimension_numbers = #tpu.dot_dimension_numbers<[1], [0], [0], [1], [0, 0, 1, 1], [], []>, transpose_lhs_hint = false} : vector<2000x128xf32>, vector<128x64xf32>, vector<2000x64xf32> -> vector<2000x64xf32>
    %swap3A = arith.constant 0 : index
    %swap3A_15 = arith.constant 0 : index
    %swap3A_16 = vector.load %arg4[%swap3A, %swap3A_15] : memref<2000x1xf32, #tpu.memory_space<vmem>>, vector<2000x1xf32>
    tpu.vector_store %arg4[%swap3A, %swap3A_15], %rsqrt3A {strides = array<i32>} : memref<2000x1xf32, #tpu.memory_space<vmem>>, vector<2000x1xf32>,
    %mul3A = vector.broadcast %rsqrt3A : vector<2000x1xf32> to vector<2000x64xf32>
    %mul3A_17 = arith.mulf %dot_general3A_14, %mul3A : vector<2000x64xf32>
    %swap3A_18 = arith.constant 0 : index
    %swap3A_19 = arith.constant 0 : index
    %swap3A_20 = vector.load %arg5[%swap3A_18, %swap3A_19] : memref<2000x64xf32, #tpu.memory_space<vmem>>, vector<2000x64xf32>
    tpu.vector_store %arg5[%swap3A_18, %swap3A_19], %mul3A_17 {strides = array<i32>} : memref<2000x64xf32, #tpu.memory_space<vmem>>, vector<2000x64xf32>,
    return
  }
  func.func @transform_0(%arg0: i32) -> (i32, i32) {
    %c0_i32 = arith.constant 0 : i32
    %c0_i32_0 = arith.constant 0 : i32
    return %arg0, %c0_i32 : i32, i32
  }
  func.func @transform_1(%arg0: i32) -> (i32, i32) {
    %c0_i32 = arith.constant 0 : i32
    %c0_i32_0 = arith.constant 0 : i32
    return %arg0, %c0_i32 : i32, i32
  }
  func.func @transform_2(%arg0: i32) -> (i32, i32) {
    %c0_i32 = arith.constant 0 : i32
    %c0_i32_0 = arith.constant 0 : i32
    %c0_i32_1 = arith.constant 0 : i32
    return %c0_i32, %c0_i32_0 : i32, i32
  }
  func.func @transform_3(%arg0: i32) -> (i32, i32) {
    %c0_i32 = arith.constant 0 : i32
    %c0_i32_0 = arith.constant 0 : i32
    return %arg0, %c0_i32 : i32, i32
  }
  func.func @transform_4(%arg0: i32) -> (i32, i32) {
    %c0_i32 = arith.constant 0 : i32
    %c0_i32_0 = arith.constant 0 : i32
    return %arg0, %c0_i32 : i32, i32
  }
}

module attributes {stable_mosaic.version = 14 : i64} {
  func.func @body(%arg0: i32, %arg1: memref<2x2000x64xf32, #tpu.memory_space<vmem>>, %arg2: memref<2000x64xf32, #tpu.memory_space<vmem>>, %arg3: memref<2000x1xf32, #tpu.memory_space<vmem>>, %arg4: memref<1x64xf32, #tpu.memory_space<vmem>>, %arg5: memref<2000x64xf32, #tpu.memory_space<vmem>>) attributes {dimension_semantics = [#tpu.dimension_semantics<arbitrary>], iteration_bounds = array<i64: 5>, scalar_prefetch = 0 : i64, scratch_operands = 0 : i64, tpu.core_type = #tpu.core_type<tc>, window_params = [{transform_indices = @transform_0, window_bounds = array<i64: 2, 2000, 64>}, {transform_indices = @transform_1, window_bounds = array<i64: 2000, 64>}, {transform_indices = @transform_2, window_bounds = array<i64: 2000, 1>}, {pipeline_mode = #tpu.pipeline_mode<synchronous>, transform_indices = @transform_3, window_bounds = array<i64: 1, 64>}, {transform_indices = @transform_4, window_bounds = array<i64: 2000, 64>}]} {
    %get3A = arith.constant 0 : index
    %get3A_0 = arith.constant 0 : index
    %get3A_1 = arith.constant 0 : index
    %get3A_2 = vector.load %arg1[%get3A, %get3A_0, %get3A_1] : memref<2x2000x64xf32, #tpu.memory_space<vmem>>, vector<1x2000x64xf32>
    %get3A_3 = vector.shape_cast %get3A_2 : vector<1x2000x64xf32> to vector<2000x64xf32>
    %get3A_4 = arith.constant 1 : index
    %get3A_5 = arith.constant 0 : index
    %get3A_6 = arith.constant 0 : index
    %get3A_7 = vector.load %arg1[%get3A_4, %get3A_5, %get3A_6] : memref<2x2000x64xf32, #tpu.memory_space<vmem>>, vector<1x2000x64xf32>
    %get3A_8 = vector.shape_cast %get3A_7 : vector<1x2000x64xf32> to vector<2000x64xf32>
    %add3A = arith.addf %get3A_3, %get3A_8 : vector<2000x64xf32>
    %get3A_9 = arith.constant 0 : index
    %get3A_10 = arith.constant 0 : index
    %get3A_11 = vector.load %arg2[%get3A_9, %get3A_10] : memref<2000x64xf32, #tpu.memory_space<vmem>>, vector<2000x64xf32>
    %add3A_12 = arith.addf %add3A, %get3A_11 : vector<2000x64xf32>
    %get3A_13 = arith.constant 0 : index
    %get3A_14 = arith.constant 0 : index
    %get3A_15 = vector.load %arg3[%get3A_13, %get3A_14] : memref<2000x1xf32, #tpu.memory_space<vmem>>, vector<2000x1xf32>
    %mul3A = vector.broadcast %get3A_15 : vector<2000x1xf32> to vector<2000x64xf32>
    %mul3A_16 = arith.mulf %add3A_12, %mul3A : vector<2000x64xf32>
    %get3A_17 = arith.constant 0 : index
    %get3A_18 = arith.constant 0 : index
    %get3A_19 = vector.load %arg4[%get3A_17, %get3A_18] : memref<1x64xf32, #tpu.memory_space<vmem>>, vector<1x64xf32>
    %add3A_20 = vector.broadcast %get3A_19 : vector<1x64xf32> to vector<2000x64xf32>
    %add3A_21 = arith.addf %mul3A_16, %add3A_20 : vector<2000x64xf32>
    %max3A = arith.constant 0.000000e+00 : f32
    %max3A_22 = vector.broadcast %max3A : f32 to vector<2000x64xf32>
    %max3A_23 = arith.maximumf %add3A_21, %max3A_22 : vector<2000x64xf32>
    %get3A_24 = arith.constant 0 : index
    %get3A_25 = arith.constant 0 : index
    %get3A_26 = vector.load %arg3[%get3A_24, %get3A_25] : memref<2000x1xf32, #tpu.memory_space<vmem>>, vector<2000x1xf32>
    %mul3A_27 = vector.broadcast %get3A_26 : vector<2000x1xf32> to vector<2000x64xf32>
    %mul3A_28 = arith.mulf %max3A_23, %mul3A_27 : vector<2000x64xf32>
    %swap3A = arith.constant 0 : index
    %swap3A_29 = arith.constant 0 : index
    %swap3A_30 = vector.load %arg5[%swap3A, %swap3A_29] : memref<2000x64xf32, #tpu.memory_space<vmem>>, vector<2000x64xf32>
    tpu.vector_store %arg5[%swap3A, %swap3A_29], %mul3A_28 {strides = array<i32>} : memref<2000x64xf32, #tpu.memory_space<vmem>>, vector<2000x64xf32>,
    return
  }
  func.func @transform_0(%arg0: i32) -> (i32, i32, i32) {
    %c0_i32 = arith.constant 0 : i32
    %c0_i32_0 = arith.constant 0 : i32
    %c0_i32_1 = arith.constant 0 : i32
    return %c0_i32, %arg0, %c0_i32_0 : i32, i32, i32
  }
  func.func @transform_1(%arg0: i32) -> (i32, i32) {
    %c0_i32 = arith.constant 0 : i32
    %c0_i32_0 = arith.constant 0 : i32
    return %arg0, %c0_i32 : i32, i32
  }
  func.func @transform_2(%arg0: i32) -> (i32, i32) {
    %c0_i32 = arith.constant 0 : i32
    %c0_i32_0 = arith.constant 0 : i32
    return %arg0, %c0_i32 : i32, i32
  }
  func.func @transform_3(%arg0: i32) -> (i32, i32) {
    %c0_i32 = arith.constant 0 : i32
    %c0_i32_0 = arith.constant 0 : i32
    %c0_i32_1 = arith.constant 0 : i32
    return %c0_i32, %c0_i32_0 : i32, i32
  }
  func.func @transform_4(%arg0: i32) -> (i32, i32) {
    %c0_i32 = arith.constant 0 : i32
    %c0_i32_0 = arith.constant 0 : i32
    return %arg0, %c0_i32 : i32, i32
  }
}

module attributes {stable_mosaic.version = 14 : i64} {
  func.func @body(%arg0: i32, %arg1: memref<2x2000x64xf32, #tpu.memory_space<vmem>>, %arg2: memref<2000x64xf32, #tpu.memory_space<vmem>>, %arg3: memref<2000x1xf32, #tpu.memory_space<vmem>>, %arg4: memref<1x128xf32, #tpu.memory_space<vmem>>, %arg5: memref<64x128xf32, #tpu.memory_space<vmem>>, %arg6: memref<128x64xf32, #tpu.memory_space<vmem>>, %arg7: memref<2000x64xf32, #tpu.memory_space<vmem>>) attributes {dimension_semantics = [#tpu.dimension_semantics<arbitrary>], iteration_bounds = array<i64: 5>, scalar_prefetch = 0 : i64, scratch_operands = 0 : i64, tpu.core_type = #tpu.core_type<tc>, window_params = [{transform_indices = @transform_0, window_bounds = array<i64: 2, 2000, 64>}, {transform_indices = @transform_1, window_bounds = array<i64: 2000, 64>}, {transform_indices = @transform_2, window_bounds = array<i64: 2000, 1>}, {pipeline_mode = #tpu.pipeline_mode<synchronous>, transform_indices = @transform_3, window_bounds = array<i64: 1, 128>}, {pipeline_mode = #tpu.pipeline_mode<synchronous>, transform_indices = @transform_4, window_bounds = array<i64: 64, 128>}, {pipeline_mode = #tpu.pipeline_mode<synchronous>, transform_indices = @transform_5, window_bounds = array<i64: 128, 64>}, {transform_indices = @transform_6, window_bounds = array<i64: 2000, 64>}]} {
    %get3A = arith.constant 0 : index
    %get3A_0 = arith.constant 0 : index
    %get3A_1 = arith.constant 0 : index
    %get3A_2 = vector.load %arg1[%get3A, %get3A_0, %get3A_1] : memref<2x2000x64xf32, #tpu.memory_space<vmem>>, vector<1x2000x64xf32>
    %get3A_3 = vector.shape_cast %get3A_2 : vector<1x2000x64xf32> to vector<2000x64xf32>
    %get3A_4 = arith.constant 1 : index
    %get3A_5 = arith.constant 0 : index
    %get3A_6 = arith.constant 0 : index
    %get3A_7 = vector.load %arg1[%get3A_4, %get3A_5, %get3A_6] : memref<2x2000x64xf32, #tpu.memory_space<vmem>>, vector<1x2000x64xf32>
    %get3A_8 = vector.shape_cast %get3A_7 : vector<1x2000x64xf32> to vector<2000x64xf32>
    %add3A = arith.addf %get3A_3, %get3A_8 : vector<2000x64xf32>
    %get3A_9 = arith.constant 0 : index
    %get3A_10 = arith.constant 0 : index
    %get3A_11 = vector.load %arg2[%get3A_9, %get3A_10] : memref<2000x64xf32, #tpu.memory_space<vmem>>, vector<2000x64xf32>
    %add3A_12 = arith.addf %add3A, %get3A_11 : vector<2000x64xf32>
    %get3A_13 = arith.constant 0 : index
    %get3A_14 = arith.constant 0 : index
    %get3A_15 = vector.load %arg5[%get3A_13, %get3A_14] : memref<64x128xf32, #tpu.memory_space<vmem>>, vector<64x128xf32>
    %dot_general3A = arith.constant dense<0.000000e+00> : vector<2000x128xf32>
    %dot_general3A_16 = tpu.matmul %add3A_12, %get3A_15, %dot_general3A {dimension_numbers = #tpu.dot_dimension_numbers<[1], [0], [0], [1], [0, 0, 1, 1], [], []>, transpose_lhs_hint = false} : vector<2000x64xf32>, vector<64x128xf32>, vector<2000x128xf32> -> vector<2000x128xf32>
    %get3A_17 = arith.constant 0 : index
    %get3A_18 = arith.constant 0 : index
    %get3A_19 = vector.load %arg3[%get3A_17, %get3A_18] : memref<2000x1xf32, #tpu.memory_space<vmem>>, vector<2000x1xf32>
    %mul3A = vector.broadcast %get3A_19 : vector<2000x1xf32> to vector<2000x128xf32>
    %mul3A_20 = arith.mulf %dot_general3A_16, %mul3A : vector<2000x128xf32>
    %get3A_21 = arith.constant 0 : index
    %get3A_22 = arith.constant 0 : index
    %get3A_23 = vector.load %arg4[%get3A_21, %get3A_22] : memref<1x128xf32, #tpu.memory_space<vmem>>, vector<1x128xf32>
    %add3A_24 = vector.broadcast %get3A_23 : vector<1x128xf32> to vector<2000x128xf32>
    %add3A_25 = arith.addf %mul3A_20, %add3A_24 : vector<2000x128xf32>
    %max3A = arith.constant 0.000000e+00 : f32
    %max3A_26 = vector.broadcast %max3A : f32 to vector<2000x128xf32>
    %max3A_27 = arith.maximumf %add3A_25, %max3A_26 : vector<2000x128xf32>
    %get3A_28 = arith.constant 0 : index
    %get3A_29 = arith.constant 0 : index
    %get3A_30 = vector.load %arg6[%get3A_28, %get3A_29] : memref<128x64xf32, #tpu.memory_space<vmem>>, vector<128x64xf32>
    %dot_general3A_31 = arith.constant dense<0.000000e+00> : vector<2000x64xf32>
    %dot_general3A_32 = tpu.matmul %max3A_27, %get3A_30, %dot_general3A_31 {dimension_numbers = #tpu.dot_dimension_numbers<[1], [0], [0], [1], [0, 0, 1, 1], [], []>, transpose_lhs_hint = false} : vector<2000x128xf32>, vector<128x64xf32>, vector<2000x64xf32> -> vector<2000x64xf32>
    %get3A_33 = arith.constant 0 : index
    %get3A_34 = arith.constant 0 : index
    %get3A_35 = vector.load %arg3[%get3A_33, %get3A_34] : memref<2000x1xf32, #tpu.memory_space<vmem>>, vector<2000x1xf32>
    %mul3A_36 = vector.broadcast %get3A_35 : vector<2000x1xf32> to vector<2000x64xf32>
    %mul3A_37 = arith.mulf %dot_general3A_32, %mul3A_36 : vector<2000x64xf32>
    %swap3A = arith.constant 0 : index
    %swap3A_38 = arith.constant 0 : index
    %swap3A_39 = vector.load %arg7[%swap3A, %swap3A_38] : memref<2000x64xf32, #tpu.memory_space<vmem>>, vector<2000x64xf32>
    tpu.vector_store %arg7[%swap3A, %swap3A_38], %mul3A_37 {strides = array<i32>} : memref<2000x64xf32, #tpu.memory_space<vmem>>, vector<2000x64xf32>,
    return
  }
  func.func @transform_0(%arg0: i32) -> (i32, i32, i32) {
    %c0_i32 = arith.constant 0 : i32
    %c0_i32_0 = arith.constant 0 : i32
    %c0_i32_1 = arith.constant 0 : i32
    return %c0_i32, %arg0, %c0_i32_0 : i32, i32, i32
  }
  func.func @transform_1(%arg0: i32) -> (i32, i32) {
    %c0_i32 = arith.constant 0 : i32
    %c0_i32_0 = arith.constant 0 : i32
    return %arg0, %c0_i32 : i32, i32
  }
  func.func @transform_2(%arg0: i32) -> (i32, i32) {
    %c0_i32 = arith.constant 0 : i32
    %c0_i32_0 = arith.constant 0 : i32
    return %arg0, %c0_i32 : i32, i32
  }
  func.func @transform_3(%arg0: i32) -> (i32, i32) {
    %c0_i32 = arith.constant 0 : i32
    %c0_i32_0 = arith.constant 0 : i32
    %c0_i32_1 = arith.constant 0 : i32
    return %c0_i32, %c0_i32_0 : i32, i32
  }
  func.func @transform_4(%arg0: i32) -> (i32, i32) {
    %c0_i32 = arith.constant 0 : i32
    %c0_i32_0 = arith.constant 0 : i32
    %c0_i32_1 = arith.constant 0 : i32
    return %c0_i32, %c0_i32_0 : i32, i32
  }
  func.func @transform_5(%arg0: i32) -> (i32, i32) {
    %c0_i32 = arith.constant 0 : i32
    %c0_i32_0 = arith.constant 0 : i32
    %c0_i32_1 = arith.constant 0 : i32
    return %c0_i32, %c0_i32_0 : i32, i32
  }
  func.func @transform_6(%arg0: i32) -> (i32, i32) {
    %c0_i32 = arith.constant 0 : i32
    %c0_i32_0 = arith.constant 0 : i32
    return %arg0, %c0_i32 : i32, i32
  }
}

module attributes {stable_mosaic.version = 14 : i64} {
  func.func @body(%arg0: i32, %arg1: memref<2x2000x64xf32, #tpu.memory_space<vmem>>, %arg2: memref<2000x64xf32, #tpu.memory_space<vmem>>, %arg3: memref<2000x1xf32, #tpu.memory_space<vmem>>, %arg4: memref<1x64xf32, #tpu.memory_space<vmem>>, %arg5: memref<2000x64xf32, #tpu.memory_space<vmem>>) attributes {dimension_semantics = [#tpu.dimension_semantics<arbitrary>], iteration_bounds = array<i64: 5>, scalar_prefetch = 0 : i64, scratch_operands = 0 : i64, tpu.core_type = #tpu.core_type<tc>, window_params = [{transform_indices = @transform_0, window_bounds = array<i64: 2, 2000, 64>}, {transform_indices = @transform_1, window_bounds = array<i64: 2000, 64>}, {transform_indices = @transform_2, window_bounds = array<i64: 2000, 1>}, {pipeline_mode = #tpu.pipeline_mode<synchronous>, transform_indices = @transform_3, window_bounds = array<i64: 1, 64>}, {transform_indices = @transform_4, window_bounds = array<i64: 2000, 64>}]} {
    %get3A = arith.constant 0 : index
    %get3A_0 = arith.constant 0 : index
    %get3A_1 = arith.constant 0 : index
    %get3A_2 = vector.load %arg1[%get3A, %get3A_0, %get3A_1] : memref<2x2000x64xf32, #tpu.memory_space<vmem>>, vector<1x2000x64xf32>
    %get3A_3 = vector.shape_cast %get3A_2 : vector<1x2000x64xf32> to vector<2000x64xf32>
    %get3A_4 = arith.constant 1 : index
    %get3A_5 = arith.constant 0 : index
    %get3A_6 = arith.constant 0 : index
    %get3A_7 = vector.load %arg1[%get3A_4, %get3A_5, %get3A_6] : memref<2x2000x64xf32, #tpu.memory_space<vmem>>, vector<1x2000x64xf32>
    %get3A_8 = vector.shape_cast %get3A_7 : vector<1x2000x64xf32> to vector<2000x64xf32>
    %add3A = arith.addf %get3A_3, %get3A_8 : vector<2000x64xf32>
    %get3A_9 = arith.constant 0 : index
    %get3A_10 = arith.constant 0 : index
    %get3A_11 = vector.load %arg2[%get3A_9, %get3A_10] : memref<2000x64xf32, #tpu.memory_space<vmem>>, vector<2000x64xf32>
    %add3A_12 = arith.addf %add3A, %get3A_11 : vector<2000x64xf32>
    %get3A_13 = arith.constant 0 : index
    %get3A_14 = arith.constant 0 : index
    %get3A_15 = vector.load %arg3[%get3A_13, %get3A_14] : memref<2000x1xf32, #tpu.memory_space<vmem>>, vector<2000x1xf32>
    %mul3A = vector.broadcast %get3A_15 : vector<2000x1xf32> to vector<2000x64xf32>
    %mul3A_16 = arith.mulf %add3A_12, %mul3A : vector<2000x64xf32>
    %get3A_17 = arith.constant 0 : index
    %get3A_18 = arith.constant 0 : index
    %get3A_19 = vector.load %arg4[%get3A_17, %get3A_18] : memref<1x64xf32, #tpu.memory_space<vmem>>, vector<1x64xf32>
    %add3A_20 = vector.broadcast %get3A_19 : vector<1x64xf32> to vector<2000x64xf32>
    %add3A_21 = arith.addf %mul3A_16, %add3A_20 : vector<2000x64xf32>
    %max3A = arith.constant 0.000000e+00 : f32
    %max3A_22 = vector.broadcast %max3A : f32 to vector<2000x64xf32>
    %max3A_23 = arith.maximumf %add3A_21, %max3A_22 : vector<2000x64xf32>
    %swap3A = arith.constant 0 : index
    %swap3A_24 = arith.constant 0 : index
    %swap3A_25 = vector.load %arg5[%swap3A, %swap3A_24] : memref<2000x64xf32, #tpu.memory_space<vmem>>, vector<2000x64xf32>
    tpu.vector_store %arg5[%swap3A, %swap3A_24], %max3A_23 {strides = array<i32>} : memref<2000x64xf32, #tpu.memory_space<vmem>>, vector<2000x64xf32>,
    return
  }
  func.func @transform_0(%arg0: i32) -> (i32, i32, i32) {
    %c0_i32 = arith.constant 0 : i32
    %c0_i32_0 = arith.constant 0 : i32
    %c0_i32_1 = arith.constant 0 : i32
    return %c0_i32, %arg0, %c0_i32_0 : i32, i32, i32
  }
  func.func @transform_1(%arg0: i32) -> (i32, i32) {
    %c0_i32 = arith.constant 0 : i32
    %c0_i32_0 = arith.constant 0 : i32
    return %arg0, %c0_i32 : i32, i32
  }
  func.func @transform_2(%arg0: i32) -> (i32, i32) {
    %c0_i32 = arith.constant 0 : i32
    %c0_i32_0 = arith.constant 0 : i32
    return %arg0, %c0_i32 : i32, i32
  }
  func.func @transform_3(%arg0: i32) -> (i32, i32) {
    %c0_i32 = arith.constant 0 : i32
    %c0_i32_0 = arith.constant 0 : i32
    %c0_i32_1 = arith.constant 0 : i32
    return %c0_i32, %c0_i32_0 : i32, i32
  }
  func.func @transform_4(%arg0: i32) -> (i32, i32) {
    %c0_i32 = arith.constant 0 : i32
    %c0_i32_0 = arith.constant 0 : i32
    return %arg0, %c0_i32 : i32, i32
  }
}

module attributes {stable_mosaic.version = 14 : i64} {
  func.func @body(%arg0: i32, %arg1: memref<2x600x64xf32, #tpu.memory_space<vmem>>, %arg2: memref<600x2xf32, #tpu.memory_space<vmem>>, %arg3: memref<64x6xf32, #tpu.memory_space<vmem>>, %arg4: memref<1x6xf32, #tpu.memory_space<vmem>>, %arg5: memref<600x6xf32, #tpu.memory_space<vmem>>) attributes {dimension_semantics = [#tpu.dimension_semantics<arbitrary>], iteration_bounds = array<i64: 1>, scalar_prefetch = 0 : i64, scratch_operands = 0 : i64, tpu.core_type = #tpu.core_type<tc>, window_params = [{transform_indices = @transform_0, window_bounds = array<i64: 2, 600, 64>}, {transform_indices = @transform_1, window_bounds = array<i64: 600, 2>}, {pipeline_mode = #tpu.pipeline_mode<synchronous>, transform_indices = @transform_2, window_bounds = array<i64: 64, 6>}, {pipeline_mode = #tpu.pipeline_mode<synchronous>, transform_indices = @transform_3, window_bounds = array<i64: 1, 6>}, {pipeline_mode = #tpu.pipeline_mode<synchronous>, transform_indices = @transform_4, window_bounds = array<i64: 600, 6>}]} {
    %get3A = arith.constant 0 : index
    %get3A_0 = arith.constant 0 : index
    %get3A_1 = vector.load %arg2[%get3A, %get3A_0] : memref<600x2xf32, #tpu.memory_space<vmem>>, vector<600x1xf32>
    %get3A_2 = arith.constant 0 : index
    %get3A_3 = arith.constant 1 : index
    %get3A_4 = vector.load %arg2[%get3A_2, %get3A_3] : memref<600x2xf32, #tpu.memory_space<vmem>>, vector<600x1xf32>
    %add3A = arith.addf %get3A_1, %get3A_4 : vector<600x1xf32>
    %get3A_5 = arith.constant 0 : index
    %get3A_6 = arith.constant 0 : index
    %get3A_7 = arith.constant 0 : index
    %get3A_8 = vector.load %arg1[%get3A_5, %get3A_6, %get3A_7] : memref<2x600x64xf32, #tpu.memory_space<vmem>>, vector<1x600x64xf32>
    %get3A_9 = vector.shape_cast %get3A_8 : vector<1x600x64xf32> to vector<600x64xf32>
    %get3A_10 = arith.constant 1 : index
    %get3A_11 = arith.constant 0 : index
    %get3A_12 = arith.constant 0 : index
    %get3A_13 = vector.load %arg1[%get3A_10, %get3A_11, %get3A_12] : memref<2x600x64xf32, #tpu.memory_space<vmem>>, vector<1x600x64xf32>
    %get3A_14 = vector.shape_cast %get3A_13 : vector<1x600x64xf32> to vector<600x64xf32>
    %add3A_15 = arith.addf %get3A_9, %get3A_14 : vector<600x64xf32>
    %max3A = arith.constant 1.000000e+00 : f32
    %max3A_16 = vector.broadcast %max3A : f32 to vector<600x1xf32>
    %max3A_17 = arith.maximumf %add3A, %max3A_16 : vector<600x1xf32>
    %div3A = vector.broadcast %max3A_17 : vector<600x1xf32> to vector<600x64xf32>
    %div3A_18 = arith.divf %add3A_15, %div3A : vector<600x64xf32>
    %get3A_19 = arith.constant 0 : index
    %get3A_20 = arith.constant 0 : index
    %get3A_21 = vector.load %arg3[%get3A_19, %get3A_20] : memref<64x6xf32, #tpu.memory_space<vmem>>, vector<64x6xf32>
    %dot_general3A = arith.constant dense<0.000000e+00> : vector<600x6xf32>
    %dot_general3A_22 = tpu.matmul %div3A_18, %get3A_21, %dot_general3A {dimension_numbers = #tpu.dot_dimension_numbers<[1], [0], [0], [1], [0, 0, 1, 1], [], []>, transpose_lhs_hint = false} : vector<600x64xf32>, vector<64x6xf32>, vector<600x6xf32> -> vector<600x6xf32>
    %get3A_23 = arith.constant 0 : index
    %get3A_24 = arith.constant 0 : index
    %get3A_25 = vector.load %arg4[%get3A_23, %get3A_24] : memref<1x6xf32, #tpu.memory_space<vmem>>, vector<1x6xf32>
    %add3A_26 = vector.broadcast %get3A_25 : vector<1x6xf32> to vector<600x6xf32>
    %add3A_27 = arith.addf %dot_general3A_22, %add3A_26 : vector<600x6xf32>
    %swap3A = arith.constant 0 : index
    %swap3A_28 = arith.constant 0 : index
    %swap3A_29 = vector.load %arg5[%swap3A, %swap3A_28] : memref<600x6xf32, #tpu.memory_space<vmem>>, vector<600x6xf32>
    tpu.vector_store %arg5[%swap3A, %swap3A_28], %add3A_27 {strides = array<i32>} : memref<600x6xf32, #tpu.memory_space<vmem>>, vector<600x6xf32>,
    return
  }
  func.func @transform_0(%arg0: i32) -> (i32, i32, i32) {
    %c0_i32 = arith.constant 0 : i32
    %c0_i32_0 = arith.constant 0 : i32
    %c0_i32_1 = arith.constant 0 : i32
    %c0_i32_2 = arith.constant 0 : i32
    return %c0_i32, %c0_i32_0, %c0_i32_1 : i32, i32, i32
  }
  func.func @transform_1(%arg0: i32) -> (i32, i32) {
    %c0_i32 = arith.constant 0 : i32
    %c0_i32_0 = arith.constant 0 : i32
    %c0_i32_1 = arith.constant 0 : i32
    return %c0_i32, %c0_i32_0 : i32, i32
  }
  func.func @transform_2(%arg0: i32) -> (i32, i32) {
    %c0_i32 = arith.constant 0 : i32
    %c0_i32_0 = arith.constant 0 : i32
    %c0_i32_1 = arith.constant 0 : i32
    return %c0_i32, %c0_i32_0 : i32, i32
  }
  func.func @transform_3(%arg0: i32) -> (i32, i32) {
    %c0_i32 = arith.constant 0 : i32
    %c0_i32_0 = arith.constant 0 : i32
    %c0_i32_1 = arith.constant 0 : i32
    return %c0_i32, %c0_i32_0 : i32, i32
  }
  func.func @transform_4(%arg0: i32) -> (i32, i32) {
    %c0_i32 = arith.constant 0 : i32
    %c0_i32_0 = arith.constant 0 : i32
    %c0_i32_1 = arith.constant 0 : i32
    return %c0_i32, %c0_i32_0 : i32, i32
  }
}

</mosaic_0001>

<sc_bundles>
// kernel: kernel.12.cloned.1.call-start
scs
__scs_entry_jumppad:
0x0: {  	(pc) =	sbr.rel $0x88, $3  }
0x1: {  	(tag) =	ssettag $0x0;
	lr =	simm.s32 $0x1  }
0x2: {  	[smem:$0x3F96] =	sst lr;
	_ =	strace $0xD0000000  }
0x3: {  	_ = 	snop  }
0x4: {  	_ = 	snop  }
0x5: {  	_ = 	snop  }
0x6: {  	_ = 	snop  }
0x7: {  	_ = 	snop  }
__scs_overlays_trampoline_lowered:
0x8: {  	[smem:$0x3FA5] =	sst s0  }
0x9: {  	[smem:$0x3FA6] =	sst s1  }
0xa: {  	[smem:$0x3FA7] =	sst s2  }
0xb: {  	[smem:$0x3FA8] =	sst s3  }
0xc: {  	[smem:$0x3FA9] =	sst s4  }
0xd: {  	[smem:$0x3FAA] =	sst s5  }
0xe: {  	[smem:$0x3FAB] =	sst s6  }
0xf: {  	[smem:$0x3FAC] =	sst s7  }
0x10: {  	[smem:$0x3FAD] =	sst s8  }
0x11: {  	[smem:$0x3FAE] =	sst s9;
	s0 =	simm.s32 @!p0 $0x0  }
0x12: {  	s1 =	sld [smem:$0x3F94];
	s0 =	simm.s32 @p0 $0x1  }
0x13: {  	[smem:$0x3FAF] =	sst s0;
	s0 =	simm.s32 @!p1 $0x0  }
0x14: {  	s2 =	sld [smem:$0x3F93];
	s0 =	simm.s32 @p1 $0x1  }
0x15: {  	[smem:$0x3FB0] =	sst s0;
	s0 =	simm.s32 @!p2 $0x0  }
0x16: {  	s3 =	sld [smem:$0x3FDB];
	s0 =	simm.s32 @p2 $0x1  }
0x17: {  	s4 =	simm.s32 $0x1BF5;
	[smem:$0x3FB2] =	sst s0  }
0x18: {  	s0 =	sld [smem:$0x3F95];
	_ =	swait.ge [sflag:s4], $0x0  }
0x19: {  	s7 =	sld [smem:$0x3F96]  }
0x1a: {  	s8 =	sadd.s32 $0xFFFFE003, lr  }
0x1b: {  	s9 =	sadd.s32 $0xFFFFFEF7, lr;
	s5 =	simm.s32 $0xFFFFFFFF;
	p2 =	slt.u32 s8, $0xFFFFF086  }
0x1c: {  	p1 =	slt.u32 s9, $0xF7A;
	s5 =	simm.s32 @!p2 $0x0  }
0x1d: {  	s5 =	simm.s32 @p1 $0x1;
	p0 =	seq.s32 s7, s2  }
0x1e: {  	s7 =	smul.u32 @!p0 $0xF7A, s2;
	p2 =	seq.s32 @!p0 s5, $0x0  }
0x1f: {  	s9 =	smul.u32 $0xF7A, s1;
	s8 =	simm.s32 @!p0 $0x1BF5;
	p2 =	por !p2, p0  }
0x20: {  	[sflag:s8] =	ssyncset.s32 @!p0 $0xFFFFF086;
	s6 =	sadd.s32 @!p0 s3, s7;
	s7 =	simm.s32 @!p0 $0x108  }
0x21: {  	s3 =	sadd.s32 s3, s9;
	s6 =	sadd.s32 @!p0 $0x88, s6;
	s7 =	simm.s32 @p2 $0x1082  }
0x22: {  	[simem:s7], [sflag:s8] =	dma.local @!p0 [hbm:s6], $0xF7A  }
0x23: {  	s9 =	sor.u32 $0xD0000000, s2;
	s6 =	simm.s32 $0x108;
	_ =	swait.ge @!p0 [sflag:s8], $0x0  }
0x24: {  	s3 =	sadd.s32 $0x88, s3;
	s6 =	simm.s32 @!p1 $0x1082;
	[sflag:s4] =	ssyncset.s32 $0xFFFFF086  }
0x25: {  	[simem:s6], [sflag:s4] =	dma.local [hbm:s3], $0xF7A  }
0x26: {  	[smem:$0x3F96] =	sst s1;
	(tag) =	ssettag s2;
	_ =	strace s9  }
0x27: {  	s1 =	sld [smem:$0x3FA6]  }
0x28: {  	s2 =	sld [smem:$0x3FA7]  }
0x29: {  	s4 =	sld [smem:$0x3FA9]  }
0x2a: {  	p0 =	seq.s32 s5, $0x0;
	s5 =	sld [smem:$0x3FAA]  }
0x2b: {  	s6 =	sld [smem:$0x3FAB]  }
0x2c: {  	s7 =	sld [smem:$0x3FAC]  }
0x2d: {  	s3 =	simm.s32 $0x108;
	s8 =	sld [smem:$0x3FAD]  }
0x2e: {  	s3 =	simm.s32 @!p0 $0x1082;
	s9 =	sld [smem:$0x3FAE]  }
0x2f: {  	lr =	sadd.s32 s0, s3;
	s0 =	sld [smem:$0x3FA5]  }
0x30: {  	s3 =	sld [smem:$0x3FA8]  }
0x31: {  	[smem:$0x3FB1] =	sst s10  }
0x32: {  	s10 =	sld [smem:$0x3FAF];
	_ =	sdelay $0x3  }
0x33: {  	p0 =	seq.s32 s10, $0x1;
	s10 =	sld [smem:$0x3FB1];
	_ =	sdelay $0x3  }
0x34: {  	[smem:$0x3FB1] =	sst s10  }
0x35: {  	s10 =	sld [smem:$0x3FB0];
	_ =	sdelay $0x3  }
0x36: {  	p1 =	seq.s32 s10, $0x1;
	s10 =	sld [smem:$0x3FB1];
	_ =	sdelay $0x3  }
0x37: {  	[smem:$0x3FB1] =	sst s10  }
0x38: {  	s10 =	sld [smem:$0x3FB2]  }
0x39: {  	_ = 	snop;
	(pc) =	sbr.ind lr, $3  }
0x3a: {  	_ = 	snop  }
0x3b: {  	_ = 	snop  }
0x3c: {  	p2 =	seq.s32 s10, $0x1;
	s10 =	sld [smem:$0x3FB1]  }
0x3d: {  	_ =	shalt  }
0x3e: {  	_ =	shalt  }
0x3f: {  	_ =	shalt  }
0x40: {  	_ =	shalt  }
0x41: {  	_ =	shalt  }
0x42: {  	_ =	shalt  }
0x43: {  	_ =	shalt  }
0x44: {  	_ =	shalt  }
0x45: {  	_ =	shalt  }
0x46: {  	_ =	shalt  }
0x47: {  	_ =	shalt  }
0x48: {  	_ =	shalt  }
0x49: {  	_ =	shalt  }
0x4a: {  	_ =	shalt  }
0x4b: {  	_ =	shalt  }
0x4c: {  	_ =	shalt  }
0x4d: {  	_ =	shalt  }
0x4e: {  	_ =	shalt  }
0x4f: {  	_ =	shalt  }
0x50: {  	_ =	shalt  }
0x51: {  	_ =	shalt  }
0x52: {  	_ =	shalt  }
0x53: {  	_ =	shalt  }
0x54: {  	_ =	shalt  }
0x55: {  	_ =	shalt  }
0x56: {  	_ =	shalt  }
0x57: {  	_ =	shalt  }
0x58: {  	_ =	shalt  }
0x59: {  	_ =	shalt  }
0x5a: {  	_ =	shalt  }
0x5b: {  	_ =	shalt  }
0x5c: {  	_ =	shalt  }
0x5d: {  	_ =	shalt  }
0x5e: {  	_ =	shalt  }
0x5f: {  	_ =	shalt  }
0x60: {  	_ =	shalt  }
0x61: {  	_ =	shalt  }
0x62: {  	_ =	shalt  }
0x63: {  	_ =	shalt  }
0x64: {  	_ =	shalt  }
0x65: {  	_ =	shalt  }
0x66: {  	_ =	shalt  }
0x67: {  	_ =	shalt  }
0x68: {  	_ =	shalt  }
0x69: {  	_ =	shalt  }
0x6a: {  	_ =	shalt  }
0x6b: {  	_ =	shalt  }
0x6c: {  	_ =	shalt  }
0x6d: {  	_ =	shalt  }
0x6e: {  	_ =	shalt  }
0x6f: {  	_ =	shalt  }
0x70: {  	_ =	shalt  }
0x71: {  	_ =	shalt  }
0x72: {  	_ =	shalt  }
0x73: {  	_ =	shalt  }
0x74: {  	_ =	shalt  }
0x75: {  	_ =	shalt  }
0x76: {  	_ =	shalt  }
0x77: {  	_ =	shalt  }
0x78: {  	_ =	shalt  }
0x79: {  	_ =	shalt  }
0x7a: {  	_ =	shalt  }
0x7b: {  	_ =	shalt  }
0x7c: {  	_ =	shalt  }
0x7d: {  	_ =	shalt  }
0x7e: {  	_ =	shalt  }
0x7f: {  	_ =	shalt  }
0x80: {  	_ =	shalt  }
0x81: {  	_ =	shalt  }
0x82: {  	_ =	shalt  }
0x83: {  	_ =	shalt  }
0x84: {  	_ =	shalt  }
0x85: {  	_ =	shalt  }
0x86: {  	_ =	shalt  }
0x87: {  	_ =	shalt  }
.Lfunc_end0:
.L_simem_size_0:
called_computation_lowered:
.L_overlay_start_0:
0x88: {  	s2 =	sld [smem:$0x3FD9]  }
0x89: {  	s3 =	sld [smem:$0x3FFE];
	_ =	sdelay $0x1  }
0x8a: {  	s1 =	srdreg.scid  }
0x8b: {  	s0 =	sand.u32 $0x1, s1  }
0x8c: {  	s17 =	sshll.u32 s0, $0xA;
	s2 =	sadd.s32 s3, s2  }
0x8d: {  	s2 =	sadd.s32 s2, s17  }
0x8e: {  	[smem:$0x3FBD] =	sst s2  }
0x8f: {  	_ = 	snop  }
0x90: {  	s2 =	sld [smem:$0x3FD0];
	(tm) =	ssettm $0x1  }
0x91: {  	s18 =	sld [smem:$0x3FFB];
	_ =	sdelay $0x3  }
0x92: {  	_ =	strace s18  }
0x93: {  	s3 =	sld [smem:$0x3FFC];
	_ =	sdelay $0x3  }
0x94: {  	_ =	strace s3  }
0x95: {  	s3 =	sld [smem:$0x3FFD];
	_ =	sdelay $0x3  }
0x96: {  	_ =	strace s3  }
0x97: {  	_ =	strace $0x8FFFFFFF  }
0x98: {  	s19 =	sld [smem:$0x3FDB];
	_ =	sdelay $0x1  }
0x99: {  	s4 =	simm.s32 $_scs_section_size  }
0x9a: {  	s5 =	simm.s32 $_size__tile_overlayer_lowered;
	s6 =	simm.s32 $_tile_overlayer_lowered  }
0x9b: {  	s22 =	simm.s32 $0x1BFF;
	s21 =	sshll.u32 s6, $0x1;
	s3 =	sadd.s32 s4, s19  }
0x9c: {  	s7 =	simm.s32 $0x0;
	s20 =	sshll.u32 s5, $0x1;
	s5 =	sadd.s32 s21, s3  }
0x9d: {  	[timem:s7], [sflag:s22] =	dma.local [hbm:s5], s20  }
0x9e: {  	_ =	swait.ge [sflag:s22], s20  }
0x9f: {  	s4 =	ssub.s32 $0x0, s20;
	[sflag:s22] =	ssyncset.done $0x0  }
0xa0: {  	[sflag:s22] =	ssyncadd.s32 s4;
	_ =	sdelay $0x1  }
0xa1: {  	s23 =	simm.s32 $0x1B8B  }
0xa2: {  	_ =	swait.ge [sflag:s23], $0x1  }
0xa3: {  	[sflag:s23] =	ssyncset.done $0x0  }
0xa4: {  	s25 =	simm.s32 $0x1B8E;
	s24 =	sld [smem:$0x3FFE];
	[sflag:s23] =	ssyncadd.s32 $0xFFFFFFFF  }
0xa5: {  	s26 =	simm.s32 $execute0_lowered;
	[smem:$0x3FD2] =	sst s25  }
0xa6: {  	s5 =	sshll.u32 s26, $0x1;
	_ =	strace $0x80000046;
	[dreg:$0x1] =	wrdreg $0xFFFFFFFF  }
0xa7: {  	s28 =	simm.s32 $_size_execute0_lowered;
	s3 =	sadd.s32 s3, s5;
	[dreg:$0x0] =	wrdreg $0x0  }
0xa8: {  	s5 =	sshll.u32 s28, $0x1;
	[dreg:$0x2] =	wrdreg s3  }
0xa9: {  	[dreg:$0x3] =	wrdreg s5  }
0xaa: {  	[dreg:$0x4] =	wrdreg $0xC0  }
0xab: {  	_ =	task [dreg:s7], $0x5FFFF  }
0xac: {  	[dreg:$0x1] =	wrdreg $0xFFFFFFFF  }
0xad: {  	[dreg:$0x0] =	wrdreg $0x60  }
0xae: {  	[dreg:$0x2] =	wrdreg s24  }
0xaf: {  	[dreg:$0x3] =	wrdreg s2  }
0xb0: {  	[dreg:$0x4] =	wrdreg $0x27600  }
0xb1: {  	[dreg:$0x5] =	wrdreg $0x9  }
0xb2: {  	_ =	task.clear_ibuf [dreg:s7], $0x6FFFF;
	_ =	strace $0x90000046  }
0xb3: {  	s29 =	simm.s32 $0x9;
	_ =	strace $0x80000048  }
0xb4: {  	_ =	swait.ge [sflag:s29], $0x1  }
0xb5: {  	[sflag:s29] =	ssyncadd.s32 $0xFFFFFFFF  }
0xb6: {  	_ =	strace $0x90000048  }
0xb7: {  	_ =	sfence  }
0xb8: {  	s30 =	sld [smem:$0x0];
	_ =	sdelay $0x2  }
0xb9: {  	s31 =	sshll.u32 s1, $0xD;
	s1 =	sshrl.u32 s1, $0x2  }
0xba: {  	s3 =	sand.u32 $0x4000, s31;
	s1 =	sadd.s32 s1, s30  }
0xbb: {  	s0 =	sor.u32 s3, s0;
	s1 =	sshll.u32 s1, $0x11  }
0xbc: {  	s0 =	sor.u32 s1, s0  }
0xbd: {  	s0 =	sadd.s32 $0x8F2B, s0  }
0xbe: {  	[sflag:s0] =	ssyncadd.remote.s32 $0x1  }
0xbf: {  	_ =	sfence.sel $0xFFFF  }
0xc0: {  	[dreg:$0x0] =	wrdreg $0xFFFFFFFF;
	(pc) =	sbr.abs _section_cstart, $3  }
0xc1: {  	[dreg:$0x1] =	wrdreg $0xFFFFFFFF  }
0xc2: {  	_ =	task.clear_ibuf [dreg:s7], $0x2FFFF;
	_ =	strace $0x9FFFFFFF  }
0xc3: {  	(tm) =	ssettm $0x7FFFFFFF  }
tec
execute0_lowered:
.L_overlay_start_1:
0x0: {  	(tag) =	ssettag $0x1  }
0x1: {  	s6 =	rddreg [dreg:$0x0]  }
0x2: {  	s2 =	rddreg [dreg:$0x1]  }
0x3: {  	s3 =	rddreg [dreg:$0x2]  }
0x4: {  	s0 =	rddreg [dreg:$0x3];
	s4 =	srdreg.scid  }
0x5: {  	s1 =	stileid.u32;
	s12 =	simm.s32 $0x1;
	s13 =	simm.s32 $0x50  }
0x6: {  	s14 =	simm.s32 $0x2;
	s16 =	simm.s32 $0x3;
	s17 =	simm.s32 $0x0  }
0x7: {  	s7 =	sand.u32 $0x1, s4;
	s8 =	smul.u32 $0x280, s1;
	s5 =	sshll.u32 s1, $0x1  }
0x8: {  	s4 =	simm.s32 $0x0;
	s15 =	sshll.u32 s1, $0x6;
	s9 =	smul.u32 $0x2800, s7  }
0x9: {  	s5 =	sor.u32 s7, s5;
	[smem:$0x7FF] =	sst s4;
	s7 =	ssub.s32 $0x2, s7  }
0xa: {  	s10 =	smul.u32 $0x2710, s5;
	_ =	strace $0x80000047;
	s5 =	sadd.s32 $0x16C00, s6  }
0xb: {  	s11 =	sshrl.u32 s7, $0x1;
	s31 =	sadd.s32 s8, s3;
	s9 =	sadd.s32 s8, s9  }
0xc: {  	s30 =	ssub.s32 s7, s11;
	s7 =	sor.u32 $0x1C01, s15;
	s11 =	sshrl.u32 s31, $0x3  }
0xd: {  	s15 =	sor.u32 $0x1C03, s15;
	s9 =	sshrl.u32 s9, $0x3;
	s10 =	sshrl.u32 s10, $0x3  }
0xe: {  	s9 =	sadd.s32 s9, s6;
	s6 =	sadd.s32 s6, s10;
	s10 =	simm.s32 $0x2710  }
0xf: {  	s6 =	sadd.s32 $0xCE40, s6;
	s8 =	sadd.s32 $0x16E00, s9;
	s9 =	smax.u32 s30, $0x1  }
.LBB2_1:
0x10: {  	[tilespmem:s4], [sflag:$0x1] =	stream.linear.gather [hbm4b:s6+s4], $0x2710, $0x38;
	[tilespmem:$0x29E0] =	vst v63  }
0x11: {  	_ = 	snop  }
0x12: {  	[tilespmem:s10], [sflag:$0x1] =	stream.linear.gather [hbm4b:s5+s4], $0x50, $0x38;
	[tilespmem:$0x29E0] =	vst v63  }
0x13: {  	[spmem:s11], [sflag:s7] =	dma.local [hbm:s2], $0x50  }
0x14: {  	_ =	swait.ge [sflag:s12], $0x2710  }
0x15: {  	[sflag:s12] =	ssyncset.done $0x0  }
0x16: {  	[sflag:s12] =	ssyncadd.s32 $0xFFFFD8F0  }
0x17: {  	_ =	swait.ge [sflag:s12], $0x50  }
0x18: {  	[sflag:s12] =	ssyncset.done $0x0  }
0x19: {  	[sflag:s12] =	ssyncadd.s32 $0xFFFFFFB0  }
0x1a: {  	_ =	swait.ge [sflag:s12], $0x50  }
0x1b: {  	[sflag:s12] =	ssyncset.done $0x0  }
0x1c: {  	[sflag:s12] =	ssyncadd.s32 $0xFFFFFFB0  }
0x1d: {  	s18 =	simm.s32 $0x0;
	[bflag:$0x0] =	sbarrier.arrive $0xFFFF  }
.LBB2_2:
0x1e: {  	p0 =	sne.s32 s18, $0x9B00  }
.Ltmp0:
0x1f: {  	_ = 	snop;
	(pc) =	sbr.rel @p0 .LBB2_2-.Ltmp0, $3  }
0x20: {  	_ =	sdelay $0x1  }
0x21: {  	s19 =	sshra.s32 s18, $0x2;
	s18 =	sadd.s32 $0x140, s18  }
0x22: {  	[spmem:s3] =	stream.indirect.scatter.add.f32 [tilespmem:s10], [sflag:$0x2], $0x1, s19, s13, $0xb8;
	[tilespmem:$0x29E0] =	vst v63  }
0x23: {  	_ =	swait.ge [sflag:s14], $0x50  }
0x24: {  	s18 =	simm.s32 $0x7C;
	[sflag:s14] =	ssyncset.done $0x0  }
.LBB2_4:
0x25: {  	p0 =	sne.s32 s18, $0x1;
	s18 =	sadd.s32 $0xFFFFFFFF, s18;
	[sflag:s14] =	ssyncadd.s32 $0xFFFFFFB0  }
.Ltmp1:
0x26: {  	(pc) =	sbr.rel @p0 .LBB2_4-.Ltmp1, $3  }
0x27: {  	_ =	sdelay $0x1  }
0x28: {  	_ =	swait.ge [sflag:s14], $0x50  }
0x29: {  	[sflag:s14] =	ssyncset.done $0x0  }
0x2a: {  	s17 =	sadd.s32 $0x1, s17  }
0x2b: {  	[sflag:s14] =	ssyncadd.s32 $0xFFFFFFB0;
	p0 =	sne.s32 s17, s9  }
.Ltmp2:
0x2c: {  	[bflag:$0x0] =	sbarrier.arrive $0xFFFF;
	(pc) =	sbr.rel @p0 .LBB2_1-.Ltmp2, $4  }
0x2d: {  	[hbm:s8], [sflag:s15] =	dma.local [spmem:s11], $0x50  }
0x2e: {  	_ =	swait.ge [sflag:s16], $0x50  }
0x2f: {  	[sflag:s16] =	ssyncset.done $0x0  }
0x30: {  	[sflag:s16] =	ssyncadd.s32 $0xFFFFFFB0  }
0x31: {  	_ =	sfence.sel $0x180000  }
0x32: {  	[bflag:$0x0] =	sbarrier.arrive $0xFFFF  }
0x33: {  	p0 =	sne.s32 s1, $0x0;
	_ =	strace $0x90000047  }
0x34: {  	s0 =	sadd.s32 @!p0 $0x100000, s0;
	[bflag:$0x2] =	sbarrier.arrive $0xFFFF  }
0x35: {  	[sflag:s0] =	ssyncadd.tile.s32 @!p0 $0x1;
	_ =	shalt  }
.Lfunc_end2:
_tile_overlayer_lowered:
.L_overlay_start_2:
0x36: {  	(tag) =	ssettag $0x2  }
0x37: {  	s0 =	rddreg [dreg:$0x0];
	s2 =	stileid.u32  }
0x38: {  	s1 =	rddreg [dreg:$0x1];
	p0 =	sne.s32 s2, $0x0  }
0x39: {  	s3 =	rddreg [dreg:$0x2];
	[bflag:$0x3] =	sbarrier.arrive $0xFFFF;
	s2 =	simm.s32 @!p0 $0x1C03  }
0x3a: {  	[timem:s3], [sflag:s2] =	dma.local @!p0 [hbm:s0], s1  }
0x3b: {  	s0 =	simm.s32 @!p0 $0x3  }
0x3c: {  	_ =	swait.ge @!p0 [sflag:s0], s1  }
0x3d: {  	s1 =	ssub.s32 @!p0 $0x0, s1;
	[sflag:s0] =	ssyncset.done @!p0 $0x0  }
0x3e: {  	[sflag:s0] =	ssyncadd.s32 @!p0 s1  }
0x3f: {  	[bflag:$0x3] =	sbarrier.arrive $0xFFFF  }
0x40: {  	_ =	shalt  }

// kernel: kernel.15.cloned.1.call-start
scs
__scs_entry_jumppad:
0x0: {  	(pc) =	sbr.rel $0x88, $3  }
0x1: {  	(tag) =	ssettag $0x0;
	lr =	simm.s32 $0x1  }
0x2: {  	[smem:$0x3F96] =	sst lr;
	_ =	strace $0xD0000000  }
0x3: {  	_ = 	snop  }
0x4: {  	_ = 	snop  }
0x5: {  	_ = 	snop  }
0x6: {  	_ = 	snop  }
0x7: {  	_ = 	snop  }
__scs_overlays_trampoline_lowered:
0x8: {  	[smem:$0x3FA5] =	sst s0  }
0x9: {  	[smem:$0x3FA6] =	sst s1  }
0xa: {  	[smem:$0x3FA7] =	sst s2  }
0xb: {  	[smem:$0x3FA8] =	sst s3  }
0xc: {  	[smem:$0x3FA9] =	sst s4  }
0xd: {  	[smem:$0x3FAA] =	sst s5  }
0xe: {  	[smem:$0x3FAB] =	sst s6  }
0xf: {  	[smem:$0x3FAC] =	sst s7  }
0x10: {  	[smem:$0x3FAD] =	sst s8  }
0x11: {  	[smem:$0x3FAE] =	sst s9;
	s0 =	simm.s32 @!p0 $0x0  }
0x12: {  	s1 =	sld [smem:$0x3F94];
	s0 =	simm.s32 @p0 $0x1  }
0x13: {  	[smem:$0x3FAF] =	sst s0;
	s0 =	simm.s32 @!p1 $0x0  }
0x14: {  	s2 =	sld [smem:$0x3F93];
	s0 =	simm.s32 @p1 $0x1  }
0x15: {  	[smem:$0x3FB0] =	sst s0;
	s0 =	simm.s32 @!p2 $0x0  }
0x16: {  	s3 =	sld [smem:$0x3FDB];
	s0 =	simm.s32 @p2 $0x1  }
0x17: {  	s4 =	simm.s32 $0x1BF5;
	[smem:$0x3FB2] =	sst s0  }
0x18: {  	s0 =	sld [smem:$0x3F95];
	_ =	swait.ge [sflag:s4], $0x0  }
0x19: {  	s7 =	sld [smem:$0x3F96]  }
0x1a: {  	s8 =	sadd.s32 $0xFFFFE003, lr  }
0x1b: {  	s9 =	sadd.s32 $0xFFFFFEF7, lr;
	s5 =	simm.s32 $0xFFFFFFFF;
	p2 =	slt.u32 s8, $0xFFFFF086  }
0x1c: {  	p1 =	slt.u32 s9, $0xF7A;
	s5 =	simm.s32 @!p2 $0x0  }
0x1d: {  	s5 =	simm.s32 @p1 $0x1;
	p0 =	seq.s32 s7, s2  }
0x1e: {  	s7 =	smul.u32 @!p0 $0xF7A, s2;
	p2 =	seq.s32 @!p0 s5, $0x0  }
0x1f: {  	s9 =	smul.u32 $0xF7A, s1;
	s8 =	simm.s32 @!p0 $0x1BF5;
	p2 =	por !p2, p0  }
0x20: {  	[sflag:s8] =	ssyncset.s32 @!p0 $0xFFFFF086;
	s6 =	sadd.s32 @!p0 s3, s7;
	s7 =	simm.s32 @!p0 $0x108  }
0x21: {  	s3 =	sadd.s32 s3, s9;
	s6 =	sadd.s32 @!p0 $0x88, s6;
	s7 =	simm.s32 @p2 $0x1082  }
0x22: {  	[simem:s7], [sflag:s8] =	dma.local @!p0 [hbm:s6], $0xF7A  }
0x23: {  	s9 =	sor.u32 $0xD0000000, s2;
	s6 =	simm.s32 $0x108;
	_ =	swait.ge @!p0 [sflag:s8], $0x0  }
0x24: {  	s3 =	sadd.s32 $0x88, s3;
	s6 =	simm.s32 @!p1 $0x1082;
	[sflag:s4] =	ssyncset.s32 $0xFFFFF086  }
0x25: {  	[simem:s6], [sflag:s4] =	dma.local [hbm:s3], $0xF7A  }
0x26: {  	[smem:$0x3F96] =	sst s1;
	(tag) =	ssettag s2;
	_ =	strace s9  }
0x27: {  	s1 =	sld [smem:$0x3FA6]  }
0x28: {  	s2 =	sld [smem:$0x3FA7]  }
0x29: {  	s4 =	sld [smem:$0x3FA9]  }
0x2a: {  	p0 =	seq.s32 s5, $0x0;
	s5 =	sld [smem:$0x3FAA]  }
0x2b: {  	s6 =	sld [smem:$0x3FAB]  }
0x2c: {  	s7 =	sld [smem:$0x3FAC]  }
0x2d: {  	s3 =	simm.s32 $0x108;
	s8 =	sld [smem:$0x3FAD]  }
0x2e: {  	s3 =	simm.s32 @!p0 $0x1082;
	s9 =	sld [smem:$0x3FAE]  }
0x2f: {  	lr =	sadd.s32 s0, s3;
	s0 =	sld [smem:$0x3FA5]  }
0x30: {  	s3 =	sld [smem:$0x3FA8]  }
0x31: {  	[smem:$0x3FB1] =	sst s10  }
0x32: {  	s10 =	sld [smem:$0x3FAF];
	_ =	sdelay $0x3  }
0x33: {  	p0 =	seq.s32 s10, $0x1;
	s10 =	sld [smem:$0x3FB1];
	_ =	sdelay $0x3  }
0x34: {  	[smem:$0x3FB1] =	sst s10  }
0x35: {  	s10 =	sld [smem:$0x3FB0];
	_ =	sdelay $0x3  }
0x36: {  	p1 =	seq.s32 s10, $0x1;
	s10 =	sld [smem:$0x3FB1];
	_ =	sdelay $0x3  }
0x37: {  	[smem:$0x3FB1] =	sst s10  }
0x38: {  	s10 =	sld [smem:$0x3FB2]  }
0x39: {  	_ = 	snop;
	(pc) =	sbr.ind lr, $3  }
0x3a: {  	_ = 	snop  }
0x3b: {  	_ = 	snop  }
0x3c: {  	p2 =	seq.s32 s10, $0x1;
	s10 =	sld [smem:$0x3FB1]  }
0x3d: {  	_ =	shalt  }
0x3e: {  	_ =	shalt  }
0x3f: {  	_ =	shalt  }
0x40: {  	_ =	shalt  }
0x41: {  	_ =	shalt  }
0x42: {  	_ =	shalt  }
0x43: {  	_ =	shalt  }
0x44: {  	_ =	shalt  }
0x45: {  	_ =	shalt  }
0x46: {  	_ =	shalt  }
0x47: {  	_ =	shalt  }
0x48: {  	_ =	shalt  }
0x49: {  	_ =	shalt  }
0x4a: {  	_ =	shalt  }
0x4b: {  	_ =	shalt  }
0x4c: {  	_ =	shalt  }
0x4d: {  	_ =	shalt  }
0x4e: {  	_ =	shalt  }
0x4f: {  	_ =	shalt  }
0x50: {  	_ =	shalt  }
0x51: {  	_ =	shalt  }
0x52: {  	_ =	shalt  }
0x53: {  	_ =	shalt  }
0x54: {  	_ =	shalt  }
0x55: {  	_ =	shalt  }
0x56: {  	_ =	shalt  }
0x57: {  	_ =	shalt  }
0x58: {  	_ =	shalt  }
0x59: {  	_ =	shalt  }
0x5a: {  	_ =	shalt  }
0x5b: {  	_ =	shalt  }
0x5c: {  	_ =	shalt  }
0x5d: {  	_ =	shalt  }
0x5e: {  	_ =	shalt  }
0x5f: {  	_ =	shalt  }
0x60: {  	_ =	shalt  }
0x61: {  	_ =	shalt  }
0x62: {  	_ =	shalt  }
0x63: {  	_ =	shalt  }
0x64: {  	_ =	shalt  }
0x65: {  	_ =	shalt  }
0x66: {  	_ =	shalt  }
0x67: {  	_ =	shalt  }
0x68: {  	_ =	shalt  }
0x69: {  	_ =	shalt  }
0x6a: {  	_ =	shalt  }
0x6b: {  	_ =	shalt  }
0x6c: {  	_ =	shalt  }
0x6d: {  	_ =	shalt  }
0x6e: {  	_ =	shalt  }
0x6f: {  	_ =	shalt  }
0x70: {  	_ =	shalt  }
0x71: {  	_ =	shalt  }
0x72: {  	_ =	shalt  }
0x73: {  	_ =	shalt  }
0x74: {  	_ =	shalt  }
0x75: {  	_ =	shalt  }
0x76: {  	_ =	shalt  }
0x77: {  	_ =	shalt  }
0x78: {  	_ =	shalt  }
0x79: {  	_ =	shalt  }
0x7a: {  	_ =	shalt  }
0x7b: {  	_ =	shalt  }
0x7c: {  	_ =	shalt  }
0x7d: {  	_ =	shalt  }
0x7e: {  	_ =	shalt  }
0x7f: {  	_ =	shalt  }
0x80: {  	_ =	shalt  }
0x81: {  	_ =	shalt  }
0x82: {  	_ =	shalt  }
0x83: {  	_ =	shalt  }
0x84: {  	_ =	shalt  }
0x85: {  	_ =	shalt  }
0x86: {  	_ =	shalt  }
0x87: {  	_ =	shalt  }
.Lfunc_end0:
.L_simem_size_0:
called_computation.1_lowered:
.L_overlay_start_0:
0x88: {  	s2 =	sld [smem:$0x3FD9]  }
0x89: {  	s3 =	sld [smem:$0x3FFE];
	_ =	sdelay $0x1  }
0x8a: {  	s1 =	srdreg.scid  }
0x8b: {  	s0 =	sand.u32 $0x1, s1  }
0x8c: {  	s16 =	sshll.u32 s0, $0xA;
	s2 =	sadd.s32 s3, s2  }
0x8d: {  	s2 =	sadd.s32 s2, s16  }
0x8e: {  	[smem:$0x3FBD] =	sst s2  }
0x8f: {  	_ = 	snop  }
0x90: {  	(tm) =	ssettm $0x1  }
0x91: {  	s17 =	sld [smem:$0x3FFB];
	_ =	sdelay $0x3  }
0x92: {  	_ =	strace s17  }
0x93: {  	s2 =	sld [smem:$0x3FFC];
	_ =	sdelay $0x3  }
0x94: {  	_ =	strace s2  }
0x95: {  	s2 =	sld [smem:$0x3FFD];
	_ =	sdelay $0x3  }
0x96: {  	_ =	strace s2  }
0x97: {  	_ =	strace $0x8FFFFFFF  }
0x98: {  	s18 =	sld [smem:$0x3FDB];
	_ =	sdelay $0x1  }
0x99: {  	s19 =	simm.s32 $_scs_section_size  }
0x9a: {  	s4 =	simm.s32 $_size__tile_overlayer_lowered;
	s5 =	simm.s32 $_tile_overlayer_lowered  }
0x9b: {  	s22 =	simm.s32 $0x1BFF;
	s21 =	sshll.u32 s5, $0x1;
	s2 =	sadd.s32 s19, s18  }
0x9c: {  	s6 =	simm.s32 $0x0;
	s20 =	sshll.u32 s4, $0x1;
	s4 =	sadd.s32 s21, s2  }
0x9d: {  	[timem:s6], [sflag:s22] =	dma.local [hbm:s4], s20  }
0x9e: {  	_ =	swait.ge [sflag:s22], s20  }
0x9f: {  	s3 =	ssub.s32 $0x0, s20;
	[sflag:s22] =	ssyncset.done $0x0  }
0xa0: {  	[sflag:s22] =	ssyncadd.s32 s3;
	_ =	sdelay $0x1  }
0xa1: {  	s23 =	simm.s32 $0x1B8B  }
0xa2: {  	_ =	swait.ge [sflag:s23], $0x1  }
0xa3: {  	[sflag:s23] =	ssyncset.done $0x0  }
0xa4: {  	s25 =	simm.s32 $0x1B8E;
	s24 =	sld [smem:$0x3FFE];
	[sflag:s23] =	ssyncadd.s32 $0xFFFFFFFF  }
0xa5: {  	s26 =	simm.s32 $execute0_lowered;
	[smem:$0x3FD2] =	sst s25  }
0xa6: {  	s4 =	sshll.u32 s26, $0x1;
	_ =	strace $0x80000049;
	[dreg:$0x1] =	wrdreg $0xFFFFFFFF  }
0xa7: {  	s28 =	simm.s32 $_size_execute0_lowered;
	s2 =	sadd.s32 s2, s4;
	[dreg:$0x0] =	wrdreg $0x0  }
0xa8: {  	s4 =	sshll.u32 s28, $0x1;
	[dreg:$0x2] =	wrdreg s2  }
0xa9: {  	[dreg:$0x3] =	wrdreg s4  }
0xaa: {  	[dreg:$0x4] =	wrdreg $0xC0  }
0xab: {  	_ =	task [dreg:s6], $0x5FFFF  }
0xac: {  	[dreg:$0x1] =	wrdreg $0xFFFFFFFF  }
0xad: {  	[dreg:$0x0] =	wrdreg $0x60  }
0xae: {  	[dreg:$0x2] =	wrdreg s24  }
0xaf: {  	[dreg:$0x3] =	wrdreg $0xB2200  }
0xb0: {  	[dreg:$0x4] =	wrdreg $0x9  }
0xb1: {  	_ =	task.clear_ibuf [dreg:s6], $0x5FFFF;
	_ =	strace $0x90000049  }
0xb2: {  	s29 =	simm.s32 $0x9;
	_ =	strace $0x8000004B  }
0xb3: {  	_ =	swait.ge [sflag:s29], $0x1  }
0xb4: {  	[sflag:s29] =	ssyncadd.s32 $0xFFFFFFFF  }
0xb5: {  	_ =	strace $0x9000004B  }
0xb6: {  	_ =	sfence  }
0xb7: {  	s30 =	sld [smem:$0x0];
	_ =	sdelay $0x2  }
0xb8: {  	s31 =	sshll.u32 s1, $0xD;
	s1 =	sshrl.u32 s1, $0x2  }
0xb9: {  	s3 =	sand.u32 $0x4000, s31;
	s1 =	sadd.s32 s1, s30  }
0xba: {  	s0 =	sor.u32 s3, s0;
	s1 =	sshll.u32 s1, $0x11  }
0xbb: {  	s0 =	sor.u32 s1, s0  }
0xbc: {  	s0 =	sadd.s32 $0x8F2B, s0  }
0xbd: {  	[sflag:s0] =	ssyncadd.remote.s32 $0x1  }
0xbe: {  	_ =	sfence.sel $0xFFFF  }
0xbf: {  	[dreg:$0x0] =	wrdreg $0xFFFFFFFF;
	(pc) =	sbr.abs _section_cstart, $3  }
0xc0: {  	[dreg:$0x1] =	wrdreg $0xFFFFFFFF  }
0xc1: {  	_ =	task.clear_ibuf [dreg:s6], $0x2FFFF;
	_ =	strace $0x9FFFFFFF  }
0xc2: {  	(tm) =	ssettm $0x7FFFFFFF  }
0xc3: {  	_ =	shalt  }
tec
execute0_lowered:
.L_overlay_start_1:
0x0: {  	(tag) =	ssettag $0x1  }
0x1: {  	s0 =	srdreg.scid;
	s5 =	rddreg [dreg:$0x0]  }
0x2: {  	s8 =	stileid.u32;
	s2 =	rddreg [dreg:$0x1];
	s3 =	simm.s32 $0x0  }
0x3: {  	s14 =	simm.s32 $0x1;
	s15 =	simm.s32 $0x50;
	s16 =	simm.s32 $0x4E20  }
0x4: {  	s17 =	simm.s32 $0x6220;
	s19 =	simm.s32 $0x7620;
	s21 =	simm.s32 $0x8A20  }
0x5: {  	s28 =	simm.s32 $0x5;
	s29 =	simm.s32 $0x6;
	s30 =	simm.s32 $0x7  }
0x6: {  	s31 =	simm.s32 $0x8;
	s12 =	simm.s32 $0xB;
	s18 =	simm.s32 $0xC  }
0x7: {  	s20 =	simm.s32 $0x0;
	s0 =	sand.u32 $0x1, s0;
	s1 =	sshll.u32 s8, $0x1  }
0x8: {  	[smem:$0x7FF] =	sst s3;
	s7 =	smul.u32 $0xA000, s8;
	s4 =	sadd.s32 $0x16E00, s5  }
0x9: {  	s22 =	smul.u32 $0x28000, s8;
	s9 =	sadd.s32 $0x2A800, s5;
	s8 =	sshll.u32 s8, $0x6  }
0xa: {  	s1 =	sor.u32 s0, s1;
	s6 =	smul.u32 $0xA0000, s0;
	_ =	strace $0x8000004A  }
0xb: {  	s0 =	ssub.s32 $0x2, s0;
	[dreg:$0x3] =	wrdreg s9;
	s9 =	sor.u32 $0x1C02, s8  }
0xc: {  	s1 =	smul.u32 $0x2710, s1;
	s23 =	sshrl.u32 s0, $0x1;
	s25 =	sshrl.u32 s22, $0x2  }
0xd: {  	s22 =	simm.s32 $0xD;
	s6 =	sadd.s32 s7, s6;
	s0 =	ssub.s32 s0, s23  }
0xe: {  	s26 =	sadd.s32 s25, s2;
	s23 =	simm.s32 $0x9E20;
	s25 =	simm.s32 $0x3  }
0xf: {  	s1 =	sshrl.u32 s1, $0x3;
	s6 =	sshrl.u32 s6, $0x3;
	s11 =	smax.u32 s0, $0x1  }
0x10: {  	s13 =	sshrl.u32 s26, $0x3;
	s26 =	simm.s32 $0x4;
	s1 =	sadd.s32 s1, s5  }
0x11: {  	s0 =	simm.s32 $0xA;
	s5 =	sadd.s32 s6, s5;
	s24 =	sadd.s32 $0x3200, s1  }
0x12: {  	s1 =	sadd.s32 $0xCE40, s1;
	s10 =	sadd.s32 $0x2BC00, s5;
	[dreg:$0x4] =	wrdreg s24  }
0x13: {  	[dreg:$0x5] =	wrdreg s1;
	s24 =	simm.s32 $0x2;
	s1 =	simm.s32 $0x9  }
.LBB2_1:
0x14: {  	s5 =	rddreg [dreg:$0x4]  }
0x15: {  	[tilespmem:s3], [sflag:$0x1] =	stream.linear.gather [hbm4b:s5+s3], $0x2710, $0x38;
	[tilespmem:$0x15220] =	vst v63  }
0x16: {  	s7 =	rddreg [dreg:$0x5];
	s6 =	simm.s32 $0x2710  }
0x17: {  	[tilespmem:s6], [sflag:$0x1] =	stream.linear.gather [hbm4b:s7+s3], $0x2710, $0x38;
	[tilespmem:$0x15220] =	vst v63  }
0x18: {  	s7 =	rddreg [dreg:$0x3]  }
0x19: {  	[spmem:s13], [sflag:s9] =	dma.local [hbm:s7], $0x1400  }
0x1a: {  	_ =	swait.ge [sflag:s14], $0x2710  }
0x1b: {  	[sflag:s14] =	ssyncset.done $0x0  }
0x1c: {  	[sflag:s14] =	ssyncadd.s32 $0xFFFFD8F0  }
0x1d: {  	_ =	swait.ge [sflag:s14], $0x2710  }
0x1e: {  	[sflag:s14] =	ssyncset.done $0x0  }
0x1f: {  	[sflag:s14] =	ssyncadd.s32 $0xFFFFD8F0  }
0x20: {  	[tilespmem:s16], [sflag:$0x3] =	stream.indirect.gather [hbm4b:s4+s15], $0x40, s3, s15, $0xb8;
	[tilespmem:$0x15220] =	vst v63  }
0x21: {  	_ = 	snop  }
0x22: {  	[tilespmem:s17], [sflag:$0x4] =	stream.indirect.gather [hbm4b:s4+s15], $0x40, s15, s15, $0xb8;
	[tilespmem:$0x15220] =	vst v63  }
0x23: {  	s6 =	simm.s32 $0xA0  }
0x24: {  	[tilespmem:s19], [sflag:$0x5] =	stream.indirect.gather [hbm4b:s4+s15], $0x40, s6, s15, $0xb8;
	[tilespmem:$0x15220] =	vst v63  }
0x25: {  	s7 =	simm.s32 $0xF0  }
0x26: {  	[tilespmem:s21], [sflag:$0x6] =	stream.indirect.gather [hbm4b:s4+s15], $0x40, s7, s15, $0xb8;
	[tilespmem:$0x15220] =	vst v63  }
0x27: {  	s6 =	simm.s32 $0x140  }
0x28: {  	[tilespmem:s23], [sflag:$0x7] =	stream.indirect.gather [hbm4b:s4+s15], $0x40, s6, s15, $0xb8;
	[tilespmem:$0x15220] =	vst v63  }
0x29: {  	_ =	swait.ge [sflag:s24], $0x1400  }
0x2a: {  	[sflag:s24] =	ssyncset.done $0x0  }
0x2b: {  	[sflag:s24] =	ssyncadd.s32 $0xFFFFEC00  }
0x2c: {  	[bflag:$0x0] =	sbarrier.arrive $0xFFFF  }
0x2d: {  	_ =	swait.ge [sflag:s25], $0x1400  }
0x2e: {  	[sflag:s25] =	ssyncset.done $0x0  }
0x2f: {  	s7 =	simm.s32 $0x2710;
	[sflag:s25] =	ssyncadd.s32 $0xFFFFEC00  }
0x30: {  	[spmem:s2] =	stream.indirect.scatter.add.f32 [tilespmem:s16], [sflag:$0x8], $0x40, s7, s15, $0xb8;
	[tilespmem:$0x15220] =	vst v63  }
0x31: {  	_ =	swait.ge [sflag:s26], $0x1400  }
0x32: {  	[sflag:s26] =	ssyncset.done $0x0  }
0x33: {  	s6 =	simm.s32 $0x2760;
	[sflag:s26] =	ssyncadd.s32 $0xFFFFEC00  }
0x34: {  	[spmem:s2] =	stream.indirect.scatter.add.f32 [tilespmem:s17], [sflag:$0x9], $0x40, s6, s15, $0xb8;
	[tilespmem:$0x15220] =	vst v63  }
0x35: {  	_ =	swait.ge [sflag:s28], $0x1400  }
0x36: {  	[sflag:s28] =	ssyncset.done $0x0  }
0x37: {  	s7 =	simm.s32 $0x27B0;
	[sflag:s28] =	ssyncadd.s32 $0xFFFFEC00  }
0x38: {  	[spmem:s2] =	stream.indirect.scatter.add.f32 [tilespmem:s19], [sflag:$0xA], $0x40, s7, s15, $0xb8;
	[tilespmem:$0x15220] =	vst v63  }
0x39: {  	_ =	swait.ge [sflag:s29], $0x1400  }
0x3a: {  	[sflag:s29] =	ssyncset.done $0x0  }
0x3b: {  	s6 =	simm.s32 $0x2800;
	[sflag:s29] =	ssyncadd.s32 $0xFFFFEC00  }
0x3c: {  	[spmem:s2] =	stream.indirect.scatter.add.f32 [tilespmem:s21], [sflag:$0xB], $0x40, s6, s15, $0xb8;
	[tilespmem:$0x15220] =	vst v63  }
0x3d: {  	_ =	swait.ge [sflag:s30], $0x1400  }
0x3e: {  	[sflag:s30] =	ssyncset.done $0x0  }
0x3f: {  	s7 =	simm.s32 $0x2850;
	[sflag:s30] =	ssyncadd.s32 $0xFFFFEC00  }
0x40: {  	[spmem:s2] =	stream.indirect.scatter.add.f32 [tilespmem:s23], [sflag:$0xC], $0x40, s7, s15, $0xb8;
	[tilespmem:$0x15220] =	vst v63  }
0x41: {  	_ =	swait.ge [sflag:s31], $0x1400  }
0x42: {  	[sflag:s31] =	ssyncset.done $0x0  }
0x43: {  	s6 =	simm.s32 $0x190;
	[sflag:s31] =	ssyncadd.s32 $0xFFFFEC00  }
0x44: {  	[tilespmem:s16], [sflag:$0x3] =	stream.indirect.gather [hbm4b:s4+s15], $0x40, s6, s15, $0xb8;
	[tilespmem:$0x15220] =	vst v63  }
0x45: {  	_ =	swait.ge [sflag:s1], $0x1400  }
0x46: {  	[sflag:s1] =	ssyncset.done $0x0  }
0x47: {  	s7 =	simm.s32 $0x1E0;
	[sflag:s1] =	ssyncadd.s32 $0xFFFFEC00  }
0x48: {  	[tilespmem:s17], [sflag:$0x4] =	stream.indirect.gather [hbm4b:s4+s15], $0x40, s7, s15, $0xb8;
	[tilespmem:$0x15220] =	vst v63  }
0x49: {  	_ =	swait.ge [sflag:s0], $0x1400  }
0x4a: {  	[sflag:s0] =	ssyncset.done $0x0  }
0x4b: {  	s6 =	simm.s32 $0x230;
	[sflag:s0] =	ssyncadd.s32 $0xFFFFEC00  }
0x4c: {  	[tilespmem:s19], [sflag:$0x5] =	stream.indirect.gather [hbm4b:s4+s15], $0x40, s6, s15, $0xb8;
	[tilespmem:$0x15220] =	vst v63  }
0x4d: {  	_ =	swait.ge [sflag:s12], $0x1400  }
0x4e: {  	[sflag:s12] =	ssyncset.done $0x0  }
0x4f: {  	s7 =	simm.s32 $0x280;
	[sflag:s12] =	ssyncadd.s32 $0xFFFFEC00  }
0x50: {  	[tilespmem:s21], [sflag:$0x6] =	stream.indirect.gather [hbm4b:s4+s15], $0x40, s7, s15, $0xb8;
	[tilespmem:$0x15220] =	vst v63  }
0x51: {  	_ =	swait.ge [sflag:s18], $0x1400  }
0x52: {  	[sflag:s18] =	ssyncset.done $0x0  }
0x53: {  	s5 =	simm.s32 $0x640;
	s6 =	simm.s32 $0x2D0;
	[sflag:s18] =	ssyncadd.s32 $0xFFFFEC00  }
.LBB2_2:
0x54: {  	[tilespmem:s23], [sflag:$0x7] =	stream.indirect.gather [hbm4b:s4+s15], $0x40, s6, s15, $0xb8;
	[tilespmem:$0x15220] =	vst v63  }
0x55: {  	s6 =	smov.u32 s5  }
0x56: {  	p0 =	sne.s32 s5, $0x8FC0;
	s5 =	sadd.s32 $0x640, s5;
	_ =	swait.ge [sflag:s25], $0x1400  }
0x57: {  	s6 =	sshra.s32 s6, $0x2;
	[sflag:s25] =	ssyncset.done $0x0  }
0x58: {  	s7 =	sadd.s32 $0x2710, s6;
	[sflag:s25] =	ssyncadd.s32 $0xFFFFEC00  }
0x59: {  	[spmem:s2] =	stream.indirect.scatter.add.f32 [tilespmem:s16], [sflag:$0x8], $0x40, s7, s15, $0xb8;
	[tilespmem:$0x15220] =	vst v63  }
0x5a: {  	_ =	swait.ge [sflag:s26], $0x1400  }
0x5b: {  	[sflag:s26] =	ssyncset.done $0x0  }
0x5c: {  	s7 =	sadd.s32 $0x2760, s6;
	[sflag:s26] =	ssyncadd.s32 $0xFFFFEC00  }
0x5d: {  	[spmem:s2] =	stream.indirect.scatter.add.f32 [tilespmem:s17], [sflag:$0x9], $0x40, s7, s15, $0xb8;
	[tilespmem:$0x15220] =	vst v63  }
0x5e: {  	_ =	swait.ge [sflag:s28], $0x1400  }
0x5f: {  	[sflag:s28] =	ssyncset.done $0x0  }
0x60: {  	s7 =	sadd.s32 $0x27B0, s6;
	[sflag:s28] =	ssyncadd.s32 $0xFFFFEC00  }
0x61: {  	[spmem:s2] =	stream.indirect.scatter.add.f32 [tilespmem:s19], [sflag:$0xA], $0x40, s7, s15, $0xb8;
	[tilespmem:$0x15220] =	vst v63  }
0x62: {  	_ =	swait.ge [sflag:s29], $0x1400  }
0x63: {  	[sflag:s29] =	ssyncset.done $0x0  }
0x64: {  	s7 =	sadd.s32 $0x2800, s6;
	[sflag:s29] =	ssyncadd.s32 $0xFFFFEC00  }
0x65: {  	[spmem:s2] =	stream.indirect.scatter.add.f32 [tilespmem:s21], [sflag:$0xB], $0x40, s7, s15, $0xb8;
	[tilespmem:$0x15220] =	vst v63  }
0x66: {  	_ =	swait.ge [sflag:s30], $0x1400  }
0x67: {  	[sflag:s30] =	ssyncset.done $0x0  }
0x68: {  	s7 =	sadd.s32 $0x2850, s6;
	[sflag:s30] =	ssyncadd.s32 $0xFFFFEC00  }
0x69: {  	[spmem:s2] =	stream.indirect.scatter.add.f32 [tilespmem:s23], [sflag:$0xC], $0x40, s7, s15, $0xb8;
	[tilespmem:$0x15220] =	vst v63  }
0x6a: {  	_ =	swait.ge [sflag:s31], $0x1400  }
0x6b: {  	[sflag:s31] =	ssyncset.done $0x0  }
0x6c: {  	s7 =	sadd.s32 $0x190, s6;
	[sflag:s31] =	ssyncadd.s32 $0xFFFFEC00  }
0x6d: {  	[tilespmem:s16], [sflag:$0x3] =	stream.indirect.gather [hbm4b:s4+s15], $0x40, s7, s15, $0xb8;
	[tilespmem:$0x15220] =	vst v63  }
0x6e: {  	_ =	swait.ge [sflag:s1], $0x1400  }
0x6f: {  	[sflag:s1] =	ssyncset.done $0x0  }
0x70: {  	s7 =	sadd.s32 $0x1E0, s6;
	[sflag:s1] =	ssyncadd.s32 $0xFFFFEC00  }
0x71: {  	[tilespmem:s17], [sflag:$0x4] =	stream.indirect.gather [hbm4b:s4+s15], $0x40, s7, s15, $0xb8;
	[tilespmem:$0x15220] =	vst v63  }
0x72: {  	_ =	swait.ge [sflag:s0], $0x1400  }
0x73: {  	[sflag:s0] =	ssyncset.done $0x0  }
0x74: {  	s7 =	sadd.s32 $0x230, s6;
	[sflag:s0] =	ssyncadd.s32 $0xFFFFEC00  }
0x75: {  	[tilespmem:s19], [sflag:$0x5] =	stream.indirect.gather [hbm4b:s4+s15], $0x40, s7, s15, $0xb8;
	[tilespmem:$0x15220] =	vst v63  }
0x76: {  	_ =	swait.ge [sflag:s12], $0x1400  }
0x77: {  	[sflag:s12] =	ssyncset.done $0x0  }
.Ltmp0:
0x78: {  	s7 =	sadd.s32 $0x280, s6;
	[sflag:s12] =	ssyncadd.s32 $0xFFFFEC00;
	(pc) =	sbr.rel @p0 .LBB2_2-.Ltmp0, $4  }
0x79: {  	[tilespmem:s21], [sflag:$0x6] =	stream.indirect.gather [hbm4b:s4+s15], $0x40, s7, s15, $0xb8;
	[tilespmem:$0x15220] =	vst v63  }
0x7a: {  	_ =	swait.ge [sflag:s18], $0x1400  }
0x7b: {  	[sflag:s18] =	ssyncset.done $0x0  }
0x7c: {  	s6 =	sadd.s32 $0x2D0, s6;
	[sflag:s18] =	ssyncadd.s32 $0xFFFFEC00  }
0x7d: {  	[tilespmem:s23], [sflag:$0x7] =	stream.indirect.gather [hbm4b:s4+s15], $0x40, s6, s15, $0xb8;
	[tilespmem:$0x15220] =	vst v63  }
0x7e: {  	_ =	swait.ge [sflag:s25], $0x1400  }
0x7f: {  	[sflag:s25] =	ssyncset.done $0x0  }
0x80: {  	s5 =	simm.s32 $0x4C90;
	[sflag:s25] =	ssyncadd.s32 $0xFFFFEC00  }
0x81: {  	[spmem:s2] =	stream.indirect.scatter.add.f32 [tilespmem:s16], [sflag:$0x8], $0x40, s5, s15, $0xb8;
	[tilespmem:$0x15220] =	vst v63  }
0x82: {  	_ =	swait.ge [sflag:s26], $0x1400  }
0x83: {  	[sflag:s26] =	ssyncset.done $0x0  }
0x84: {  	s7 =	simm.s32 $0x4CE0;
	[sflag:s26] =	ssyncadd.s32 $0xFFFFEC00  }
0x85: {  	[spmem:s2] =	stream.indirect.scatter.add.f32 [tilespmem:s17], [sflag:$0x9], $0x40, s7, s15, $0xb8;
	[tilespmem:$0x15220] =	vst v63  }
0x86: {  	_ =	swait.ge [sflag:s28], $0x1400  }
0x87: {  	[sflag:s28] =	ssyncset.done $0x0  }
0x88: {  	s6 =	simm.s32 $0x4D30;
	[sflag:s28] =	ssyncadd.s32 $0xFFFFEC00  }
0x89: {  	[spmem:s2] =	stream.indirect.scatter.add.f32 [tilespmem:s19], [sflag:$0xA], $0x40, s6, s15, $0xb8;
	[tilespmem:$0x15220] =	vst v63  }
0x8a: {  	_ =	swait.ge [sflag:s29], $0x1400  }
0x8b: {  	[sflag:s29] =	ssyncset.done $0x0  }
0x8c: {  	s7 =	simm.s32 $0x4D80;
	[sflag:s29] =	ssyncadd.s32 $0xFFFFEC00  }
0x8d: {  	[spmem:s2] =	stream.indirect.scatter.add.f32 [tilespmem:s21], [sflag:$0xB], $0x40, s7, s15, $0xb8;
	[tilespmem:$0x15220] =	vst v63  }
0x8e: {  	_ =	swait.ge [sflag:s30], $0x1400  }
0x8f: {  	[sflag:s30] =	ssyncset.done $0x0  }
0x90: {  	s6 =	simm.s32 $0x4DD0;
	[sflag:s30] =	ssyncadd.s32 $0xFFFFEC00  }
0x91: {  	[spmem:s2] =	stream.indirect.scatter.add.f32 [tilespmem:s23], [sflag:$0xC], $0x40, s6, s15, $0xb8;
	[tilespmem:$0x15220] =	vst v63  }
0x92: {  	_ =	swait.ge [sflag:s31], $0x1400  }
0x93: {  	[sflag:s31] =	ssyncset.done $0x0  }
0x94: {  	[sflag:s31] =	ssyncadd.s32 $0xFFFFEC00  }
0x95: {  	_ =	swait.ge [sflag:s1], $0x1400  }
0x96: {  	[sflag:s1] =	ssyncset.done $0x0  }
0x97: {  	[sflag:s1] =	ssyncadd.s32 $0xFFFFEC00  }
0x98: {  	_ =	swait.ge [sflag:s0], $0x1400  }
0x99: {  	[sflag:s0] =	ssyncset.done $0x0  }
0x9a: {  	[sflag:s0] =	ssyncadd.s32 $0xFFFFEC00  }
0x9b: {  	_ =	swait.ge [sflag:s12], $0x1400  }
0x9c: {  	[sflag:s12] =	ssyncset.done $0x0  }
0x9d: {  	[sflag:s12] =	ssyncadd.s32 $0xFFFFEC00  }
0x9e: {  	_ =	swait.ge [sflag:s18], $0x1400  }
0x9f: {  	s20 =	sadd.s32 $0x1, s20;
	[sflag:s18] =	ssyncset.done $0x0  }
0xa0: {  	p0 =	sne.s32 s20, s11;
	[sflag:s18] =	ssyncadd.s32 $0xFFFFEC00  }
.Ltmp1:
0xa1: {  	s7 =	sor.u32 $0x1C0D, s8;
	[bflag:$0x0] =	sbarrier.arrive $0xFFFF;
	(pc) =	sbr.rel @p0 .LBB2_1-.Ltmp1, $4  }
0xa2: {  	[hbm:s10], [sflag:s7] =	dma.local [spmem:s13], $0x1400  }
0xa3: {  	_ =	swait.ge [sflag:s22], $0x1400  }
0xa4: {  	[sflag:s22] =	ssyncset.done $0x0  }
0xa5: {  	[sflag:s22] =	ssyncadd.s32 $0xFFFFEC00  }
0xa6: {  	_ =	sfence.sel $0x180000  }
0xa7: {  	[bflag:$0x0] =	sbarrier.arrive $0xFFFF  }
0xa8: {  	_ =	strace $0x9000004A  }
0xa9: {  	s0 =	stileid.u32;
	[bflag:$0x2] =	sbarrier.arrive $0xFFFF  }
0xaa: {  	p0 =	sne.s32 s0, $0x0;
	s0 =	rddreg [dreg:$0x2]  }
0xab: {  	s0 =	sadd.s32 @!p0 $0x100000, s0  }
0xac: {  	[sflag:s0] =	ssyncadd.tile.s32 @!p0 $0x1;
	_ =	shalt  }
.Lfunc_end2:
_tile_overlayer_lowered:
.L_overlay_start_2:
0xad: {  	(tag) =	ssettag $0x2  }
0xae: {  	s0 =	rddreg [dreg:$0x0];
	s2 =	stileid.u32  }
0xaf: {  	s1 =	rddreg [dreg:$0x1];
	p0 =	sne.s32 s2, $0x0  }
0xb0: {  	s3 =	rddreg [dreg:$0x2];
	[bflag:$0x3] =	sbarrier.arrive $0xFFFF;
	s2 =	simm.s32 @!p0 $0x1C0D  }
0xb1: {  	[timem:s3], [sflag:s2] =	dma.local @!p0 [hbm:s0], s1  }
0xb2: {  	s0 =	simm.s32 @!p0 $0xD  }
0xb3: {  	_ =	swait.ge @!p0 [sflag:s0], s1  }
0xb4: {  	s1 =	ssub.s32 @!p0 $0x0, s1;
	[sflag:s0] =	ssyncset.done @!p0 $0x0  }
0xb5: {  	[sflag:s0] =	ssyncadd.s32 @!p0 s1  }
0xb6: {  	[bflag:$0x3] =	sbarrier.arrive $0xFFFF  }
0xb7: {  	_ =	shalt  }

// kernel: kernel.18.cloned.1.call-start
scs
__scs_entry_jumppad:
0x0: {  	(pc) =	sbr.rel $0x88, $3  }
0x1: {  	(tag) =	ssettag $0x0;
	lr =	simm.s32 $0x1  }
0x2: {  	[smem:$0x3F96] =	sst lr;
	_ =	strace $0xD0000000  }
0x3: {  	_ = 	snop  }
0x4: {  	_ = 	snop  }
0x5: {  	_ = 	snop  }
0x6: {  	_ = 	snop  }
0x7: {  	_ = 	snop  }
__scs_overlays_trampoline_lowered:
0x8: {  	[smem:$0x3FA5] =	sst s0  }
0x9: {  	[smem:$0x3FA6] =	sst s1  }
0xa: {  	[smem:$0x3FA7] =	sst s2  }
0xb: {  	[smem:$0x3FA8] =	sst s3  }
0xc: {  	[smem:$0x3FA9] =	sst s4  }
0xd: {  	[smem:$0x3FAA] =	sst s5  }
0xe: {  	[smem:$0x3FAB] =	sst s6  }
0xf: {  	[smem:$0x3FAC] =	sst s7  }
0x10: {  	[smem:$0x3FAD] =	sst s8  }
0x11: {  	[smem:$0x3FAE] =	sst s9;
	s0 =	simm.s32 @!p0 $0x0  }
0x12: {  	s1 =	sld [smem:$0x3F94];
	s0 =	simm.s32 @p0 $0x1  }
0x13: {  	[smem:$0x3FAF] =	sst s0;
	s0 =	simm.s32 @!p1 $0x0  }
0x14: {  	s2 =	sld [smem:$0x3F93];
	s0 =	simm.s32 @p1 $0x1  }
0x15: {  	[smem:$0x3FB0] =	sst s0;
	s0 =	simm.s32 @!p2 $0x0  }
0x16: {  	s3 =	sld [smem:$0x3FDB];
	s0 =	simm.s32 @p2 $0x1  }
0x17: {  	s4 =	simm.s32 $0x1BF5;
	[smem:$0x3FB2] =	sst s0  }
0x18: {  	s0 =	sld [smem:$0x3F95];
	_ =	swait.ge [sflag:s4], $0x0  }
0x19: {  	s7 =	sld [smem:$0x3F96]  }
0x1a: {  	s8 =	sadd.s32 $0xFFFFE003, lr  }
0x1b: {  	s9 =	sadd.s32 $0xFFFFFEF7, lr;
	s5 =	simm.s32 $0xFFFFFFFF;
	p2 =	slt.u32 s8, $0xFFFFF086  }
0x1c: {  	p1 =	slt.u32 s9, $0xF7A;
	s5 =	simm.s32 @!p2 $0x0  }
0x1d: {  	s5 =	simm.s32 @p1 $0x1;
	p0 =	seq.s32 s7, s2  }
0x1e: {  	s7 =	smul.u32 @!p0 $0xF7A, s2;
	p2 =	seq.s32 @!p0 s5, $0x0  }
0x1f: {  	s9 =	smul.u32 $0xF7A, s1;
	s8 =	simm.s32 @!p0 $0x1BF5;
	p2 =	por !p2, p0  }
0x20: {  	[sflag:s8] =	ssyncset.s32 @!p0 $0xFFFFF086;
	s6 =	sadd.s32 @!p0 s3, s7;
	s7 =	simm.s32 @!p0 $0x108  }
0x21: {  	s3 =	sadd.s32 s3, s9;
	s6 =	sadd.s32 @!p0 $0x88, s6;
	s7 =	simm.s32 @p2 $0x1082  }
0x22: {  	[simem:s7], [sflag:s8] =	dma.local @!p0 [hbm:s6], $0xF7A  }
0x23: {  	s9 =	sor.u32 $0xD0000000, s2;
	s6 =	simm.s32 $0x108;
	_ =	swait.ge @!p0 [sflag:s8], $0x0  }
0x24: {  	s3 =	sadd.s32 $0x88, s3;
	s6 =	simm.s32 @!p1 $0x1082;
	[sflag:s4] =	ssyncset.s32 $0xFFFFF086  }
0x25: {  	[simem:s6], [sflag:s4] =	dma.local [hbm:s3], $0xF7A  }
0x26: {  	[smem:$0x3F96] =	sst s1;
	(tag) =	ssettag s2;
	_ =	strace s9  }
0x27: {  	s1 =	sld [smem:$0x3FA6]  }
0x28: {  	s2 =	sld [smem:$0x3FA7]  }
0x29: {  	s4 =	sld [smem:$0x3FA9]  }
0x2a: {  	p0 =	seq.s32 s5, $0x0;
	s5 =	sld [smem:$0x3FAA]  }
0x2b: {  	s6 =	sld [smem:$0x3FAB]  }
0x2c: {  	s7 =	sld [smem:$0x3FAC]  }
0x2d: {  	s3 =	simm.s32 $0x108;
	s8 =	sld [smem:$0x3FAD]  }
0x2e: {  	s3 =	simm.s32 @!p0 $0x1082;
	s9 =	sld [smem:$0x3FAE]  }
0x2f: {  	lr =	sadd.s32 s0, s3;
	s0 =	sld [smem:$0x3FA5]  }
0x30: {  	s3 =	sld [smem:$0x3FA8]  }
0x31: {  	[smem:$0x3FB1] =	sst s10  }
0x32: {  	s10 =	sld [smem:$0x3FAF];
	_ =	sdelay $0x3  }
0x33: {  	p0 =	seq.s32 s10, $0x1;
	s10 =	sld [smem:$0x3FB1];
	_ =	sdelay $0x3  }
0x34: {  	[smem:$0x3FB1] =	sst s10  }
0x35: {  	s10 =	sld [smem:$0x3FB0];
	_ =	sdelay $0x3  }
0x36: {  	p1 =	seq.s32 s10, $0x1;
	s10 =	sld [smem:$0x3FB1];
	_ =	sdelay $0x3  }
0x37: {  	[smem:$0x3FB1] =	sst s10  }
0x38: {  	s10 =	sld [smem:$0x3FB2]  }
0x39: {  	_ = 	snop;
	(pc) =	sbr.ind lr, $3  }
0x3a: {  	_ = 	snop  }
0x3b: {  	_ = 	snop  }
0x3c: {  	p2 =	seq.s32 s10, $0x1;
	s10 =	sld [smem:$0x3FB1]  }
0x3d: {  	_ =	shalt  }
0x3e: {  	_ =	shalt  }
0x3f: {  	_ =	shalt  }
0x40: {  	_ =	shalt  }
0x41: {  	_ =	shalt  }
0x42: {  	_ =	shalt  }
0x43: {  	_ =	shalt  }
0x44: {  	_ =	shalt  }
0x45: {  	_ =	shalt  }
0x46: {  	_ =	shalt  }
0x47: {  	_ =	shalt  }
0x48: {  	_ =	shalt  }
0x49: {  	_ =	shalt  }
0x4a: {  	_ =	shalt  }
0x4b: {  	_ =	shalt  }
0x4c: {  	_ =	shalt  }
0x4d: {  	_ =	shalt  }
0x4e: {  	_ =	shalt  }
0x4f: {  	_ =	shalt  }
0x50: {  	_ =	shalt  }
0x51: {  	_ =	shalt  }
0x52: {  	_ =	shalt  }
0x53: {  	_ =	shalt  }
0x54: {  	_ =	shalt  }
0x55: {  	_ =	shalt  }
0x56: {  	_ =	shalt  }
0x57: {  	_ =	shalt  }
0x58: {  	_ =	shalt  }
0x59: {  	_ =	shalt  }
0x5a: {  	_ =	shalt  }
0x5b: {  	_ =	shalt  }
0x5c: {  	_ =	shalt  }
0x5d: {  	_ =	shalt  }
0x5e: {  	_ =	shalt  }
0x5f: {  	_ =	shalt  }
0x60: {  	_ =	shalt  }
0x61: {  	_ =	shalt  }
0x62: {  	_ =	shalt  }
0x63: {  	_ =	shalt  }
0x64: {  	_ =	shalt  }
0x65: {  	_ =	shalt  }
0x66: {  	_ =	shalt  }
0x67: {  	_ =	shalt  }
0x68: {  	_ =	shalt  }
0x69: {  	_ =	shalt  }
0x6a: {  	_ =	shalt  }
0x6b: {  	_ =	shalt  }
0x6c: {  	_ =	shalt  }
0x6d: {  	_ =	shalt  }
0x6e: {  	_ =	shalt  }
0x6f: {  	_ =	shalt  }
0x70: {  	_ =	shalt  }
0x71: {  	_ =	shalt  }
0x72: {  	_ =	shalt  }
0x73: {  	_ =	shalt  }
0x74: {  	_ =	shalt  }
0x75: {  	_ =	shalt  }
0x76: {  	_ =	shalt  }
0x77: {  	_ =	shalt  }
0x78: {  	_ =	shalt  }
0x79: {  	_ =	shalt  }
0x7a: {  	_ =	shalt  }
0x7b: {  	_ =	shalt  }
0x7c: {  	_ =	shalt  }
0x7d: {  	_ =	shalt  }
0x7e: {  	_ =	shalt  }
0x7f: {  	_ =	shalt  }
0x80: {  	_ =	shalt  }
0x81: {  	_ =	shalt  }
0x82: {  	_ =	shalt  }
0x83: {  	_ =	shalt  }
0x84: {  	_ =	shalt  }
0x85: {  	_ =	shalt  }
0x86: {  	_ =	shalt  }
0x87: {  	_ =	shalt  }
.Lfunc_end0:
.L_simem_size_0:
called_computation.2_lowered:
.L_overlay_start_0:
0x88: {  	s2 =	sld [smem:$0x3FD9]  }
0x89: {  	s3 =	sld [smem:$0x3FFE];
	_ =	sdelay $0x1  }
0x8a: {  	s1 =	srdreg.scid  }
0x8b: {  	s0 =	sand.u32 $0x1, s1  }
0x8c: {  	s16 =	sshll.u32 s0, $0xA;
	s2 =	sadd.s32 s3, s2  }
0x8d: {  	s2 =	sadd.s32 s2, s16  }
0x8e: {  	[smem:$0x3FBD] =	sst s2  }
0x8f: {  	_ = 	snop  }
0x90: {  	(tm) =	ssettm $0x1  }
0x91: {  	s17 =	sld [smem:$0x3FFB];
	_ =	sdelay $0x3  }
0x92: {  	_ =	strace s17  }
0x93: {  	s2 =	sld [smem:$0x3FFC];
	_ =	sdelay $0x3  }
0x94: {  	_ =	strace s2  }
0x95: {  	s2 =	sld [smem:$0x3FFD];
	_ =	sdelay $0x3  }
0x96: {  	_ =	strace s2  }
0x97: {  	_ =	strace $0x8FFFFFFF  }
0x98: {  	s18 =	sld [smem:$0x3FDB];
	_ =	sdelay $0x1  }
0x99: {  	s19 =	simm.s32 $_scs_section_size  }
0x9a: {  	s4 =	simm.s32 $_size__tile_overlayer_lowered;
	s5 =	simm.s32 $_tile_overlayer_lowered  }
0x9b: {  	s22 =	simm.s32 $0x1BFF;
	s21 =	sshll.u32 s5, $0x1;
	s2 =	sadd.s32 s19, s18  }
0x9c: {  	s6 =	simm.s32 $0x0;
	s20 =	sshll.u32 s4, $0x1;
	s4 =	sadd.s32 s21, s2  }
0x9d: {  	[timem:s6], [sflag:s22] =	dma.local [hbm:s4], s20  }
0x9e: {  	_ =	swait.ge [sflag:s22], s20  }
0x9f: {  	s3 =	ssub.s32 $0x0, s20;
	[sflag:s22] =	ssyncset.done $0x0  }
0xa0: {  	[sflag:s22] =	ssyncadd.s32 s3;
	_ =	sdelay $0x1  }
0xa1: {  	s23 =	simm.s32 $0x1B8B  }
0xa2: {  	_ =	swait.ge [sflag:s23], $0x1  }
0xa3: {  	[sflag:s23] =	ssyncset.done $0x0  }
0xa4: {  	s25 =	simm.s32 $0x1B8E;
	s24 =	sld [smem:$0x3FFE];
	[sflag:s23] =	ssyncadd.s32 $0xFFFFFFFF  }
0xa5: {  	s26 =	simm.s32 $execute0_lowered;
	[smem:$0x3FD2] =	sst s25  }
0xa6: {  	s4 =	sshll.u32 s26, $0x1;
	_ =	strace $0x8000004C;
	[dreg:$0x1] =	wrdreg $0xFFFFFFFF  }
0xa7: {  	s28 =	simm.s32 $_size_execute0_lowered;
	s2 =	sadd.s32 s2, s4;
	[dreg:$0x0] =	wrdreg $0x0  }
0xa8: {  	s4 =	sshll.u32 s28, $0x1;
	[dreg:$0x2] =	wrdreg s2  }
0xa9: {  	[dreg:$0x3] =	wrdreg s4  }
0xaa: {  	[dreg:$0x4] =	wrdreg $0xC0  }
0xab: {  	_ =	task [dreg:s6], $0x5FFFF  }
0xac: {  	[dreg:$0x1] =	wrdreg $0xFFFFFFFF  }
0xad: {  	[dreg:$0x0] =	wrdreg $0x60  }
0xae: {  	[dreg:$0x2] =	wrdreg s24  }
0xaf: {  	[dreg:$0x3] =	wrdreg $0xB2200  }
0xb0: {  	[dreg:$0x4] =	wrdreg $0x9  }
0xb1: {  	_ =	task.clear_ibuf [dreg:s6], $0x5FFFF;
	_ =	strace $0x9000004C  }
0xb2: {  	s29 =	simm.s32 $0x9;
	_ =	strace $0x8000004E  }
0xb3: {  	_ =	swait.ge [sflag:s29], $0x1  }
0xb4: {  	[sflag:s29] =	ssyncadd.s32 $0xFFFFFFFF  }
0xb5: {  	_ =	strace $0x9000004E  }
0xb6: {  	_ =	sfence  }
0xb7: {  	s30 =	sld [smem:$0x0];
	_ =	sdelay $0x2  }
0xb8: {  	s31 =	sshll.u32 s1, $0xD;
	s1 =	sshrl.u32 s1, $0x2  }
0xb9: {  	s3 =	sand.u32 $0x4000, s31;
	s1 =	sadd.s32 s1, s30  }
0xba: {  	s0 =	sor.u32 s3, s0;
	s1 =	sshll.u32 s1, $0x11  }
0xbb: {  	s0 =	sor.u32 s1, s0  }
0xbc: {  	s0 =	sadd.s32 $0x8F2B, s0  }
0xbd: {  	[sflag:s0] =	ssyncadd.remote.s32 $0x1  }
0xbe: {  	_ =	sfence.sel $0xFFFF  }
0xbf: {  	[dreg:$0x0] =	wrdreg $0xFFFFFFFF;
	(pc) =	sbr.abs _section_cstart, $3  }
0xc0: {  	[dreg:$0x1] =	wrdreg $0xFFFFFFFF  }
0xc1: {  	_ =	task.clear_ibuf [dreg:s6], $0x2FFFF;
	_ =	strace $0x9FFFFFFF  }
0xc2: {  	(tm) =	ssettm $0x7FFFFFFF  }
0xc3: {  	_ =	shalt  }
tec
execute0_lowered:
.L_overlay_start_1:
0x0: {  	(tag) =	ssettag $0x1  }
0x1: {  	s0 =	srdreg.scid;
	s5 =	rddreg [dreg:$0x0]  }
0x2: {  	s8 =	stileid.u32;
	s2 =	rddreg [dreg:$0x1];
	s3 =	simm.s32 $0x0  }
0x3: {  	s14 =	simm.s32 $0x1;
	s15 =	simm.s32 $0x50;
	s16 =	simm.s32 $0x4E20  }
0x4: {  	s17 =	simm.s32 $0x6220;
	s19 =	simm.s32 $0x7620;
	s21 =	simm.s32 $0x8A20  }
0x5: {  	s28 =	simm.s32 $0x5;
	s29 =	simm.s32 $0x6;
	s30 =	simm.s32 $0x7  }
0x6: {  	s31 =	simm.s32 $0x8;
	s12 =	simm.s32 $0xB;
	s18 =	simm.s32 $0xC  }
0x7: {  	s20 =	simm.s32 $0x0;
	s0 =	sand.u32 $0x1, s0;
	s1 =	sshll.u32 s8, $0x1  }
0x8: {  	[smem:$0x7FF] =	sst s3;
	s7 =	smul.u32 $0xA000, s8;
	s4 =	sadd.s32 $0x16E00, s5  }
0x9: {  	s22 =	smul.u32 $0x28000, s8;
	s9 =	sadd.s32 $0x2A800, s5;
	s8 =	sshll.u32 s8, $0x6  }
0xa: {  	s1 =	sor.u32 s0, s1;
	s6 =	smul.u32 $0xA0000, s0;
	_ =	strace $0x8000004D  }
0xb: {  	s0 =	ssub.s32 $0x2, s0;
	[dreg:$0x3] =	wrdreg s9;
	s9 =	sor.u32 $0x1C02, s8  }
0xc: {  	s1 =	smul.u32 $0x2710, s1;
	s23 =	sshrl.u32 s0, $0x1;
	s25 =	sshrl.u32 s22, $0x2  }
0xd: {  	s22 =	simm.s32 $0xD;
	s6 =	sadd.s32 s7, s6;
	s0 =	ssub.s32 s0, s23  }
0xe: {  	s26 =	sadd.s32 s25, s2;
	s23 =	simm.s32 $0x9E20;
	s25 =	simm.s32 $0x3  }
0xf: {  	s1 =	sshrl.u32 s1, $0x3;
	s6 =	sshrl.u32 s6, $0x3;
	s11 =	smax.u32 s0, $0x1  }
0x10: {  	s13 =	sshrl.u32 s26, $0x3;
	s26 =	simm.s32 $0x4;
	s1 =	sadd.s32 s1, s5  }
0x11: {  	s0 =	simm.s32 $0xA;
	s5 =	sadd.s32 s6, s5;
	s24 =	sadd.s32 $0x3200, s1  }
0x12: {  	s1 =	sadd.s32 $0xCE40, s1;
	s10 =	sadd.s32 $0x2BC00, s5;
	[dreg:$0x4] =	wrdreg s24  }
0x13: {  	[dreg:$0x5] =	wrdreg s1;
	s24 =	simm.s32 $0x2;
	s1 =	simm.s32 $0x9  }
.LBB2_1:
0x14: {  	s5 =	rddreg [dreg:$0x4]  }
0x15: {  	[tilespmem:s3], [sflag:$0x1] =	stream.linear.gather [hbm4b:s5+s3], $0x2710, $0x38;
	[tilespmem:$0x15220] =	vst v63  }
0x16: {  	s7 =	rddreg [dreg:$0x5];
	s6 =	simm.s32 $0x2710  }
0x17: {  	[tilespmem:s6], [sflag:$0x1] =	stream.linear.gather [hbm4b:s7+s3], $0x2710, $0x38;
	[tilespmem:$0x15220] =	vst v63  }
0x18: {  	s7 =	rddreg [dreg:$0x3]  }
0x19: {  	[spmem:s13], [sflag:s9] =	dma.local [hbm:s7], $0x1400  }
0x1a: {  	_ =	swait.ge [sflag:s14], $0x2710  }
0x1b: {  	[sflag:s14] =	ssyncset.done $0x0  }
0x1c: {  	[sflag:s14] =	ssyncadd.s32 $0xFFFFD8F0  }
0x1d: {  	_ =	swait.ge [sflag:s14], $0x2710  }
0x1e: {  	[sflag:s14] =	ssyncset.done $0x0  }
0x1f: {  	[sflag:s14] =	ssyncadd.s32 $0xFFFFD8F0  }
0x20: {  	[tilespmem:s16], [sflag:$0x3] =	stream.indirect.gather [hbm4b:s4+s15], $0x40, s3, s15, $0xb8;
	[tilespmem:$0x15220] =	vst v63  }
0x21: {  	_ = 	snop  }
0x22: {  	[tilespmem:s17], [sflag:$0x4] =	stream.indirect.gather [hbm4b:s4+s15], $0x40, s15, s15, $0xb8;
	[tilespmem:$0x15220] =	vst v63  }
0x23: {  	s6 =	simm.s32 $0xA0  }
0x24: {  	[tilespmem:s19], [sflag:$0x5] =	stream.indirect.gather [hbm4b:s4+s15], $0x40, s6, s15, $0xb8;
	[tilespmem:$0x15220] =	vst v63  }
0x25: {  	s7 =	simm.s32 $0xF0  }
0x26: {  	[tilespmem:s21], [sflag:$0x6] =	stream.indirect.gather [hbm4b:s4+s15], $0x40, s7, s15, $0xb8;
	[tilespmem:$0x15220] =	vst v63  }
0x27: {  	s6 =	simm.s32 $0x140  }
0x28: {  	[tilespmem:s23], [sflag:$0x7] =	stream.indirect.gather [hbm4b:s4+s15], $0x40, s6, s15, $0xb8;
	[tilespmem:$0x15220] =	vst v63  }
0x29: {  	_ =	swait.ge [sflag:s24], $0x1400  }
0x2a: {  	[sflag:s24] =	ssyncset.done $0x0  }
0x2b: {  	[sflag:s24] =	ssyncadd.s32 $0xFFFFEC00  }
0x2c: {  	[bflag:$0x0] =	sbarrier.arrive $0xFFFF  }
0x2d: {  	_ =	swait.ge [sflag:s25], $0x1400  }
0x2e: {  	[sflag:s25] =	ssyncset.done $0x0  }
0x2f: {  	s7 =	simm.s32 $0x2710;
	[sflag:s25] =	ssyncadd.s32 $0xFFFFEC00  }
0x30: {  	[spmem:s2] =	stream.indirect.scatter.add.f32 [tilespmem:s16], [sflag:$0x8], $0x40, s7, s15, $0xb8;
	[tilespmem:$0x15220] =	vst v63  }
0x31: {  	_ =	swait.ge [sflag:s26], $0x1400  }
0x32: {  	[sflag:s26] =	ssyncset.done $0x0  }
0x33: {  	s6 =	simm.s32 $0x2760;
	[sflag:s26] =	ssyncadd.s32 $0xFFFFEC00  }
0x34: {  	[spmem:s2] =	stream.indirect.scatter.add.f32 [tilespmem:s17], [sflag:$0x9], $0x40, s6, s15, $0xb8;
	[tilespmem:$0x15220] =	vst v63  }
0x35: {  	_ =	swait.ge [sflag:s28], $0x1400  }
0x36: {  	[sflag:s28] =	ssyncset.done $0x0  }
0x37: {  	s7 =	simm.s32 $0x27B0;
	[sflag:s28] =	ssyncadd.s32 $0xFFFFEC00  }
0x38: {  	[spmem:s2] =	stream.indirect.scatter.add.f32 [tilespmem:s19], [sflag:$0xA], $0x40, s7, s15, $0xb8;
	[tilespmem:$0x15220] =	vst v63  }
0x39: {  	_ =	swait.ge [sflag:s29], $0x1400  }
0x3a: {  	[sflag:s29] =	ssyncset.done $0x0  }
0x3b: {  	s6 =	simm.s32 $0x2800;
	[sflag:s29] =	ssyncadd.s32 $0xFFFFEC00  }
0x3c: {  	[spmem:s2] =	stream.indirect.scatter.add.f32 [tilespmem:s21], [sflag:$0xB], $0x40, s6, s15, $0xb8;
	[tilespmem:$0x15220] =	vst v63  }
0x3d: {  	_ =	swait.ge [sflag:s30], $0x1400  }
0x3e: {  	[sflag:s30] =	ssyncset.done $0x0  }
0x3f: {  	s7 =	simm.s32 $0x2850;
	[sflag:s30] =	ssyncadd.s32 $0xFFFFEC00  }
0x40: {  	[spmem:s2] =	stream.indirect.scatter.add.f32 [tilespmem:s23], [sflag:$0xC], $0x40, s7, s15, $0xb8;
	[tilespmem:$0x15220] =	vst v63  }
0x41: {  	_ =	swait.ge [sflag:s31], $0x1400  }
0x42: {  	[sflag:s31] =	ssyncset.done $0x0  }
0x43: {  	s6 =	simm.s32 $0x190;
	[sflag:s31] =	ssyncadd.s32 $0xFFFFEC00  }
0x44: {  	[tilespmem:s16], [sflag:$0x3] =	stream.indirect.gather [hbm4b:s4+s15], $0x40, s6, s15, $0xb8;
	[tilespmem:$0x15220] =	vst v63  }
0x45: {  	_ =	swait.ge [sflag:s1], $0x1400  }
0x46: {  	[sflag:s1] =	ssyncset.done $0x0  }
0x47: {  	s7 =	simm.s32 $0x1E0;
	[sflag:s1] =	ssyncadd.s32 $0xFFFFEC00  }
0x48: {  	[tilespmem:s17], [sflag:$0x4] =	stream.indirect.gather [hbm4b:s4+s15], $0x40, s7, s15, $0xb8;
	[tilespmem:$0x15220] =	vst v63  }
0x49: {  	_ =	swait.ge [sflag:s0], $0x1400  }
0x4a: {  	[sflag:s0] =	ssyncset.done $0x0  }
0x4b: {  	s6 =	simm.s32 $0x230;
	[sflag:s0] =	ssyncadd.s32 $0xFFFFEC00  }
0x4c: {  	[tilespmem:s19], [sflag:$0x5] =	stream.indirect.gather [hbm4b:s4+s15], $0x40, s6, s15, $0xb8;
	[tilespmem:$0x15220] =	vst v63  }
0x4d: {  	_ =	swait.ge [sflag:s12], $0x1400  }
0x4e: {  	[sflag:s12] =	ssyncset.done $0x0  }
0x4f: {  	s7 =	simm.s32 $0x280;
	[sflag:s12] =	ssyncadd.s32 $0xFFFFEC00  }
0x50: {  	[tilespmem:s21], [sflag:$0x6] =	stream.indirect.gather [hbm4b:s4+s15], $0x40, s7, s15, $0xb8;
	[tilespmem:$0x15220] =	vst v63  }
0x51: {  	_ =	swait.ge [sflag:s18], $0x1400  }
0x52: {  	[sflag:s18] =	ssyncset.done $0x0  }
0x53: {  	s5 =	simm.s32 $0x640;
	s6 =	simm.s32 $0x2D0;
	[sflag:s18] =	ssyncadd.s32 $0xFFFFEC00  }
.LBB2_2:
0x54: {  	[tilespmem:s23], [sflag:$0x7] =	stream.indirect.gather [hbm4b:s4+s15], $0x40, s6, s15, $0xb8;
	[tilespmem:$0x15220] =	vst v63  }
0x55: {  	s6 =	smov.u32 s5  }
0x56: {  	p0 =	sne.s32 s5, $0x8FC0;
	s5 =	sadd.s32 $0x640, s5;
	_ =	swait.ge [sflag:s25], $0x1400  }
0x57: {  	s6 =	sshra.s32 s6, $0x2;
	[sflag:s25] =	ssyncset.done $0x0  }
0x58: {  	s7 =	sadd.s32 $0x2710, s6;
	[sflag:s25] =	ssyncadd.s32 $0xFFFFEC00  }
0x59: {  	[spmem:s2] =	stream.indirect.scatter.add.f32 [tilespmem:s16], [sflag:$0x8], $0x40, s7, s15, $0xb8;
	[tilespmem:$0x15220] =	vst v63  }
0x5a: {  	_ =	swait.ge [sflag:s26], $0x1400  }
0x5b: {  	[sflag:s26] =	ssyncset.done $0x0  }
0x5c: {  	s7 =	sadd.s32 $0x2760, s6;
	[sflag:s26] =	ssyncadd.s32 $0xFFFFEC00  }
0x5d: {  	[spmem:s2] =	stream.indirect.scatter.add.f32 [tilespmem:s17], [sflag:$0x9], $0x40, s7, s15, $0xb8;
	[tilespmem:$0x15220] =	vst v63  }
0x5e: {  	_ =	swait.ge [sflag:s28], $0x1400  }
0x5f: {  	[sflag:s28] =	ssyncset.done $0x0  }
0x60: {  	s7 =	sadd.s32 $0x27B0, s6;
	[sflag:s28] =	ssyncadd.s32 $0xFFFFEC00  }
0x61: {  	[spmem:s2] =	stream.indirect.scatter.add.f32 [tilespmem:s19], [sflag:$0xA], $0x40, s7, s15, $0xb8;
	[tilespmem:$0x15220] =	vst v63  }
0x62: {  	_ =	swait.ge [sflag:s29], $0x1400  }
0x63: {  	[sflag:s29] =	ssyncset.done $0x0  }
0x64: {  	s7 =	sadd.s32 $0x2800, s6;
	[sflag:s29] =	ssyncadd.s32 $0xFFFFEC00  }
0x65: {  	[spmem:s2] =	stream.indirect.scatter.add.f32 [tilespmem:s21], [sflag:$0xB], $0x40, s7, s15, $0xb8;
	[tilespmem:$0x15220] =	vst v63  }
0x66: {  	_ =	swait.ge [sflag:s30], $0x1400  }
0x67: {  	[sflag:s30] =	ssyncset.done $0x0  }
0x68: {  	s7 =	sadd.s32 $0x2850, s6;
	[sflag:s30] =	ssyncadd.s32 $0xFFFFEC00  }
0x69: {  	[spmem:s2] =	stream.indirect.scatter.add.f32 [tilespmem:s23], [sflag:$0xC], $0x40, s7, s15, $0xb8;
	[tilespmem:$0x15220] =	vst v63  }
0x6a: {  	_ =	swait.ge [sflag:s31], $0x1400  }
0x6b: {  	[sflag:s31] =	ssyncset.done $0x0  }
0x6c: {  	s7 =	sadd.s32 $0x190, s6;
	[sflag:s31] =	ssyncadd.s32 $0xFFFFEC00  }
0x6d: {  	[tilespmem:s16], [sflag:$0x3] =	stream.indirect.gather [hbm4b:s4+s15], $0x40, s7, s15, $0xb8;
	[tilespmem:$0x15220] =	vst v63  }
0x6e: {  	_ =	swait.ge [sflag:s1], $0x1400  }
0x6f: {  	[sflag:s1] =	ssyncset.done $0x0  }
0x70: {  	s7 =	sadd.s32 $0x1E0, s6;
	[sflag:s1] =	ssyncadd.s32 $0xFFFFEC00  }
0x71: {  	[tilespmem:s17], [sflag:$0x4] =	stream.indirect.gather [hbm4b:s4+s15], $0x40, s7, s15, $0xb8;
	[tilespmem:$0x15220] =	vst v63  }
0x72: {  	_ =	swait.ge [sflag:s0], $0x1400  }
0x73: {  	[sflag:s0] =	ssyncset.done $0x0  }
0x74: {  	s7 =	sadd.s32 $0x230, s6;
	[sflag:s0] =	ssyncadd.s32 $0xFFFFEC00  }
0x75: {  	[tilespmem:s19], [sflag:$0x5] =	stream.indirect.gather [hbm4b:s4+s15], $0x40, s7, s15, $0xb8;
	[tilespmem:$0x15220] =	vst v63  }
0x76: {  	_ =	swait.ge [sflag:s12], $0x1400  }
0x77: {  	[sflag:s12] =	ssyncset.done $0x0  }
.Ltmp0:
0x78: {  	s7 =	sadd.s32 $0x280, s6;
	[sflag:s12] =	ssyncadd.s32 $0xFFFFEC00;
	(pc) =	sbr.rel @p0 .LBB2_2-.Ltmp0, $4  }
0x79: {  	[tilespmem:s21], [sflag:$0x6] =	stream.indirect.gather [hbm4b:s4+s15], $0x40, s7, s15, $0xb8;
	[tilespmem:$0x15220] =	vst v63  }
0x7a: {  	_ =	swait.ge [sflag:s18], $0x1400  }
0x7b: {  	[sflag:s18] =	ssyncset.done $0x0  }
0x7c: {  	s6 =	sadd.s32 $0x2D0, s6;
	[sflag:s18] =	ssyncadd.s32 $0xFFFFEC00  }
0x7d: {  	[tilespmem:s23], [sflag:$0x7] =	stream.indirect.gather [hbm4b:s4+s15], $0x40, s6, s15, $0xb8;
	[tilespmem:$0x15220] =	vst v63  }
0x7e: {  	_ =	swait.ge [sflag:s25], $0x1400  }
0x7f: {  	[sflag:s25] =	ssyncset.done $0x0  }
0x80: {  	s5 =	simm.s32 $0x4C90;
	[sflag:s25] =	ssyncadd.s32 $0xFFFFEC00  }
0x81: {  	[spmem:s2] =	stream.indirect.scatter.add.f32 [tilespmem:s16], [sflag:$0x8], $0x40, s5, s15, $0xb8;
	[tilespmem:$0x15220] =	vst v63  }
0x82: {  	_ =	swait.ge [sflag:s26], $0x1400  }
0x83: {  	[sflag:s26] =	ssyncset.done $0x0  }
0x84: {  	s7 =	simm.s32 $0x4CE0;
	[sflag:s26] =	ssyncadd.s32 $0xFFFFEC00  }
0x85: {  	[spmem:s2] =	stream.indirect.scatter.add.f32 [tilespmem:s17], [sflag:$0x9], $0x40, s7, s15, $0xb8;
	[tilespmem:$0x15220] =	vst v63  }
0x86: {  	_ =	swait.ge [sflag:s28], $0x1400  }
0x87: {  	[sflag:s28] =	ssyncset.done $0x0  }
0x88: {  	s6 =	simm.s32 $0x4D30;
	[sflag:s28] =	ssyncadd.s32 $0xFFFFEC00  }
0x89: {  	[spmem:s2] =	stream.indirect.scatter.add.f32 [tilespmem:s19], [sflag:$0xA], $0x40, s6, s15, $0xb8;
	[tilespmem:$0x15220] =	vst v63  }
0x8a: {  	_ =	swait.ge [sflag:s29], $0x1400  }
0x8b: {  	[sflag:s29] =	ssyncset.done $0x0  }
0x8c: {  	s7 =	simm.s32 $0x4D80;
	[sflag:s29] =	ssyncadd.s32 $0xFFFFEC00  }
0x8d: {  	[spmem:s2] =	stream.indirect.scatter.add.f32 [tilespmem:s21], [sflag:$0xB], $0x40, s7, s15, $0xb8;
	[tilespmem:$0x15220] =	vst v63  }
0x8e: {  	_ =	swait.ge [sflag:s30], $0x1400  }
0x8f: {  	[sflag:s30] =	ssyncset.done $0x0  }
0x90: {  	s6 =	simm.s32 $0x4DD0;
	[sflag:s30] =	ssyncadd.s32 $0xFFFFEC00  }
0x91: {  	[spmem:s2] =	stream.indirect.scatter.add.f32 [tilespmem:s23], [sflag:$0xC], $0x40, s6, s15, $0xb8;
	[tilespmem:$0x15220] =	vst v63  }
0x92: {  	_ =	swait.ge [sflag:s31], $0x1400  }
0x93: {  	[sflag:s31] =	ssyncset.done $0x0  }
0x94: {  	[sflag:s31] =	ssyncadd.s32 $0xFFFFEC00  }
0x95: {  	_ =	swait.ge [sflag:s1], $0x1400  }
0x96: {  	[sflag:s1] =	ssyncset.done $0x0  }
0x97: {  	[sflag:s1] =	ssyncadd.s32 $0xFFFFEC00  }
0x98: {  	_ =	swait.ge [sflag:s0], $0x1400  }
0x99: {  	[sflag:s0] =	ssyncset.done $0x0  }
0x9a: {  	[sflag:s0] =	ssyncadd.s32 $0xFFFFEC00  }
0x9b: {  	_ =	swait.ge [sflag:s12], $0x1400  }
0x9c: {  	[sflag:s12] =	ssyncset.done $0x0  }
0x9d: {  	[sflag:s12] =	ssyncadd.s32 $0xFFFFEC00  }
0x9e: {  	_ =	swait.ge [sflag:s18], $0x1400  }
0x9f: {  	s20 =	sadd.s32 $0x1, s20;
	[sflag:s18] =	ssyncset.done $0x0  }
0xa0: {  	p0 =	sne.s32 s20, s11;
	[sflag:s18] =	ssyncadd.s32 $0xFFFFEC00  }
.Ltmp1:
0xa1: {  	s7 =	sor.u32 $0x1C0D, s8;
	[bflag:$0x0] =	sbarrier.arrive $0xFFFF;
	(pc) =	sbr.rel @p0 .LBB2_1-.Ltmp1, $4  }
0xa2: {  	[hbm:s10], [sflag:s7] =	dma.local [spmem:s13], $0x1400  }
0xa3: {  	_ =	swait.ge [sflag:s22], $0x1400  }
0xa4: {  	[sflag:s22] =	ssyncset.done $0x0  }
0xa5: {  	[sflag:s22] =	ssyncadd.s32 $0xFFFFEC00  }
0xa6: {  	_ =	sfence.sel $0x180000  }
0xa7: {  	[bflag:$0x0] =	sbarrier.arrive $0xFFFF  }
0xa8: {  	_ =	strace $0x9000004D  }
0xa9: {  	s0 =	stileid.u32;
	[bflag:$0x2] =	sbarrier.arrive $0xFFFF  }
0xaa: {  	p0 =	sne.s32 s0, $0x0;
	s0 =	rddreg [dreg:$0x2]  }
0xab: {  	s0 =	sadd.s32 @!p0 $0x100000, s0  }
0xac: {  	[sflag:s0] =	ssyncadd.tile.s32 @!p0 $0x1;
	_ =	shalt  }
.Lfunc_end2:
_tile_overlayer_lowered:
.L_overlay_start_2:
0xad: {  	(tag) =	ssettag $0x2  }
0xae: {  	s0 =	rddreg [dreg:$0x0];
	s2 =	stileid.u32  }
0xaf: {  	s1 =	rddreg [dreg:$0x1];
	p0 =	sne.s32 s2, $0x0  }
0xb0: {  	s3 =	rddreg [dreg:$0x2];
	[bflag:$0x3] =	sbarrier.arrive $0xFFFF;
	s2 =	simm.s32 @!p0 $0x1C0D  }
0xb1: {  	[timem:s3], [sflag:s2] =	dma.local @!p0 [hbm:s0], s1  }
0xb2: {  	s0 =	simm.s32 @!p0 $0xD  }
0xb3: {  	_ =	swait.ge @!p0 [sflag:s0], s1  }
0xb4: {  	s1 =	ssub.s32 @!p0 $0x0, s1;
	[sflag:s0] =	ssyncset.done @!p0 $0x0  }
0xb5: {  	[sflag:s0] =	ssyncadd.s32 @!p0 s1  }
0xb6: {  	[bflag:$0x3] =	sbarrier.arrive $0xFFFF  }
0xb7: {  	_ =	shalt  }

// kernel: kernel.21.cloned.1.call-start
scs
__scs_entry_jumppad:
0x0: {  	(pc) =	sbr.rel $0x88, $3  }
0x1: {  	(tag) =	ssettag $0x0;
	lr =	simm.s32 $0x1  }
0x2: {  	[smem:$0x3F96] =	sst lr;
	_ =	strace $0xD0000000  }
0x3: {  	_ = 	snop  }
0x4: {  	_ = 	snop  }
0x5: {  	_ = 	snop  }
0x6: {  	_ = 	snop  }
0x7: {  	_ = 	snop  }
__scs_overlays_trampoline_lowered:
0x8: {  	[smem:$0x3FA5] =	sst s0  }
0x9: {  	[smem:$0x3FA6] =	sst s1  }
0xa: {  	[smem:$0x3FA7] =	sst s2  }
0xb: {  	[smem:$0x3FA8] =	sst s3  }
0xc: {  	[smem:$0x3FA9] =	sst s4  }
0xd: {  	[smem:$0x3FAA] =	sst s5  }
0xe: {  	[smem:$0x3FAB] =	sst s6  }
0xf: {  	[smem:$0x3FAC] =	sst s7  }
0x10: {  	[smem:$0x3FAD] =	sst s8  }
0x11: {  	[smem:$0x3FAE] =	sst s9;
	s0 =	simm.s32 @!p0 $0x0  }
0x12: {  	s1 =	sld [smem:$0x3F94];
	s0 =	simm.s32 @p0 $0x1  }
0x13: {  	[smem:$0x3FAF] =	sst s0;
	s0 =	simm.s32 @!p1 $0x0  }
0x14: {  	s2 =	sld [smem:$0x3F93];
	s0 =	simm.s32 @p1 $0x1  }
0x15: {  	[smem:$0x3FB0] =	sst s0;
	s0 =	simm.s32 @!p2 $0x0  }
0x16: {  	s3 =	sld [smem:$0x3FDB];
	s0 =	simm.s32 @p2 $0x1  }
0x17: {  	s4 =	simm.s32 $0x1BF5;
	[smem:$0x3FB2] =	sst s0  }
0x18: {  	s0 =	sld [smem:$0x3F95];
	_ =	swait.ge [sflag:s4], $0x0  }
0x19: {  	s7 =	sld [smem:$0x3F96]  }
0x1a: {  	s8 =	sadd.s32 $0xFFFFE003, lr  }
0x1b: {  	s9 =	sadd.s32 $0xFFFFFEF7, lr;
	s5 =	simm.s32 $0xFFFFFFFF;
	p2 =	slt.u32 s8, $0xFFFFF086  }
0x1c: {  	p1 =	slt.u32 s9, $0xF7A;
	s5 =	simm.s32 @!p2 $0x0  }
0x1d: {  	s5 =	simm.s32 @p1 $0x1;
	p0 =	seq.s32 s7, s2  }
0x1e: {  	s7 =	smul.u32 @!p0 $0xF7A, s2;
	p2 =	seq.s32 @!p0 s5, $0x0  }
0x1f: {  	s9 =	smul.u32 $0xF7A, s1;
	s8 =	simm.s32 @!p0 $0x1BF5;
	p2 =	por !p2, p0  }
0x20: {  	[sflag:s8] =	ssyncset.s32 @!p0 $0xFFFFF086;
	s6 =	sadd.s32 @!p0 s3, s7;
	s7 =	simm.s32 @!p0 $0x108  }
0x21: {  	s3 =	sadd.s32 s3, s9;
	s6 =	sadd.s32 @!p0 $0x88, s6;
	s7 =	simm.s32 @p2 $0x1082  }
0x22: {  	[simem:s7], [sflag:s8] =	dma.local @!p0 [hbm:s6], $0xF7A  }
0x23: {  	s9 =	sor.u32 $0xD0000000, s2;
	s6 =	simm.s32 $0x108;
	_ =	swait.ge @!p0 [sflag:s8], $0x0  }
0x24: {  	s3 =	sadd.s32 $0x88, s3;
	s6 =	simm.s32 @!p1 $0x1082;
	[sflag:s4] =	ssyncset.s32 $0xFFFFF086  }
0x25: {  	[simem:s6], [sflag:s4] =	dma.local [hbm:s3], $0xF7A  }
0x26: {  	[smem:$0x3F96] =	sst s1;
	(tag) =	ssettag s2;
	_ =	strace s9  }
0x27: {  	s1 =	sld [smem:$0x3FA6]  }
0x28: {  	s2 =	sld [smem:$0x3FA7]  }
0x29: {  	s4 =	sld [smem:$0x3FA9]  }
0x2a: {  	p0 =	seq.s32 s5, $0x0;
	s5 =	sld [smem:$0x3FAA]  }
0x2b: {  	s6 =	sld [smem:$0x3FAB]  }
0x2c: {  	s7 =	sld [smem:$0x3FAC]  }
0x2d: {  	s3 =	simm.s32 $0x108;
	s8 =	sld [smem:$0x3FAD]  }
0x2e: {  	s3 =	simm.s32 @!p0 $0x1082;
	s9 =	sld [smem:$0x3FAE]  }
0x2f: {  	lr =	sadd.s32 s0, s3;
	s0 =	sld [smem:$0x3FA5]  }
0x30: {  	s3 =	sld [smem:$0x3FA8]  }
0x31: {  	[smem:$0x3FB1] =	sst s10  }
0x32: {  	s10 =	sld [smem:$0x3FAF];
	_ =	sdelay $0x3  }
0x33: {  	p0 =	seq.s32 s10, $0x1;
	s10 =	sld [smem:$0x3FB1];
	_ =	sdelay $0x3  }
0x34: {  	[smem:$0x3FB1] =	sst s10  }
0x35: {  	s10 =	sld [smem:$0x3FB0];
	_ =	sdelay $0x3  }
0x36: {  	p1 =	seq.s32 s10, $0x1;
	s10 =	sld [smem:$0x3FB1];
	_ =	sdelay $0x3  }
0x37: {  	[smem:$0x3FB1] =	sst s10  }
0x38: {  	s10 =	sld [smem:$0x3FB2]  }
0x39: {  	_ = 	snop;
	(pc) =	sbr.ind lr, $3  }
0x3a: {  	_ = 	snop  }
0x3b: {  	_ = 	snop  }
0x3c: {  	p2 =	seq.s32 s10, $0x1;
	s10 =	sld [smem:$0x3FB1]  }
0x3d: {  	_ =	shalt  }
0x3e: {  	_ =	shalt  }
0x3f: {  	_ =	shalt  }
0x40: {  	_ =	shalt  }
0x41: {  	_ =	shalt  }
0x42: {  	_ =	shalt  }
0x43: {  	_ =	shalt  }
0x44: {  	_ =	shalt  }
0x45: {  	_ =	shalt  }
0x46: {  	_ =	shalt  }
0x47: {  	_ =	shalt  }
0x48: {  	_ =	shalt  }
0x49: {  	_ =	shalt  }
0x4a: {  	_ =	shalt  }
0x4b: {  	_ =	shalt  }
0x4c: {  	_ =	shalt  }
0x4d: {  	_ =	shalt  }
0x4e: {  	_ =	shalt  }
0x4f: {  	_ =	shalt  }
0x50: {  	_ =	shalt  }
0x51: {  	_ =	shalt  }
0x52: {  	_ =	shalt  }
0x53: {  	_ =	shalt  }
0x54: {  	_ =	shalt  }
0x55: {  	_ =	shalt  }
0x56: {  	_ =	shalt  }
0x57: {  	_ =	shalt  }
0x58: {  	_ =	shalt  }
0x59: {  	_ =	shalt  }
0x5a: {  	_ =	shalt  }
0x5b: {  	_ =	shalt  }
0x5c: {  	_ =	shalt  }
0x5d: {  	_ =	shalt  }
0x5e: {  	_ =	shalt  }
0x5f: {  	_ =	shalt  }
0x60: {  	_ =	shalt  }
0x61: {  	_ =	shalt  }
0x62: {  	_ =	shalt  }
0x63: {  	_ =	shalt  }
0x64: {  	_ =	shalt  }
0x65: {  	_ =	shalt  }
0x66: {  	_ =	shalt  }
0x67: {  	_ =	shalt  }
0x68: {  	_ =	shalt  }
0x69: {  	_ =	shalt  }
0x6a: {  	_ =	shalt  }
0x6b: {  	_ =	shalt  }
0x6c: {  	_ =	shalt  }
0x6d: {  	_ =	shalt  }
0x6e: {  	_ =	shalt  }
0x6f: {  	_ =	shalt  }
0x70: {  	_ =	shalt  }
0x71: {  	_ =	shalt  }
0x72: {  	_ =	shalt  }
0x73: {  	_ =	shalt  }
0x74: {  	_ =	shalt  }
0x75: {  	_ =	shalt  }
0x76: {  	_ =	shalt  }
0x77: {  	_ =	shalt  }
0x78: {  	_ =	shalt  }
0x79: {  	_ =	shalt  }
0x7a: {  	_ =	shalt  }
0x7b: {  	_ =	shalt  }
0x7c: {  	_ =	shalt  }
0x7d: {  	_ =	shalt  }
0x7e: {  	_ =	shalt  }
0x7f: {  	_ =	shalt  }
0x80: {  	_ =	shalt  }
0x81: {  	_ =	shalt  }
0x82: {  	_ =	shalt  }
0x83: {  	_ =	shalt  }
0x84: {  	_ =	shalt  }
0x85: {  	_ =	shalt  }
0x86: {  	_ =	shalt  }
0x87: {  	_ =	shalt  }
.Lfunc_end0:
.L_simem_size_0:
called_computation.3_lowered:
.L_overlay_start_0:
0x88: {  	s2 =	sld [smem:$0x3FD9]  }
0x89: {  	s3 =	sld [smem:$0x3FFE];
	_ =	sdelay $0x1  }
0x8a: {  	s1 =	srdreg.scid  }
0x8b: {  	s0 =	sand.u32 $0x1, s1  }
0x8c: {  	s16 =	sshll.u32 s0, $0xA;
	s2 =	sadd.s32 s3, s2  }
0x8d: {  	s2 =	sadd.s32 s2, s16  }
0x8e: {  	[smem:$0x3FBD] =	sst s2  }
0x8f: {  	_ = 	snop  }
0x90: {  	(tm) =	ssettm $0x1  }
0x91: {  	s17 =	sld [smem:$0x3FFB];
	_ =	sdelay $0x3  }
0x92: {  	_ =	strace s17  }
0x93: {  	s2 =	sld [smem:$0x3FFC];
	_ =	sdelay $0x3  }
0x94: {  	_ =	strace s2  }
0x95: {  	s2 =	sld [smem:$0x3FFD];
	_ =	sdelay $0x3  }
0x96: {  	_ =	strace s2  }
0x97: {  	_ =	strace $0x8FFFFFFF  }
0x98: {  	s18 =	sld [smem:$0x3FDB];
	_ =	sdelay $0x1  }
0x99: {  	s19 =	simm.s32 $_scs_section_size  }
0x9a: {  	s4 =	simm.s32 $_size__tile_overlayer_lowered;
	s5 =	simm.s32 $_tile_overlayer_lowered  }
0x9b: {  	s22 =	simm.s32 $0x1BFF;
	s21 =	sshll.u32 s5, $0x1;
	s2 =	sadd.s32 s19, s18  }
0x9c: {  	s6 =	simm.s32 $0x0;
	s20 =	sshll.u32 s4, $0x1;
	s4 =	sadd.s32 s21, s2  }
0x9d: {  	[timem:s6], [sflag:s22] =	dma.local [hbm:s4], s20  }
0x9e: {  	_ =	swait.ge [sflag:s22], s20  }
0x9f: {  	s3 =	ssub.s32 $0x0, s20;
	[sflag:s22] =	ssyncset.done $0x0  }
0xa0: {  	[sflag:s22] =	ssyncadd.s32 s3;
	_ =	sdelay $0x1  }
0xa1: {  	s23 =	simm.s32 $0x1B8B  }
0xa2: {  	_ =	swait.ge [sflag:s23], $0x1  }
0xa3: {  	[sflag:s23] =	ssyncset.done $0x0  }
0xa4: {  	s25 =	simm.s32 $0x1B8E;
	s24 =	sld [smem:$0x3FFE];
	[sflag:s23] =	ssyncadd.s32 $0xFFFFFFFF  }
0xa5: {  	s26 =	simm.s32 $execute0_lowered;
	[smem:$0x3FD2] =	sst s25  }
0xa6: {  	s4 =	sshll.u32 s26, $0x1;
	_ =	strace $0x8000004F;
	[dreg:$0x1] =	wrdreg $0xFFFFFFFF  }
0xa7: {  	s28 =	simm.s32 $_size_execute0_lowered;
	s2 =	sadd.s32 s2, s4;
	[dreg:$0x0] =	wrdreg $0x0  }
0xa8: {  	s4 =	sshll.u32 s28, $0x1;
	[dreg:$0x2] =	wrdreg s2  }
0xa9: {  	[dreg:$0x3] =	wrdreg s4  }
0xaa: {  	[dreg:$0x4] =	wrdreg $0xC0  }
0xab: {  	_ =	task [dreg:s6], $0x5FFFF  }
0xac: {  	[dreg:$0x1] =	wrdreg $0xFFFFFFFF  }
0xad: {  	[dreg:$0x0] =	wrdreg $0x60  }
0xae: {  	[dreg:$0x2] =	wrdreg s24  }
0xaf: {  	[dreg:$0x3] =	wrdreg $0xB2200  }
0xb0: {  	[dreg:$0x4] =	wrdreg $0x9  }
0xb1: {  	_ =	task.clear_ibuf [dreg:s6], $0x5FFFF;
	_ =	strace $0x9000004F  }
0xb2: {  	s29 =	simm.s32 $0x9;
	_ =	strace $0x80000051  }
0xb3: {  	_ =	swait.ge [sflag:s29], $0x1  }
0xb4: {  	[sflag:s29] =	ssyncadd.s32 $0xFFFFFFFF  }
0xb5: {  	_ =	strace $0x90000051  }
0xb6: {  	_ =	sfence  }
0xb7: {  	s30 =	sld [smem:$0x0];
	_ =	sdelay $0x2  }
0xb8: {  	s31 =	sshll.u32 s1, $0xD;
	s1 =	sshrl.u32 s1, $0x2  }
0xb9: {  	s3 =	sand.u32 $0x4000, s31;
	s1 =	sadd.s32 s1, s30  }
0xba: {  	s0 =	sor.u32 s3, s0;
	s1 =	sshll.u32 s1, $0x11  }
0xbb: {  	s0 =	sor.u32 s1, s0  }
0xbc: {  	s0 =	sadd.s32 $0x8F2B, s0  }
0xbd: {  	[sflag:s0] =	ssyncadd.remote.s32 $0x1  }
0xbe: {  	_ =	sfence.sel $0xFFFF  }
0xbf: {  	[dreg:$0x0] =	wrdreg $0xFFFFFFFF;
	(pc) =	sbr.abs _section_cstart, $3  }
0xc0: {  	[dreg:$0x1] =	wrdreg $0xFFFFFFFF  }
0xc1: {  	_ =	task.clear_ibuf [dreg:s6], $0x2FFFF;
	_ =	strace $0x9FFFFFFF  }
0xc2: {  	(tm) =	ssettm $0x7FFFFFFF  }
0xc3: {  	_ =	shalt  }
tec
execute0_lowered:
.L_overlay_start_1:
0x0: {  	(tag) =	ssettag $0x1  }
0x1: {  	s0 =	srdreg.scid;
	s5 =	rddreg [dreg:$0x0]  }
0x2: {  	s8 =	stileid.u32;
	s2 =	rddreg [dreg:$0x1];
	s3 =	simm.s32 $0x0  }
0x3: {  	s14 =	simm.s32 $0x1;
	s15 =	simm.s32 $0x50;
	s16 =	simm.s32 $0x4E20  }
0x4: {  	s17 =	simm.s32 $0x6220;
	s19 =	simm.s32 $0x7620;
	s21 =	simm.s32 $0x8A20  }
0x5: {  	s28 =	simm.s32 $0x5;
	s29 =	simm.s32 $0x6;
	s30 =	simm.s32 $0x7  }
0x6: {  	s31 =	simm.s32 $0x8;
	s12 =	simm.s32 $0xB;
	s18 =	simm.s32 $0xC  }
0x7: {  	s20 =	simm.s32 $0x0;
	s0 =	sand.u32 $0x1, s0;
	s1 =	sshll.u32 s8, $0x1  }
0x8: {  	[smem:$0x7FF] =	sst s3;
	s7 =	smul.u32 $0xA000, s8;
	s4 =	sadd.s32 $0x16E00, s5  }
0x9: {  	s22 =	smul.u32 $0x28000, s8;
	s9 =	sadd.s32 $0x2A800, s5;
	s8 =	sshll.u32 s8, $0x6  }
0xa: {  	s1 =	sor.u32 s0, s1;
	s6 =	smul.u32 $0xA0000, s0;
	_ =	strace $0x80000050  }
0xb: {  	s0 =	ssub.s32 $0x2, s0;
	[dreg:$0x3] =	wrdreg s9;
	s9 =	sor.u32 $0x1C02, s8  }
0xc: {  	s1 =	smul.u32 $0x2710, s1;
	s23 =	sshrl.u32 s0, $0x1;
	s25 =	sshrl.u32 s22, $0x2  }
0xd: {  	s22 =	simm.s32 $0xD;
	s6 =	sadd.s32 s7, s6;
	s0 =	ssub.s32 s0, s23  }
0xe: {  	s26 =	sadd.s32 s25, s2;
	s23 =	simm.s32 $0x9E20;
	s25 =	simm.s32 $0x3  }
0xf: {  	s1 =	sshrl.u32 s1, $0x3;
	s6 =	sshrl.u32 s6, $0x3;
	s11 =	smax.u32 s0, $0x1  }
0x10: {  	s13 =	sshrl.u32 s26, $0x3;
	s26 =	simm.s32 $0x4;
	s1 =	sadd.s32 s1, s5  }
0x11: {  	s0 =	simm.s32 $0xA;
	s5 =	sadd.s32 s6, s5;
	s24 =	sadd.s32 $0x3200, s1  }
0x12: {  	s1 =	sadd.s32 $0xCE40, s1;
	s10 =	sadd.s32 $0x2BC00, s5;
	[dreg:$0x4] =	wrdreg s24  }
0x13: {  	[dreg:$0x5] =	wrdreg s1;
	s24 =	simm.s32 $0x2;
	s1 =	simm.s32 $0x9  }
.LBB2_1:
0x14: {  	s5 =	rddreg [dreg:$0x4]  }
0x15: {  	[tilespmem:s3], [sflag:$0x1] =	stream.linear.gather [hbm4b:s5+s3], $0x2710, $0x38;
	[tilespmem:$0x15220] =	vst v63  }
0x16: {  	s7 =	rddreg [dreg:$0x5];
	s6 =	simm.s32 $0x2710  }
0x17: {  	[tilespmem:s6], [sflag:$0x1] =	stream.linear.gather [hbm4b:s7+s3], $0x2710, $0x38;
	[tilespmem:$0x15220] =	vst v63  }
0x18: {  	s7 =	rddreg [dreg:$0x3]  }
0x19: {  	[spmem:s13], [sflag:s9] =	dma.local [hbm:s7], $0x1400  }
0x1a: {  	_ =	swait.ge [sflag:s14], $0x2710  }
0x1b: {  	[sflag:s14] =	ssyncset.done $0x0  }
0x1c: {  	[sflag:s14] =	ssyncadd.s32 $0xFFFFD8F0  }
0x1d: {  	_ =	swait.ge [sflag:s14], $0x2710  }
0x1e: {  	[sflag:s14] =	ssyncset.done $0x0  }
0x1f: {  	[sflag:s14] =	ssyncadd.s32 $0xFFFFD8F0  }
0x20: {  	[tilespmem:s16], [sflag:$0x3] =	stream.indirect.gather [hbm4b:s4+s15], $0x40, s3, s15, $0xb8;
	[tilespmem:$0x15220] =	vst v63  }
0x21: {  	_ = 	snop  }
0x22: {  	[tilespmem:s17], [sflag:$0x4] =	stream.indirect.gather [hbm4b:s4+s15], $0x40, s15, s15, $0xb8;
	[tilespmem:$0x15220] =	vst v63  }
0x23: {  	s6 =	simm.s32 $0xA0  }
0x24: {  	[tilespmem:s19], [sflag:$0x5] =	stream.indirect.gather [hbm4b:s4+s15], $0x40, s6, s15, $0xb8;
	[tilespmem:$0x15220] =	vst v63  }
0x25: {  	s7 =	simm.s32 $0xF0  }
0x26: {  	[tilespmem:s21], [sflag:$0x6] =	stream.indirect.gather [hbm4b:s4+s15], $0x40, s7, s15, $0xb8;
	[tilespmem:$0x15220] =	vst v63  }
0x27: {  	s6 =	simm.s32 $0x140  }
0x28: {  	[tilespmem:s23], [sflag:$0x7] =	stream.indirect.gather [hbm4b:s4+s15], $0x40, s6, s15, $0xb8;
	[tilespmem:$0x15220] =	vst v63  }
0x29: {  	_ =	swait.ge [sflag:s24], $0x1400  }
0x2a: {  	[sflag:s24] =	ssyncset.done $0x0  }
0x2b: {  	[sflag:s24] =	ssyncadd.s32 $0xFFFFEC00  }
0x2c: {  	[bflag:$0x0] =	sbarrier.arrive $0xFFFF  }
0x2d: {  	_ =	swait.ge [sflag:s25], $0x1400  }
0x2e: {  	[sflag:s25] =	ssyncset.done $0x0  }
0x2f: {  	s7 =	simm.s32 $0x2710;
	[sflag:s25] =	ssyncadd.s32 $0xFFFFEC00  }
0x30: {  	[spmem:s2] =	stream.indirect.scatter.add.f32 [tilespmem:s16], [sflag:$0x8], $0x40, s7, s15, $0xb8;
	[tilespmem:$0x15220] =	vst v63  }
0x31: {  	_ =	swait.ge [sflag:s26], $0x1400  }
0x32: {  	[sflag:s26] =	ssyncset.done $0x0  }
0x33: {  	s6 =	simm.s32 $0x2760;
	[sflag:s26] =	ssyncadd.s32 $0xFFFFEC00  }
0x34: {  	[spmem:s2] =	stream.indirect.scatter.add.f32 [tilespmem:s17], [sflag:$0x9], $0x40, s6, s15, $0xb8;
	[tilespmem:$0x15220] =	vst v63  }
0x35: {  	_ =	swait.ge [sflag:s28], $0x1400  }
0x36: {  	[sflag:s28] =	ssyncset.done $0x0  }
0x37: {  	s7 =	simm.s32 $0x27B0;
	[sflag:s28] =	ssyncadd.s32 $0xFFFFEC00  }
0x38: {  	[spmem:s2] =	stream.indirect.scatter.add.f32 [tilespmem:s19], [sflag:$0xA], $0x40, s7, s15, $0xb8;
	[tilespmem:$0x15220] =	vst v63  }
0x39: {  	_ =	swait.ge [sflag:s29], $0x1400  }
0x3a: {  	[sflag:s29] =	ssyncset.done $0x0  }
0x3b: {  	s6 =	simm.s32 $0x2800;
	[sflag:s29] =	ssyncadd.s32 $0xFFFFEC00  }
0x3c: {  	[spmem:s2] =	stream.indirect.scatter.add.f32 [tilespmem:s21], [sflag:$0xB], $0x40, s6, s15, $0xb8;
	[tilespmem:$0x15220] =	vst v63  }
0x3d: {  	_ =	swait.ge [sflag:s30], $0x1400  }
0x3e: {  	[sflag:s30] =	ssyncset.done $0x0  }
0x3f: {  	s7 =	simm.s32 $0x2850;
	[sflag:s30] =	ssyncadd.s32 $0xFFFFEC00  }
0x40: {  	[spmem:s2] =	stream.indirect.scatter.add.f32 [tilespmem:s23], [sflag:$0xC], $0x40, s7, s15, $0xb8;
	[tilespmem:$0x15220] =	vst v63  }
0x41: {  	_ =	swait.ge [sflag:s31], $0x1400  }
0x42: {  	[sflag:s31] =	ssyncset.done $0x0  }
0x43: {  	s6 =	simm.s32 $0x190;
	[sflag:s31] =	ssyncadd.s32 $0xFFFFEC00  }
0x44: {  	[tilespmem:s16], [sflag:$0x3] =	stream.indirect.gather [hbm4b:s4+s15], $0x40, s6, s15, $0xb8;
	[tilespmem:$0x15220] =	vst v63  }
0x45: {  	_ =	swait.ge [sflag:s1], $0x1400  }
0x46: {  	[sflag:s1] =	ssyncset.done $0x0  }
0x47: {  	s7 =	simm.s32 $0x1E0;
	[sflag:s1] =	ssyncadd.s32 $0xFFFFEC00  }
0x48: {  	[tilespmem:s17], [sflag:$0x4] =	stream.indirect.gather [hbm4b:s4+s15], $0x40, s7, s15, $0xb8;
	[tilespmem:$0x15220] =	vst v63  }
0x49: {  	_ =	swait.ge [sflag:s0], $0x1400  }
0x4a: {  	[sflag:s0] =	ssyncset.done $0x0  }
0x4b: {  	s6 =	simm.s32 $0x230;
	[sflag:s0] =	ssyncadd.s32 $0xFFFFEC00  }
0x4c: {  	[tilespmem:s19], [sflag:$0x5] =	stream.indirect.gather [hbm4b:s4+s15], $0x40, s6, s15, $0xb8;
	[tilespmem:$0x15220] =	vst v63  }
0x4d: {  	_ =	swait.ge [sflag:s12], $0x1400  }
0x4e: {  	[sflag:s12] =	ssyncset.done $0x0  }
0x4f: {  	s7 =	simm.s32 $0x280;
	[sflag:s12] =	ssyncadd.s32 $0xFFFFEC00  }
0x50: {  	[tilespmem:s21], [sflag:$0x6] =	stream.indirect.gather [hbm4b:s4+s15], $0x40, s7, s15, $0xb8;
	[tilespmem:$0x15220] =	vst v63  }
0x51: {  	_ =	swait.ge [sflag:s18], $0x1400  }
0x52: {  	[sflag:s18] =	ssyncset.done $0x0  }
0x53: {  	s5 =	simm.s32 $0x640;
	s6 =	simm.s32 $0x2D0;
	[sflag:s18] =	ssyncadd.s32 $0xFFFFEC00  }
.LBB2_2:
0x54: {  	[tilespmem:s23], [sflag:$0x7] =	stream.indirect.gather [hbm4b:s4+s15], $0x40, s6, s15, $0xb8;
	[tilespmem:$0x15220] =	vst v63  }
0x55: {  	s6 =	smov.u32 s5  }
0x56: {  	p0 =	sne.s32 s5, $0x8FC0;
	s5 =	sadd.s32 $0x640, s5;
	_ =	swait.ge [sflag:s25], $0x1400  }
0x57: {  	s6 =	sshra.s32 s6, $0x2;
	[sflag:s25] =	ssyncset.done $0x0  }
0x58: {  	s7 =	sadd.s32 $0x2710, s6;
	[sflag:s25] =	ssyncadd.s32 $0xFFFFEC00  }
0x59: {  	[spmem:s2] =	stream.indirect.scatter.add.f32 [tilespmem:s16], [sflag:$0x8], $0x40, s7, s15, $0xb8;
	[tilespmem:$0x15220] =	vst v63  }
0x5a: {  	_ =	swait.ge [sflag:s26], $0x1400  }
0x5b: {  	[sflag:s26] =	ssyncset.done $0x0  }
0x5c: {  	s7 =	sadd.s32 $0x2760, s6;
	[sflag:s26] =	ssyncadd.s32 $0xFFFFEC00  }
0x5d: {  	[spmem:s2] =	stream.indirect.scatter.add.f32 [tilespmem:s17], [sflag:$0x9], $0x40, s7, s15, $0xb8;
	[tilespmem:$0x15220] =	vst v63  }
0x5e: {  	_ =	swait.ge [sflag:s28], $0x1400  }
0x5f: {  	[sflag:s28] =	ssyncset.done $0x0  }
0x60: {  	s7 =	sadd.s32 $0x27B0, s6;
	[sflag:s28] =	ssyncadd.s32 $0xFFFFEC00  }
0x61: {  	[spmem:s2] =	stream.indirect.scatter.add.f32 [tilespmem:s19], [sflag:$0xA], $0x40, s7, s15, $0xb8;
	[tilespmem:$0x15220] =	vst v63  }
0x62: {  	_ =	swait.ge [sflag:s29], $0x1400  }
0x63: {  	[sflag:s29] =	ssyncset.done $0x0  }
0x64: {  	s7 =	sadd.s32 $0x2800, s6;
	[sflag:s29] =	ssyncadd.s32 $0xFFFFEC00  }
0x65: {  	[spmem:s2] =	stream.indirect.scatter.add.f32 [tilespmem:s21], [sflag:$0xB], $0x40, s7, s15, $0xb8;
	[tilespmem:$0x15220] =	vst v63  }
0x66: {  	_ =	swait.ge [sflag:s30], $0x1400  }
0x67: {  	[sflag:s30] =	ssyncset.done $0x0  }
0x68: {  	s7 =	sadd.s32 $0x2850, s6;
	[sflag:s30] =	ssyncadd.s32 $0xFFFFEC00  }
0x69: {  	[spmem:s2] =	stream.indirect.scatter.add.f32 [tilespmem:s23], [sflag:$0xC], $0x40, s7, s15, $0xb8;
	[tilespmem:$0x15220] =	vst v63  }
0x6a: {  	_ =	swait.ge [sflag:s31], $0x1400  }
0x6b: {  	[sflag:s31] =	ssyncset.done $0x0  }
0x6c: {  	s7 =	sadd.s32 $0x190, s6;
	[sflag:s31] =	ssyncadd.s32 $0xFFFFEC00  }
0x6d: {  	[tilespmem:s16], [sflag:$0x3] =	stream.indirect.gather [hbm4b:s4+s15], $0x40, s7, s15, $0xb8;
	[tilespmem:$0x15220] =	vst v63  }
0x6e: {  	_ =	swait.ge [sflag:s1], $0x1400  }
0x6f: {  	[sflag:s1] =	ssyncset.done $0x0  }
0x70: {  	s7 =	sadd.s32 $0x1E0, s6;
	[sflag:s1] =	ssyncadd.s32 $0xFFFFEC00  }
0x71: {  	[tilespmem:s17], [sflag:$0x4] =	stream.indirect.gather [hbm4b:s4+s15], $0x40, s7, s15, $0xb8;
	[tilespmem:$0x15220] =	vst v63  }
0x72: {  	_ =	swait.ge [sflag:s0], $0x1400  }
0x73: {  	[sflag:s0] =	ssyncset.done $0x0  }
0x74: {  	s7 =	sadd.s32 $0x230, s6;
	[sflag:s0] =	ssyncadd.s32 $0xFFFFEC00  }
0x75: {  	[tilespmem:s19], [sflag:$0x5] =	stream.indirect.gather [hbm4b:s4+s15], $0x40, s7, s15, $0xb8;
	[tilespmem:$0x15220] =	vst v63  }
0x76: {  	_ =	swait.ge [sflag:s12], $0x1400  }
0x77: {  	[sflag:s12] =	ssyncset.done $0x0  }
.Ltmp0:
0x78: {  	s7 =	sadd.s32 $0x280, s6;
	[sflag:s12] =	ssyncadd.s32 $0xFFFFEC00;
	(pc) =	sbr.rel @p0 .LBB2_2-.Ltmp0, $4  }
0x79: {  	[tilespmem:s21], [sflag:$0x6] =	stream.indirect.gather [hbm4b:s4+s15], $0x40, s7, s15, $0xb8;
	[tilespmem:$0x15220] =	vst v63  }
0x7a: {  	_ =	swait.ge [sflag:s18], $0x1400  }
0x7b: {  	[sflag:s18] =	ssyncset.done $0x0  }
0x7c: {  	s6 =	sadd.s32 $0x2D0, s6;
	[sflag:s18] =	ssyncadd.s32 $0xFFFFEC00  }
0x7d: {  	[tilespmem:s23], [sflag:$0x7] =	stream.indirect.gather [hbm4b:s4+s15], $0x40, s6, s15, $0xb8;
	[tilespmem:$0x15220] =	vst v63  }
0x7e: {  	_ =	swait.ge [sflag:s25], $0x1400  }
0x7f: {  	[sflag:s25] =	ssyncset.done $0x0  }
0x80: {  	s5 =	simm.s32 $0x4C90;
	[sflag:s25] =	ssyncadd.s32 $0xFFFFEC00  }
0x81: {  	[spmem:s2] =	stream.indirect.scatter.add.f32 [tilespmem:s16], [sflag:$0x8], $0x40, s5, s15, $0xb8;
	[tilespmem:$0x15220] =	vst v63  }
0x82: {  	_ =	swait.ge [sflag:s26], $0x1400  }
0x83: {  	[sflag:s26] =	ssyncset.done $0x0  }
0x84: {  	s7 =	simm.s32 $0x4CE0;
	[sflag:s26] =	ssyncadd.s32 $0xFFFFEC00  }
0x85: {  	[spmem:s2] =	stream.indirect.scatter.add.f32 [tilespmem:s17], [sflag:$0x9], $0x40, s7, s15, $0xb8;
	[tilespmem:$0x15220] =	vst v63  }
0x86: {  	_ =	swait.ge [sflag:s28], $0x1400  }
0x87: {  	[sflag:s28] =	ssyncset.done $0x0  }
0x88: {  	s6 =	simm.s32 $0x4D30;
	[sflag:s28] =	ssyncadd.s32 $0xFFFFEC00  }
0x89: {  	[spmem:s2] =	stream.indirect.scatter.add.f32 [tilespmem:s19], [sflag:$0xA], $0x40, s6, s15, $0xb8;
	[tilespmem:$0x15220] =	vst v63  }
0x8a: {  	_ =	swait.ge [sflag:s29], $0x1400  }
0x8b: {  	[sflag:s29] =	ssyncset.done $0x0  }
0x8c: {  	s7 =	simm.s32 $0x4D80;
	[sflag:s29] =	ssyncadd.s32 $0xFFFFEC00  }
0x8d: {  	[spmem:s2] =	stream.indirect.scatter.add.f32 [tilespmem:s21], [sflag:$0xB], $0x40, s7, s15, $0xb8;
	[tilespmem:$0x15220] =	vst v63  }
0x8e: {  	_ =	swait.ge [sflag:s30], $0x1400  }
0x8f: {  	[sflag:s30] =	ssyncset.done $0x0  }
0x90: {  	s6 =	simm.s32 $0x4DD0;
	[sflag:s30] =	ssyncadd.s32 $0xFFFFEC00  }
0x91: {  	[spmem:s2] =	stream.indirect.scatter.add.f32 [tilespmem:s23], [sflag:$0xC], $0x40, s6, s15, $0xb8;
	[tilespmem:$0x15220] =	vst v63  }
0x92: {  	_ =	swait.ge [sflag:s31], $0x1400  }
0x93: {  	[sflag:s31] =	ssyncset.done $0x0  }
0x94: {  	[sflag:s31] =	ssyncadd.s32 $0xFFFFEC00  }
0x95: {  	_ =	swait.ge [sflag:s1], $0x1400  }
0x96: {  	[sflag:s1] =	ssyncset.done $0x0  }
0x97: {  	[sflag:s1] =	ssyncadd.s32 $0xFFFFEC00  }
0x98: {  	_ =	swait.ge [sflag:s0], $0x1400  }
0x99: {  	[sflag:s0] =	ssyncset.done $0x0  }
0x9a: {  	[sflag:s0] =	ssyncadd.s32 $0xFFFFEC00  }
0x9b: {  	_ =	swait.ge [sflag:s12], $0x1400  }
0x9c: {  	[sflag:s12] =	ssyncset.done $0x0  }
0x9d: {  	[sflag:s12] =	ssyncadd.s32 $0xFFFFEC00  }
0x9e: {  	_ =	swait.ge [sflag:s18], $0x1400  }
0x9f: {  	s20 =	sadd.s32 $0x1, s20;
	[sflag:s18] =	ssyncset.done $0x0  }
0xa0: {  	p0 =	sne.s32 s20, s11;
	[sflag:s18] =	ssyncadd.s32 $0xFFFFEC00  }
.Ltmp1:
0xa1: {  	s7 =	sor.u32 $0x1C0D, s8;
	[bflag:$0x0] =	sbarrier.arrive $0xFFFF;
	(pc) =	sbr.rel @p0 .LBB2_1-.Ltmp1, $4  }
0xa2: {  	[hbm:s10], [sflag:s7] =	dma.local [spmem:s13], $0x1400  }
0xa3: {  	_ =	swait.ge [sflag:s22], $0x1400  }
0xa4: {  	[sflag:s22] =	ssyncset.done $0x0  }
0xa5: {  	[sflag:s22] =	ssyncadd.s32 $0xFFFFEC00  }
0xa6: {  	_ =	sfence.sel $0x180000  }
0xa7: {  	[bflag:$0x0] =	sbarrier.arrive $0xFFFF  }
0xa8: {  	_ =	strace $0x90000050  }
0xa9: {  	s0 =	stileid.u32;
	[bflag:$0x2] =	sbarrier.arrive $0xFFFF  }
0xaa: {  	p0 =	sne.s32 s0, $0x0;
	s0 =	rddreg [dreg:$0x2]  }
0xab: {  	s0 =	sadd.s32 @!p0 $0x100000, s0  }
0xac: {  	[sflag:s0] =	ssyncadd.tile.s32 @!p0 $0x1;
	_ =	shalt  }
.Lfunc_end2:
_tile_overlayer_lowered:
.L_overlay_start_2:
0xad: {  	(tag) =	ssettag $0x2  }
0xae: {  	s0 =	rddreg [dreg:$0x0];
	s2 =	stileid.u32  }
0xaf: {  	s1 =	rddreg [dreg:$0x1];
	p0 =	sne.s32 s2, $0x0  }
0xb0: {  	s3 =	rddreg [dreg:$0x2];
	[bflag:$0x3] =	sbarrier.arrive $0xFFFF;
	s2 =	simm.s32 @!p0 $0x1C0D  }
0xb1: {  	[timem:s3], [sflag:s2] =	dma.local @!p0 [hbm:s0], s1  }
0xb2: {  	s0 =	simm.s32 @!p0 $0xD  }
0xb3: {  	_ =	swait.ge @!p0 [sflag:s0], s1  }
0xb4: {  	s1 =	ssub.s32 @!p0 $0x0, s1;
	[sflag:s0] =	ssyncset.done @!p0 $0x0  }
0xb5: {  	[sflag:s0] =	ssyncadd.s32 @!p0 s1  }
0xb6: {  	[bflag:$0x3] =	sbarrier.arrive $0xFFFF  }
0xb7: {  	_ =	shalt  }

// kernel: kernel.24.cloned.1.call-start
scs
__scs_entry_jumppad:
0x0: {  	(pc) =	sbr.rel $0x88, $3  }
0x1: {  	(tag) =	ssettag $0x0;
	lr =	simm.s32 $0x1  }
0x2: {  	[smem:$0x3F96] =	sst lr;
	_ =	strace $0xD0000000  }
0x3: {  	_ = 	snop  }
0x4: {  	_ = 	snop  }
0x5: {  	_ = 	snop  }
0x6: {  	_ = 	snop  }
0x7: {  	_ = 	snop  }
__scs_overlays_trampoline_lowered:
0x8: {  	[smem:$0x3FA5] =	sst s0  }
0x9: {  	[smem:$0x3FA6] =	sst s1  }
0xa: {  	[smem:$0x3FA7] =	sst s2  }
0xb: {  	[smem:$0x3FA8] =	sst s3  }
0xc: {  	[smem:$0x3FA9] =	sst s4  }
0xd: {  	[smem:$0x3FAA] =	sst s5  }
0xe: {  	[smem:$0x3FAB] =	sst s6  }
0xf: {  	[smem:$0x3FAC] =	sst s7  }
0x10: {  	[smem:$0x3FAD] =	sst s8  }
0x11: {  	[smem:$0x3FAE] =	sst s9;
	s0 =	simm.s32 @!p0 $0x0  }
0x12: {  	s1 =	sld [smem:$0x3F94];
	s0 =	simm.s32 @p0 $0x1  }
0x13: {  	[smem:$0x3FAF] =	sst s0;
	s0 =	simm.s32 @!p1 $0x0  }
0x14: {  	s2 =	sld [smem:$0x3F93];
	s0 =	simm.s32 @p1 $0x1  }
0x15: {  	[smem:$0x3FB0] =	sst s0;
	s0 =	simm.s32 @!p2 $0x0  }
0x16: {  	s3 =	sld [smem:$0x3FDB];
	s0 =	simm.s32 @p2 $0x1  }
0x17: {  	s4 =	simm.s32 $0x1BF5;
	[smem:$0x3FB2] =	sst s0  }
0x18: {  	s0 =	sld [smem:$0x3F95];
	_ =	swait.ge [sflag:s4], $0x0  }
0x19: {  	s7 =	sld [smem:$0x3F96]  }
0x1a: {  	s8 =	sadd.s32 $0xFFFFE003, lr  }
0x1b: {  	s9 =	sadd.s32 $0xFFFFFEF7, lr;
	s5 =	simm.s32 $0xFFFFFFFF;
	p2 =	slt.u32 s8, $0xFFFFF086  }
0x1c: {  	p1 =	slt.u32 s9, $0xF7A;
	s5 =	simm.s32 @!p2 $0x0  }
0x1d: {  	s5 =	simm.s32 @p1 $0x1;
	p0 =	seq.s32 s7, s2  }
0x1e: {  	s7 =	smul.u32 @!p0 $0xF7A, s2;
	p2 =	seq.s32 @!p0 s5, $0x0  }
0x1f: {  	s9 =	smul.u32 $0xF7A, s1;
	s8 =	simm.s32 @!p0 $0x1BF5;
	p2 =	por !p2, p0  }
0x20: {  	[sflag:s8] =	ssyncset.s32 @!p0 $0xFFFFF086;
	s6 =	sadd.s32 @!p0 s3, s7;
	s7 =	simm.s32 @!p0 $0x108  }
0x21: {  	s3 =	sadd.s32 s3, s9;
	s6 =	sadd.s32 @!p0 $0x88, s6;
	s7 =	simm.s32 @p2 $0x1082  }
0x22: {  	[simem:s7], [sflag:s8] =	dma.local @!p0 [hbm:s6], $0xF7A  }
0x23: {  	s9 =	sor.u32 $0xD0000000, s2;
	s6 =	simm.s32 $0x108;
	_ =	swait.ge @!p0 [sflag:s8], $0x0  }
0x24: {  	s3 =	sadd.s32 $0x88, s3;
	s6 =	simm.s32 @!p1 $0x1082;
	[sflag:s4] =	ssyncset.s32 $0xFFFFF086  }
0x25: {  	[simem:s6], [sflag:s4] =	dma.local [hbm:s3], $0xF7A  }
0x26: {  	[smem:$0x3F96] =	sst s1;
	(tag) =	ssettag s2;
	_ =	strace s9  }
0x27: {  	s1 =	sld [smem:$0x3FA6]  }
0x28: {  	s2 =	sld [smem:$0x3FA7]  }
0x29: {  	s4 =	sld [smem:$0x3FA9]  }
0x2a: {  	p0 =	seq.s32 s5, $0x0;
	s5 =	sld [smem:$0x3FAA]  }
0x2b: {  	s6 =	sld [smem:$0x3FAB]  }
0x2c: {  	s7 =	sld [smem:$0x3FAC]  }
0x2d: {  	s3 =	simm.s32 $0x108;
	s8 =	sld [smem:$0x3FAD]  }
0x2e: {  	s3 =	simm.s32 @!p0 $0x1082;
	s9 =	sld [smem:$0x3FAE]  }
0x2f: {  	lr =	sadd.s32 s0, s3;
	s0 =	sld [smem:$0x3FA5]  }
0x30: {  	s3 =	sld [smem:$0x3FA8]  }
0x31: {  	[smem:$0x3FB1] =	sst s10  }
0x32: {  	s10 =	sld [smem:$0x3FAF];
	_ =	sdelay $0x3  }
0x33: {  	p0 =	seq.s32 s10, $0x1;
	s10 =	sld [smem:$0x3FB1];
	_ =	sdelay $0x3  }
0x34: {  	[smem:$0x3FB1] =	sst s10  }
0x35: {  	s10 =	sld [smem:$0x3FB0];
	_ =	sdelay $0x3  }
0x36: {  	p1 =	seq.s32 s10, $0x1;
	s10 =	sld [smem:$0x3FB1];
	_ =	sdelay $0x3  }
0x37: {  	[smem:$0x3FB1] =	sst s10  }
0x38: {  	s10 =	sld [smem:$0x3FB2]  }
0x39: {  	_ = 	snop;
	(pc) =	sbr.ind lr, $3  }
0x3a: {  	_ = 	snop  }
0x3b: {  	_ = 	snop  }
0x3c: {  	p2 =	seq.s32 s10, $0x1;
	s10 =	sld [smem:$0x3FB1]  }
0x3d: {  	_ =	shalt  }
0x3e: {  	_ =	shalt  }
0x3f: {  	_ =	shalt  }
0x40: {  	_ =	shalt  }
0x41: {  	_ =	shalt  }
0x42: {  	_ =	shalt  }
0x43: {  	_ =	shalt  }
0x44: {  	_ =	shalt  }
0x45: {  	_ =	shalt  }
0x46: {  	_ =	shalt  }
0x47: {  	_ =	shalt  }
0x48: {  	_ =	shalt  }
0x49: {  	_ =	shalt  }
0x4a: {  	_ =	shalt  }
0x4b: {  	_ =	shalt  }
0x4c: {  	_ =	shalt  }
0x4d: {  	_ =	shalt  }
0x4e: {  	_ =	shalt  }
0x4f: {  	_ =	shalt  }
0x50: {  	_ =	shalt  }
0x51: {  	_ =	shalt  }
0x52: {  	_ =	shalt  }
0x53: {  	_ =	shalt  }
0x54: {  	_ =	shalt  }
0x55: {  	_ =	shalt  }
0x56: {  	_ =	shalt  }
0x57: {  	_ =	shalt  }
0x58: {  	_ =	shalt  }
0x59: {  	_ =	shalt  }
0x5a: {  	_ =	shalt  }
0x5b: {  	_ =	shalt  }
0x5c: {  	_ =	shalt  }
0x5d: {  	_ =	shalt  }
0x5e: {  	_ =	shalt  }
0x5f: {  	_ =	shalt  }
0x60: {  	_ =	shalt  }
0x61: {  	_ =	shalt  }
0x62: {  	_ =	shalt  }
0x63: {  	_ =	shalt  }
0x64: {  	_ =	shalt  }
0x65: {  	_ =	shalt  }
0x66: {  	_ =	shalt  }
0x67: {  	_ =	shalt  }
0x68: {  	_ =	shalt  }
0x69: {  	_ =	shalt  }
0x6a: {  	_ =	shalt  }
0x6b: {  	_ =	shalt  }
0x6c: {  	_ =	shalt  }
0x6d: {  	_ =	shalt  }
0x6e: {  	_ =	shalt  }
0x6f: {  	_ =	shalt  }
0x70: {  	_ =	shalt  }
0x71: {  	_ =	shalt  }
0x72: {  	_ =	shalt  }
0x73: {  	_ =	shalt  }
0x74: {  	_ =	shalt  }
0x75: {  	_ =	shalt  }
0x76: {  	_ =	shalt  }
0x77: {  	_ =	shalt  }
0x78: {  	_ =	shalt  }
0x79: {  	_ =	shalt  }
0x7a: {  	_ =	shalt  }
0x7b: {  	_ =	shalt  }
0x7c: {  	_ =	shalt  }
0x7d: {  	_ =	shalt  }
0x7e: {  	_ =	shalt  }
0x7f: {  	_ =	shalt  }
0x80: {  	_ =	shalt  }
0x81: {  	_ =	shalt  }
0x82: {  	_ =	shalt  }
0x83: {  	_ =	shalt  }
0x84: {  	_ =	shalt  }
0x85: {  	_ =	shalt  }
0x86: {  	_ =	shalt  }
0x87: {  	_ =	shalt  }
.Lfunc_end0:
.L_simem_size_0:
called_computation.4_lowered:
.L_overlay_start_0:
0x88: {  	s2 =	sld [smem:$0x3FD9]  }
0x89: {  	s3 =	sld [smem:$0x3FFE];
	_ =	sdelay $0x1  }
0x8a: {  	s1 =	srdreg.scid  }
0x8b: {  	s0 =	sand.u32 $0x1, s1  }
0x8c: {  	s17 =	sshll.u32 s0, $0xA;
	s2 =	sadd.s32 s3, s2  }
0x8d: {  	s2 =	sadd.s32 s2, s17  }
0x8e: {  	[smem:$0x3FBD] =	sst s2  }
0x8f: {  	_ = 	snop  }
0x90: {  	s2 =	sld [smem:$0x3FC7]  }
0x91: {  	s18 =	sld [smem:$0x3FD0];
	(tm) =	ssettm $0x1  }
0x92: {  	s4 =	sld [smem:$0x3FFB];
	_ =	sdelay $0x3  }
0x93: {  	_ =	strace s4  }
0x94: {  	s4 =	sld [smem:$0x3FFC];
	_ =	sdelay $0x3  }
0x95: {  	_ =	strace s4  }
0x96: {  	s4 =	sld [smem:$0x3FFD];
	_ =	sdelay $0x3  }
0x97: {  	_ =	strace s4  }
0x98: {  	_ =	strace $0x8FFFFFFF  }
0x99: {  	s19 =	sld [smem:$0x3FDB];
	_ =	sdelay $0x1  }
0x9a: {  	s5 =	simm.s32 $_scs_section_size  }
0x9b: {  	s6 =	simm.s32 $_size__tile_overlayer_lowered;
	s7 =	simm.s32 $_tile_overlayer_lowered  }
0x9c: {  	s22 =	simm.s32 $0x1BFF;
	s21 =	sshll.u32 s7, $0x1;
	s4 =	sadd.s32 s5, s19  }
0x9d: {  	s8 =	simm.s32 $0x0;
	s20 =	sshll.u32 s6, $0x1;
	s6 =	sadd.s32 s21, s4  }
0x9e: {  	[timem:s8], [sflag:s22] =	dma.local [hbm:s6], s20  }
0x9f: {  	_ =	swait.ge [sflag:s22], s20  }
0xa0: {  	s5 =	ssub.s32 $0x0, s20;
	[sflag:s22] =	ssyncset.done $0x0  }
0xa1: {  	[sflag:s22] =	ssyncadd.s32 s5;
	_ =	sdelay $0x1  }
0xa2: {  	s23 =	simm.s32 $0x1B8B  }
0xa3: {  	_ =	swait.ge [sflag:s23], $0x1  }
0xa4: {  	[sflag:s23] =	ssyncset.done $0x0  }
0xa5: {  	s25 =	simm.s32 $0x1B8E;
	s24 =	sld [smem:$0x3FFE];
	[sflag:s23] =	ssyncadd.s32 $0xFFFFFFFF  }
0xa6: {  	s26 =	simm.s32 $execute0_lowered;
	[smem:$0x3FD2] =	sst s25  }
0xa7: {  	s6 =	sshll.u32 s26, $0x1;
	_ =	strace $0x80000052;
	[dreg:$0x1] =	wrdreg $0xFFFFFFFF  }
0xa8: {  	s28 =	simm.s32 $_size_execute0_lowered;
	s4 =	sadd.s32 s4, s6;
	[dreg:$0x0] =	wrdreg $0x0  }
0xa9: {  	s6 =	sshll.u32 s28, $0x1;
	[dreg:$0x2] =	wrdreg s4  }
0xaa: {  	[dreg:$0x3] =	wrdreg s6  }
0xab: {  	[dreg:$0x4] =	wrdreg $0xC0  }
0xac: {  	_ =	task [dreg:s8], $0x5FFFF  }
0xad: {  	[dreg:$0x1] =	wrdreg $0xFFFFFFFF  }
0xae: {  	[dreg:$0x0] =	wrdreg $0x60  }
0xaf: {  	[dreg:$0x2] =	wrdreg s24  }
0xb0: {  	[dreg:$0x3] =	wrdreg s2  }
0xb1: {  	[dreg:$0x4] =	wrdreg s18  }
0xb2: {  	[dreg:$0x5] =	wrdreg $0x51900  }
0xb3: {  	[dreg:$0x6] =	wrdreg $0x61900  }
0xb4: {  	[dreg:$0x7] =	wrdreg $0x9  }
0xb5: {  	_ =	task.clear_ibuf [dreg:s8], $0x8FFFF;
	_ =	strace $0x90000052  }
0xb6: {  	s29 =	simm.s32 $0x9;
	_ =	strace $0x80000054  }
0xb7: {  	_ =	swait.ge [sflag:s29], $0x1  }
0xb8: {  	[sflag:s29] =	ssyncadd.s32 $0xFFFFFFFF  }
0xb9: {  	_ =	strace $0x90000054  }
0xba: {  	_ =	sfence  }
0xbb: {  	s30 =	sld [smem:$0x0];
	_ =	sdelay $0x2  }
0xbc: {  	s31 =	sshll.u32 s1, $0xD;
	s1 =	sshrl.u32 s1, $0x2  }
0xbd: {  	s3 =	sand.u32 $0x4000, s31;
	s1 =	sadd.s32 s1, s30  }
0xbe: {  	s0 =	sor.u32 s3, s0;
	s1 =	sshll.u32 s1, $0x11  }
0xbf: {  	s0 =	sor.u32 s1, s0  }
0xc0: {  	s0 =	sadd.s32 $0x8F2B, s0  }
0xc1: {  	[sflag:s0] =	ssyncadd.remote.s32 $0x1  }
0xc2: {  	_ =	sfence.sel $0xFFFF  }
0xc3: {  	[dreg:$0x0] =	wrdreg $0xFFFFFFFF;
	(pc) =	sbr.abs _section_cstart, $3  }
0xc4: {  	[dreg:$0x1] =	wrdreg $0xFFFFFFFF  }
0xc5: {  	_ =	task.clear_ibuf [dreg:s8], $0x2FFFF;
	_ =	strace $0x9FFFFFFF  }
0xc6: {  	(tm) =	ssettm $0x7FFFFFFF  }
0xc7: {  	_ =	shalt  }
tec
execute0_lowered:
.L_overlay_start_1:
0x0: {  	(tag) =	ssettag $0x1  }
0x1: {  	s6 =	rddreg [dreg:$0x0]  }
0x2: {  	s7 =	rddreg [dreg:$0x1]  }
0x3: {  	s10 =	rddreg [dreg:$0x2]  }
0x4: {  	s4 =	rddreg [dreg:$0x3]  }
0x5: {  	s3 =	rddreg [dreg:$0x4]  }
0x6: {  	s0 =	rddreg [dreg:$0x5];
	s9 =	simm.s32 $0x0;
	s1 =	stileid.u32  }
0x7: {  	s2 =	srdreg.scid;
	[smem:$0x7FF] =	sst s9;
	s8 =	sadd.s32 $0x3200, s6  }
0x8: {  	s5 =	sadd.s32 $0x16C00, s6;
	s11 =	sand.u32 $0x1, s2;
	s30 =	sshll.u32 s1, $0x1  }
0x9: {  	_ =	strace $0x80000053;
	[dreg:$0x6] =	wrdreg s5;
	s5 =	sor.u32 s11, s30  }
0xa: {  	s13 =	sshll.u32 s1, $0xC;
	s2 =	sshll.u32 s1, $0x6;
	s14 =	smul.u32 $0xA, s5  }
0xb: {  	s13 =	sadd.s32 s13, s4;
	s31 =	sadd.s32 s2, s3;
	s15 =	smul.u32 $0x280, s5  }
0xc: {  	s17 =	sshll.u32 s11, $0xA;
	[dreg:$0x7] =	wrdreg s13;
	s16 =	smul.u32 $0x50, s5  }
0xd: {  	[dreg:$0x8] =	wrdreg s31;
	s19 =	sor.u32 s2, s17;
	s17 =	simm.s32 $0x190  }
0xe: {  	[dreg:$0x13] =	wrdreg s17;
	s14 =	sadd.s32 s7, s14;
	s15 =	sadd.s32 s8, s15  }
0xf: {  	s18 =	sadd.s32 $0xA00, s16;
	s21 =	sadd.s32 $0x1400, s16;
	[dreg:$0x9] =	wrdreg s14  }
0x10: {  	[dreg:$0xa] =	wrdreg s15;
	s20 =	sshrl.u32 s18, $0x3;
	s14 =	sshll.u32 s18, $0x3  }
0x11: {  	s23 =	sshrl.u32 s21, $0x3;
	s15 =	sshrl.u32 s19, $0x3;
	s19 =	rddreg [dreg:$0x7]  }
0x12: {  	s25 =	sshll.u32 s21, $0x3;
	s18 =	simm.s32 $0x1590;
	s21 =	rddreg [dreg:$0x6]  }
0x13: {  	s12 =	sshll.u32 s1, $0x9;
	s13 =	sadd.s32 s7, s20;
	[dreg:$0x14] =	wrdreg s18  }
0x14: {  	s12 =	sadd.s32 s12, s6;
	s22 =	sadd.s32 s8, s14;
	[dreg:$0xb] =	wrdreg s13  }
0x15: {  	s28 =	sadd.s32 $0x1E00, s16;
	s24 =	sadd.s32 s7, s23;
	[dreg:$0xc] =	wrdreg s22  }
0x16: {  	s29 =	sshrl.u32 s28, $0x3;
	s26 =	sadd.s32 s8, s25;
	[dreg:$0xd] =	wrdreg s24  }
0x17: {  	s31 =	sshll.u32 s11, $0xD;
	s7 =	sadd.s32 s7, s29;
	[dreg:$0xe] =	wrdreg s26  }
0x18: {  	s30 =	sshll.u32 s28, $0x3;
	s20 =	simm.s32 $0xA0;
	[dreg:$0xf] =	wrdreg s7  }
0x19: {  	s14 =	sadd.s32 s31, s12;
	s13 =	sadd.s32 s8, s30;
	[dreg:$0x15] =	wrdreg s20  }
0x1a: {  	s6 =	sadd.s32 s15, s6;
	s16 =	sadd.s32 $0x16E00, s14;
	[dreg:$0x10] =	wrdreg s13  }
0x1b: {  	s6 =	sadd.s32 $0x1AE00, s6;
	[dreg:$0x11] =	wrdreg s16  }
0x1c: {  	s14 =	sor.u32 $0x1C01, s2;
	s22 =	simm.s32 $0x2990;
	[dreg:$0x12] =	wrdreg s6  }
0x1d: {  	s8 =	simm.s32 $0x140;
	s7 =	sshrl.u32 s19, $0x3;
	[dreg:$0x16] =	wrdreg s22  }
0x1e: {  	[tilespmem:s8], [sflag:$0x1] =	stream.linear.gather [hbm4b:s21+s9], $0x50, $0x38;
	[tilespmem:$0x61D0] =	vst v63  }
0x1f: {  	[spmem:s7], [sflag:s14] =	dma.local [hbm:s10], $0x200  }
0x20: {  	s23 =	rddreg [dreg:$0x8]  }
0x21: {  	s6 =	sshrl.u32 s23, $0x3  }
0x22: {  	[spmem:s6], [sflag:s14] =	dma.local [hbm:s10], $0x8  }
0x23: {  	s11 =	ssub.s32 $0x2, s11;
	s24 =	rddreg [dreg:$0x9]  }
0x24: {  	s28 =	sshrl.u32 s11, $0x1;
	s25 =	rddreg [dreg:$0x13]  }
0x25: {  	s11 =	ssub.s32 s11, s28;
	s26 =	rddreg [dreg:$0xa]  }
0x26: {  	s11 =	smax.u32 s11, $0x1;
	s29 =	rddreg [dreg:$0x14]  }
0x27: {  	s15 =	sadd.s32 $0xFFFFFFFF, s11;
	s30 =	rddreg [dreg:$0xb]  }
0x28: {  	[tilespmem:s9], [sflag:$0x1] =	stream.linear.gather [hbm4b:s24+s9], $0x50, $0x38;
	[tilespmem:$0x61D0] =	vst v63  }
0x29: {  	p1 =	sne.s32 s15, $0x0;
	s31 =	rddreg [dreg:$0xc]  }
0x2a: {  	[tilespmem:s25], [sflag:$0x1] =	stream.linear.gather [hbm4b:s26+s9], $0x1400, $0x38;
	[tilespmem:$0x61D0] =	vst v63  }
.Ltmp0:
0x2b: {  	p0 =	sgt.u32 s5, $0x1C;
	s16 =	rddreg [dreg:$0x15];
	(pc) =	sbr.rel @!p1 .LBB2_2-.Ltmp0, $4  }
0x2c: {  	s5 =	simm.s32 $0x3;
	s12 =	simm.s32 $0x50;
	s17 =	rddreg [dreg:$0xd]  }
0x2d: {  	[tilespmem:s12], [sflag:$0x1] =	stream.linear.gather [hbm4b:s30+s9], $0x50, $0x38;
	[tilespmem:$0x61D0] =	vst v63  }
0x2e: {  	s13 =	simm.s32 $0x1;
	s11 =	simm.s32 $0x2;
	s18 =	rddreg [dreg:$0xe]  }
0x2f: {  	[tilespmem:s29], [sflag:$0x1] =	stream.linear.gather [hbm4b:s31+s9], $0x1400, $0x38;
	[tilespmem:$0x61D0] =	vst v63  }
.LBB2_1:
0x30: {  	[tilespmem:s16], [sflag:$0x1] =	stream.linear.gather [hbm4b:s17+s9], $0x50, $0x38;
	[tilespmem:$0x61D0] =	vst v63  }
0x31: {  	s19 =	rddreg [dreg:$0x16]  }
0x32: {  	[tilespmem:s19], [sflag:$0x1] =	stream.linear.gather [hbm4b:s18+s9], $0x1400, $0x38;
	[tilespmem:$0x61D0] =	vst v63  }
0x33: {  	s17 =	rddreg [dreg:$0xf];
	s16 =	simm.s32 @!p0 $0xF0;
	s18 =	simm.s32 @!p0 $0x0  }
0x34: {  	[tilespmem:s16], [sflag:$0x1] =	stream.linear.gather @!p0 [hbm4b:s17+s18], $0x50, $0x38;
	[tilespmem:$0x61D0] =	vst v63  }
0x35: {  	s19 =	rddreg [dreg:$0x10];
	s17 =	simm.s32 @!p0 $0x3D90  }
0x36: {  	[tilespmem:s17], [sflag:$0x1] =	stream.linear.gather @!p0 [hbm4b:s19+s18], $0x1400, $0x38;
	[tilespmem:$0x61D0] =	vst v63  }
0x37: {  	_ =	swait.ge [sflag:s13], $0x50  }
0x38: {  	[sflag:s13] =	ssyncset.done $0x0  }
0x39: {  	[sflag:s13] =	ssyncadd.s32 $0xFFFFFFB0  }
0x3a: {  	_ =	swait.ge [sflag:s13], $0x200  }
0x3b: {  	[sflag:s13] =	ssyncset.done $0x0  }
0x3c: {  	[sflag:s13] =	ssyncadd.s32 $0xFFFFFE00  }
0x3d: {  	_ =	swait.ge [sflag:s13], $0x8  }
0x3e: {  	[sflag:s13] =	ssyncset.done $0x0  }
0x3f: {  	[sflag:s13] =	ssyncadd.s32 $0xFFFFFFF8  }
0x40: {  	_ =	swait.ge [sflag:s13], $0x50  }
0x41: {  	[sflag:s13] =	ssyncset.done $0x0  }
0x42: {  	[sflag:s13] =	ssyncadd.s32 $0xFFFFFFB0  }
0x43: {  	_ =	swait.ge [sflag:s13], $0x1400  }
0x44: {  	[sflag:s13] =	ssyncset.done $0x0  }
0x45: {  	[sflag:s13] =	ssyncadd.s32 $0xFFFFEC00  }
0x46: {  	_ =	swait.ge [sflag:s13], $0x50  }
0x47: {  	[sflag:s13] =	ssyncset.done $0x0  }
0x48: {  	[sflag:s13] =	ssyncadd.s32 $0xFFFFFFB0  }
0x49: {  	_ =	swait.ge [sflag:s13], $0x1400  }
0x4a: {  	[sflag:s13] =	ssyncset.done $0x0  }
0x4b: {  	[sflag:s13] =	ssyncadd.s32 $0xFFFFEC00  }
0x4c: {  	_ =	swait.ge [sflag:s13], $0x50  }
0x4d: {  	[sflag:s13] =	ssyncset.done $0x0  }
0x4e: {  	[sflag:s13] =	ssyncadd.s32 $0xFFFFFFB0  }
0x4f: {  	_ =	swait.ge [sflag:s13], $0x1400  }
0x50: {  	[sflag:s13] =	ssyncset.done $0x0  }
0x51: {  	s20 =	simm.s32 @p0 $0x50;
	[sflag:s13] =	ssyncadd.s32 $0xFFFFEC00  }
0x52: {  	s21 =	simm.s32 @p0 $0x0;
	s19 =	simm.s32 @p0 $0x190;
	[bflag:$0x0] =	sbarrier.arrive @p0 $0xFFFF  }
0x53: {  	[spmem:s4] =	stream.indirect.scatter.add.f32 @p0 [tilespmem:s19], [sflag:$0x2], $0x40, s21, s20, $0xb8;
	[tilespmem:$0x61D0] =	vst v63  }
0x54: {  	s19 =	simm.s32 @p0 $0x140  }
0x55: {  	[spmem:s3] =	stream.indirect.scatter.add.f32 @p0 [tilespmem:s19], [sflag:$0x2], $0x1, s21, s20, $0xb8;
	[tilespmem:$0x61D0] =	vst v63  }
0x56: {  	s21 =	simm.s32 @p0 $0x1590  }
0x57: {  	[spmem:s4] =	stream.indirect.scatter.add.f32 @p0 [tilespmem:s21], [sflag:$0x2], $0x40, s20, s20, $0xb8;
	[tilespmem:$0x61D0] =	vst v63  }
0x58: {  	_ = 	snop  }
0x59: {  	[spmem:s3] =	stream.indirect.scatter.add.f32 @p0 [tilespmem:s19], [sflag:$0x2], $0x1, s20, s20, $0xb8;
	[tilespmem:$0x61D0] =	vst v63  }
0x5a: {  	s22 =	simm.s32 @!p0 $0x1;
	s21 =	simm.s32 @p0 $0x2990;
	s19 =	simm.s32 @p0 $0xA0  }
0x5b: {  	[spmem:s4] =	stream.indirect.scatter.add.f32 @p0 [tilespmem:s21], [sflag:$0x2], $0x40, s19, s20, $0xb8;
	[tilespmem:$0x61D0] =	vst v63  }
0x5c: {  	_ =	swait.ge @!p0 [sflag:s22], $0x50  }
0x5d: {  	[sflag:s22] =	ssyncset.done @!p0 $0x0  }
0x5e: {  	[sflag:s22] =	ssyncadd.s32 @!p0 $0xFFFFFFB0  }
0x5f: {  	_ =	swait.ge @!p0 [sflag:s22], $0x1400  }
0x60: {  	[sflag:s22] =	ssyncset.done @!p0 $0x0  }
0x61: {  	[sflag:s22] =	ssyncadd.s32 @!p0 $0xFFFFEC00  }
0x62: {  	s19 =	simm.s32 @!p0 $0x50;
	s20 =	simm.s32 @!p0 $0x190;
	[bflag:$0x0] =	sbarrier.arrive @!p0 $0xFFFF  }
0x63: {  	[spmem:s4] =	stream.indirect.scatter.add.f32 @!p0 [tilespmem:s20], [sflag:$0x2], $0x40, s18, s19, $0xb8;
	[tilespmem:$0x61D0] =	vst v63  }
0x64: {  	s20 =	simm.s32 @!p0 $0x140  }
0x65: {  	[spmem:s3] =	stream.indirect.scatter.add.f32 @!p0 [tilespmem:s20], [sflag:$0x2], $0x1, s18, s19, $0xb8;
	[tilespmem:$0x61D0] =	vst v63  }
0x66: {  	s18 =	simm.s32 @!p0 $0x1590  }
0x67: {  	[spmem:s4] =	stream.indirect.scatter.add.f32 @!p0 [tilespmem:s18], [sflag:$0x2], $0x40, s19, s19, $0xb8;
	[tilespmem:$0x61D0] =	vst v63  }
0x68: {  	_ = 	snop  }
0x69: {  	[spmem:s3] =	stream.indirect.scatter.add.f32 @!p0 [tilespmem:s20], [sflag:$0x2], $0x1, s19, s19, $0xb8;
	[tilespmem:$0x61D0] =	vst v63  }
0x6a: {  	s21 =	simm.s32 @!p0 $0x2990;
	s18 =	simm.s32 @!p0 $0xA0  }
0x6b: {  	[spmem:s4] =	stream.indirect.scatter.add.f32 @!p0 [tilespmem:s21], [sflag:$0x2], $0x40, s18, s19, $0xb8;
	[tilespmem:$0x61D0] =	vst v63  }
0x6c: {  	_ = 	snop  }
0x6d: {  	[spmem:s3] =	stream.indirect.scatter.add.f32 @!p0 [tilespmem:s20], [sflag:$0x2], $0x1, s18, s19, $0xb8;
	[tilespmem:$0x61D0] =	vst v63  }
0x6e: {  	_ = 	snop  }
0x6f: {  	[spmem:s4] =	stream.indirect.scatter.add.f32 @!p0 [tilespmem:s17], [sflag:$0x2], $0x40, s16, s19, $0xb8;
	[tilespmem:$0x61D0] =	vst v63  }
0x70: {  	s16 =	simm.s32 @p0 $0xA0  }
0x71: {  	[spmem:s3] =	stream.indirect.scatter.add.f32 [tilespmem:s8], [sflag:$0x2], $0x1, s16, s12, $0xb8;
	[tilespmem:$0x61D0] =	vst v63  }
0x72: {  	_ =	swait.ge [sflag:s11], $0x1400  }
0x73: {  	[sflag:s11] =	ssyncset.done $0x0  }
0x74: {  	[sflag:s11] =	ssyncadd.s32 $0xFFFFEC00  }
0x75: {  	_ =	swait.ge [sflag:s11], $0x50  }
0x76: {  	[sflag:s11] =	ssyncset.done $0x0  }
0x77: {  	[sflag:s11] =	ssyncadd.s32 $0xFFFFFFB0  }
0x78: {  	_ =	swait.ge [sflag:s11], $0x1400  }
0x79: {  	[sflag:s11] =	ssyncset.done $0x0  }
0x7a: {  	[sflag:s11] =	ssyncadd.s32 $0xFFFFEC00  }
0x7b: {  	_ =	swait.ge [sflag:s11], $0x50  }
0x7c: {  	[sflag:s11] =	ssyncset.done $0x0  }
0x7d: {  	[sflag:s11] =	ssyncadd.s32 $0xFFFFFFB0  }
0x7e: {  	_ =	swait.ge [sflag:s11], $0x1400  }
0x7f: {  	[sflag:s11] =	ssyncset.done $0x0  }
0x80: {  	[sflag:s11] =	ssyncadd.s32 $0xFFFFEC00  }
0x81: {  	_ =	swait.ge [sflag:s11], $0x50  }
0x82: {  	[sflag:s11] =	ssyncset.done $0x0  }
0x83: {  	s16 =	simm.s32 @!p0 $0x2;
	[sflag:s11] =	ssyncadd.s32 $0xFFFFFFB0  }
0x84: {  	_ =	swait.ge @!p0 [sflag:s16], $0x1400  }
0x85: {  	[sflag:s16] =	ssyncset.done @!p0 $0x0  }
0x86: {  	[sflag:s16] =	ssyncadd.s32 @!p0 $0xFFFFEC00  }
0x87: {  	_ =	swait.ge @!p0 [sflag:s16], $0x50  }
0x88: {  	[sflag:s16] =	ssyncset.done @!p0 $0x0  }
0x89: {  	[sflag:s16] =	ssyncadd.s32 @!p0 $0xFFFFFFB0  }
0x8a: {  	[bflag:$0x0] =	sbarrier.arrive $0xFFFF  }
0x8b: {  	s20 =	sor.u32 $0x1C03, s2;
	s19 =	rddreg [dreg:$0x11]  }
0x8c: {  	[hbm:s19], [sflag:s20] =	dma.local [spmem:s7], $0x200  }
0x8d: {  	_ =	swait.ge [sflag:s5], $0x200  }
0x8e: {  	[sflag:s5] =	ssyncset.done $0x0  }
0x8f: {  	s21 =	rddreg [dreg:$0x12];
	[sflag:s5] =	ssyncadd.s32 $0xFFFFFE00  }
0x90: {  	[hbm:s21], [sflag:s20] =	dma.local [spmem:s6], $0x8  }
0x91: {  	_ =	swait.ge [sflag:s5], $0x8  }
0x92: {  	s22 =	rddreg [dreg:$0x7];
	[sflag:s5] =	ssyncset.done $0x0  }
0x93: {  	s23 =	rddreg [dreg:$0x6];
	[sflag:s5] =	ssyncadd.s32 $0xFFFFFFF8;
	s7 =	sshrl.u32 s22, $0x3  }
0x94: {  	[tilespmem:s8], [sflag:$0x1] =	stream.linear.gather [hbm4b:s23+s9], $0x50, $0x38;
	[tilespmem:$0x61D0] =	vst v63  }
0x95: {  	[spmem:s7], [sflag:s14] =	dma.local [hbm:s10], $0x200  }
0x96: {  	s24 =	rddreg [dreg:$0x8]  }
0x97: {  	s6 =	sshrl.u32 s24, $0x3  }
0x98: {  	[spmem:s6], [sflag:s14] =	dma.local [hbm:s10], $0x8  }
0x99: {  	s25 =	rddreg [dreg:$0x9]  }
0x9a: {  	s26 =	rddreg [dreg:$0x13]  }
0x9b: {  	s28 =	rddreg [dreg:$0xa]  }
0x9c: {  	s29 =	rddreg [dreg:$0x14]  }
0x9d: {  	s15 =	sadd.s32 $0xFFFFFFFF, s15;
	s30 =	rddreg [dreg:$0xb]  }
0x9e: {  	[tilespmem:s9], [sflag:$0x1] =	stream.linear.gather [hbm4b:s25+s9], $0x50, $0x38;
	[tilespmem:$0x61D0] =	vst v63  }
0x9f: {  	p1 =	sne.s32 s15, $0x0;
	s31 =	rddreg [dreg:$0xc]  }
0xa0: {  	[tilespmem:s26], [sflag:$0x1] =	stream.linear.gather [hbm4b:s28+s9], $0x1400, $0x38;
	[tilespmem:$0x61D0] =	vst v63  }
.Ltmp1:
0xa1: {  	s16 =	rddreg [dreg:$0x15];
	(pc) =	sbr.rel @p1 .LBB2_1-.Ltmp1, $4  }
0xa2: {  	s17 =	rddreg [dreg:$0xd]  }
0xa3: {  	[tilespmem:s12], [sflag:$0x1] =	stream.linear.gather [hbm4b:s30+s9], $0x50, $0x38;
	[tilespmem:$0x61D0] =	vst v63  }
0xa4: {  	s18 =	rddreg [dreg:$0xe]  }
0xa5: {  	[tilespmem:s29], [sflag:$0x1] =	stream.linear.gather [hbm4b:s31+s9], $0x1400, $0x38;
	[tilespmem:$0x61D0] =	vst v63  }
.LBB2_2:
0xa6: {  	[tilespmem:s16], [sflag:$0x1] =	stream.linear.gather [hbm4b:s17+s9], $0x50, $0x38;
	[tilespmem:$0x61D0] =	vst v63  }
0xa7: {  	s10 =	rddreg [dreg:$0x16]  }
0xa8: {  	[tilespmem:s10], [sflag:$0x1] =	stream.linear.gather [hbm4b:s18+s9], $0x1400, $0x38;
	[tilespmem:$0x61D0] =	vst v63  }
0xa9: {  	s14 =	rddreg [dreg:$0xf];
	s10 =	simm.s32 @!p0 $0x0;
	s9 =	simm.s32 @!p0 $0xF0  }
0xaa: {  	[tilespmem:s9], [sflag:$0x1] =	stream.linear.gather @!p0 [hbm4b:s14+s10], $0x50, $0x38;
	[tilespmem:$0x61D0] =	vst v63  }
0xab: {  	s15 =	rddreg [dreg:$0x10];
	s14 =	simm.s32 @!p0 $0x3D90  }
0xac: {  	[tilespmem:s14], [sflag:$0x1] =	stream.linear.gather @!p0 [hbm4b:s15+s10], $0x1400, $0x38;
	[tilespmem:$0x61D0] =	vst v63  }
0xad: {  	_ =	swait.ge [sflag:s13], $0x50  }
0xae: {  	[sflag:s13] =	ssyncset.done $0x0  }
0xaf: {  	[sflag:s13] =	ssyncadd.s32 $0xFFFFFFB0  }
0xb0: {  	_ =	swait.ge [sflag:s13], $0x200  }
0xb1: {  	[sflag:s13] =	ssyncset.done $0x0  }
0xb2: {  	[sflag:s13] =	ssyncadd.s32 $0xFFFFFE00  }
0xb3: {  	_ =	swait.ge [sflag:s13], $0x8  }
0xb4: {  	[sflag:s13] =	ssyncset.done $0x0  }
0xb5: {  	[sflag:s13] =	ssyncadd.s32 $0xFFFFFFF8  }
0xb6: {  	_ =	swait.ge [sflag:s13], $0x50  }
0xb7: {  	[sflag:s13] =	ssyncset.done $0x0  }
0xb8: {  	[sflag:s13] =	ssyncadd.s32 $0xFFFFFFB0  }
0xb9: {  	_ =	swait.ge [sflag:s13], $0x1400  }
0xba: {  	[sflag:s13] =	ssyncset.done $0x0  }
0xbb: {  	[sflag:s13] =	ssyncadd.s32 $0xFFFFEC00  }
0xbc: {  	_ =	swait.ge [sflag:s13], $0x50  }
0xbd: {  	[sflag:s13] =	ssyncset.done $0x0  }
0xbe: {  	[sflag:s13] =	ssyncadd.s32 $0xFFFFFFB0  }
0xbf: {  	_ =	swait.ge [sflag:s13], $0x1400  }
0xc0: {  	[sflag:s13] =	ssyncset.done $0x0  }
0xc1: {  	[sflag:s13] =	ssyncadd.s32 $0xFFFFEC00  }
0xc2: {  	_ =	swait.ge [sflag:s13], $0x50  }
0xc3: {  	[sflag:s13] =	ssyncset.done $0x0  }
0xc4: {  	[sflag:s13] =	ssyncadd.s32 $0xFFFFFFB0  }
0xc5: {  	_ =	swait.ge [sflag:s13], $0x1400  }
0xc6: {  	[sflag:s13] =	ssyncset.done $0x0  }
0xc7: {  	s16 =	simm.s32 @p0 $0x0;
	[sflag:s13] =	ssyncadd.s32 $0xFFFFEC00  }
0xc8: {  	s15 =	simm.s32 @p0 $0x50;
	s13 =	simm.s32 @p0 $0x190;
	[bflag:$0x0] =	sbarrier.arrive @p0 $0xFFFF  }
0xc9: {  	[spmem:s4] =	stream.indirect.scatter.add.f32 @p0 [tilespmem:s13], [sflag:$0x2], $0x40, s16, s15, $0xb8;
	[tilespmem:$0x61D0] =	vst v63  }
0xca: {  	s13 =	simm.s32 @p0 $0x140  }
0xcb: {  	[spmem:s3] =	stream.indirect.scatter.add.f32 @p0 [tilespmem:s13], [sflag:$0x2], $0x1, s16, s15, $0xb8;
	[tilespmem:$0x61D0] =	vst v63  }
0xcc: {  	s16 =	simm.s32 @p0 $0x1590  }
0xcd: {  	[spmem:s4] =	stream.indirect.scatter.add.f32 @p0 [tilespmem:s16], [sflag:$0x2], $0x40, s15, s15, $0xb8;
	[tilespmem:$0x61D0] =	vst v63  }
0xce: {  	_ = 	snop  }
0xcf: {  	[spmem:s3] =	stream.indirect.scatter.add.f32 @p0 [tilespmem:s13], [sflag:$0x2], $0x1, s15, s15, $0xb8;
	[tilespmem:$0x61D0] =	vst v63  }
0xd0: {  	s17 =	simm.s32 @!p0 $0x1;
	s16 =	simm.s32 @p0 $0x2990;
	s13 =	simm.s32 @p0 $0xA0  }
0xd1: {  	[spmem:s4] =	stream.indirect.scatter.add.f32 @p0 [tilespmem:s16], [sflag:$0x2], $0x40, s13, s15, $0xb8;
	[tilespmem:$0x61D0] =	vst v63  }
0xd2: {  	_ =	swait.ge @!p0 [sflag:s17], $0x50  }
0xd3: {  	[sflag:s17] =	ssyncset.done @!p0 $0x0  }
0xd4: {  	[sflag:s17] =	ssyncadd.s32 @!p0 $0xFFFFFFB0  }
0xd5: {  	_ =	swait.ge @!p0 [sflag:s17], $0x1400  }
0xd6: {  	[sflag:s17] =	ssyncset.done @!p0 $0x0  }
0xd7: {  	[sflag:s17] =	ssyncadd.s32 @!p0 $0xFFFFEC00  }
0xd8: {  	s13 =	simm.s32 @!p0 $0x50;
	s15 =	simm.s32 @!p0 $0x190;
	[bflag:$0x0] =	sbarrier.arrive @!p0 $0xFFFF  }
0xd9: {  	[spmem:s4] =	stream.indirect.scatter.add.f32 @!p0 [tilespmem:s15], [sflag:$0x2], $0x40, s10, s13, $0xb8;
	[tilespmem:$0x61D0] =	vst v63  }
0xda: {  	s15 =	simm.s32 @!p0 $0x140  }
0xdb: {  	[spmem:s3] =	stream.indirect.scatter.add.f32 @!p0 [tilespmem:s15], [sflag:$0x2], $0x1, s10, s13, $0xb8;
	[tilespmem:$0x61D0] =	vst v63  }
0xdc: {  	s10 =	simm.s32 @!p0 $0x1590  }
0xdd: {  	[spmem:s4] =	stream.indirect.scatter.add.f32 @!p0 [tilespmem:s10], [sflag:$0x2], $0x40, s13, s13, $0xb8;
	[tilespmem:$0x61D0] =	vst v63  }
0xde: {  	_ = 	snop  }
0xdf: {  	[spmem:s3] =	stream.indirect.scatter.add.f32 @!p0 [tilespmem:s15], [sflag:$0x2], $0x1, s13, s13, $0xb8;
	[tilespmem:$0x61D0] =	vst v63  }
0xe0: {  	s16 =	simm.s32 @!p0 $0x2990;
	s10 =	simm.s32 @!p0 $0xA0  }
0xe1: {  	[spmem:s4] =	stream.indirect.scatter.add.f32 @!p0 [tilespmem:s16], [sflag:$0x2], $0x40, s10, s13, $0xb8;
	[tilespmem:$0x61D0] =	vst v63  }
0xe2: {  	_ = 	snop  }
0xe3: {  	[spmem:s3] =	stream.indirect.scatter.add.f32 @!p0 [tilespmem:s15], [sflag:$0x2], $0x1, s10, s13, $0xb8;
	[tilespmem:$0x61D0] =	vst v63  }
0xe4: {  	_ = 	snop  }
0xe5: {  	[spmem:s4] =	stream.indirect.scatter.add.f32 @!p0 [tilespmem:s14], [sflag:$0x2], $0x40, s9, s13, $0xb8;
	[tilespmem:$0x61D0] =	vst v63  }
0xe6: {  	s9 =	simm.s32 @p0 $0xA0  }
0xe7: {  	[spmem:s3] =	stream.indirect.scatter.add.f32 [tilespmem:s8], [sflag:$0x2], $0x1, s9, s12, $0xb8;
	[tilespmem:$0x61D0] =	vst v63  }
0xe8: {  	_ =	swait.ge [sflag:s11], $0x1400  }
0xe9: {  	[sflag:s11] =	ssyncset.done $0x0  }
0xea: {  	[sflag:s11] =	ssyncadd.s32 $0xFFFFEC00  }
0xeb: {  	_ =	swait.ge [sflag:s11], $0x50  }
0xec: {  	[sflag:s11] =	ssyncset.done $0x0  }
0xed: {  	[sflag:s11] =	ssyncadd.s32 $0xFFFFFFB0  }
0xee: {  	_ =	swait.ge [sflag:s11], $0x1400  }
0xef: {  	[sflag:s11] =	ssyncset.done $0x0  }
0xf0: {  	[sflag:s11] =	ssyncadd.s32 $0xFFFFEC00  }
0xf1: {  	_ =	swait.ge [sflag:s11], $0x50  }
0xf2: {  	[sflag:s11] =	ssyncset.done $0x0  }
0xf3: {  	[sflag:s11] =	ssyncadd.s32 $0xFFFFFFB0  }
0xf4: {  	_ =	swait.ge [sflag:s11], $0x1400  }
0xf5: {  	[sflag:s11] =	ssyncset.done $0x0  }
0xf6: {  	[sflag:s11] =	ssyncadd.s32 $0xFFFFEC00  }
0xf7: {  	_ =	swait.ge [sflag:s11], $0x50  }
0xf8: {  	[sflag:s11] =	ssyncset.done $0x0  }
0xf9: {  	s3 =	simm.s32 @!p0 $0x2;
	[sflag:s11] =	ssyncadd.s32 $0xFFFFFFB0  }
0xfa: {  	_ =	swait.ge @!p0 [sflag:s3], $0x1400  }
0xfb: {  	[sflag:s3] =	ssyncset.done @!p0 $0x0  }
0xfc: {  	[sflag:s3] =	ssyncadd.s32 @!p0 $0xFFFFEC00  }
0xfd: {  	_ =	swait.ge @!p0 [sflag:s3], $0x50  }
0xfe: {  	[sflag:s3] =	ssyncset.done @!p0 $0x0  }
0xff: {  	[sflag:s3] =	ssyncadd.s32 @!p0 $0xFFFFFFB0  }
0x100: {  	[bflag:$0x0] =	sbarrier.arrive $0xFFFF  }
0x101: {  	s2 =	sor.u32 $0x1C03, s2;
	s30 =	rddreg [dreg:$0x11]  }
0x102: {  	[hbm:s30], [sflag:s2] =	dma.local [spmem:s7], $0x200  }
0x103: {  	_ =	swait.ge [sflag:s5], $0x200  }
0x104: {  	[sflag:s5] =	ssyncset.done $0x0  }
0x105: {  	s31 =	rddreg [dreg:$0x12];
	[sflag:s5] =	ssyncadd.s32 $0xFFFFFE00  }
0x106: {  	[hbm:s31], [sflag:s2] =	dma.local [spmem:s6], $0x8  }
0x107: {  	_ =	swait.ge [sflag:s5], $0x8  }
0x108: {  	[sflag:s5] =	ssyncset.done $0x0  }
0x109: {  	[sflag:s5] =	ssyncadd.s32 $0xFFFFFFF8  }
0x10a: {  	_ =	sfence.sel $0x180000  }
0x10b: {  	[bflag:$0x0] =	sbarrier.arrive $0xFFFF  }
0x10c: {  	p0 =	sne.s32 s1, $0x0;
	_ =	strace $0x90000053  }
0x10d: {  	s0 =	sadd.s32 @!p0 $0x100000, s0;
	[bflag:$0x2] =	sbarrier.arrive $0xFFFF  }
0x10e: {  	[sflag:s0] =	ssyncadd.tile.s32 @!p0 $0x1;
	_ =	shalt  }
.Lfunc_end2:
_tile_overlayer_lowered:
.L_overlay_start_2:
0x10f: {  	(tag) =	ssettag $0x2  }
0x110: {  	s0 =	rddreg [dreg:$0x0];
	s2 =	stileid.u32  }
0x111: {  	s1 =	rddreg [dreg:$0x1];
	p0 =	sne.s32 s2, $0x0  }
0x112: {  	s3 =	rddreg [dreg:$0x2];
	[bflag:$0x3] =	sbarrier.arrive $0xFFFF;
	s2 =	simm.s32 @!p0 $0x1C03  }
0x113: {  	[timem:s3], [sflag:s2] =	dma.local @!p0 [hbm:s0], s1  }
0x114: {  	s0 =	simm.s32 @!p0 $0x3  }
0x115: {  	_ =	swait.ge @!p0 [sflag:s0], s1  }
0x116: {  	s1 =	ssub.s32 @!p0 $0x0, s1;
	[sflag:s0] =	ssyncset.done @!p0 $0x0  }
0x117: {  	[sflag:s0] =	ssyncadd.s32 @!p0 s1  }
0x118: {  	[bflag:$0x3] =	sbarrier.arrive $0xFFFF  }
0x119: {  	_ =	shalt  }

</sc_bundles>
